<compile_context>
chip_gen: v7x
topology: tpu7x:2x2x1
jax: 0.10.2.dev20260603
libtpu: 0.0.44.dev20260713+nightly
codegen_flags: <defaults>
</compile_context>

<pallas_src>
import functools

import jax
import jax.numpy as jnp
from jax import lax
from jax.experimental import pallas as pl
from jax.experimental.pallas import tpu as pltpu
from jax.experimental.pallas import tpu_sc as plsc

_DIM = 64
_STRIPW = 256
_SHIFT = 8
_ROWW = 128
_FLUSH = 128
_SPW = 245
_NBUF = 2
_PAD = 128
_SENT = 1 << 29


def _extract_side(tbl_h, key_h, pos_h, rows_h,
                  key_v, pos_v, buf_v, stage_v, spos_v, sems,
                  w, n_idx, n_strips, n_rows):
    trash = n_idx
    wmax = (-(-n_rows // 128)) * 128 - _STRIPW
    s0 = w * _SPW
    ns = jnp.minimum(_SPW, jnp.maximum(n_strips - s0, 0))
    n_pad = n_idx + _PAD
    pltpu.sync_copy(key_h, key_v.at[pl.ds(0, n_pad)])
    pltpu.sync_copy(pos_h, pos_v.at[pl.ds(0, n_pad)])

    def strip_src(k):
        col = pl.multiple_of(
            jnp.minimum((s0 + k) * _STRIPW, wmax), 128)
        return tbl_h.at[:, pl.ds(col, _STRIPW)]

    def fire(k):
        slot = lax.rem(k, _NBUF)
        pltpu.async_copy(strip_src(k), buf_v.at[slot], sems.at[slot])

    def wait(k):
        slot = lax.rem(k, _NBUF)
        pltpu.make_async_copy(strip_src(k), buf_v.at[slot],
                              sems.at[slot]).wait()

    iota = lax.iota(jnp.int32, 16)

    def init_spos():
        zero = jnp.zeros((16,), jnp.int32)
        tr = jnp.full((16,), trash, jnp.int32)
        for q in range(_FLUSH // 16):
            plsc.store_scatter(spos_v, [zero, q * 16 + iota], tr)

    def flush():
        pltpu.async_copy(stage_v, rows_h.at[spos_v.at[0]], sems.at[_NBUF]).wait()
        init_spos()

    init_spos()

    lo0 = jnp.int32(0)
    target = s0 * _STRIPW

    def bs_body(_, lo_hi):
        lo, hi = lo_hi
        mid = (lo + hi) // 2
        v = key_v[pl.ds(mid, 16)][0]
        new_lo = jnp.where(v < target, mid + 1, lo)
        new_hi = jnp.where(v < target, hi, mid)
        return (new_lo, new_hi)

    p0, _ = lax.fori_loop(0, 16, bs_body, (lo0, jnp.int32(n_idx)))

    @pl.when(ns > 0)
    def _():
        for k0 in range(_NBUF - 1):
            @pl.when(k0 < ns)
            def _():
                fire(k0)

        def strip_body(k, carry):
            p, fill = carry

            @pl.when(k + _NBUF - 1 < ns)
            def _():
                fire(k + _NBUF - 1)

            wait(k)
            bound = (s0 + k + 1) * _STRIPW
            par = lax.rem(k, _NBUF)
            parv = jnp.full((16,), par, jnp.int32)

            def group_cond(state):
                _, _, go = state
                return go

            def group_body(state):
                p2, fill2, _ = state
                jc = jnp.minimum(p2 + iota, n_pad - 1)
                keys = plsc.load_gather(key_v, [jc])
                m = keys < bound
                cnt = plsc.all_reduce_population_count(m)[0]
                positions = plsc.load_gather(pos_v, [jc])
                positions = jnp.where(m, positions,
                                      jnp.full((16,), trash, jnp.int32))
                base_l = jnp.minimum(
                    (keys >> _SHIFT) << _SHIFT, wmax)
                lanes = jnp.clip(keys - base_l, 0, _STRIPW - 1)

                @pl.when(fill2 + 16 > _FLUSH)
                def _():
                    flush()

                fill3 = jnp.where(fill2 + 16 > _FLUSH, 0, fill2)

                @pl.when(cnt > 0)
                def _():
                    slots = fill3 + iota
                    for d in range(_DIM):
                        dv = jnp.full((16,), d, jnp.int32)
                        vals = plsc.load_gather(buf_v, [parv, dv, lanes])
                        plsc.store_scatter(stage_v, [slots, dv], vals)
                    plsc.store_scatter(spos_v,
                                       [jnp.zeros((16,), jnp.int32), slots],
                                       positions)

                return (p2 + cnt, fill3 + cnt, cnt == 16)

            p_new, fill_new, _ = lax.while_loop(
                group_cond, group_body, (p, fill, True))
            return (p_new, fill_new)

        lax.fori_loop(0, ns, strip_body, (p0, jnp.int32(0)))
        flush()


def _build_extract(n_ent, n_rel, n_eidx, n_ridx):
    e_strips = -(-n_ent // _STRIPW)
    r_strips = -(-n_rel // _STRIPW)

    mesh = plsc.VectorSubcoreMesh(core_axis_name="c", subcore_axis_name="s")

    @functools.partial(
        pl.kernel,
        mesh=mesh,
        out_type=(jax.ShapeDtypeStruct((n_eidx + 8, _ROWW), jnp.float32),
                  jax.ShapeDtypeStruct((n_ridx + 8, _ROWW), jnp.float32)),
        compiler_params=pltpu.CompilerParams(needs_layout_passes=False),
        scratch_types=[
            pltpu.VMEM((n_eidx + _PAD,), jnp.int32),
            pltpu.VMEM((n_eidx + _PAD,), jnp.int32),
            pltpu.VMEM((_NBUF, _DIM, _STRIPW), jnp.float32),
            pltpu.VMEM((_FLUSH, _ROWW), jnp.float32),
            pltpu.VMEM((1, _FLUSH), jnp.int32),
            pltpu.SemaphoreType.DMA((_NBUF + 1,)),
        ],
    )
    def extract(entT_h, relT_h, ekey_h, epos_h, rkey_h, rpos_h,
                erows_h, rrows_h,
                key_v, pos_v, buf_v, stage_v, spos_v, sems):
        cid = lax.axis_index("c")
        sid = lax.axis_index("s")

        @pl.when(cid == 0)
        def _():
            _extract_side(entT_h, ekey_h, epos_h, erows_h,
                          key_v, pos_v, buf_v, stage_v, spos_v, sems,
                          sid, n_eidx, e_strips, n_ent)

        @pl.when(cid == 1)
        def _():
            _extract_side(relT_h, rkey_h, rpos_h, rrows_h,
                          key_v, pos_v, buf_v, stage_v, spos_v, sems,
                          sid, n_ridx, r_strips, n_rel)

    return extract


def _build_combine(batch):
    info = plsc.get_sparse_core_info()
    nc, ns_sub = info.num_cores, info.num_subcores
    nw = nc * ns_sub
    b_per_w = batch // nw
    chunk = 256
    n_chunks = b_per_w // chunk
    n_groups = chunk // 16

    mesh = plsc.VectorSubcoreMesh(core_axis_name="c", subcore_axis_name="s")

    @functools.partial(
        pl.kernel,
        mesh=mesh,
        out_type=jax.ShapeDtypeStruct((batch,), jnp.float32),
        compiler_params=pltpu.CompilerParams(needs_layout_passes=False),
        scratch_types=[
            pltpu.VMEM((chunk, _ROWW), jnp.float32),
            pltpu.VMEM((chunk, _ROWW), jnp.float32),
            pltpu.VMEM((chunk, _ROWW), jnp.float32),
            pltpu.VMEM((b_per_w,), jnp.float32),
            pltpu.VMEM((128,), jnp.float32),
            pltpu.VMEM((128,), jnp.float32),
            pltpu.SemaphoreType.DMA,
        ],
    )
    def combine(erows_h, rrows_h, w_h, b_h, out_h,
                h_v, t_v, r_v, out_v, w_v, b_v, sem):
        wid = lax.axis_index("s") * nc + lax.axis_index("c")
        base = wid * b_per_w
        pltpu.sync_copy(w_h, w_v)
        pltpu.sync_copy(b_h, b_v)
        wv = w_v[pl.ds(0, 16)]
        bv = b_v[pl.ds(0, 16)]
        iota = lax.iota(jnp.int32, 16)

        def chunk_body(c, carry):
            cb = base + c * chunk
            cp_h = pltpu.async_copy(erows_h.at[pl.ds(cb, chunk)], h_v, sem)
            cp_t = pltpu.async_copy(
                erows_h.at[pl.ds(batch + cb, chunk)], t_v, sem)
            cp_r = pltpu.async_copy(rrows_h.at[pl.ds(cb, chunk)], r_v, sem)
            cp_h.wait()
            cp_t.wait()
            cp_r.wait()

            def group_body(g, carry2):
                rows = g * 16 + iota
                acc = jnp.zeros((16,), jnp.float32)
                for d in range(_DIM):
                    dv = jnp.full((16,), d, jnp.int32)
                    acc = acc + (plsc.load_gather(h_v, [rows, dv])
                                 * plsc.load_gather(r_v, [rows, dv])
                                 * plsc.load_gather(t_v, [rows, dv]))
                z = acc * wv + bv
                out_v[pl.ds(c * chunk + g * 16, 16)] = (
                    1.0 / (1.0 + jnp.exp(-z)))
                return carry2

            lax.fori_loop(0, n_groups, group_body, 0)
            return carry

        lax.fori_loop(0, n_chunks, chunk_body, 0)
        pltpu.sync_copy(out_v, out_h.at[pl.ds(base, b_per_w)])

    return combine


def _side_prep(idx):
    order = jnp.argsort(idx).astype(jnp.int32)
    si = jnp.take(idx, order).astype(jnp.int32)
    key = jnp.concatenate([si, jnp.full((_PAD,), _SENT, jnp.int32)])
    pos = jnp.concatenate([order, jnp.zeros((_PAD,), jnp.int32)])
    return key, pos


def kernel(x, entity_table, rel_table, lin_w, lin_b):
    batch = x.shape[0]
    n_ent = entity_table.shape[0]
    n_rel = rel_table.shape[0]
    xi = x.astype(jnp.int32)
    eidx = jnp.concatenate([xi[:, 0], xi[:, 2]])
    ridx = xi[:, 1]
    ekey, epos = _side_prep(eidx)
    rkey, rpos = _side_prep(ridx)
    wvec = jnp.full((128,), lin_w[0, 0], jnp.float32)
    bvec = jnp.full((128,), lin_b[0], jnp.float32)

    extract = _build_extract(n_ent, n_rel, eidx.shape[0], ridx.shape[0])
    erows, rrows = extract(entity_table.T, rel_table.T,
                           ekey, epos, rkey, rpos)
    combine = _build_combine(batch)
    return combine(erows, rrows, wvec, bvec)

# --- scband reference (transcript-rebuilt; emitter-appended) ---
"""Pipeline reference for scband-ukge-20452634263843 (READ-ONLY COPY).

The authoritative reference and input builder live on the scoring server;
editing this copy changes nothing except your own understanding.
"""

import jax, jax.numpy as jnp
import numpy as np

NUM_ENTS = 1000000
NUM_RELS = 1000000
DIM = 64
B = 16384


def setup_inputs(seed: int = 0) -> dict:
    key = jax.random.key(seed)
    k1, k2, k3, k4, k5 = jax.random.split(key, 5)
    x = jax.random.randint(k1, (B, 3), 0, NUM_ENTS)
    entity_table = jax.random.normal(k2, (NUM_ENTS, DIM), dtype=jnp.float32)
    rel_table = jax.random.normal(k3, (NUM_RELS, DIM), dtype=jnp.float32)
    lin_w = jax.random.normal(k4, (1, 1), dtype=jnp.float32)
    lin_b = jax.random.normal(k5, (1,), dtype=jnp.float32)
    return {"x": x, "entity_table": entity_table, "rel_table": rel_table, "lin_w": lin_w, "lin_b": lin_b}


def reference(x, entity_table, rel_table, lin_w, lin_b):
    # h = entityEmbed(x[:,0]); r = relationEmbed(x[:,1]); t = entityEmbed(x[:,2])
    h = jnp.take(entity_table, x[:, 0], axis=0)
    r = jnp.take(rel_table, x[:, 1], axis=0)
    t = jnp.take(entity_table, x[:, 2], axis=0)
    # p_score = (r * (h * t)).sum(-1, keepdim=True)
    p_score = jnp.sum(r * (h * t), axis=-1, keepdims=True)  # [B, 1]
    # confidence = sigmoid(Linear(1,1)(p_score).squeeze())  (logi=True path)
    lin_out = p_score @ lin_w.T + lin_b  # [B, 1]
    confidence = jax.nn.sigmoid(jnp.squeeze(lin_out, axis=-1))  # [B]
    return confidence

if __name__ == "__main__":
    import jax
    _d = setup_inputs()
    print(jax.jit(kernel)(*tuple(_d.values())))

</pallas_src>

<mosaic_0001>
#map = affine_map<(d0, d1) -> (0, 0)>
#map1 = affine_map<(d0, d1) -> (0)>
module attributes {stable_mosaic.version = 14 : i64} {
  func.func @extract(%arg0: i32, %arg1: i32, %arg2: memref<64x1000000xf32, #tpu.memory_space<hbm>>, %arg3: memref<64x1000000xf32, #tpu.memory_space<hbm>>, %arg4: memref<32896xi32, #tpu.memory_space<hbm>>, %arg5: memref<32896xi32, #tpu.memory_space<hbm>>, %arg6: memref<16512xi32, #tpu.memory_space<hbm>>, %arg7: memref<16512xi32, #tpu.memory_space<hbm>>, %arg8: memref<32776x128xf32, #tpu.memory_space<hbm>>, %arg9: memref<16392x128xf32, #tpu.memory_space<hbm>>, %arg10: memref<32896xi32, #tpu.memory_space<vmem>>, %arg11: memref<32896xi32, #tpu.memory_space<vmem>>, %arg12: memref<2x64x256xf32, #tpu.memory_space<vmem>>, %arg13: memref<128x128xf32, #tpu.memory_space<vmem>>, %arg14: memref<1x128xi32, #tpu.memory_space<vmem>>, %arg15: memref<3x!tpu.dma_semaphore, #tpu.memory_space<semaphore_mem>>) attributes {dimension_semantics = [#tpu.dimension_semantics<core_parallel>, #tpu.dimension_semantics<subcore_parallel>], iteration_bounds = array<i64: 2, 16>, scalar_prefetch = 0 : i64, scratch_operands = 6 : i64, tpu.core_type = #tpu.core_type<sc_vector_subcore>, window_params = [{transform_indices = #map}, {transform_indices = #map}, {transform_indices = #map1}, {transform_indices = #map1}, {transform_indices = #map1}, {transform_indices = #map1}, {transform_indices = #map}, {transform_indices = #map}]} {
    %eq3A = arith.constant 0 : i32
    %eq3A_0 = arith.cmpi eq, %arg0, %eq3A : i32
    %convert_element_type3A = arith.extui %eq3A_0 : i1 to i32
    %cond3A = arith.constant 0 : i32
    %cond3A_1 = arith.cmpi ne, %convert_element_type3A, %cond3A : i32
    scf.if %cond3A_1 {
      %mul3A = arith.constant 245 : i32
      %mul3A_7 = arith.muli %arg1, %mul3A : i32
      %sub3A = arith.constant 3907 : i32
      %sub3A_8 = arith.subi %sub3A, %mul3A_7 : i32
      %max3A = arith.constant 0 : i32
      %max3A_9 = arith.maxsi %sub3A_8, %max3A : i32
      %min3A = arith.constant 245 : i32
      %min3A_10 = arith.minsi %min3A, %max3A_9 : i32
      "tpu.region"() ({
        %run_scoped3A = tpu.sem_alloc : memref<!tpu.dma_semaphore, #tpu.memory_space<semaphore_mem>>
        %dma_start3A = arith.constant 0 : i32
        %dma_start3A_50 = tpu.memref_slice %arg10[%dma_start3A] : memref<32896xi32, #tpu.memory_space<vmem>> -> memref<32896xi32, #tpu.memory_space<vmem>>
        %dma_start3A_51 = arith.constant 0 : i32
        %dma_start3A_52 = tpu.memref_slice %arg10[%dma_start3A_51] : memref<32896xi32, #tpu.memory_space<vmem>> -> memref<32896xi32, #tpu.memory_space<vmem>>
        tpu.enqueue_dma source(%arg4 : memref<32896xi32, #tpu.memory_space<hbm>>) target(%dma_start3A_52 : memref<32896xi32, #tpu.memory_space<vmem>>) target_semaphore(%run_scoped3A : memref<!tpu.dma_semaphore, #tpu.memory_space<semaphore_mem>>)
        %dma_wait3A = arith.constant 0 : i32
        %dma_wait3A_53 = tpu.memref_slice %arg10[%dma_wait3A] : memref<32896xi32, #tpu.memory_space<vmem>> -> memref<32896xi32, #tpu.memory_space<vmem>>
        %dma_wait3A_54 = arith.constant 0 : i32
        %dma_wait3A_55 = tpu.memref_slice %arg10[%dma_wait3A_54] : memref<32896xi32, #tpu.memory_space<vmem>> -> memref<32896xi32, #tpu.memory_space<vmem>>
        tpu.wait_dma2 semaphore(%run_scoped3A : memref<!tpu.dma_semaphore, #tpu.memory_space<semaphore_mem>>) src(%arg4 : memref<32896xi32, #tpu.memory_space<hbm>>) dst(%dma_wait3A_55 : memref<32896xi32, #tpu.memory_space<vmem>>)
        tpu.yield
      }) : () -> ()
      "tpu.region"() ({
        %run_scoped3A = tpu.sem_alloc : memref<!tpu.dma_semaphore, #tpu.memory_space<semaphore_mem>>
        %dma_start3A = arith.constant 0 : i32
        %dma_start3A_50 = tpu.memref_slice %arg11[%dma_start3A] : memref<32896xi32, #tpu.memory_space<vmem>> -> memref<32896xi32, #tpu.memory_space<vmem>>
        %dma_start3A_51 = arith.constant 0 : i32
        %dma_start3A_52 = tpu.memref_slice %arg11[%dma_start3A_51] : memref<32896xi32, #tpu.memory_space<vmem>> -> memref<32896xi32, #tpu.memory_space<vmem>>
        tpu.enqueue_dma source(%arg5 : memref<32896xi32, #tpu.memory_space<hbm>>) target(%dma_start3A_52 : memref<32896xi32, #tpu.memory_space<vmem>>) target_semaphore(%run_scoped3A : memref<!tpu.dma_semaphore, #tpu.memory_space<semaphore_mem>>)
        %dma_wait3A = arith.constant 0 : i32
        %dma_wait3A_53 = tpu.memref_slice %arg11[%dma_wait3A] : memref<32896xi32, #tpu.memory_space<vmem>> -> memref<32896xi32, #tpu.memory_space<vmem>>
        %dma_wait3A_54 = arith.constant 0 : i32
        %dma_wait3A_55 = tpu.memref_slice %arg11[%dma_wait3A_54] : memref<32896xi32, #tpu.memory_space<vmem>> -> memref<32896xi32, #tpu.memory_space<vmem>>
        tpu.wait_dma2 semaphore(%run_scoped3A : memref<!tpu.dma_semaphore, #tpu.memory_space<semaphore_mem>>) src(%arg5 : memref<32896xi32, #tpu.memory_space<hbm>>) dst(%dma_wait3A_55 : memref<32896xi32, #tpu.memory_space<vmem>>)
        tpu.yield
      }) : () -> ()
      %iota3A = tpu.iota {dimensions = array<i32: 0>} : vector<16xi32>
      %broadcast_in_dim3A = arith.constant 0 : i32
      %broadcast_in_dim3A_11 = vector.broadcast %broadcast_in_dim3A : i32 to vector<16xi32>
      %broadcast_in_dim3A_12 = arith.constant 32768 : i32
      %broadcast_in_dim3A_13 = vector.broadcast %broadcast_in_dim3A_12 : i32 to vector<16xi32>
      %add3A = arith.constant 0 : i32
      %add3A_14 = vector.broadcast %add3A : i32 to vector<16xi32>
      %add3A_15 = arith.addi %add3A_14, %iota3A : vector<16xi32>
      tpu.vector_store_idx %arg14[%broadcast_in_dim3A_11, %add3A_15], %broadcast_in_dim3A_13 : memref<1x128xi32, #tpu.memory_space<vmem>>[vector<16xi32>, vector<16xi32>], vector<16xi32>,
      %add3A_16 = arith.constant 16 : i32
      %add3A_17 = vector.broadcast %add3A_16 : i32 to vector<16xi32>
      %add3A_18 = arith.addi %add3A_17, %iota3A : vector<16xi32>
      tpu.vector_store_idx %arg14[%broadcast_in_dim3A_11, %add3A_18], %broadcast_in_dim3A_13 : memref<1x128xi32, #tpu.memory_space<vmem>>[vector<16xi32>, vector<16xi32>], vector<16xi32>,
      %add3A_19 = arith.constant 32 : i32
      %add3A_20 = vector.broadcast %add3A_19 : i32 to vector<16xi32>
      %add3A_21 = arith.addi %add3A_20, %iota3A : vector<16xi32>
      tpu.vector_store_idx %arg14[%broadcast_in_dim3A_11, %add3A_21], %broadcast_in_dim3A_13 : memref<1x128xi32, #tpu.memory_space<vmem>>[vector<16xi32>, vector<16xi32>], vector<16xi32>,
      %add3A_22 = arith.constant 48 : i32
      %add3A_23 = vector.broadcast %add3A_22 : i32 to vector<16xi32>
      %add3A_24 = arith.addi %add3A_23, %iota3A : vector<16xi32>
      tpu.vector_store_idx %arg14[%broadcast_in_dim3A_11, %add3A_24], %broadcast_in_dim3A_13 : memref<1x128xi32, #tpu.memory_space<vmem>>[vector<16xi32>, vector<16xi32>], vector<16xi32>,
      %add3A_25 = arith.constant 64 : i32
      %add3A_26 = vector.broadcast %add3A_25 : i32 to vector<16xi32>
      %add3A_27 = arith.addi %add3A_26, %iota3A : vector<16xi32>
      tpu.vector_store_idx %arg14[%broadcast_in_dim3A_11, %add3A_27], %broadcast_in_dim3A_13 : memref<1x128xi32, #tpu.memory_space<vmem>>[vector<16xi32>, vector<16xi32>], vector<16xi32>,
      %add3A_28 = arith.constant 80 : i32
      %add3A_29 = vector.broadcast %add3A_28 : i32 to vector<16xi32>
      %add3A_30 = arith.addi %add3A_29, %iota3A : vector<16xi32>
      tpu.vector_store_idx %arg14[%broadcast_in_dim3A_11, %add3A_30], %broadcast_in_dim3A_13 : memref<1x128xi32, #tpu.memory_space<vmem>>[vector<16xi32>, vector<16xi32>], vector<16xi32>,
      %add3A_31 = arith.constant 96 : i32
      %add3A_32 = vector.broadcast %add3A_31 : i32 to vector<16xi32>
      %add3A_33 = arith.addi %add3A_32, %iota3A : vector<16xi32>
      tpu.vector_store_idx %arg14[%broadcast_in_dim3A_11, %add3A_33], %broadcast_in_dim3A_13 : memref<1x128xi32, #tpu.memory_space<vmem>>[vector<16xi32>, vector<16xi32>], vector<16xi32>,
      %add3A_34 = arith.constant 112 : i32
      %add3A_35 = vector.broadcast %add3A_34 : i32 to vector<16xi32>
      %add3A_36 = arith.addi %add3A_35, %iota3A : vector<16xi32>
      tpu.vector_store_idx %arg14[%broadcast_in_dim3A_11, %add3A_36], %broadcast_in_dim3A_13 : memref<1x128xi32, #tpu.memory_space<vmem>>[vector<16xi32>, vector<16xi32>], vector<16xi32>,
      %mul3A_37 = arith.constant 256 : i32
      %mul3A_38 = arith.muli %mul3A_7, %mul3A_37 : i32
      %scan3A = arith.constant 0 : i32
      %scan3A_39 = arith.constant 32768 : i32
      %scan3A_40 = arith.constant 0 : i32
      %scan3A_41 = arith.constant 16 : i32
      %scan3A_42 = arith.addi %scan3A_40, %scan3A_41 : i32
      %scan3A_43 = arith.constant 1 : i32
      %scan3A_44:2 = scf.for %scan3A_50 = %scan3A_40 to %scan3A_42 step %scan3A_43 iter_args(%scan3A_51 = %scan3A, %scan3A_52 = %scan3A_39) -> (i32, i32)  : i32 {
        %add3A_53 = arith.addi %scan3A_51, %scan3A_52 : i32
        %jit3A = arith.constant 2 : i32
        %div3A = arith.divsi %add3A_53, %jit3A : i32
        %sign3A = arith.constant 0 : i32
        %sign3A_54 = arith.cmpi sgt, %add3A_53, %sign3A : i32
        %sign3A_55 = arith.extui %sign3A_54 : i1 to i32
        %sign3A_56 = arith.constant 0 : i32
        %sign3A_57 = arith.cmpi slt, %add3A_53, %sign3A_56 : i32
        %sign3A_58 = arith.extui %sign3A_57 : i1 to i32
        %sign3A_59 = arith.subi %sign3A_55, %sign3A_58 : i32
        %sign3A_60 = arith.constant 0 : i32
        %sign3A_61 = arith.cmpi sgt, %jit3A, %sign3A_60 : i32
        %sign3A_62 = arith.extui %sign3A_61 : i1 to i32
        %sign3A_63 = arith.constant 0 : i32
        %sign3A_64 = arith.cmpi slt, %jit3A, %sign3A_63 : i32
        %sign3A_65 = arith.extui %sign3A_64 : i1 to i32
        %sign3A_66 = arith.subi %sign3A_62, %sign3A_65 : i32
        %ne3A = arith.cmpi ne, %sign3A_59, %sign3A_66 : i32
        %rem3A = arith.remsi %add3A_53, %jit3A : i32
        %ne3A_67 = arith.constant 0 : i32
        %ne3A_68 = arith.cmpi ne, %rem3A, %ne3A_67 : i32
        %and3A = arith.andi %ne3A, %ne3A_68 : i1
        %sub3A_69 = arith.constant 1 : i32
        %sub3A_70 = arith.subi %div3A, %sub3A_69 : i32
        %select_n3A = arith.select %and3A, %sub3A_70, %div3A : i32
        %get3A = arith.index_cast %select_n3A : i32 to index
        %get3A_71 = tpu.vector_load %arg10[%get3A] {strides = array<i32>} : memref<32896xi32, #tpu.memory_space<vmem>>, vector<16xi32>,
        %slice3A = vector.extract_strided_slice %get3A_71 {offsets = [0], sizes = [1], strides = [1]} : vector<16xi32> to vector<1xi32>
        %squeeze3A = vector.extract %slice3A[0] : i32 from vector<1xi32>
        %lt3A = arith.cmpi slt, %squeeze3A, %mul3A_38 : i32
        %add3A_72 = arith.constant 1 : i32
        %add3A_73 = arith.addi %select_n3A, %add3A_72 : i32
        %select_n3A_74 = arith.select %lt3A, %add3A_73, %scan3A_51 : i32
        %lt3A_75 = arith.cmpi slt, %squeeze3A, %mul3A_38 : i32
        %select_n3A_76 = arith.select %lt3A_75, %scan3A_52, %select_n3A : i32
        scf.yield %select_n3A_74, %select_n3A_76 : i32, i32
      }
      %scan3A_45 = arith.constant 16 : i32
      %gt3A = arith.constant 0 : i32
      %gt3A_46 = arith.cmpi sgt, %min3A_10, %gt3A : i32
      %convert_element_type3A_47 = arith.extui %gt3A_46 : i1 to i32
      %cond3A_48 = arith.constant 0 : i32
      %cond3A_49 = arith.cmpi ne, %convert_element_type3A_47, %cond3A_48 : i32
      scf.if %cond3A_49 {
        %gt3A_50 = arith.constant 0 : i32
        %gt3A_51 = arith.cmpi sgt, %min3A_10, %gt3A_50 : i32
        %convert_element_type3A_52 = arith.extui %gt3A_51 : i1 to i32
        %cond3A_53 = arith.constant 0 : i32
        %cond3A_54 = arith.cmpi ne, %convert_element_type3A_52, %cond3A_53 : i32
        scf.if %cond3A_54 {
          %rem3A = arith.constant 0 : i32
          %rem3A_112 = arith.constant 2 : i32
          %rem3A_113 = arith.remsi %rem3A, %rem3A_112 : i32
          %add3A_114 = arith.constant 0 : i32
          %add3A_115 = arith.addi %mul3A_7, %add3A_114 : i32
          %mul3A_116 = arith.constant 256 : i32
          %mul3A_117 = arith.muli %add3A_115, %mul3A_116 : i32
          %min3A_118 = arith.constant 999808 : i32
          %min3A_119 = arith.minsi %mul3A_117, %min3A_118 : i32
          %multiple_of3A = tpu.assume_multiple %min3A_119, 128 : i32
          %dma_start3A_120 = arith.constant 0 : i32
          %dma_start3A_121 = arith.constant 0 : i32
          %dma_start3A_122 = tpu.memref_slice %arg12[%rem3A_113, %dma_start3A_120, %dma_start3A_121] : memref<2x64x256xf32, #tpu.memory_space<vmem>> -> memref<1x64x256xf32, #tpu.memory_space<vmem>>
          %dma_start3A_123 = tpu.memref_squeeze %dma_start3A_122 : memref<1x64x256xf32, #tpu.memory_space<vmem>> -> memref<64x256xf32, #tpu.memory_space<vmem>>
          %dma_start3A_124 = arith.constant 0 : i32
          %dma_start3A_125 = tpu.memref_slice %arg2[%dma_start3A_124, %multiple_of3A] : memref<64x1000000xf32, #tpu.memory_space<hbm>> -> memref<64x256xf32, #tpu.memory_space<hbm>>
          %dma_start3A_126 = tpu.memref_slice %arg15[%rem3A_113] : memref<3x!tpu.dma_semaphore, #tpu.memory_space<semaphore_mem>> -> memref<1x!tpu.dma_semaphore, #tpu.memory_space<semaphore_mem>>
          %dma_start3A_127 = tpu.memref_squeeze %dma_start3A_126 : memref<1x!tpu.dma_semaphore, #tpu.memory_space<semaphore_mem>> -> memref<!tpu.dma_semaphore, #tpu.memory_space<semaphore_mem>>
          %dma_start3A_128 = arith.constant 0 : i32
          %dma_start3A_129 = arith.constant 0 : i32
          %dma_start3A_130 = tpu.memref_slice %arg12[%rem3A_113, %dma_start3A_128, %dma_start3A_129] : memref<2x64x256xf32, #tpu.memory_space<vmem>> -> memref<1x64x256xf32, #tpu.memory_space<vmem>>
          %dma_start3A_131 = tpu.memref_squeeze %dma_start3A_130 : memref<1x64x256xf32, #tpu.memory_space<vmem>> -> memref<64x256xf32, #tpu.memory_space<vmem>>
          %dma_start3A_132 = arith.constant 0 : i32
          %dma_start3A_133 = tpu.memref_slice %arg2[%dma_start3A_132, %multiple_of3A] : memref<64x1000000xf32, #tpu.memory_space<hbm>> -> memref<64x256xf32, #tpu.memory_space<hbm>>
          tpu.enqueue_dma source(%dma_start3A_133 : memref<64x256xf32, #tpu.memory_space<hbm>>) target(%dma_start3A_131 : memref<64x256xf32, #tpu.memory_space<vmem>>) target_semaphore(%dma_start3A_127 : memref<!tpu.dma_semaphore, #tpu.memory_space<semaphore_mem>>)
        } else {
        }
        %while3A = arith.constant 0 : i32
        %while3A_55 = arith.constant 0 : i32
        %while3A_56 = arith.subi %min3A_10, %while3A : i32
        %while3A_57 = arith.addi %while3A, %while3A_56 : i32
        %while3A_58 = arith.constant 1 : i32
        %while3A_59 = arith.divsi %while3A_56, %while3A_58 : i32
        %while3A_60 = arith.muli %while3A_59, %while3A_58 : i32
        %while3A_61 = arith.addi %while3A, %while3A_60 : i32
        %while3A_62 = arith.constant 1 : i32
        %while3A_63:2 = scf.for %while3A_112 = %while3A to %while3A_61 step %while3A_62 iter_args(%while3A_113 = %scan3A_44#0, %while3A_114 = %while3A_55) -> (i32, i32)  : i32 {
          %add3A_115 = arith.constant 2 : i32
          %add3A_116 = arith.addi %while3A_112, %add3A_115 : i32
          %sub3A_117 = arith.constant 1 : i32
          %sub3A_118 = arith.subi %add3A_116, %sub3A_117 : i32
          %lt3A = arith.cmpi slt, %sub3A_118, %min3A_10 : i32
          %convert_element_type3A_119 = arith.extui %lt3A : i1 to i32
          %cond3A_120 = arith.constant 0 : i32
          %cond3A_121 = arith.cmpi ne, %convert_element_type3A_119, %cond3A_120 : i32
          scf.if %cond3A_121 {
            %add3A_152 = arith.constant 2 : i32
            %add3A_153 = arith.addi %while3A_112, %add3A_152 : i32
            %sub3A_154 = arith.constant 1 : i32
            %sub3A_155 = arith.subi %add3A_153, %sub3A_154 : i32
            %rem3A_156 = arith.constant 2 : i32
            %rem3A_157 = arith.remsi %sub3A_155, %rem3A_156 : i32
            %add3A_158 = arith.addi %mul3A_7, %sub3A_155 : i32
            %mul3A_159 = arith.constant 256 : i32
            %mul3A_160 = arith.muli %add3A_158, %mul3A_159 : i32
            %min3A_161 = arith.constant 999808 : i32
            %min3A_162 = arith.minsi %mul3A_160, %min3A_161 : i32
            %multiple_of3A_163 = tpu.assume_multiple %min3A_162, 128 : i32
            %dma_start3A_164 = arith.constant 0 : i32
            %dma_start3A_165 = arith.constant 0 : i32
            %dma_start3A_166 = tpu.memref_slice %arg12[%rem3A_157, %dma_start3A_164, %dma_start3A_165] : memref<2x64x256xf32, #tpu.memory_space<vmem>> -> memref<1x64x256xf32, #tpu.memory_space<vmem>>
            %dma_start3A_167 = tpu.memref_squeeze %dma_start3A_166 : memref<1x64x256xf32, #tpu.memory_space<vmem>> -> memref<64x256xf32, #tpu.memory_space<vmem>>
            %dma_start3A_168 = arith.constant 0 : i32
            %dma_start3A_169 = tpu.memref_slice %arg2[%dma_start3A_168, %multiple_of3A_163] : memref<64x1000000xf32, #tpu.memory_space<hbm>> -> memref<64x256xf32, #tpu.memory_space<hbm>>
            %dma_start3A_170 = tpu.memref_slice %arg15[%rem3A_157] : memref<3x!tpu.dma_semaphore, #tpu.memory_space<semaphore_mem>> -> memref<1x!tpu.dma_semaphore, #tpu.memory_space<semaphore_mem>>
            %dma_start3A_171 = tpu.memref_squeeze %dma_start3A_170 : memref<1x!tpu.dma_semaphore, #tpu.memory_space<semaphore_mem>> -> memref<!tpu.dma_semaphore, #tpu.memory_space<semaphore_mem>>
            %dma_start3A_172 = arith.constant 0 : i32
            %dma_start3A_173 = arith.constant 0 : i32
            %dma_start3A_174 = tpu.memref_slice %arg12[%rem3A_157, %dma_start3A_172, %dma_start3A_173] : memref<2x64x256xf32, #tpu.memory_space<vmem>> -> memref<1x64x256xf32, #tpu.memory_space<vmem>>
            %dma_start3A_175 = tpu.memref_squeeze %dma_start3A_174 : memref<1x64x256xf32, #tpu.memory_space<vmem>> -> memref<64x256xf32, #tpu.memory_space<vmem>>
            %dma_start3A_176 = arith.constant 0 : i32
            %dma_start3A_177 = tpu.memref_slice %arg2[%dma_start3A_176, %multiple_of3A_163] : memref<64x1000000xf32, #tpu.memory_space<hbm>> -> memref<64x256xf32, #tpu.memory_space<hbm>>
            tpu.enqueue_dma source(%dma_start3A_177 : memref<64x256xf32, #tpu.memory_space<hbm>>) target(%dma_start3A_175 : memref<64x256xf32, #tpu.memory_space<vmem>>) target_semaphore(%dma_start3A_171 : memref<!tpu.dma_semaphore, #tpu.memory_space<semaphore_mem>>)
          } else {
          }
          %rem3A = arith.constant 2 : i32
          %rem3A_122 = arith.remsi %while3A_112, %rem3A : i32
          %add3A_123 = arith.addi %mul3A_7, %while3A_112 : i32
          %mul3A_124 = arith.constant 256 : i32
          %mul3A_125 = arith.muli %add3A_123, %mul3A_124 : i32
          %min3A_126 = arith.constant 999808 : i32
          %min3A_127 = arith.minsi %mul3A_125, %min3A_126 : i32
          %multiple_of3A = tpu.assume_multiple %min3A_127, 128 : i32
          %dma_wait3A_128 = arith.constant 0 : i32
          %dma_wait3A_129 = arith.constant 0 : i32
          %dma_wait3A_130 = tpu.memref_slice %arg12[%rem3A_122, %dma_wait3A_128, %dma_wait3A_129] : memref<2x64x256xf32, #tpu.memory_space<vmem>> -> memref<1x64x256xf32, #tpu.memory_space<vmem>>
          %dma_wait3A_131 = tpu.memref_squeeze %dma_wait3A_130 : memref<1x64x256xf32, #tpu.memory_space<vmem>> -> memref<64x256xf32, #tpu.memory_space<vmem>>
          %dma_wait3A_132 = arith.constant 0 : i32
          %dma_wait3A_133 = tpu.memref_slice %arg2[%dma_wait3A_132, %multiple_of3A] : memref<64x1000000xf32, #tpu.memory_space<hbm>> -> memref<64x256xf32, #tpu.memory_space<hbm>>
          %dma_wait3A_134 = tpu.memref_slice %arg15[%rem3A_122] : memref<3x!tpu.dma_semaphore, #tpu.memory_space<semaphore_mem>> -> memref<1x!tpu.dma_semaphore, #tpu.memory_space<semaphore_mem>>
          %dma_wait3A_135 = tpu.memref_squeeze %dma_wait3A_134 : memref<1x!tpu.dma_semaphore, #tpu.memory_space<semaphore_mem>> -> memref<!tpu.dma_semaphore, #tpu.memory_space<semaphore_mem>>
          %dma_wait3A_136 = arith.constant 0 : i32
          %dma_wait3A_137 = arith.constant 0 : i32
          %dma_wait3A_138 = tpu.memref_slice %arg12[%rem3A_122, %dma_wait3A_136, %dma_wait3A_137] : memref<2x64x256xf32, #tpu.memory_space<vmem>> -> memref<1x64x256xf32, #tpu.memory_space<vmem>>
          %dma_wait3A_139 = tpu.memref_squeeze %dma_wait3A_138 : memref<1x64x256xf32, #tpu.memory_space<vmem>> -> memref<64x256xf32, #tpu.memory_space<vmem>>
          %dma_wait3A_140 = arith.constant 0 : i32
          %dma_wait3A_141 = tpu.memref_slice %arg2[%dma_wait3A_140, %multiple_of3A] : memref<64x1000000xf32, #tpu.memory_space<hbm>> -> memref<64x256xf32, #tpu.memory_space<hbm>>
          tpu.wait_dma2 semaphore(%dma_wait3A_135 : memref<!tpu.dma_semaphore, #tpu.memory_space<semaphore_mem>>) src(%dma_wait3A_141 : memref<64x256xf32, #tpu.memory_space<hbm>>) dst(%dma_wait3A_139 : memref<64x256xf32, #tpu.memory_space<vmem>>)
          %add3A_142 = arith.addi %mul3A_7, %while3A_112 : i32
          %add3A_143 = arith.constant 1 : i32
          %add3A_144 = arith.addi %add3A_142, %add3A_143 : i32
          %mul3A_145 = arith.constant 256 : i32
          %mul3A_146 = arith.muli %add3A_144, %mul3A_145 : i32
          %rem3A_147 = arith.constant 2 : i32
          %rem3A_148 = arith.remsi %while3A_112, %rem3A_147 : i32
          %broadcast_in_dim3A_149 = vector.broadcast %rem3A_148 : i32 to vector<16xi32>
          %while3A_150 = arith.constant true
          %while3A_151:3 = scf.while (%while3A_152 = %while3A_113, %while3A_153 = %while3A_114, %while3A_154 = %while3A_150) : (i32, i32, i1) -> (i32, i32, i1) {
            scf.condition(%while3A_154) %while3A_152, %while3A_153, %while3A_154 : i32, i32, i1
          } do {
          ^bb0(%while3A_152: i32, %while3A_153: i32, %while3A_154: i1):
            %add3A_155 = vector.broadcast %while3A_152 : i32 to vector<16xi32>
            %add3A_156 = arith.addi %add3A_155, %iota3A : vector<16xi32>
            %min3A_157 = arith.constant 32895 : i32
            %min3A_158 = vector.broadcast %min3A_157 : i32 to vector<16xi32>
            %min3A_159 = arith.minsi %add3A_156, %min3A_158 : vector<16xi32>
            %gather3A = tpu.vector_load_idx %arg10[%min3A_159] : memref<32896xi32, #tpu.memory_space<vmem>>[vector<16xi32>], vector<16xi32>,
            %lt3A_160 = vector.broadcast %mul3A_146 : i32 to vector<16xi32>
            %lt3A_161 = arith.cmpi slt, %gather3A, %lt3A_160 : vector<16xi32>
            %all_reduce_population_count3A = tpu.all_reduce %lt3A_161 {dim = 0 : i64, kind = #tpu.reduction_kind<sum>} : vector<16xi1> -> vector<16xi32>
            %slice3A = vector.extract_strided_slice %all_reduce_population_count3A {offsets = [0], sizes = [1], strides = [1]} : vector<16xi32> to vector<1xi32>
            %squeeze3A = vector.extract %slice3A[0] : i32 from vector<1xi32>
            %gather3A_162 = tpu.vector_load_idx %arg11[%min3A_159] : memref<32896xi32, #tpu.memory_space<vmem>>[vector<16xi32>], vector<16xi32>,
            %broadcast_in_dim3A_163 = arith.constant 32768 : i32
            %broadcast_in_dim3A_164 = vector.broadcast %broadcast_in_dim3A_163 : i32 to vector<16xi32>
            %select_n3A = arith.select %lt3A_161, %gather3A_162, %broadcast_in_dim3A_164 : vector<16xi1>, vector<16xi32>
            %shift_right_arithmetic3A = arith.constant 8 : i32
            %shift_right_arithmetic3A_165 = vector.broadcast %shift_right_arithmetic3A : i32 to vector<16xi32>
            %shift_right_arithmetic3A_166 = arith.shrsi %gather3A, %shift_right_arithmetic3A_165 : vector<16xi32>
            %shift_left3A = arith.constant 8 : i32
            %shift_left3A_167 = vector.broadcast %shift_left3A : i32 to vector<16xi32>
            %shift_left3A_168 = arith.shli %shift_right_arithmetic3A_166, %shift_left3A_167 : vector<16xi32>
            %min3A_169 = arith.constant 999808 : i32
            %min3A_170 = vector.broadcast %min3A_169 : i32 to vector<16xi32>
            %min3A_171 = arith.minsi %shift_left3A_168, %min3A_170 : vector<16xi32>
            %sub3A_172 = arith.subi %gather3A, %min3A_171 : vector<16xi32>
            %jit3A = arith.constant 0 : i32
            %jit3A_173 = arith.constant 255 : i32
            %max3A_174 = vector.broadcast %jit3A : i32 to vector<16xi32>
            %max3A_175 = arith.maxsi %max3A_174, %sub3A_172 : vector<16xi32>
            %min3A_176 = vector.broadcast %jit3A_173 : i32 to vector<16xi32>
            %min3A_177 = arith.minsi %min3A_176, %max3A_175 : vector<16xi32>
            %add3A_178 = arith.constant 16 : i32
            %add3A_179 = arith.addi %while3A_153, %add3A_178 : i32
            %gt3A_180 = arith.constant 128 : i32
            %gt3A_181 = arith.cmpi sgt, %add3A_179, %gt3A_180 : i32
            %convert_element_type3A_182 = arith.extui %gt3A_181 : i1 to i32
            %cond3A_183 = arith.constant 0 : i32
            %cond3A_184 = arith.cmpi ne, %convert_element_type3A_182, %cond3A_183 : i32
            scf.if %cond3A_184 {
              %dma_start3A_200 = arith.constant 0 : i32
              %dma_start3A_201 = arith.constant 2 : i32
              %dma_start3A_202 = arith.constant 0 : i32
              %dma_start3A_203 = tpu.memref_slice %arg14[%dma_start3A_200, %dma_start3A_202] : memref<1x128xi32, #tpu.memory_space<vmem>> -> memref<1x128xi32, #tpu.memory_space<vmem>>
              %dma_start3A_204 = tpu.memref_squeeze %dma_start3A_203 : memref<1x128xi32, #tpu.memory_space<vmem>> -> memref<128xi32, #tpu.memory_space<vmem>>
              %dma_start3A_205 = arith.constant 0 : i32
              %dma_start3A_206 = arith.constant 0 : i32
              %dma_start3A_207 = tpu.memref_slice %arg8[%dma_start3A_205, %dma_start3A_206] : memref<32776x128xf32, #tpu.memory_space<hbm>> -> memref<32776x128xf32, #tpu.memory_space<hbm>>
              %dma_start3A_208 = tpu.memref_slice %arg15[%dma_start3A_201] : memref<3x!tpu.dma_semaphore, #tpu.memory_space<semaphore_mem>> -> memref<1x!tpu.dma_semaphore, #tpu.memory_space<semaphore_mem>>
              %dma_start3A_209 = tpu.memref_squeeze %dma_start3A_208 : memref<1x!tpu.dma_semaphore, #tpu.memory_space<semaphore_mem>> -> memref<!tpu.dma_semaphore, #tpu.memory_space<semaphore_mem>>
              tpu.enqueue_indirect_dma source(%arg13 : memref<128x128xf32, #tpu.memory_space<vmem>>) target(%dma_start3A_207 : memref<32776x128xf32, #tpu.memory_space<hbm>>) offsets(%dma_start3A_204 : memref<128xi32, #tpu.memory_space<vmem>>) semaphore(%dma_start3A_209 : memref<!tpu.dma_semaphore, #tpu.memory_space<semaphore_mem>>)
              %dma_wait3A_210 = arith.constant 0 : i32
              %dma_wait3A_211 = arith.constant 2 : i32
              %dma_wait3A_212 = arith.constant 0 : i32
              %dma_wait3A_213 = tpu.memref_slice %arg14[%dma_wait3A_210, %dma_wait3A_212] : memref<1x128xi32, #tpu.memory_space<vmem>> -> memref<1x128xi32, #tpu.memory_space<vmem>>
              %dma_wait3A_214 = tpu.memref_squeeze %dma_wait3A_213 : memref<1x128xi32, #tpu.memory_space<vmem>> -> memref<128xi32, #tpu.memory_space<vmem>>
              %dma_wait3A_215 = arith.constant 0 : i32
              %dma_wait3A_216 = arith.constant 0 : i32
              %dma_wait3A_217 = tpu.memref_slice %arg8[%dma_wait3A_215, %dma_wait3A_216] : memref<32776x128xf32, #tpu.memory_space<hbm>> -> memref<32776x128xf32, #tpu.memory_space<hbm>>
              %dma_wait3A_218 = tpu.memref_slice %arg15[%dma_wait3A_211] : memref<3x!tpu.dma_semaphore, #tpu.memory_space<semaphore_mem>> -> memref<1x!tpu.dma_semaphore, #tpu.memory_space<semaphore_mem>>
              %dma_wait3A_219 = tpu.memref_squeeze %dma_wait3A_218 : memref<1x!tpu.dma_semaphore, #tpu.memory_space<semaphore_mem>> -> memref<!tpu.dma_semaphore, #tpu.memory_space<semaphore_mem>>
              tpu.wait_indirect_dma semaphore(%dma_wait3A_219 : memref<!tpu.dma_semaphore, #tpu.memory_space<semaphore_mem>>) src(%arg13 : memref<128x128xf32, #tpu.memory_space<vmem>>) dst(%dma_wait3A_217 : memref<32776x128xf32, #tpu.memory_space<hbm>>)
              %broadcast_in_dim3A_220 = arith.constant 0 : i32
              %broadcast_in_dim3A_221 = vector.broadcast %broadcast_in_dim3A_220 : i32 to vector<16xi32>
              %broadcast_in_dim3A_222 = arith.constant 32768 : i32
              %broadcast_in_dim3A_223 = vector.broadcast %broadcast_in_dim3A_222 : i32 to vector<16xi32>
              %add3A_224 = arith.constant 0 : i32
              %add3A_225 = vector.broadcast %add3A_224 : i32 to vector<16xi32>
              %add3A_226 = arith.addi %add3A_225, %iota3A : vector<16xi32>
              tpu.vector_store_idx %arg14[%broadcast_in_dim3A_221, %add3A_226], %broadcast_in_dim3A_223 : memref<1x128xi32, #tpu.memory_space<vmem>>[vector<16xi32>, vector<16xi32>], vector<16xi32>,
              %add3A_227 = arith.constant 16 : i32
              %add3A_228 = vector.broadcast %add3A_227 : i32 to vector<16xi32>
              %add3A_229 = arith.addi %add3A_228, %iota3A : vector<16xi32>
              tpu.vector_store_idx %arg14[%broadcast_in_dim3A_221, %add3A_229], %broadcast_in_dim3A_223 : memref<1x128xi32, #tpu.memory_space<vmem>>[vector<16xi32>, vector<16xi32>], vector<16xi32>,
              %add3A_230 = arith.constant 32 : i32
              %add3A_231 = vector.broadcast %add3A_230 : i32 to vector<16xi32>
              %add3A_232 = arith.addi %add3A_231, %iota3A : vector<16xi32>
              tpu.vector_store_idx %arg14[%broadcast_in_dim3A_221, %add3A_232], %broadcast_in_dim3A_223 : memref<1x128xi32, #tpu.memory_space<vmem>>[vector<16xi32>, vector<16xi32>], vector<16xi32>,
              %add3A_233 = arith.constant 48 : i32
              %add3A_234 = vector.broadcast %add3A_233 : i32 to vector<16xi32>
              %add3A_235 = arith.addi %add3A_234, %iota3A : vector<16xi32>
              tpu.vector_store_idx %arg14[%broadcast_in_dim3A_221, %add3A_235], %broadcast_in_dim3A_223 : memref<1x128xi32, #tpu.memory_space<vmem>>[vector<16xi32>, vector<16xi32>], vector<16xi32>,
              %add3A_236 = arith.constant 64 : i32
              %add3A_237 = vector.broadcast %add3A_236 : i32 to vector<16xi32>
              %add3A_238 = arith.addi %add3A_237, %iota3A : vector<16xi32>
              tpu.vector_store_idx %arg14[%broadcast_in_dim3A_221, %add3A_238], %broadcast_in_dim3A_223 : memref<1x128xi32, #tpu.memory_space<vmem>>[vector<16xi32>, vector<16xi32>], vector<16xi32>,
              %add3A_239 = arith.constant 80 : i32
              %add3A_240 = vector.broadcast %add3A_239 : i32 to vector<16xi32>
              %add3A_241 = arith.addi %add3A_240, %iota3A : vector<16xi32>
              tpu.vector_store_idx %arg14[%broadcast_in_dim3A_221, %add3A_241], %broadcast_in_dim3A_223 : memref<1x128xi32, #tpu.memory_space<vmem>>[vector<16xi32>, vector<16xi32>], vector<16xi32>,
              %add3A_242 = arith.constant 96 : i32
              %add3A_243 = vector.broadcast %add3A_242 : i32 to vector<16xi32>
              %add3A_244 = arith.addi %add3A_243, %iota3A : vector<16xi32>
              tpu.vector_store_idx %arg14[%broadcast_in_dim3A_221, %add3A_244], %broadcast_in_dim3A_223 : memref<1x128xi32, #tpu.memory_space<vmem>>[vector<16xi32>, vector<16xi32>], vector<16xi32>,
              %add3A_245 = arith.constant 112 : i32
              %add3A_246 = vector.broadcast %add3A_245 : i32 to vector<16xi32>
              %add3A_247 = arith.addi %add3A_246, %iota3A : vector<16xi32>
              tpu.vector_store_idx %arg14[%broadcast_in_dim3A_221, %add3A_247], %broadcast_in_dim3A_223 : memref<1x128xi32, #tpu.memory_space<vmem>>[vector<16xi32>, vector<16xi32>], vector<16xi32>,
            } else {
            }
            %add3A_185 = arith.constant 16 : i32
            %add3A_186 = arith.addi %while3A_153, %add3A_185 : i32
            %gt3A_187 = arith.constant 128 : i32
            %gt3A_188 = arith.cmpi sgt, %add3A_186, %gt3A_187 : i32
            %jit3A_189 = arith.constant 0 : i32
            %select_n3A_190 = arith.select %gt3A_188, %jit3A_189, %while3A_153 : i32
            %gt3A_191 = arith.constant 0 : i32
            %gt3A_192 = arith.cmpi sgt, %squeeze3A, %gt3A_191 : i32
            %convert_element_type3A_193 = arith.extui %gt3A_192 : i1 to i32
            %cond3A_194 = arith.constant 0 : i32
            %cond3A_195 = arith.cmpi ne, %convert_element_type3A_193, %cond3A_194 : i32
            scf.if %cond3A_195 {
              %add3A_200 = vector.broadcast %select_n3A_190 : i32 to vector<16xi32>
              %add3A_201 = arith.addi %add3A_200, %iota3A : vector<16xi32>
              %broadcast_in_dim3A_202 = arith.constant 0 : i32
              %broadcast_in_dim3A_203 = vector.broadcast %broadcast_in_dim3A_202 : i32 to vector<16xi32>
              %gather3A_204 = tpu.vector_load_idx %arg12[%broadcast_in_dim3A_149, %broadcast_in_dim3A_203, %min3A_177] : memref<2x64x256xf32, #tpu.memory_space<vmem>>[vector<16xi32>, vector<16xi32>, vector<16xi32>], vector<16xf32>,
              tpu.vector_store_idx %arg13[%add3A_201, %broadcast_in_dim3A_203], %gather3A_204 : memref<128x128xf32, #tpu.memory_space<vmem>>[vector<16xi32>, vector<16xi32>], vector<16xf32>,
              %broadcast_in_dim3A_205 = arith.constant 1 : i32
              %broadcast_in_dim3A_206 = vector.broadcast %broadcast_in_dim3A_205 : i32 to vector<16xi32>
              %gather3A_207 = tpu.vector_load_idx %arg12[%broadcast_in_dim3A_149, %broadcast_in_dim3A_206, %min3A_177] : memref<2x64x256xf32, #tpu.memory_space<vmem>>[vector<16xi32>, vector<16xi32>, vector<16xi32>], vector<16xf32>,
              tpu.vector_store_idx %arg13[%add3A_201, %broadcast_in_dim3A_206], %gather3A_207 : memref<128x128xf32, #tpu.memory_space<vmem>>[vector<16xi32>, vector<16xi32>], vector<16xf32>,
              %broadcast_in_dim3A_208 = arith.constant 2 : i32
              %broadcast_in_dim3A_209 = vector.broadcast %broadcast_in_dim3A_208 : i32 to vector<16xi32>
              %gather3A_210 = tpu.vector_load_idx %arg12[%broadcast_in_dim3A_149, %broadcast_in_dim3A_209, %min3A_177] : memref<2x64x256xf32, #tpu.memory_space<vmem>>[vector<16xi32>, vector<16xi32>, vector<16xi32>], vector<16xf32>,
              tpu.vector_store_idx %arg13[%add3A_201, %broadcast_in_dim3A_209], %gather3A_210 : memref<128x128xf32, #tpu.memory_space<vmem>>[vector<16xi32>, vector<16xi32>], vector<16xf32>,
              %broadcast_in_dim3A_211 = arith.constant 3 : i32
              %broadcast_in_dim3A_212 = vector.broadcast %broadcast_in_dim3A_211 : i32 to vector<16xi32>
              %gather3A_213 = tpu.vector_load_idx %arg12[%broadcast_in_dim3A_149, %broadcast_in_dim3A_212, %min3A_177] : memref<2x64x256xf32, #tpu.memory_space<vmem>>[vector<16xi32>, vector<16xi32>, vector<16xi32>], vector<16xf32>,
              tpu.vector_store_idx %arg13[%add3A_201, %broadcast_in_dim3A_212], %gather3A_213 : memref<128x128xf32, #tpu.memory_space<vmem>>[vector<16xi32>, vector<16xi32>], vector<16xf32>,
              %broadcast_in_dim3A_214 = arith.constant 4 : i32
              %broadcast_in_dim3A_215 = vector.broadcast %broadcast_in_dim3A_214 : i32 to vector<16xi32>
              %gather3A_216 = tpu.vector_load_idx %arg12[%broadcast_in_dim3A_149, %broadcast_in_dim3A_215, %min3A_177] : memref<2x64x256xf32, #tpu.memory_space<vmem>>[vector<16xi32>, vector<16xi32>, vector<16xi32>], vector<16xf32>,
              tpu.vector_store_idx %arg13[%add3A_201, %broadcast_in_dim3A_215], %gather3A_216 : memref<128x128xf32, #tpu.memory_space<vmem>>[vector<16xi32>, vector<16xi32>], vector<16xf32>,
              %broadcast_in_dim3A_217 = arith.constant 5 : i32
              %broadcast_in_dim3A_218 = vector.broadcast %broadcast_in_dim3A_217 : i32 to vector<16xi32>
              %gather3A_219 = tpu.vector_load_idx %arg12[%broadcast_in_dim3A_149, %broadcast_in_dim3A_218, %min3A_177] : memref<2x64x256xf32, #tpu.memory_space<vmem>>[vector<16xi32>, vector<16xi32>, vector<16xi32>], vector<16xf32>,
              tpu.vector_store_idx %arg13[%add3A_201, %broadcast_in_dim3A_218], %gather3A_219 : memref<128x128xf32, #tpu.memory_space<vmem>>[vector<16xi32>, vector<16xi32>], vector<16xf32>,
              %broadcast_in_dim3A_220 = arith.constant 6 : i32
              %broadcast_in_dim3A_221 = vector.broadcast %broadcast_in_dim3A_220 : i32 to vector<16xi32>
              %gather3A_222 = tpu.vector_load_idx %arg12[%broadcast_in_dim3A_149, %broadcast_in_dim3A_221, %min3A_177] : memref<2x64x256xf32, #tpu.memory_space<vmem>>[vector<16xi32>, vector<16xi32>, vector<16xi32>], vector<16xf32>,
              tpu.vector_store_idx %arg13[%add3A_201, %broadcast_in_dim3A_221], %gather3A_222 : memref<128x128xf32, #tpu.memory_space<vmem>>[vector<16xi32>, vector<16xi32>], vector<16xf32>,
              %broadcast_in_dim3A_223 = arith.constant 7 : i32
              %broadcast_in_dim3A_224 = vector.broadcast %broadcast_in_dim3A_223 : i32 to vector<16xi32>
              %gather3A_225 = tpu.vector_load_idx %arg12[%broadcast_in_dim3A_149, %broadcast_in_dim3A_224, %min3A_177] : memref<2x64x256xf32, #tpu.memory_space<vmem>>[vector<16xi32>, vector<16xi32>, vector<16xi32>], vector<16xf32>,
              tpu.vector_store_idx %arg13[%add3A_201, %broadcast_in_dim3A_224], %gather3A_225 : memref<128x128xf32, #tpu.memory_space<vmem>>[vector<16xi32>, vector<16xi32>], vector<16xf32>,
              %broadcast_in_dim3A_226 = arith.constant 8 : i32
              %broadcast_in_dim3A_227 = vector.broadcast %broadcast_in_dim3A_226 : i32 to vector<16xi32>
              %gather3A_228 = tpu.vector_load_idx %arg12[%broadcast_in_dim3A_149, %broadcast_in_dim3A_227, %min3A_177] : memref<2x64x256xf32, #tpu.memory_space<vmem>>[vector<16xi32>, vector<16xi32>, vector<16xi32>], vector<16xf32>,
              tpu.vector_store_idx %arg13[%add3A_201, %broadcast_in_dim3A_227], %gather3A_228 : memref<128x128xf32, #tpu.memory_space<vmem>>[vector<16xi32>, vector<16xi32>], vector<16xf32>,
              %broadcast_in_dim3A_229 = arith.constant 9 : i32
              %broadcast_in_dim3A_230 = vector.broadcast %broadcast_in_dim3A_229 : i32 to vector<16xi32>
              %gather3A_231 = tpu.vector_load_idx %arg12[%broadcast_in_dim3A_149, %broadcast_in_dim3A_230, %min3A_177] : memref<2x64x256xf32, #tpu.memory_space<vmem>>[vector<16xi32>, vector<16xi32>, vector<16xi32>], vector<16xf32>,
              tpu.vector_store_idx %arg13[%add3A_201, %broadcast_in_dim3A_230], %gather3A_231 : memref<128x128xf32, #tpu.memory_space<vmem>>[vector<16xi32>, vector<16xi32>], vector<16xf32>,
              %broadcast_in_dim3A_232 = arith.constant 10 : i32
              %broadcast_in_dim3A_233 = vector.broadcast %broadcast_in_dim3A_232 : i32 to vector<16xi32>
              %gather3A_234 = tpu.vector_load_idx %arg12[%broadcast_in_dim3A_149, %broadcast_in_dim3A_233, %min3A_177] : memref<2x64x256xf32, #tpu.memory_space<vmem>>[vector<16xi32>, vector<16xi32>, vector<16xi32>], vector<16xf32>,
              tpu.vector_store_idx %arg13[%add3A_201, %broadcast_in_dim3A_233], %gather3A_234 : memref<128x128xf32, #tpu.memory_space<vmem>>[vector<16xi32>, vector<16xi32>], vector<16xf32>,
              %broadcast_in_dim3A_235 = arith.constant 11 : i32
              %broadcast_in_dim3A_236 = vector.broadcast %broadcast_in_dim3A_235 : i32 to vector<16xi32>
              %gather3A_237 = tpu.vector_load_idx %arg12[%broadcast_in_dim3A_149, %broadcast_in_dim3A_236, %min3A_177] : memref<2x64x256xf32, #tpu.memory_space<vmem>>[vector<16xi32>, vector<16xi32>, vector<16xi32>], vector<16xf32>,
              tpu.vector_store_idx %arg13[%add3A_201, %broadcast_in_dim3A_236], %gather3A_237 : memref<128x128xf32, #tpu.memory_space<vmem>>[vector<16xi32>, vector<16xi32>], vector<16xf32>,
              %broadcast_in_dim3A_238 = arith.constant 12 : i32
              %broadcast_in_dim3A_239 = vector.broadcast %broadcast_in_dim3A_238 : i32 to vector<16xi32>
              %gather3A_240 = tpu.vector_load_idx %arg12[%broadcast_in_dim3A_149, %broadcast_in_dim3A_239, %min3A_177] : memref<2x64x256xf32, #tpu.memory_space<vmem>>[vector<16xi32>, vector<16xi32>, vector<16xi32>], vector<16xf32>,
              tpu.vector_store_idx %arg13[%add3A_201, %broadcast_in_dim3A_239], %gather3A_240 : memref<128x128xf32, #tpu.memory_space<vmem>>[vector<16xi32>, vector<16xi32>], vector<16xf32>,
              %broadcast_in_dim3A_241 = arith.constant 13 : i32
              %broadcast_in_dim3A_242 = vector.broadcast %broadcast_in_dim3A_241 : i32 to vector<16xi32>
              %gather3A_243 = tpu.vector_load_idx %arg12[%broadcast_in_dim3A_149, %broadcast_in_dim3A_242, %min3A_177] : memref<2x64x256xf32, #tpu.memory_space<vmem>>[vector<16xi32>, vector<16xi32>, vector<16xi32>], vector<16xf32>,
              tpu.vector_store_idx %arg13[%add3A_201, %broadcast_in_dim3A_242], %gather3A_243 : memref<128x128xf32, #tpu.memory_space<vmem>>[vector<16xi32>, vector<16xi32>], vector<16xf32>,
              %broadcast_in_dim3A_244 = arith.constant 14 : i32
              %broadcast_in_dim3A_245 = vector.broadcast %broadcast_in_dim3A_244 : i32 to vector<16xi32>
              %gather3A_246 = tpu.vector_load_idx %arg12[%broadcast_in_dim3A_149, %broadcast_in_dim3A_245, %min3A_177] : memref<2x64x256xf32, #tpu.memory_space<vmem>>[vector<16xi32>, vector<16xi32>, vector<16xi32>], vector<16xf32>,
              tpu.vector_store_idx %arg13[%add3A_201, %broadcast_in_dim3A_245], %gather3A_246 : memref<128x128xf32, #tpu.memory_space<vmem>>[vector<16xi32>, vector<16xi32>], vector<16xf32>,
              %broadcast_in_dim3A_247 = arith.constant 15 : i32
              %broadcast_in_dim3A_248 = vector.broadcast %broadcast_in_dim3A_247 : i32 to vector<16xi32>
              %gather3A_249 = tpu.vector_load_idx %arg12[%broadcast_in_dim3A_149, %broadcast_in_dim3A_248, %min3A_177] : memref<2x64x256xf32, #tpu.memory_space<vmem>>[vector<16xi32>, vector<16xi32>, vector<16xi32>], vector<16xf32>,
              tpu.vector_store_idx %arg13[%add3A_201, %broadcast_in_dim3A_248], %gather3A_249 : memref<128x128xf32, #tpu.memory_space<vmem>>[vector<16xi32>, vector<16xi32>], vector<16xf32>,
              %broadcast_in_dim3A_250 = arith.constant 16 : i32
              %broadcast_in_dim3A_251 = vector.broadcast %broadcast_in_dim3A_250 : i32 to vector<16xi32>
              %gather3A_252 = tpu.vector_load_idx %arg12[%broadcast_in_dim3A_149, %broadcast_in_dim3A_251, %min3A_177] : memref<2x64x256xf32, #tpu.memory_space<vmem>>[vector<16xi32>, vector<16xi32>, vector<16xi32>], vector<16xf32>,
              tpu.vector_store_idx %arg13[%add3A_201, %broadcast_in_dim3A_251], %gather3A_252 : memref<128x128xf32, #tpu.memory_space<vmem>>[vector<16xi32>, vector<16xi32>], vector<16xf32>,
              %broadcast_in_dim3A_253 = arith.constant 17 : i32
              %broadcast_in_dim3A_254 = vector.broadcast %broadcast_in_dim3A_253 : i32 to vector<16xi32>
              %gather3A_255 = tpu.vector_load_idx %arg12[%broadcast_in_dim3A_149, %broadcast_in_dim3A_254, %min3A_177] : memref<2x64x256xf32, #tpu.memory_space<vmem>>[vector<16xi32>, vector<16xi32>, vector<16xi32>], vector<16xf32>,
              tpu.vector_store_idx %arg13[%add3A_201, %broadcast_in_dim3A_254], %gather3A_255 : memref<128x128xf32, #tpu.memory_space<vmem>>[vector<16xi32>, vector<16xi32>], vector<16xf32>,
              %broadcast_in_dim3A_256 = arith.constant 18 : i32
              %broadcast_in_dim3A_257 = vector.broadcast %broadcast_in_dim3A_256 : i32 to vector<16xi32>
              %gather3A_258 = tpu.vector_load_idx %arg12[%broadcast_in_dim3A_149, %broadcast_in_dim3A_257, %min3A_177] : memref<2x64x256xf32, #tpu.memory_space<vmem>>[vector<16xi32>, vector<16xi32>, vector<16xi32>], vector<16xf32>,
              tpu.vector_store_idx %arg13[%add3A_201, %broadcast_in_dim3A_257], %gather3A_258 : memref<128x128xf32, #tpu.memory_space<vmem>>[vector<16xi32>, vector<16xi32>], vector<16xf32>,
              %broadcast_in_dim3A_259 = arith.constant 19 : i32
              %broadcast_in_dim3A_260 = vector.broadcast %broadcast_in_dim3A_259 : i32 to vector<16xi32>
              %gather3A_261 = tpu.vector_load_idx %arg12[%broadcast_in_dim3A_149, %broadcast_in_dim3A_260, %min3A_177] : memref<2x64x256xf32, #tpu.memory_space<vmem>>[vector<16xi32>, vector<16xi32>, vector<16xi32>], vector<16xf32>,
              tpu.vector_store_idx %arg13[%add3A_201, %broadcast_in_dim3A_260], %gather3A_261 : memref<128x128xf32, #tpu.memory_space<vmem>>[vector<16xi32>, vector<16xi32>], vector<16xf32>,
              %broadcast_in_dim3A_262 = arith.constant 20 : i32
              %broadcast_in_dim3A_263 = vector.broadcast %broadcast_in_dim3A_262 : i32 to vector<16xi32>
              %gather3A_264 = tpu.vector_load_idx %arg12[%broadcast_in_dim3A_149, %broadcast_in_dim3A_263, %min3A_177] : memref<2x64x256xf32, #tpu.memory_space<vmem>>[vector<16xi32>, vector<16xi32>, vector<16xi32>], vector<16xf32>,
              tpu.vector_store_idx %arg13[%add3A_201, %broadcast_in_dim3A_263], %gather3A_264 : memref<128x128xf32, #tpu.memory_space<vmem>>[vector<16xi32>, vector<16xi32>], vector<16xf32>,
              %broadcast_in_dim3A_265 = arith.constant 21 : i32
              %broadcast_in_dim3A_266 = vector.broadcast %broadcast_in_dim3A_265 : i32 to vector<16xi32>
              %gather3A_267 = tpu.vector_load_idx %arg12[%broadcast_in_dim3A_149, %broadcast_in_dim3A_266, %min3A_177] : memref<2x64x256xf32, #tpu.memory_space<vmem>>[vector<16xi32>, vector<16xi32>, vector<16xi32>], vector<16xf32>,
              tpu.vector_store_idx %arg13[%add3A_201, %broadcast_in_dim3A_266], %gather3A_267 : memref<128x128xf32, #tpu.memory_space<vmem>>[vector<16xi32>, vector<16xi32>], vector<16xf32>,
              %broadcast_in_dim3A_268 = arith.constant 22 : i32
              %broadcast_in_dim3A_269 = vector.broadcast %broadcast_in_dim3A_268 : i32 to vector<16xi32>
              %gather3A_270 = tpu.vector_load_idx %arg12[%broadcast_in_dim3A_149, %broadcast_in_dim3A_269, %min3A_177] : memref<2x64x256xf32, #tpu.memory_space<vmem>>[vector<16xi32>, vector<16xi32>, vector<16xi32>], vector<16xf32>,
              tpu.vector_store_idx %arg13[%add3A_201, %broadcast_in_dim3A_269], %gather3A_270 : memref<128x128xf32, #tpu.memory_space<vmem>>[vector<16xi32>, vector<16xi32>], vector<16xf32>,
              %broadcast_in_dim3A_271 = arith.constant 23 : i32
              %broadcast_in_dim3A_272 = vector.broadcast %broadcast_in_dim3A_271 : i32 to vector<16xi32>
              %gather3A_273 = tpu.vector_load_idx %arg12[%broadcast_in_dim3A_149, %broadcast_in_dim3A_272, %min3A_177] : memref<2x64x256xf32, #tpu.memory_space<vmem>>[vector<16xi32>, vector<16xi32>, vector<16xi32>], vector<16xf32>,
              tpu.vector_store_idx %arg13[%add3A_201, %broadcast_in_dim3A_272], %gather3A_273 : memref<128x128xf32, #tpu.memory_space<vmem>>[vector<16xi32>, vector<16xi32>], vector<16xf32>,
              %broadcast_in_dim3A_274 = arith.constant 24 : i32
              %broadcast_in_dim3A_275 = vector.broadcast %broadcast_in_dim3A_274 : i32 to vector<16xi32>
              %gather3A_276 = tpu.vector_load_idx %arg12[%broadcast_in_dim3A_149, %broadcast_in_dim3A_275, %min3A_177] : memref<2x64x256xf32, #tpu.memory_space<vmem>>[vector<16xi32>, vector<16xi32>, vector<16xi32>], vector<16xf32>,
              tpu.vector_store_idx %arg13[%add3A_201, %broadcast_in_dim3A_275], %gather3A_276 : memref<128x128xf32, #tpu.memory_space<vmem>>[vector<16xi32>, vector<16xi32>], vector<16xf32>,
              %broadcast_in_dim3A_277 = arith.constant 25 : i32
              %broadcast_in_dim3A_278 = vector.broadcast %broadcast_in_dim3A_277 : i32 to vector<16xi32>
              %gather3A_279 = tpu.vector_load_idx %arg12[%broadcast_in_dim3A_149, %broadcast_in_dim3A_278, %min3A_177] : memref<2x64x256xf32, #tpu.memory_space<vmem>>[vector<16xi32>, vector<16xi32>, vector<16xi32>], vector<16xf32>,
              tpu.vector_store_idx %arg13[%add3A_201, %broadcast_in_dim3A_278], %gather3A_279 : memref<128x128xf32, #tpu.memory_space<vmem>>[vector<16xi32>, vector<16xi32>], vector<16xf32>,
              %broadcast_in_dim3A_280 = arith.constant 26 : i32
              %broadcast_in_dim3A_281 = vector.broadcast %broadcast_in_dim3A_280 : i32 to vector<16xi32>
              %gather3A_282 = tpu.vector_load_idx %arg12[%broadcast_in_dim3A_149, %broadcast_in_dim3A_281, %min3A_177] : memref<2x64x256xf32, #tpu.memory_space<vmem>>[vector<16xi32>, vector<16xi32>, vector<16xi32>], vector<16xf32>,
              tpu.vector_store_idx %arg13[%add3A_201, %broadcast_in_dim3A_281], %gather3A_282 : memref<128x128xf32, #tpu.memory_space<vmem>>[vector<16xi32>, vector<16xi32>], vector<16xf32>,
              %broadcast_in_dim3A_283 = arith.constant 27 : i32
              %broadcast_in_dim3A_284 = vector.broadcast %broadcast_in_dim3A_283 : i32 to vector<16xi32>
              %gather3A_285 = tpu.vector_load_idx %arg12[%broadcast_in_dim3A_149, %broadcast_in_dim3A_284, %min3A_177] : memref<2x64x256xf32, #tpu.memory_space<vmem>>[vector<16xi32>, vector<16xi32>, vector<16xi32>], vector<16xf32>,
              tpu.vector_store_idx %arg13[%add3A_201, %broadcast_in_dim3A_284], %gather3A_285 : memref<128x128xf32, #tpu.memory_space<vmem>>[vector<16xi32>, vector<16xi32>], vector<16xf32>,
              %broadcast_in_dim3A_286 = arith.constant 28 : i32
              %broadcast_in_dim3A_287 = vector.broadcast %broadcast_in_dim3A_286 : i32 to vector<16xi32>
              %gather3A_288 = tpu.vector_load_idx %arg12[%broadcast_in_dim3A_149, %broadcast_in_dim3A_287, %min3A_177] : memref<2x64x256xf32, #tpu.memory_space<vmem>>[vector<16xi32>, vector<16xi32>, vector<16xi32>], vector<16xf32>,
              tpu.vector_store_idx %arg13[%add3A_201, %broadcast_in_dim3A_287], %gather3A_288 : memref<128x128xf32, #tpu.memory_space<vmem>>[vector<16xi32>, vector<16xi32>], vector<16xf32>,
              %broadcast_in_dim3A_289 = arith.constant 29 : i32
              %broadcast_in_dim3A_290 = vector.broadcast %broadcast_in_dim3A_289 : i32 to vector<16xi32>
              %gather3A_291 = tpu.vector_load_idx %arg12[%broadcast_in_dim3A_149, %broadcast_in_dim3A_290, %min3A_177] : memref<2x64x256xf32, #tpu.memory_space<vmem>>[vector<16xi32>, vector<16xi32>, vector<16xi32>], vector<16xf32>,
              tpu.vector_store_idx %arg13[%add3A_201, %broadcast_in_dim3A_290], %gather3A_291 : memref<128x128xf32, #tpu.memory_space<vmem>>[vector<16xi32>, vector<16xi32>], vector<16xf32>,
              %broadcast_in_dim3A_292 = arith.constant 30 : i32
              %broadcast_in_dim3A_293 = vector.broadcast %broadcast_in_dim3A_292 : i32 to vector<16xi32>
              %gather3A_294 = tpu.vector_load_idx %arg12[%broadcast_in_dim3A_149, %broadcast_in_dim3A_293, %min3A_177] : memref<2x64x256xf32, #tpu.memory_space<vmem>>[vector<16xi32>, vector<16xi32>, vector<16xi32>], vector<16xf32>,
              tpu.vector_store_idx %arg13[%add3A_201, %broadcast_in_dim3A_293], %gather3A_294 : memref<128x128xf32, #tpu.memory_space<vmem>>[vector<16xi32>, vector<16xi32>], vector<16xf32>,
              %broadcast_in_dim3A_295 = arith.constant 31 : i32
              %broadcast_in_dim3A_296 = vector.broadcast %broadcast_in_dim3A_295 : i32 to vector<16xi32>
              %gather3A_297 = tpu.vector_load_idx %arg12[%broadcast_in_dim3A_149, %broadcast_in_dim3A_296, %min3A_177] : memref<2x64x256xf32, #tpu.memory_space<vmem>>[vector<16xi32>, vector<16xi32>, vector<16xi32>], vector<16xf32>,
              tpu.vector_store_idx %arg13[%add3A_201, %broadcast_in_dim3A_296], %gather3A_297 : memref<128x128xf32, #tpu.memory_space<vmem>>[vector<16xi32>, vector<16xi32>], vector<16xf32>,
              %broadcast_in_dim3A_298 = arith.constant 32 : i32
              %broadcast_in_dim3A_299 = vector.broadcast %broadcast_in_dim3A_298 : i32 to vector<16xi32>
              %gather3A_300 = tpu.vector_load_idx %arg12[%broadcast_in_dim3A_149, %broadcast_in_dim3A_299, %min3A_177] : memref<2x64x256xf32, #tpu.memory_space<vmem>>[vector<16xi32>, vector<16xi32>, vector<16xi32>], vector<16xf32>,
              tpu.vector_store_idx %arg13[%add3A_201, %broadcast_in_dim3A_299], %gather3A_300 : memref<128x128xf32, #tpu.memory_space<vmem>>[vector<16xi32>, vector<16xi32>], vector<16xf32>,
              %broadcast_in_dim3A_301 = arith.constant 33 : i32
              %broadcast_in_dim3A_302 = vector.broadcast %broadcast_in_dim3A_301 : i32 to vector<16xi32>
              %gather3A_303 = tpu.vector_load_idx %arg12[%broadcast_in_dim3A_149, %broadcast_in_dim3A_302, %min3A_177] : memref<2x64x256xf32, #tpu.memory_space<vmem>>[vector<16xi32>, vector<16xi32>, vector<16xi32>], vector<16xf32>,
              tpu.vector_store_idx %arg13[%add3A_201, %broadcast_in_dim3A_302], %gather3A_303 : memref<128x128xf32, #tpu.memory_space<vmem>>[vector<16xi32>, vector<16xi32>], vector<16xf32>,
              %broadcast_in_dim3A_304 = arith.constant 34 : i32
              %broadcast_in_dim3A_305 = vector.broadcast %broadcast_in_dim3A_304 : i32 to vector<16xi32>
              %gather3A_306 = tpu.vector_load_idx %arg12[%broadcast_in_dim3A_149, %broadcast_in_dim3A_305, %min3A_177] : memref<2x64x256xf32, #tpu.memory_space<vmem>>[vector<16xi32>, vector<16xi32>, vector<16xi32>], vector<16xf32>,
              tpu.vector_store_idx %arg13[%add3A_201, %broadcast_in_dim3A_305], %gather3A_306 : memref<128x128xf32, #tpu.memory_space<vmem>>[vector<16xi32>, vector<16xi32>], vector<16xf32>,
              %broadcast_in_dim3A_307 = arith.constant 35 : i32
              %broadcast_in_dim3A_308 = vector.broadcast %broadcast_in_dim3A_307 : i32 to vector<16xi32>
              %gather3A_309 = tpu.vector_load_idx %arg12[%broadcast_in_dim3A_149, %broadcast_in_dim3A_308, %min3A_177] : memref<2x64x256xf32, #tpu.memory_space<vmem>>[vector<16xi32>, vector<16xi32>, vector<16xi32>], vector<16xf32>,
              tpu.vector_store_idx %arg13[%add3A_201, %broadcast_in_dim3A_308], %gather3A_309 : memref<128x128xf32, #tpu.memory_space<vmem>>[vector<16xi32>, vector<16xi32>], vector<16xf32>,
              %broadcast_in_dim3A_310 = arith.constant 36 : i32
              %broadcast_in_dim3A_311 = vector.broadcast %broadcast_in_dim3A_310 : i32 to vector<16xi32>
              %gather3A_312 = tpu.vector_load_idx %arg12[%broadcast_in_dim3A_149, %broadcast_in_dim3A_311, %min3A_177] : memref<2x64x256xf32, #tpu.memory_space<vmem>>[vector<16xi32>, vector<16xi32>, vector<16xi32>], vector<16xf32>,
              tpu.vector_store_idx %arg13[%add3A_201, %broadcast_in_dim3A_311], %gather3A_312 : memref<128x128xf32, #tpu.memory_space<vmem>>[vector<16xi32>, vector<16xi32>], vector<16xf32>,
              %broadcast_in_dim3A_313 = arith.constant 37 : i32
              %broadcast_in_dim3A_314 = vector.broadcast %broadcast_in_dim3A_313 : i32 to vector<16xi32>
              %gather3A_315 = tpu.vector_load_idx %arg12[%broadcast_in_dim3A_149, %broadcast_in_dim3A_314, %min3A_177] : memref<2x64x256xf32, #tpu.memory_space<vmem>>[vector<16xi32>, vector<16xi32>, vector<16xi32>], vector<16xf32>,
              tpu.vector_store_idx %arg13[%add3A_201, %broadcast_in_dim3A_314], %gather3A_315 : memref<128x128xf32, #tpu.memory_space<vmem>>[vector<16xi32>, vector<16xi32>], vector<16xf32>,
              %broadcast_in_dim3A_316 = arith.constant 38 : i32
              %broadcast_in_dim3A_317 = vector.broadcast %broadcast_in_dim3A_316 : i32 to vector<16xi32>
              %gather3A_318 = tpu.vector_load_idx %arg12[%broadcast_in_dim3A_149, %broadcast_in_dim3A_317, %min3A_177] : memref<2x64x256xf32, #tpu.memory_space<vmem>>[vector<16xi32>, vector<16xi32>, vector<16xi32>], vector<16xf32>,
              tpu.vector_store_idx %arg13[%add3A_201, %broadcast_in_dim3A_317], %gather3A_318 : memref<128x128xf32, #tpu.memory_space<vmem>>[vector<16xi32>, vector<16xi32>], vector<16xf32>,
              %broadcast_in_dim3A_319 = arith.constant 39 : i32
              %broadcast_in_dim3A_320 = vector.broadcast %broadcast_in_dim3A_319 : i32 to vector<16xi32>
              %gather3A_321 = tpu.vector_load_idx %arg12[%broadcast_in_dim3A_149, %broadcast_in_dim3A_320, %min3A_177] : memref<2x64x256xf32, #tpu.memory_space<vmem>>[vector<16xi32>, vector<16xi32>, vector<16xi32>], vector<16xf32>,
              tpu.vector_store_idx %arg13[%add3A_201, %broadcast_in_dim3A_320], %gather3A_321 : memref<128x128xf32, #tpu.memory_space<vmem>>[vector<16xi32>, vector<16xi32>], vector<16xf32>,
              %broadcast_in_dim3A_322 = arith.constant 40 : i32
              %broadcast_in_dim3A_323 = vector.broadcast %broadcast_in_dim3A_322 : i32 to vector<16xi32>
              %gather3A_324 = tpu.vector_load_idx %arg12[%broadcast_in_dim3A_149, %broadcast_in_dim3A_323, %min3A_177] : memref<2x64x256xf32, #tpu.memory_space<vmem>>[vector<16xi32>, vector<16xi32>, vector<16xi32>], vector<16xf32>,
              tpu.vector_store_idx %arg13[%add3A_201, %broadcast_in_dim3A_323], %gather3A_324 : memref<128x128xf32, #tpu.memory_space<vmem>>[vector<16xi32>, vector<16xi32>], vector<16xf32>,
              %broadcast_in_dim3A_325 = arith.constant 41 : i32
              %broadcast_in_dim3A_326 = vector.broadcast %broadcast_in_dim3A_325 : i32 to vector<16xi32>
              %gather3A_327 = tpu.vector_load_idx %arg12[%broadcast_in_dim3A_149, %broadcast_in_dim3A_326, %min3A_177] : memref<2x64x256xf32, #tpu.memory_space<vmem>>[vector<16xi32>, vector<16xi32>, vector<16xi32>], vector<16xf32>,
              tpu.vector_store_idx %arg13[%add3A_201, %broadcast_in_dim3A_326], %gather3A_327 : memref<128x128xf32, #tpu.memory_space<vmem>>[vector<16xi32>, vector<16xi32>], vector<16xf32>,
              %broadcast_in_dim3A_328 = arith.constant 42 : i32
              %broadcast_in_dim3A_329 = vector.broadcast %broadcast_in_dim3A_328 : i32 to vector<16xi32>
              %gather3A_330 = tpu.vector_load_idx %arg12[%broadcast_in_dim3A_149, %broadcast_in_dim3A_329, %min3A_177] : memref<2x64x256xf32, #tpu.memory_space<vmem>>[vector<16xi32>, vector<16xi32>, vector<16xi32>], vector<16xf32>,
              tpu.vector_store_idx %arg13[%add3A_201, %broadcast_in_dim3A_329], %gather3A_330 : memref<128x128xf32, #tpu.memory_space<vmem>>[vector<16xi32>, vector<16xi32>], vector<16xf32>,
              %broadcast_in_dim3A_331 = arith.constant 43 : i32
              %broadcast_in_dim3A_332 = vector.broadcast %broadcast_in_dim3A_331 : i32 to vector<16xi32>
              %gather3A_333 = tpu.vector_load_idx %arg12[%broadcast_in_dim3A_149, %broadcast_in_dim3A_332, %min3A_177] : memref<2x64x256xf32, #tpu.memory_space<vmem>>[vector<16xi32>, vector<16xi32>, vector<16xi32>], vector<16xf32>,
              tpu.vector_store_idx %arg13[%add3A_201, %broadcast_in_dim3A_332], %gather3A_333 : memref<128x128xf32, #tpu.memory_space<vmem>>[vector<16xi32>, vector<16xi32>], vector<16xf32>,
              %broadcast_in_dim3A_334 = arith.constant 44 : i32
              %broadcast_in_dim3A_335 = vector.broadcast %broadcast_in_dim3A_334 : i32 to vector<16xi32>
              %gather3A_336 = tpu.vector_load_idx %arg12[%broadcast_in_dim3A_149, %broadcast_in_dim3A_335, %min3A_177] : memref<2x64x256xf32, #tpu.memory_space<vmem>>[vector<16xi32>, vector<16xi32>, vector<16xi32>], vector<16xf32>,
              tpu.vector_store_idx %arg13[%add3A_201, %broadcast_in_dim3A_335], %gather3A_336 : memref<128x128xf32, #tpu.memory_space<vmem>>[vector<16xi32>, vector<16xi32>], vector<16xf32>,
              %broadcast_in_dim3A_337 = arith.constant 45 : i32
              %broadcast_in_dim3A_338 = vector.broadcast %broadcast_in_dim3A_337 : i32 to vector<16xi32>
              %gather3A_339 = tpu.vector_load_idx %arg12[%broadcast_in_dim3A_149, %broadcast_in_dim3A_338, %min3A_177] : memref<2x64x256xf32, #tpu.memory_space<vmem>>[vector<16xi32>, vector<16xi32>, vector<16xi32>], vector<16xf32>,
              tpu.vector_store_idx %arg13[%add3A_201, %broadcast_in_dim3A_338], %gather3A_339 : memref<128x128xf32, #tpu.memory_space<vmem>>[vector<16xi32>, vector<16xi32>], vector<16xf32>,
              %broadcast_in_dim3A_340 = arith.constant 46 : i32
              %broadcast_in_dim3A_341 = vector.broadcast %broadcast_in_dim3A_340 : i32 to vector<16xi32>
              %gather3A_342 = tpu.vector_load_idx %arg12[%broadcast_in_dim3A_149, %broadcast_in_dim3A_341, %min3A_177] : memref<2x64x256xf32, #tpu.memory_space<vmem>>[vector<16xi32>, vector<16xi32>, vector<16xi32>], vector<16xf32>,
              tpu.vector_store_idx %arg13[%add3A_201, %broadcast_in_dim3A_341], %gather3A_342 : memref<128x128xf32, #tpu.memory_space<vmem>>[vector<16xi32>, vector<16xi32>], vector<16xf32>,
              %broadcast_in_dim3A_343 = arith.constant 47 : i32
              %broadcast_in_dim3A_344 = vector.broadcast %broadcast_in_dim3A_343 : i32 to vector<16xi32>
              %gather3A_345 = tpu.vector_load_idx %arg12[%broadcast_in_dim3A_149, %broadcast_in_dim3A_344, %min3A_177] : memref<2x64x256xf32, #tpu.memory_space<vmem>>[vector<16xi32>, vector<16xi32>, vector<16xi32>], vector<16xf32>,
              tpu.vector_store_idx %arg13[%add3A_201, %broadcast_in_dim3A_344], %gather3A_345 : memref<128x128xf32, #tpu.memory_space<vmem>>[vector<16xi32>, vector<16xi32>], vector<16xf32>,
              %broadcast_in_dim3A_346 = arith.constant 48 : i32
              %broadcast_in_dim3A_347 = vector.broadcast %broadcast_in_dim3A_346 : i32 to vector<16xi32>
              %gather3A_348 = tpu.vector_load_idx %arg12[%broadcast_in_dim3A_149, %broadcast_in_dim3A_347, %min3A_177] : memref<2x64x256xf32, #tpu.memory_space<vmem>>[vector<16xi32>, vector<16xi32>, vector<16xi32>], vector<16xf32>,
              tpu.vector_store_idx %arg13[%add3A_201, %broadcast_in_dim3A_347], %gather3A_348 : memref<128x128xf32, #tpu.memory_space<vmem>>[vector<16xi32>, vector<16xi32>], vector<16xf32>,
              %broadcast_in_dim3A_349 = arith.constant 49 : i32
              %broadcast_in_dim3A_350 = vector.broadcast %broadcast_in_dim3A_349 : i32 to vector<16xi32>
              %gather3A_351 = tpu.vector_load_idx %arg12[%broadcast_in_dim3A_149, %broadcast_in_dim3A_350, %min3A_177] : memref<2x64x256xf32, #tpu.memory_space<vmem>>[vector<16xi32>, vector<16xi32>, vector<16xi32>], vector<16xf32>,
              tpu.vector_store_idx %arg13[%add3A_201, %broadcast_in_dim3A_350], %gather3A_351 : memref<128x128xf32, #tpu.memory_space<vmem>>[vector<16xi32>, vector<16xi32>], vector<16xf32>,
              %broadcast_in_dim3A_352 = arith.constant 50 : i32
              %broadcast_in_dim3A_353 = vector.broadcast %broadcast_in_dim3A_352 : i32 to vector<16xi32>
              %gather3A_354 = tpu.vector_load_idx %arg12[%broadcast_in_dim3A_149, %broadcast_in_dim3A_353, %min3A_177] : memref<2x64x256xf32, #tpu.memory_space<vmem>>[vector<16xi32>, vector<16xi32>, vector<16xi32>], vector<16xf32>,
              tpu.vector_store_idx %arg13[%add3A_201, %broadcast_in_dim3A_353], %gather3A_354 : memref<128x128xf32, #tpu.memory_space<vmem>>[vector<16xi32>, vector<16xi32>], vector<16xf32>,
              %broadcast_in_dim3A_355 = arith.constant 51 : i32
              %broadcast_in_dim3A_356 = vector.broadcast %broadcast_in_dim3A_355 : i32 to vector<16xi32>
              %gather3A_357 = tpu.vector_load_idx %arg12[%broadcast_in_dim3A_149, %broadcast_in_dim3A_356, %min3A_177] : memref<2x64x256xf32, #tpu.memory_space<vmem>>[vector<16xi32>, vector<16xi32>, vector<16xi32>], vector<16xf32>,
              tpu.vector_store_idx %arg13[%add3A_201, %broadcast_in_dim3A_356], %gather3A_357 : memref<128x128xf32, #tpu.memory_space<vmem>>[vector<16xi32>, vector<16xi32>], vector<16xf32>,
              %broadcast_in_dim3A_358 = arith.constant 52 : i32
              %broadcast_in_dim3A_359 = vector.broadcast %broadcast_in_dim3A_358 : i32 to vector<16xi32>
              %gather3A_360 = tpu.vector_load_idx %arg12[%broadcast_in_dim3A_149, %broadcast_in_dim3A_359, %min3A_177] : memref<2x64x256xf32, #tpu.memory_space<vmem>>[vector<16xi32>, vector<16xi32>, vector<16xi32>], vector<16xf32>,
              tpu.vector_store_idx %arg13[%add3A_201, %broadcast_in_dim3A_359], %gather3A_360 : memref<128x128xf32, #tpu.memory_space<vmem>>[vector<16xi32>, vector<16xi32>], vector<16xf32>,
              %broadcast_in_dim3A_361 = arith.constant 53 : i32
              %broadcast_in_dim3A_362 = vector.broadcast %broadcast_in_dim3A_361 : i32 to vector<16xi32>
              %gather3A_363 = tpu.vector_load_idx %arg12[%broadcast_in_dim3A_149, %broadcast_in_dim3A_362, %min3A_177] : memref<2x64x256xf32, #tpu.memory_space<vmem>>[vector<16xi32>, vector<16xi32>, vector<16xi32>], vector<16xf32>,
              tpu.vector_store_idx %arg13[%add3A_201, %broadcast_in_dim3A_362], %gather3A_363 : memref<128x128xf32, #tpu.memory_space<vmem>>[vector<16xi32>, vector<16xi32>], vector<16xf32>,
              %broadcast_in_dim3A_364 = arith.constant 54 : i32
              %broadcast_in_dim3A_365 = vector.broadcast %broadcast_in_dim3A_364 : i32 to vector<16xi32>
              %gather3A_366 = tpu.vector_load_idx %arg12[%broadcast_in_dim3A_149, %broadcast_in_dim3A_365, %min3A_177] : memref<2x64x256xf32, #tpu.memory_space<vmem>>[vector<16xi32>, vector<16xi32>, vector<16xi32>], vector<16xf32>,
              tpu.vector_store_idx %arg13[%add3A_201, %broadcast_in_dim3A_365], %gather3A_366 : memref<128x128xf32, #tpu.memory_space<vmem>>[vector<16xi32>, vector<16xi32>], vector<16xf32>,
              %broadcast_in_dim3A_367 = arith.constant 55 : i32
              %broadcast_in_dim3A_368 = vector.broadcast %broadcast_in_dim3A_367 : i32 to vector<16xi32>
              %gather3A_369 = tpu.vector_load_idx %arg12[%broadcast_in_dim3A_149, %broadcast_in_dim3A_368, %min3A_177] : memref<2x64x256xf32, #tpu.memory_space<vmem>>[vector<16xi32>, vector<16xi32>, vector<16xi32>], vector<16xf32>,
              tpu.vector_store_idx %arg13[%add3A_201, %broadcast_in_dim3A_368], %gather3A_369 : memref<128x128xf32, #tpu.memory_space<vmem>>[vector<16xi32>, vector<16xi32>], vector<16xf32>,
              %broadcast_in_dim3A_370 = arith.constant 56 : i32
              %broadcast_in_dim3A_371 = vector.broadcast %broadcast_in_dim3A_370 : i32 to vector<16xi32>
              %gather3A_372 = tpu.vector_load_idx %arg12[%broadcast_in_dim3A_149, %broadcast_in_dim3A_371, %min3A_177] : memref<2x64x256xf32, #tpu.memory_space<vmem>>[vector<16xi32>, vector<16xi32>, vector<16xi32>], vector<16xf32>,
              tpu.vector_store_idx %arg13[%add3A_201, %broadcast_in_dim3A_371], %gather3A_372 : memref<128x128xf32, #tpu.memory_space<vmem>>[vector<16xi32>, vector<16xi32>], vector<16xf32>,
              %broadcast_in_dim3A_373 = arith.constant 57 : i32
              %broadcast_in_dim3A_374 = vector.broadcast %broadcast_in_dim3A_373 : i32 to vector<16xi32>
              %gather3A_375 = tpu.vector_load_idx %arg12[%broadcast_in_dim3A_149, %broadcast_in_dim3A_374, %min3A_177] : memref<2x64x256xf32, #tpu.memory_space<vmem>>[vector<16xi32>, vector<16xi32>, vector<16xi32>], vector<16xf32>,
              tpu.vector_store_idx %arg13[%add3A_201, %broadcast_in_dim3A_374], %gather3A_375 : memref<128x128xf32, #tpu.memory_space<vmem>>[vector<16xi32>, vector<16xi32>], vector<16xf32>,
              %broadcast_in_dim3A_376 = arith.constant 58 : i32
              %broadcast_in_dim3A_377 = vector.broadcast %broadcast_in_dim3A_376 : i32 to vector<16xi32>
              %gather3A_378 = tpu.vector_load_idx %arg12[%broadcast_in_dim3A_149, %broadcast_in_dim3A_377, %min3A_177] : memref<2x64x256xf32, #tpu.memory_space<vmem>>[vector<16xi32>, vector<16xi32>, vector<16xi32>], vector<16xf32>,
              tpu.vector_store_idx %arg13[%add3A_201, %broadcast_in_dim3A_377], %gather3A_378 : memref<128x128xf32, #tpu.memory_space<vmem>>[vector<16xi32>, vector<16xi32>], vector<16xf32>,
              %broadcast_in_dim3A_379 = arith.constant 59 : i32
              %broadcast_in_dim3A_380 = vector.broadcast %broadcast_in_dim3A_379 : i32 to vector<16xi32>
              %gather3A_381 = tpu.vector_load_idx %arg12[%broadcast_in_dim3A_149, %broadcast_in_dim3A_380, %min3A_177] : memref<2x64x256xf32, #tpu.memory_space<vmem>>[vector<16xi32>, vector<16xi32>, vector<16xi32>], vector<16xf32>,
              tpu.vector_store_idx %arg13[%add3A_201, %broadcast_in_dim3A_380], %gather3A_381 : memref<128x128xf32, #tpu.memory_space<vmem>>[vector<16xi32>, vector<16xi32>], vector<16xf32>,
              %broadcast_in_dim3A_382 = arith.constant 60 : i32
              %broadcast_in_dim3A_383 = vector.broadcast %broadcast_in_dim3A_382 : i32 to vector<16xi32>
              %gather3A_384 = tpu.vector_load_idx %arg12[%broadcast_in_dim3A_149, %broadcast_in_dim3A_383, %min3A_177] : memref<2x64x256xf32, #tpu.memory_space<vmem>>[vector<16xi32>, vector<16xi32>, vector<16xi32>], vector<16xf32>,
              tpu.vector_store_idx %arg13[%add3A_201, %broadcast_in_dim3A_383], %gather3A_384 : memref<128x128xf32, #tpu.memory_space<vmem>>[vector<16xi32>, vector<16xi32>], vector<16xf32>,
              %broadcast_in_dim3A_385 = arith.constant 61 : i32
              %broadcast_in_dim3A_386 = vector.broadcast %broadcast_in_dim3A_385 : i32 to vector<16xi32>
              %gather3A_387 = tpu.vector_load_idx %arg12[%broadcast_in_dim3A_149, %broadcast_in_dim3A_386, %min3A_177] : memref<2x64x256xf32, #tpu.memory_space<vmem>>[vector<16xi32>, vector<16xi32>, vector<16xi32>], vector<16xf32>,
              tpu.vector_store_idx %arg13[%add3A_201, %broadcast_in_dim3A_386], %gather3A_387 : memref<128x128xf32, #tpu.memory_space<vmem>>[vector<16xi32>, vector<16xi32>], vector<16xf32>,
              %broadcast_in_dim3A_388 = arith.constant 62 : i32
              %broadcast_in_dim3A_389 = vector.broadcast %broadcast_in_dim3A_388 : i32 to vector<16xi32>
              %gather3A_390 = tpu.vector_load_idx %arg12[%broadcast_in_dim3A_149, %broadcast_in_dim3A_389, %min3A_177] : memref<2x64x256xf32, #tpu.memory_space<vmem>>[vector<16xi32>, vector<16xi32>, vector<16xi32>], vector<16xf32>,
              tpu.vector_store_idx %arg13[%add3A_201, %broadcast_in_dim3A_389], %gather3A_390 : memref<128x128xf32, #tpu.memory_space<vmem>>[vector<16xi32>, vector<16xi32>], vector<16xf32>,
              %broadcast_in_dim3A_391 = arith.constant 63 : i32
              %broadcast_in_dim3A_392 = vector.broadcast %broadcast_in_dim3A_391 : i32 to vector<16xi32>
              %gather3A_393 = tpu.vector_load_idx %arg12[%broadcast_in_dim3A_149, %broadcast_in_dim3A_392, %min3A_177] : memref<2x64x256xf32, #tpu.memory_space<vmem>>[vector<16xi32>, vector<16xi32>, vector<16xi32>], vector<16xf32>,
              tpu.vector_store_idx %arg13[%add3A_201, %broadcast_in_dim3A_392], %gather3A_393 : memref<128x128xf32, #tpu.memory_space<vmem>>[vector<16xi32>, vector<16xi32>], vector<16xf32>,
              %broadcast_in_dim3A_394 = arith.constant 0 : i32
              %broadcast_in_dim3A_395 = vector.broadcast %broadcast_in_dim3A_394 : i32 to vector<16xi32>
              tpu.vector_store_idx %arg14[%broadcast_in_dim3A_395, %add3A_201], %select_n3A : memref<1x128xi32, #tpu.memory_space<vmem>>[vector<16xi32>, vector<16xi32>], vector<16xi32>,
            } else {
            }
            %add3A_196 = arith.addi %while3A_152, %squeeze3A : i32
            %add3A_197 = arith.addi %select_n3A_190, %squeeze3A : i32
            %eq3A_198 = arith.constant 16 : i32
            %eq3A_199 = arith.cmpi eq, %squeeze3A, %eq3A_198 : i32
            scf.yield %add3A_196, %add3A_197, %eq3A_199 : i32, i32, i1
          }
          scf.yield %while3A_151#0, %while3A_151#1 : i32, i32
        }
        %while3A_64 = arith.constant 1 : i32
        %while3A_65:2 = scf.for %while3A_112 = %while3A_61 to %while3A_57 step %while3A_64 iter_args(%while3A_113 = %while3A_63#0, %while3A_114 = %while3A_63#1) -> (i32, i32)  : i32 {
          %add3A_115 = arith.constant 2 : i32
          %add3A_116 = arith.addi %while3A_112, %add3A_115 : i32
          %sub3A_117 = arith.constant 1 : i32
          %sub3A_118 = arith.subi %add3A_116, %sub3A_117 : i32
          %lt3A = arith.cmpi slt, %sub3A_118, %min3A_10 : i32
          %convert_element_type3A_119 = arith.extui %lt3A : i1 to i32
          %cond3A_120 = arith.constant 0 : i32
          %cond3A_121 = arith.cmpi ne, %convert_element_type3A_119, %cond3A_120 : i32
          scf.if %cond3A_121 {
            %add3A_152 = arith.constant 2 : i32
            %add3A_153 = arith.addi %while3A_112, %add3A_152 : i32
            %sub3A_154 = arith.constant 1 : i32
            %sub3A_155 = arith.subi %add3A_153, %sub3A_154 : i32
            %rem3A_156 = arith.constant 2 : i32
            %rem3A_157 = arith.remsi %sub3A_155, %rem3A_156 : i32
            %add3A_158 = arith.addi %mul3A_7, %sub3A_155 : i32
            %mul3A_159 = arith.constant 256 : i32
            %mul3A_160 = arith.muli %add3A_158, %mul3A_159 : i32
            %min3A_161 = arith.constant 999808 : i32
            %min3A_162 = arith.minsi %mul3A_160, %min3A_161 : i32
            %multiple_of3A_163 = tpu.assume_multiple %min3A_162, 128 : i32
            %dma_start3A_164 = arith.constant 0 : i32
            %dma_start3A_165 = arith.constant 0 : i32
            %dma_start3A_166 = tpu.memref_slice %arg12[%rem3A_157, %dma_start3A_164, %dma_start3A_165] : memref<2x64x256xf32, #tpu.memory_space<vmem>> -> memref<1x64x256xf32, #tpu.memory_space<vmem>>
            %dma_start3A_167 = tpu.memref_squeeze %dma_start3A_166 : memref<1x64x256xf32, #tpu.memory_space<vmem>> -> memref<64x256xf32, #tpu.memory_space<vmem>>
            %dma_start3A_168 = arith.constant 0 : i32
            %dma_start3A_169 = tpu.memref_slice %arg2[%dma_start3A_168, %multiple_of3A_163] : memref<64x1000000xf32, #tpu.memory_space<hbm>> -> memref<64x256xf32, #tpu.memory_space<hbm>>
            %dma_start3A_170 = tpu.memref_slice %arg15[%rem3A_157] : memref<3x!tpu.dma_semaphore, #tpu.memory_space<semaphore_mem>> -> memref<1x!tpu.dma_semaphore, #tpu.memory_space<semaphore_mem>>
            %dma_start3A_171 = tpu.memref_squeeze %dma_start3A_170 : memref<1x!tpu.dma_semaphore, #tpu.memory_space<semaphore_mem>> -> memref<!tpu.dma_semaphore, #tpu.memory_space<semaphore_mem>>
            %dma_start3A_172 = arith.constant 0 : i32
            %dma_start3A_173 = arith.constant 0 : i32
            %dma_start3A_174 = tpu.memref_slice %arg12[%rem3A_157, %dma_start3A_172, %dma_start3A_173] : memref<2x64x256xf32, #tpu.memory_space<vmem>> -> memref<1x64x256xf32, #tpu.memory_space<vmem>>
            %dma_start3A_175 = tpu.memref_squeeze %dma_start3A_174 : memref<1x64x256xf32, #tpu.memory_space<vmem>> -> memref<64x256xf32, #tpu.memory_space<vmem>>
            %dma_start3A_176 = arith.constant 0 : i32
            %dma_start3A_177 = tpu.memref_slice %arg2[%dma_start3A_176, %multiple_of3A_163] : memref<64x1000000xf32, #tpu.memory_space<hbm>> -> memref<64x256xf32, #tpu.memory_space<hbm>>
            tpu.enqueue_dma source(%dma_start3A_177 : memref<64x256xf32, #tpu.memory_space<hbm>>) target(%dma_start3A_175 : memref<64x256xf32, #tpu.memory_space<vmem>>) target_semaphore(%dma_start3A_171 : memref<!tpu.dma_semaphore, #tpu.memory_space<semaphore_mem>>)
          } else {
          }
          %rem3A = arith.constant 2 : i32
          %rem3A_122 = arith.remsi %while3A_112, %rem3A : i32
          %add3A_123 = arith.addi %mul3A_7, %while3A_112 : i32
          %mul3A_124 = arith.constant 256 : i32
          %mul3A_125 = arith.muli %add3A_123, %mul3A_124 : i32
          %min3A_126 = arith.constant 999808 : i32
          %min3A_127 = arith.minsi %mul3A_125, %min3A_126 : i32
          %multiple_of3A = tpu.assume_multiple %min3A_127, 128 : i32
          %dma_wait3A_128 = arith.constant 0 : i32
          %dma_wait3A_129 = arith.constant 0 : i32
          %dma_wait3A_130 = tpu.memref_slice %arg12[%rem3A_122, %dma_wait3A_128, %dma_wait3A_129] : memref<2x64x256xf32, #tpu.memory_space<vmem>> -> memref<1x64x256xf32, #tpu.memory_space<vmem>>
          %dma_wait3A_131 = tpu.memref_squeeze %dma_wait3A_130 : memref<1x64x256xf32, #tpu.memory_space<vmem>> -> memref<64x256xf32, #tpu.memory_space<vmem>>
          %dma_wait3A_132 = arith.constant 0 : i32
          %dma_wait3A_133 = tpu.memref_slice %arg2[%dma_wait3A_132, %multiple_of3A] : memref<64x1000000xf32, #tpu.memory_space<hbm>> -> memref<64x256xf32, #tpu.memory_space<hbm>>
          %dma_wait3A_134 = tpu.memref_slice %arg15[%rem3A_122] : memref<3x!tpu.dma_semaphore, #tpu.memory_space<semaphore_mem>> -> memref<1x!tpu.dma_semaphore, #tpu.memory_space<semaphore_mem>>
          %dma_wait3A_135 = tpu.memref_squeeze %dma_wait3A_134 : memref<1x!tpu.dma_semaphore, #tpu.memory_space<semaphore_mem>> -> memref<!tpu.dma_semaphore, #tpu.memory_space<semaphore_mem>>
          %dma_wait3A_136 = arith.constant 0 : i32
          %dma_wait3A_137 = arith.constant 0 : i32
          %dma_wait3A_138 = tpu.memref_slice %arg12[%rem3A_122, %dma_wait3A_136, %dma_wait3A_137] : memref<2x64x256xf32, #tpu.memory_space<vmem>> -> memref<1x64x256xf32, #tpu.memory_space<vmem>>
          %dma_wait3A_139 = tpu.memref_squeeze %dma_wait3A_138 : memref<1x64x256xf32, #tpu.memory_space<vmem>> -> memref<64x256xf32, #tpu.memory_space<vmem>>
          %dma_wait3A_140 = arith.constant 0 : i32
          %dma_wait3A_141 = tpu.memref_slice %arg2[%dma_wait3A_140, %multiple_of3A] : memref<64x1000000xf32, #tpu.memory_space<hbm>> -> memref<64x256xf32, #tpu.memory_space<hbm>>
          tpu.wait_dma2 semaphore(%dma_wait3A_135 : memref<!tpu.dma_semaphore, #tpu.memory_space<semaphore_mem>>) src(%dma_wait3A_141 : memref<64x256xf32, #tpu.memory_space<hbm>>) dst(%dma_wait3A_139 : memref<64x256xf32, #tpu.memory_space<vmem>>)
          %add3A_142 = arith.addi %mul3A_7, %while3A_112 : i32
          %add3A_143 = arith.constant 1 : i32
          %add3A_144 = arith.addi %add3A_142, %add3A_143 : i32
          %mul3A_145 = arith.constant 256 : i32
          %mul3A_146 = arith.muli %add3A_144, %mul3A_145 : i32
          %rem3A_147 = arith.constant 2 : i32
          %rem3A_148 = arith.remsi %while3A_112, %rem3A_147 : i32
          %broadcast_in_dim3A_149 = vector.broadcast %rem3A_148 : i32 to vector<16xi32>
          %while3A_150 = arith.constant true
          %while3A_151:3 = scf.while (%while3A_152 = %while3A_113, %while3A_153 = %while3A_114, %while3A_154 = %while3A_150) : (i32, i32, i1) -> (i32, i32, i1) {
            scf.condition(%while3A_154) %while3A_152, %while3A_153, %while3A_154 : i32, i32, i1
          } do {
          ^bb0(%while3A_152: i32, %while3A_153: i32, %while3A_154: i1):
            %add3A_155 = vector.broadcast %while3A_152 : i32 to vector<16xi32>
            %add3A_156 = arith.addi %add3A_155, %iota3A : vector<16xi32>
            %min3A_157 = arith.constant 32895 : i32
            %min3A_158 = vector.broadcast %min3A_157 : i32 to vector<16xi32>
            %min3A_159 = arith.minsi %add3A_156, %min3A_158 : vector<16xi32>
            %gather3A = tpu.vector_load_idx %arg10[%min3A_159] : memref<32896xi32, #tpu.memory_space<vmem>>[vector<16xi32>], vector<16xi32>,
            %lt3A_160 = vector.broadcast %mul3A_146 : i32 to vector<16xi32>
            %lt3A_161 = arith.cmpi slt, %gather3A, %lt3A_160 : vector<16xi32>
            %all_reduce_population_count3A = tpu.all_reduce %lt3A_161 {dim = 0 : i64, kind = #tpu.reduction_kind<sum>} : vector<16xi1> -> vector<16xi32>
            %slice3A = vector.extract_strided_slice %all_reduce_population_count3A {offsets = [0], sizes = [1], strides = [1]} : vector<16xi32> to vector<1xi32>
            %squeeze3A = vector.extract %slice3A[0] : i32 from vector<1xi32>
            %gather3A_162 = tpu.vector_load_idx %arg11[%min3A_159] : memref<32896xi32, #tpu.memory_space<vmem>>[vector<16xi32>], vector<16xi32>,
            %broadcast_in_dim3A_163 = arith.constant 32768 : i32
            %broadcast_in_dim3A_164 = vector.broadcast %broadcast_in_dim3A_163 : i32 to vector<16xi32>
            %select_n3A = arith.select %lt3A_161, %gather3A_162, %broadcast_in_dim3A_164 : vector<16xi1>, vector<16xi32>
            %shift_right_arithmetic3A = arith.constant 8 : i32
            %shift_right_arithmetic3A_165 = vector.broadcast %shift_right_arithmetic3A : i32 to vector<16xi32>
            %shift_right_arithmetic3A_166 = arith.shrsi %gather3A, %shift_right_arithmetic3A_165 : vector<16xi32>
            %shift_left3A = arith.constant 8 : i32
            %shift_left3A_167 = vector.broadcast %shift_left3A : i32 to vector<16xi32>
            %shift_left3A_168 = arith.shli %shift_right_arithmetic3A_166, %shift_left3A_167 : vector<16xi32>
            %min3A_169 = arith.constant 999808 : i32
            %min3A_170 = vector.broadcast %min3A_169 : i32 to vector<16xi32>
            %min3A_171 = arith.minsi %shift_left3A_168, %min3A_170 : vector<16xi32>
            %sub3A_172 = arith.subi %gather3A, %min3A_171 : vector<16xi32>
            %jit3A = arith.constant 0 : i32
            %jit3A_173 = arith.constant 255 : i32
            %max3A_174 = vector.broadcast %jit3A : i32 to vector<16xi32>
            %max3A_175 = arith.maxsi %max3A_174, %sub3A_172 : vector<16xi32>
            %min3A_176 = vector.broadcast %jit3A_173 : i32 to vector<16xi32>
            %min3A_177 = arith.minsi %min3A_176, %max3A_175 : vector<16xi32>
            %add3A_178 = arith.constant 16 : i32
            %add3A_179 = arith.addi %while3A_153, %add3A_178 : i32
            %gt3A_180 = arith.constant 128 : i32
            %gt3A_181 = arith.cmpi sgt, %add3A_179, %gt3A_180 : i32
            %convert_element_type3A_182 = arith.extui %gt3A_181 : i1 to i32
            %cond3A_183 = arith.constant 0 : i32
            %cond3A_184 = arith.cmpi ne, %convert_element_type3A_182, %cond3A_183 : i32
            scf.if %cond3A_184 {
              %dma_start3A_200 = arith.constant 0 : i32
              %dma_start3A_201 = arith.constant 2 : i32
              %dma_start3A_202 = arith.constant 0 : i32
              %dma_start3A_203 = tpu.memref_slice %arg14[%dma_start3A_200, %dma_start3A_202] : memref<1x128xi32, #tpu.memory_space<vmem>> -> memref<1x128xi32, #tpu.memory_space<vmem>>
              %dma_start3A_204 = tpu.memref_squeeze %dma_start3A_203 : memref<1x128xi32, #tpu.memory_space<vmem>> -> memref<128xi32, #tpu.memory_space<vmem>>
              %dma_start3A_205 = arith.constant 0 : i32
              %dma_start3A_206 = arith.constant 0 : i32
              %dma_start3A_207 = tpu.memref_slice %arg8[%dma_start3A_205, %dma_start3A_206] : memref<32776x128xf32, #tpu.memory_space<hbm>> -> memref<32776x128xf32, #tpu.memory_space<hbm>>
              %dma_start3A_208 = tpu.memref_slice %arg15[%dma_start3A_201] : memref<3x!tpu.dma_semaphore, #tpu.memory_space<semaphore_mem>> -> memref<1x!tpu.dma_semaphore, #tpu.memory_space<semaphore_mem>>
              %dma_start3A_209 = tpu.memref_squeeze %dma_start3A_208 : memref<1x!tpu.dma_semaphore, #tpu.memory_space<semaphore_mem>> -> memref<!tpu.dma_semaphore, #tpu.memory_space<semaphore_mem>>
              tpu.enqueue_indirect_dma source(%arg13 : memref<128x128xf32, #tpu.memory_space<vmem>>) target(%dma_start3A_207 : memref<32776x128xf32, #tpu.memory_space<hbm>>) offsets(%dma_start3A_204 : memref<128xi32, #tpu.memory_space<vmem>>) semaphore(%dma_start3A_209 : memref<!tpu.dma_semaphore, #tpu.memory_space<semaphore_mem>>)
              %dma_wait3A_210 = arith.constant 0 : i32
              %dma_wait3A_211 = arith.constant 2 : i32
              %dma_wait3A_212 = arith.constant 0 : i32
              %dma_wait3A_213 = tpu.memref_slice %arg14[%dma_wait3A_210, %dma_wait3A_212] : memref<1x128xi32, #tpu.memory_space<vmem>> -> memref<1x128xi32, #tpu.memory_space<vmem>>
              %dma_wait3A_214 = tpu.memref_squeeze %dma_wait3A_213 : memref<1x128xi32, #tpu.memory_space<vmem>> -> memref<128xi32, #tpu.memory_space<vmem>>
              %dma_wait3A_215 = arith.constant 0 : i32
              %dma_wait3A_216 = arith.constant 0 : i32
              %dma_wait3A_217 = tpu.memref_slice %arg8[%dma_wait3A_215, %dma_wait3A_216] : memref<32776x128xf32, #tpu.memory_space<hbm>> -> memref<32776x128xf32, #tpu.memory_space<hbm>>
              %dma_wait3A_218 = tpu.memref_slice %arg15[%dma_wait3A_211] : memref<3x!tpu.dma_semaphore, #tpu.memory_space<semaphore_mem>> -> memref<1x!tpu.dma_semaphore, #tpu.memory_space<semaphore_mem>>
              %dma_wait3A_219 = tpu.memref_squeeze %dma_wait3A_218 : memref<1x!tpu.dma_semaphore, #tpu.memory_space<semaphore_mem>> -> memref<!tpu.dma_semaphore, #tpu.memory_space<semaphore_mem>>
              tpu.wait_indirect_dma semaphore(%dma_wait3A_219 : memref<!tpu.dma_semaphore, #tpu.memory_space<semaphore_mem>>) src(%arg13 : memref<128x128xf32, #tpu.memory_space<vmem>>) dst(%dma_wait3A_217 : memref<32776x128xf32, #tpu.memory_space<hbm>>)
              %broadcast_in_dim3A_220 = arith.constant 0 : i32
              %broadcast_in_dim3A_221 = vector.broadcast %broadcast_in_dim3A_220 : i32 to vector<16xi32>
              %broadcast_in_dim3A_222 = arith.constant 32768 : i32
              %broadcast_in_dim3A_223 = vector.broadcast %broadcast_in_dim3A_222 : i32 to vector<16xi32>
              %add3A_224 = arith.constant 0 : i32
              %add3A_225 = vector.broadcast %add3A_224 : i32 to vector<16xi32>
              %add3A_226 = arith.addi %add3A_225, %iota3A : vector<16xi32>
              tpu.vector_store_idx %arg14[%broadcast_in_dim3A_221, %add3A_226], %broadcast_in_dim3A_223 : memref<1x128xi32, #tpu.memory_space<vmem>>[vector<16xi32>, vector<16xi32>], vector<16xi32>,
              %add3A_227 = arith.constant 16 : i32
              %add3A_228 = vector.broadcast %add3A_227 : i32 to vector<16xi32>
              %add3A_229 = arith.addi %add3A_228, %iota3A : vector<16xi32>
              tpu.vector_store_idx %arg14[%broadcast_in_dim3A_221, %add3A_229], %broadcast_in_dim3A_223 : memref<1x128xi32, #tpu.memory_space<vmem>>[vector<16xi32>, vector<16xi32>], vector<16xi32>,
              %add3A_230 = arith.constant 32 : i32
              %add3A_231 = vector.broadcast %add3A_230 : i32 to vector<16xi32>
              %add3A_232 = arith.addi %add3A_231, %iota3A : vector<16xi32>
              tpu.vector_store_idx %arg14[%broadcast_in_dim3A_221, %add3A_232], %broadcast_in_dim3A_223 : memref<1x128xi32, #tpu.memory_space<vmem>>[vector<16xi32>, vector<16xi32>], vector<16xi32>,
              %add3A_233 = arith.constant 48 : i32
              %add3A_234 = vector.broadcast %add3A_233 : i32 to vector<16xi32>
              %add3A_235 = arith.addi %add3A_234, %iota3A : vector<16xi32>
              tpu.vector_store_idx %arg14[%broadcast_in_dim3A_221, %add3A_235], %broadcast_in_dim3A_223 : memref<1x128xi32, #tpu.memory_space<vmem>>[vector<16xi32>, vector<16xi32>], vector<16xi32>,
              %add3A_236 = arith.constant 64 : i32
              %add3A_237 = vector.broadcast %add3A_236 : i32 to vector<16xi32>
              %add3A_238 = arith.addi %add3A_237, %iota3A : vector<16xi32>
              tpu.vector_store_idx %arg14[%broadcast_in_dim3A_221, %add3A_238], %broadcast_in_dim3A_223 : memref<1x128xi32, #tpu.memory_space<vmem>>[vector<16xi32>, vector<16xi32>], vector<16xi32>,
              %add3A_239 = arith.constant 80 : i32
              %add3A_240 = vector.broadcast %add3A_239 : i32 to vector<16xi32>
              %add3A_241 = arith.addi %add3A_240, %iota3A : vector<16xi32>
              tpu.vector_store_idx %arg14[%broadcast_in_dim3A_221, %add3A_241], %broadcast_in_dim3A_223 : memref<1x128xi32, #tpu.memory_space<vmem>>[vector<16xi32>, vector<16xi32>], vector<16xi32>,
              %add3A_242 = arith.constant 96 : i32
              %add3A_243 = vector.broadcast %add3A_242 : i32 to vector<16xi32>
              %add3A_244 = arith.addi %add3A_243, %iota3A : vector<16xi32>
              tpu.vector_store_idx %arg14[%broadcast_in_dim3A_221, %add3A_244], %broadcast_in_dim3A_223 : memref<1x128xi32, #tpu.memory_space<vmem>>[vector<16xi32>, vector<16xi32>], vector<16xi32>,
              %add3A_245 = arith.constant 112 : i32
              %add3A_246 = vector.broadcast %add3A_245 : i32 to vector<16xi32>
              %add3A_247 = arith.addi %add3A_246, %iota3A : vector<16xi32>
              tpu.vector_store_idx %arg14[%broadcast_in_dim3A_221, %add3A_247], %broadcast_in_dim3A_223 : memref<1x128xi32, #tpu.memory_space<vmem>>[vector<16xi32>, vector<16xi32>], vector<16xi32>,
            } else {
            }
            %add3A_185 = arith.constant 16 : i32
            %add3A_186 = arith.addi %while3A_153, %add3A_185 : i32
            %gt3A_187 = arith.constant 128 : i32
            %gt3A_188 = arith.cmpi sgt, %add3A_186, %gt3A_187 : i32
            %jit3A_189 = arith.constant 0 : i32
            %select_n3A_190 = arith.select %gt3A_188, %jit3A_189, %while3A_153 : i32
            %gt3A_191 = arith.constant 0 : i32
            %gt3A_192 = arith.cmpi sgt, %squeeze3A, %gt3A_191 : i32
            %convert_element_type3A_193 = arith.extui %gt3A_192 : i1 to i32
            %cond3A_194 = arith.constant 0 : i32
            %cond3A_195 = arith.cmpi ne, %convert_element_type3A_193, %cond3A_194 : i32
            scf.if %cond3A_195 {
              %add3A_200 = vector.broadcast %select_n3A_190 : i32 to vector<16xi32>
              %add3A_201 = arith.addi %add3A_200, %iota3A : vector<16xi32>
              %broadcast_in_dim3A_202 = arith.constant 0 : i32
              %broadcast_in_dim3A_203 = vector.broadcast %broadcast_in_dim3A_202 : i32 to vector<16xi32>
              %gather3A_204 = tpu.vector_load_idx %arg12[%broadcast_in_dim3A_149, %broadcast_in_dim3A_203, %min3A_177] : memref<2x64x256xf32, #tpu.memory_space<vmem>>[vector<16xi32>, vector<16xi32>, vector<16xi32>], vector<16xf32>,
              tpu.vector_store_idx %arg13[%add3A_201, %broadcast_in_dim3A_203], %gather3A_204 : memref<128x128xf32, #tpu.memory_space<vmem>>[vector<16xi32>, vector<16xi32>], vector<16xf32>,
              %broadcast_in_dim3A_205 = arith.constant 1 : i32
              %broadcast_in_dim3A_206 = vector.broadcast %broadcast_in_dim3A_205 : i32 to vector<16xi32>
              %gather3A_207 = tpu.vector_load_idx %arg12[%broadcast_in_dim3A_149, %broadcast_in_dim3A_206, %min3A_177] : memref<2x64x256xf32, #tpu.memory_space<vmem>>[vector<16xi32>, vector<16xi32>, vector<16xi32>], vector<16xf32>,
              tpu.vector_store_idx %arg13[%add3A_201, %broadcast_in_dim3A_206], %gather3A_207 : memref<128x128xf32, #tpu.memory_space<vmem>>[vector<16xi32>, vector<16xi32>], vector<16xf32>,
              %broadcast_in_dim3A_208 = arith.constant 2 : i32
              %broadcast_in_dim3A_209 = vector.broadcast %broadcast_in_dim3A_208 : i32 to vector<16xi32>
              %gather3A_210 = tpu.vector_load_idx %arg12[%broadcast_in_dim3A_149, %broadcast_in_dim3A_209, %min3A_177] : memref<2x64x256xf32, #tpu.memory_space<vmem>>[vector<16xi32>, vector<16xi32>, vector<16xi32>], vector<16xf32>,
              tpu.vector_store_idx %arg13[%add3A_201, %broadcast_in_dim3A_209], %gather3A_210 : memref<128x128xf32, #tpu.memory_space<vmem>>[vector<16xi32>, vector<16xi32>], vector<16xf32>,
              %broadcast_in_dim3A_211 = arith.constant 3 : i32
              %broadcast_in_dim3A_212 = vector.broadcast %broadcast_in_dim3A_211 : i32 to vector<16xi32>
              %gather3A_213 = tpu.vector_load_idx %arg12[%broadcast_in_dim3A_149, %broadcast_in_dim3A_212, %min3A_177] : memref<2x64x256xf32, #tpu.memory_space<vmem>>[vector<16xi32>, vector<16xi32>, vector<16xi32>], vector<16xf32>,
              tpu.vector_store_idx %arg13[%add3A_201, %broadcast_in_dim3A_212], %gather3A_213 : memref<128x128xf32, #tpu.memory_space<vmem>>[vector<16xi32>, vector<16xi32>], vector<16xf32>,
              %broadcast_in_dim3A_214 = arith.constant 4 : i32
              %broadcast_in_dim3A_215 = vector.broadcast %broadcast_in_dim3A_214 : i32 to vector<16xi32>
              %gather3A_216 = tpu.vector_load_idx %arg12[%broadcast_in_dim3A_149, %broadcast_in_dim3A_215, %min3A_177] : memref<2x64x256xf32, #tpu.memory_space<vmem>>[vector<16xi32>, vector<16xi32>, vector<16xi32>], vector<16xf32>,
              tpu.vector_store_idx %arg13[%add3A_201, %broadcast_in_dim3A_215], %gather3A_216 : memref<128x128xf32, #tpu.memory_space<vmem>>[vector<16xi32>, vector<16xi32>], vector<16xf32>,
              %broadcast_in_dim3A_217 = arith.constant 5 : i32
              %broadcast_in_dim3A_218 = vector.broadcast %broadcast_in_dim3A_217 : i32 to vector<16xi32>
              %gather3A_219 = tpu.vector_load_idx %arg12[%broadcast_in_dim3A_149, %broadcast_in_dim3A_218, %min3A_177] : memref<2x64x256xf32, #tpu.memory_space<vmem>>[vector<16xi32>, vector<16xi32>, vector<16xi32>], vector<16xf32>,
              tpu.vector_store_idx %arg13[%add3A_201, %broadcast_in_dim3A_218], %gather3A_219 : memref<128x128xf32, #tpu.memory_space<vmem>>[vector<16xi32>, vector<16xi32>], vector<16xf32>,
              %broadcast_in_dim3A_220 = arith.constant 6 : i32
              %broadcast_in_dim3A_221 = vector.broadcast %broadcast_in_dim3A_220 : i32 to vector<16xi32>
              %gather3A_222 = tpu.vector_load_idx %arg12[%broadcast_in_dim3A_149, %broadcast_in_dim3A_221, %min3A_177] : memref<2x64x256xf32, #tpu.memory_space<vmem>>[vector<16xi32>, vector<16xi32>, vector<16xi32>], vector<16xf32>,
              tpu.vector_store_idx %arg13[%add3A_201, %broadcast_in_dim3A_221], %gather3A_222 : memref<128x128xf32, #tpu.memory_space<vmem>>[vector<16xi32>, vector<16xi32>], vector<16xf32>,
              %broadcast_in_dim3A_223 = arith.constant 7 : i32
              %broadcast_in_dim3A_224 = vector.broadcast %broadcast_in_dim3A_223 : i32 to vector<16xi32>
              %gather3A_225 = tpu.vector_load_idx %arg12[%broadcast_in_dim3A_149, %broadcast_in_dim3A_224, %min3A_177] : memref<2x64x256xf32, #tpu.memory_space<vmem>>[vector<16xi32>, vector<16xi32>, vector<16xi32>], vector<16xf32>,
              tpu.vector_store_idx %arg13[%add3A_201, %broadcast_in_dim3A_224], %gather3A_225 : memref<128x128xf32, #tpu.memory_space<vmem>>[vector<16xi32>, vector<16xi32>], vector<16xf32>,
              %broadcast_in_dim3A_226 = arith.constant 8 : i32
              %broadcast_in_dim3A_227 = vector.broadcast %broadcast_in_dim3A_226 : i32 to vector<16xi32>
              %gather3A_228 = tpu.vector_load_idx %arg12[%broadcast_in_dim3A_149, %broadcast_in_dim3A_227, %min3A_177] : memref<2x64x256xf32, #tpu.memory_space<vmem>>[vector<16xi32>, vector<16xi32>, vector<16xi32>], vector<16xf32>,
              tpu.vector_store_idx %arg13[%add3A_201, %broadcast_in_dim3A_227], %gather3A_228 : memref<128x128xf32, #tpu.memory_space<vmem>>[vector<16xi32>, vector<16xi32>], vector<16xf32>,
              %broadcast_in_dim3A_229 = arith.constant 9 : i32
              %broadcast_in_dim3A_230 = vector.broadcast %broadcast_in_dim3A_229 : i32 to vector<16xi32>
              %gather3A_231 = tpu.vector_load_idx %arg12[%broadcast_in_dim3A_149, %broadcast_in_dim3A_230, %min3A_177] : memref<2x64x256xf32, #tpu.memory_space<vmem>>[vector<16xi32>, vector<16xi32>, vector<16xi32>], vector<16xf32>,
              tpu.vector_store_idx %arg13[%add3A_201, %broadcast_in_dim3A_230], %gather3A_231 : memref<128x128xf32, #tpu.memory_space<vmem>>[vector<16xi32>, vector<16xi32>], vector<16xf32>,
              %broadcast_in_dim3A_232 = arith.constant 10 : i32
              %broadcast_in_dim3A_233 = vector.broadcast %broadcast_in_dim3A_232 : i32 to vector<16xi32>
              %gather3A_234 = tpu.vector_load_idx %arg12[%broadcast_in_dim3A_149, %broadcast_in_dim3A_233, %min3A_177] : memref<2x64x256xf32, #tpu.memory_space<vmem>>[vector<16xi32>, vector<16xi32>, vector<16xi32>], vector<16xf32>,
              tpu.vector_store_idx %arg13[%add3A_201, %broadcast_in_dim3A_233], %gather3A_234 : memref<128x128xf32, #tpu.memory_space<vmem>>[vector<16xi32>, vector<16xi32>], vector<16xf32>,
              %broadcast_in_dim3A_235 = arith.constant 11 : i32
              %broadcast_in_dim3A_236 = vector.broadcast %broadcast_in_dim3A_235 : i32 to vector<16xi32>
              %gather3A_237 = tpu.vector_load_idx %arg12[%broadcast_in_dim3A_149, %broadcast_in_dim3A_236, %min3A_177] : memref<2x64x256xf32, #tpu.memory_space<vmem>>[vector<16xi32>, vector<16xi32>, vector<16xi32>], vector<16xf32>,
              tpu.vector_store_idx %arg13[%add3A_201, %broadcast_in_dim3A_236], %gather3A_237 : memref<128x128xf32, #tpu.memory_space<vmem>>[vector<16xi32>, vector<16xi32>], vector<16xf32>,
              %broadcast_in_dim3A_238 = arith.constant 12 : i32
              %broadcast_in_dim3A_239 = vector.broadcast %broadcast_in_dim3A_238 : i32 to vector<16xi32>
              %gather3A_240 = tpu.vector_load_idx %arg12[%broadcast_in_dim3A_149, %broadcast_in_dim3A_239, %min3A_177] : memref<2x64x256xf32, #tpu.memory_space<vmem>>[vector<16xi32>, vector<16xi32>, vector<16xi32>], vector<16xf32>,
              tpu.vector_store_idx %arg13[%add3A_201, %broadcast_in_dim3A_239], %gather3A_240 : memref<128x128xf32, #tpu.memory_space<vmem>>[vector<16xi32>, vector<16xi32>], vector<16xf32>,
              %broadcast_in_dim3A_241 = arith.constant 13 : i32
              %broadcast_in_dim3A_242 = vector.broadcast %broadcast_in_dim3A_241 : i32 to vector<16xi32>
              %gather3A_243 = tpu.vector_load_idx %arg12[%broadcast_in_dim3A_149, %broadcast_in_dim3A_242, %min3A_177] : memref<2x64x256xf32, #tpu.memory_space<vmem>>[vector<16xi32>, vector<16xi32>, vector<16xi32>], vector<16xf32>,
              tpu.vector_store_idx %arg13[%add3A_201, %broadcast_in_dim3A_242], %gather3A_243 : memref<128x128xf32, #tpu.memory_space<vmem>>[vector<16xi32>, vector<16xi32>], vector<16xf32>,
              %broadcast_in_dim3A_244 = arith.constant 14 : i32
              %broadcast_in_dim3A_245 = vector.broadcast %broadcast_in_dim3A_244 : i32 to vector<16xi32>
              %gather3A_246 = tpu.vector_load_idx %arg12[%broadcast_in_dim3A_149, %broadcast_in_dim3A_245, %min3A_177] : memref<2x64x256xf32, #tpu.memory_space<vmem>>[vector<16xi32>, vector<16xi32>, vector<16xi32>], vector<16xf32>,
              tpu.vector_store_idx %arg13[%add3A_201, %broadcast_in_dim3A_245], %gather3A_246 : memref<128x128xf32, #tpu.memory_space<vmem>>[vector<16xi32>, vector<16xi32>], vector<16xf32>,
              %broadcast_in_dim3A_247 = arith.constant 15 : i32
              %broadcast_in_dim3A_248 = vector.broadcast %broadcast_in_dim3A_247 : i32 to vector<16xi32>
              %gather3A_249 = tpu.vector_load_idx %arg12[%broadcast_in_dim3A_149, %broadcast_in_dim3A_248, %min3A_177] : memref<2x64x256xf32, #tpu.memory_space<vmem>>[vector<16xi32>, vector<16xi32>, vector<16xi32>], vector<16xf32>,
              tpu.vector_store_idx %arg13[%add3A_201, %broadcast_in_dim3A_248], %gather3A_249 : memref<128x128xf32, #tpu.memory_space<vmem>>[vector<16xi32>, vector<16xi32>], vector<16xf32>,
              %broadcast_in_dim3A_250 = arith.constant 16 : i32
              %broadcast_in_dim3A_251 = vector.broadcast %broadcast_in_dim3A_250 : i32 to vector<16xi32>
              %gather3A_252 = tpu.vector_load_idx %arg12[%broadcast_in_dim3A_149, %broadcast_in_dim3A_251, %min3A_177] : memref<2x64x256xf32, #tpu.memory_space<vmem>>[vector<16xi32>, vector<16xi32>, vector<16xi32>], vector<16xf32>,
              tpu.vector_store_idx %arg13[%add3A_201, %broadcast_in_dim3A_251], %gather3A_252 : memref<128x128xf32, #tpu.memory_space<vmem>>[vector<16xi32>, vector<16xi32>], vector<16xf32>,
              %broadcast_in_dim3A_253 = arith.constant 17 : i32
              %broadcast_in_dim3A_254 = vector.broadcast %broadcast_in_dim3A_253 : i32 to vector<16xi32>
              %gather3A_255 = tpu.vector_load_idx %arg12[%broadcast_in_dim3A_149, %broadcast_in_dim3A_254, %min3A_177] : memref<2x64x256xf32, #tpu.memory_space<vmem>>[vector<16xi32>, vector<16xi32>, vector<16xi32>], vector<16xf32>,
              tpu.vector_store_idx %arg13[%add3A_201, %broadcast_in_dim3A_254], %gather3A_255 : memref<128x128xf32, #tpu.memory_space<vmem>>[vector<16xi32>, vector<16xi32>], vector<16xf32>,
              %broadcast_in_dim3A_256 = arith.constant 18 : i32
              %broadcast_in_dim3A_257 = vector.broadcast %broadcast_in_dim3A_256 : i32 to vector<16xi32>
              %gather3A_258 = tpu.vector_load_idx %arg12[%broadcast_in_dim3A_149, %broadcast_in_dim3A_257, %min3A_177] : memref<2x64x256xf32, #tpu.memory_space<vmem>>[vector<16xi32>, vector<16xi32>, vector<16xi32>], vector<16xf32>,
              tpu.vector_store_idx %arg13[%add3A_201, %broadcast_in_dim3A_257], %gather3A_258 : memref<128x128xf32, #tpu.memory_space<vmem>>[vector<16xi32>, vector<16xi32>], vector<16xf32>,
              %broadcast_in_dim3A_259 = arith.constant 19 : i32
              %broadcast_in_dim3A_260 = vector.broadcast %broadcast_in_dim3A_259 : i32 to vector<16xi32>
              %gather3A_261 = tpu.vector_load_idx %arg12[%broadcast_in_dim3A_149, %broadcast_in_dim3A_260, %min3A_177] : memref<2x64x256xf32, #tpu.memory_space<vmem>>[vector<16xi32>, vector<16xi32>, vector<16xi32>], vector<16xf32>,
              tpu.vector_store_idx %arg13[%add3A_201, %broadcast_in_dim3A_260], %gather3A_261 : memref<128x128xf32, #tpu.memory_space<vmem>>[vector<16xi32>, vector<16xi32>], vector<16xf32>,
              %broadcast_in_dim3A_262 = arith.constant 20 : i32
              %broadcast_in_dim3A_263 = vector.broadcast %broadcast_in_dim3A_262 : i32 to vector<16xi32>
              %gather3A_264 = tpu.vector_load_idx %arg12[%broadcast_in_dim3A_149, %broadcast_in_dim3A_263, %min3A_177] : memref<2x64x256xf32, #tpu.memory_space<vmem>>[vector<16xi32>, vector<16xi32>, vector<16xi32>], vector<16xf32>,
              tpu.vector_store_idx %arg13[%add3A_201, %broadcast_in_dim3A_263], %gather3A_264 : memref<128x128xf32, #tpu.memory_space<vmem>>[vector<16xi32>, vector<16xi32>], vector<16xf32>,
              %broadcast_in_dim3A_265 = arith.constant 21 : i32
              %broadcast_in_dim3A_266 = vector.broadcast %broadcast_in_dim3A_265 : i32 to vector<16xi32>
              %gather3A_267 = tpu.vector_load_idx %arg12[%broadcast_in_dim3A_149, %broadcast_in_dim3A_266, %min3A_177] : memref<2x64x256xf32, #tpu.memory_space<vmem>>[vector<16xi32>, vector<16xi32>, vector<16xi32>], vector<16xf32>,
              tpu.vector_store_idx %arg13[%add3A_201, %broadcast_in_dim3A_266], %gather3A_267 : memref<128x128xf32, #tpu.memory_space<vmem>>[vector<16xi32>, vector<16xi32>], vector<16xf32>,
              %broadcast_in_dim3A_268 = arith.constant 22 : i32
              %broadcast_in_dim3A_269 = vector.broadcast %broadcast_in_dim3A_268 : i32 to vector<16xi32>
              %gather3A_270 = tpu.vector_load_idx %arg12[%broadcast_in_dim3A_149, %broadcast_in_dim3A_269, %min3A_177] : memref<2x64x256xf32, #tpu.memory_space<vmem>>[vector<16xi32>, vector<16xi32>, vector<16xi32>], vector<16xf32>,
              tpu.vector_store_idx %arg13[%add3A_201, %broadcast_in_dim3A_269], %gather3A_270 : memref<128x128xf32, #tpu.memory_space<vmem>>[vector<16xi32>, vector<16xi32>], vector<16xf32>,
              %broadcast_in_dim3A_271 = arith.constant 23 : i32
              %broadcast_in_dim3A_272 = vector.broadcast %broadcast_in_dim3A_271 : i32 to vector<16xi32>
              %gather3A_273 = tpu.vector_load_idx %arg12[%broadcast_in_dim3A_149, %broadcast_in_dim3A_272, %min3A_177] : memref<2x64x256xf32, #tpu.memory_space<vmem>>[vector<16xi32>, vector<16xi32>, vector<16xi32>], vector<16xf32>,
              tpu.vector_store_idx %arg13[%add3A_201, %broadcast_in_dim3A_272], %gather3A_273 : memref<128x128xf32, #tpu.memory_space<vmem>>[vector<16xi32>, vector<16xi32>], vector<16xf32>,
              %broadcast_in_dim3A_274 = arith.constant 24 : i32
              %broadcast_in_dim3A_275 = vector.broadcast %broadcast_in_dim3A_274 : i32 to vector<16xi32>
              %gather3A_276 = tpu.vector_load_idx %arg12[%broadcast_in_dim3A_149, %broadcast_in_dim3A_275, %min3A_177] : memref<2x64x256xf32, #tpu.memory_space<vmem>>[vector<16xi32>, vector<16xi32>, vector<16xi32>], vector<16xf32>,
              tpu.vector_store_idx %arg13[%add3A_201, %broadcast_in_dim3A_275], %gather3A_276 : memref<128x128xf32, #tpu.memory_space<vmem>>[vector<16xi32>, vector<16xi32>], vector<16xf32>,
              %broadcast_in_dim3A_277 = arith.constant 25 : i32
              %broadcast_in_dim3A_278 = vector.broadcast %broadcast_in_dim3A_277 : i32 to vector<16xi32>
              %gather3A_279 = tpu.vector_load_idx %arg12[%broadcast_in_dim3A_149, %broadcast_in_dim3A_278, %min3A_177] : memref<2x64x256xf32, #tpu.memory_space<vmem>>[vector<16xi32>, vector<16xi32>, vector<16xi32>], vector<16xf32>,
              tpu.vector_store_idx %arg13[%add3A_201, %broadcast_in_dim3A_278], %gather3A_279 : memref<128x128xf32, #tpu.memory_space<vmem>>[vector<16xi32>, vector<16xi32>], vector<16xf32>,
              %broadcast_in_dim3A_280 = arith.constant 26 : i32
              %broadcast_in_dim3A_281 = vector.broadcast %broadcast_in_dim3A_280 : i32 to vector<16xi32>
              %gather3A_282 = tpu.vector_load_idx %arg12[%broadcast_in_dim3A_149, %broadcast_in_dim3A_281, %min3A_177] : memref<2x64x256xf32, #tpu.memory_space<vmem>>[vector<16xi32>, vector<16xi32>, vector<16xi32>], vector<16xf32>,
              tpu.vector_store_idx %arg13[%add3A_201, %broadcast_in_dim3A_281], %gather3A_282 : memref<128x128xf32, #tpu.memory_space<vmem>>[vector<16xi32>, vector<16xi32>], vector<16xf32>,
              %broadcast_in_dim3A_283 = arith.constant 27 : i32
              %broadcast_in_dim3A_284 = vector.broadcast %broadcast_in_dim3A_283 : i32 to vector<16xi32>
              %gather3A_285 = tpu.vector_load_idx %arg12[%broadcast_in_dim3A_149, %broadcast_in_dim3A_284, %min3A_177] : memref<2x64x256xf32, #tpu.memory_space<vmem>>[vector<16xi32>, vector<16xi32>, vector<16xi32>], vector<16xf32>,
              tpu.vector_store_idx %arg13[%add3A_201, %broadcast_in_dim3A_284], %gather3A_285 : memref<128x128xf32, #tpu.memory_space<vmem>>[vector<16xi32>, vector<16xi32>], vector<16xf32>,
              %broadcast_in_dim3A_286 = arith.constant 28 : i32
              %broadcast_in_dim3A_287 = vector.broadcast %broadcast_in_dim3A_286 : i32 to vector<16xi32>
              %gather3A_288 = tpu.vector_load_idx %arg12[%broadcast_in_dim3A_149, %broadcast_in_dim3A_287, %min3A_177] : memref<2x64x256xf32, #tpu.memory_space<vmem>>[vector<16xi32>, vector<16xi32>, vector<16xi32>], vector<16xf32>,
              tpu.vector_store_idx %arg13[%add3A_201, %broadcast_in_dim3A_287], %gather3A_288 : memref<128x128xf32, #tpu.memory_space<vmem>>[vector<16xi32>, vector<16xi32>], vector<16xf32>,
              %broadcast_in_dim3A_289 = arith.constant 29 : i32
              %broadcast_in_dim3A_290 = vector.broadcast %broadcast_in_dim3A_289 : i32 to vector<16xi32>
              %gather3A_291 = tpu.vector_load_idx %arg12[%broadcast_in_dim3A_149, %broadcast_in_dim3A_290, %min3A_177] : memref<2x64x256xf32, #tpu.memory_space<vmem>>[vector<16xi32>, vector<16xi32>, vector<16xi32>], vector<16xf32>,
              tpu.vector_store_idx %arg13[%add3A_201, %broadcast_in_dim3A_290], %gather3A_291 : memref<128x128xf32, #tpu.memory_space<vmem>>[vector<16xi32>, vector<16xi32>], vector<16xf32>,
              %broadcast_in_dim3A_292 = arith.constant 30 : i32
              %broadcast_in_dim3A_293 = vector.broadcast %broadcast_in_dim3A_292 : i32 to vector<16xi32>
              %gather3A_294 = tpu.vector_load_idx %arg12[%broadcast_in_dim3A_149, %broadcast_in_dim3A_293, %min3A_177] : memref<2x64x256xf32, #tpu.memory_space<vmem>>[vector<16xi32>, vector<16xi32>, vector<16xi32>], vector<16xf32>,
              tpu.vector_store_idx %arg13[%add3A_201, %broadcast_in_dim3A_293], %gather3A_294 : memref<128x128xf32, #tpu.memory_space<vmem>>[vector<16xi32>, vector<16xi32>], vector<16xf32>,
              %broadcast_in_dim3A_295 = arith.constant 31 : i32
              %broadcast_in_dim3A_296 = vector.broadcast %broadcast_in_dim3A_295 : i32 to vector<16xi32>
              %gather3A_297 = tpu.vector_load_idx %arg12[%broadcast_in_dim3A_149, %broadcast_in_dim3A_296, %min3A_177] : memref<2x64x256xf32, #tpu.memory_space<vmem>>[vector<16xi32>, vector<16xi32>, vector<16xi32>], vector<16xf32>,
              tpu.vector_store_idx %arg13[%add3A_201, %broadcast_in_dim3A_296], %gather3A_297 : memref<128x128xf32, #tpu.memory_space<vmem>>[vector<16xi32>, vector<16xi32>], vector<16xf32>,
              %broadcast_in_dim3A_298 = arith.constant 32 : i32
              %broadcast_in_dim3A_299 = vector.broadcast %broadcast_in_dim3A_298 : i32 to vector<16xi32>
              %gather3A_300 = tpu.vector_load_idx %arg12[%broadcast_in_dim3A_149, %broadcast_in_dim3A_299, %min3A_177] : memref<2x64x256xf32, #tpu.memory_space<vmem>>[vector<16xi32>, vector<16xi32>, vector<16xi32>], vector<16xf32>,
              tpu.vector_store_idx %arg13[%add3A_201, %broadcast_in_dim3A_299], %gather3A_300 : memref<128x128xf32, #tpu.memory_space<vmem>>[vector<16xi32>, vector<16xi32>], vector<16xf32>,
              %broadcast_in_dim3A_301 = arith.constant 33 : i32
              %broadcast_in_dim3A_302 = vector.broadcast %broadcast_in_dim3A_301 : i32 to vector<16xi32>
              %gather3A_303 = tpu.vector_load_idx %arg12[%broadcast_in_dim3A_149, %broadcast_in_dim3A_302, %min3A_177] : memref<2x64x256xf32, #tpu.memory_space<vmem>>[vector<16xi32>, vector<16xi32>, vector<16xi32>], vector<16xf32>,
              tpu.vector_store_idx %arg13[%add3A_201, %broadcast_in_dim3A_302], %gather3A_303 : memref<128x128xf32, #tpu.memory_space<vmem>>[vector<16xi32>, vector<16xi32>], vector<16xf32>,
              %broadcast_in_dim3A_304 = arith.constant 34 : i32
              %broadcast_in_dim3A_305 = vector.broadcast %broadcast_in_dim3A_304 : i32 to vector<16xi32>
              %gather3A_306 = tpu.vector_load_idx %arg12[%broadcast_in_dim3A_149, %broadcast_in_dim3A_305, %min3A_177] : memref<2x64x256xf32, #tpu.memory_space<vmem>>[vector<16xi32>, vector<16xi32>, vector<16xi32>], vector<16xf32>,
              tpu.vector_store_idx %arg13[%add3A_201, %broadcast_in_dim3A_305], %gather3A_306 : memref<128x128xf32, #tpu.memory_space<vmem>>[vector<16xi32>, vector<16xi32>], vector<16xf32>,
              %broadcast_in_dim3A_307 = arith.constant 35 : i32
              %broadcast_in_dim3A_308 = vector.broadcast %broadcast_in_dim3A_307 : i32 to vector<16xi32>
              %gather3A_309 = tpu.vector_load_idx %arg12[%broadcast_in_dim3A_149, %broadcast_in_dim3A_308, %min3A_177] : memref<2x64x256xf32, #tpu.memory_space<vmem>>[vector<16xi32>, vector<16xi32>, vector<16xi32>], vector<16xf32>,
              tpu.vector_store_idx %arg13[%add3A_201, %broadcast_in_dim3A_308], %gather3A_309 : memref<128x128xf32, #tpu.memory_space<vmem>>[vector<16xi32>, vector<16xi32>], vector<16xf32>,
              %broadcast_in_dim3A_310 = arith.constant 36 : i32
              %broadcast_in_dim3A_311 = vector.broadcast %broadcast_in_dim3A_310 : i32 to vector<16xi32>
              %gather3A_312 = tpu.vector_load_idx %arg12[%broadcast_in_dim3A_149, %broadcast_in_dim3A_311, %min3A_177] : memref<2x64x256xf32, #tpu.memory_space<vmem>>[vector<16xi32>, vector<16xi32>, vector<16xi32>], vector<16xf32>,
              tpu.vector_store_idx %arg13[%add3A_201, %broadcast_in_dim3A_311], %gather3A_312 : memref<128x128xf32, #tpu.memory_space<vmem>>[vector<16xi32>, vector<16xi32>], vector<16xf32>,
              %broadcast_in_dim3A_313 = arith.constant 37 : i32
              %broadcast_in_dim3A_314 = vector.broadcast %broadcast_in_dim3A_313 : i32 to vector<16xi32>
              %gather3A_315 = tpu.vector_load_idx %arg12[%broadcast_in_dim3A_149, %broadcast_in_dim3A_314, %min3A_177] : memref<2x64x256xf32, #tpu.memory_space<vmem>>[vector<16xi32>, vector<16xi32>, vector<16xi32>], vector<16xf32>,
              tpu.vector_store_idx %arg13[%add3A_201, %broadcast_in_dim3A_314], %gather3A_315 : memref<128x128xf32, #tpu.memory_space<vmem>>[vector<16xi32>, vector<16xi32>], vector<16xf32>,
              %broadcast_in_dim3A_316 = arith.constant 38 : i32
              %broadcast_in_dim3A_317 = vector.broadcast %broadcast_in_dim3A_316 : i32 to vector<16xi32>
              %gather3A_318 = tpu.vector_load_idx %arg12[%broadcast_in_dim3A_149, %broadcast_in_dim3A_317, %min3A_177] : memref<2x64x256xf32, #tpu.memory_space<vmem>>[vector<16xi32>, vector<16xi32>, vector<16xi32>], vector<16xf32>,
              tpu.vector_store_idx %arg13[%add3A_201, %broadcast_in_dim3A_317], %gather3A_318 : memref<128x128xf32, #tpu.memory_space<vmem>>[vector<16xi32>, vector<16xi32>], vector<16xf32>,
              %broadcast_in_dim3A_319 = arith.constant 39 : i32
              %broadcast_in_dim3A_320 = vector.broadcast %broadcast_in_dim3A_319 : i32 to vector<16xi32>
              %gather3A_321 = tpu.vector_load_idx %arg12[%broadcast_in_dim3A_149, %broadcast_in_dim3A_320, %min3A_177] : memref<2x64x256xf32, #tpu.memory_space<vmem>>[vector<16xi32>, vector<16xi32>, vector<16xi32>], vector<16xf32>,
              tpu.vector_store_idx %arg13[%add3A_201, %broadcast_in_dim3A_320], %gather3A_321 : memref<128x128xf32, #tpu.memory_space<vmem>>[vector<16xi32>, vector<16xi32>], vector<16xf32>,
              %broadcast_in_dim3A_322 = arith.constant 40 : i32
              %broadcast_in_dim3A_323 = vector.broadcast %broadcast_in_dim3A_322 : i32 to vector<16xi32>
              %gather3A_324 = tpu.vector_load_idx %arg12[%broadcast_in_dim3A_149, %broadcast_in_dim3A_323, %min3A_177] : memref<2x64x256xf32, #tpu.memory_space<vmem>>[vector<16xi32>, vector<16xi32>, vector<16xi32>], vector<16xf32>,
              tpu.vector_store_idx %arg13[%add3A_201, %broadcast_in_dim3A_323], %gather3A_324 : memref<128x128xf32, #tpu.memory_space<vmem>>[vector<16xi32>, vector<16xi32>], vector<16xf32>,
              %broadcast_in_dim3A_325 = arith.constant 41 : i32
              %broadcast_in_dim3A_326 = vector.broadcast %broadcast_in_dim3A_325 : i32 to vector<16xi32>
              %gather3A_327 = tpu.vector_load_idx %arg12[%broadcast_in_dim3A_149, %broadcast_in_dim3A_326, %min3A_177] : memref<2x64x256xf32, #tpu.memory_space<vmem>>[vector<16xi32>, vector<16xi32>, vector<16xi32>], vector<16xf32>,
              tpu.vector_store_idx %arg13[%add3A_201, %broadcast_in_dim3A_326], %gather3A_327 : memref<128x128xf32, #tpu.memory_space<vmem>>[vector<16xi32>, vector<16xi32>], vector<16xf32>,
              %broadcast_in_dim3A_328 = arith.constant 42 : i32
              %broadcast_in_dim3A_329 = vector.broadcast %broadcast_in_dim3A_328 : i32 to vector<16xi32>
              %gather3A_330 = tpu.vector_load_idx %arg12[%broadcast_in_dim3A_149, %broadcast_in_dim3A_329, %min3A_177] : memref<2x64x256xf32, #tpu.memory_space<vmem>>[vector<16xi32>, vector<16xi32>, vector<16xi32>], vector<16xf32>,
              tpu.vector_store_idx %arg13[%add3A_201, %broadcast_in_dim3A_329], %gather3A_330 : memref<128x128xf32, #tpu.memory_space<vmem>>[vector<16xi32>, vector<16xi32>], vector<16xf32>,
              %broadcast_in_dim3A_331 = arith.constant 43 : i32
              %broadcast_in_dim3A_332 = vector.broadcast %broadcast_in_dim3A_331 : i32 to vector<16xi32>
              %gather3A_333 = tpu.vector_load_idx %arg12[%broadcast_in_dim3A_149, %broadcast_in_dim3A_332, %min3A_177] : memref<2x64x256xf32, #tpu.memory_space<vmem>>[vector<16xi32>, vector<16xi32>, vector<16xi32>], vector<16xf32>,
              tpu.vector_store_idx %arg13[%add3A_201, %broadcast_in_dim3A_332], %gather3A_333 : memref<128x128xf32, #tpu.memory_space<vmem>>[vector<16xi32>, vector<16xi32>], vector<16xf32>,
              %broadcast_in_dim3A_334 = arith.constant 44 : i32
              %broadcast_in_dim3A_335 = vector.broadcast %broadcast_in_dim3A_334 : i32 to vector<16xi32>
              %gather3A_336 = tpu.vector_load_idx %arg12[%broadcast_in_dim3A_149, %broadcast_in_dim3A_335, %min3A_177] : memref<2x64x256xf32, #tpu.memory_space<vmem>>[vector<16xi32>, vector<16xi32>, vector<16xi32>], vector<16xf32>,
              tpu.vector_store_idx %arg13[%add3A_201, %broadcast_in_dim3A_335], %gather3A_336 : memref<128x128xf32, #tpu.memory_space<vmem>>[vector<16xi32>, vector<16xi32>], vector<16xf32>,
              %broadcast_in_dim3A_337 = arith.constant 45 : i32
              %broadcast_in_dim3A_338 = vector.broadcast %broadcast_in_dim3A_337 : i32 to vector<16xi32>
              %gather3A_339 = tpu.vector_load_idx %arg12[%broadcast_in_dim3A_149, %broadcast_in_dim3A_338, %min3A_177] : memref<2x64x256xf32, #tpu.memory_space<vmem>>[vector<16xi32>, vector<16xi32>, vector<16xi32>], vector<16xf32>,
              tpu.vector_store_idx %arg13[%add3A_201, %broadcast_in_dim3A_338], %gather3A_339 : memref<128x128xf32, #tpu.memory_space<vmem>>[vector<16xi32>, vector<16xi32>], vector<16xf32>,
              %broadcast_in_dim3A_340 = arith.constant 46 : i32
              %broadcast_in_dim3A_341 = vector.broadcast %broadcast_in_dim3A_340 : i32 to vector<16xi32>
              %gather3A_342 = tpu.vector_load_idx %arg12[%broadcast_in_dim3A_149, %broadcast_in_dim3A_341, %min3A_177] : memref<2x64x256xf32, #tpu.memory_space<vmem>>[vector<16xi32>, vector<16xi32>, vector<16xi32>], vector<16xf32>,
              tpu.vector_store_idx %arg13[%add3A_201, %broadcast_in_dim3A_341], %gather3A_342 : memref<128x128xf32, #tpu.memory_space<vmem>>[vector<16xi32>, vector<16xi32>], vector<16xf32>,
              %broadcast_in_dim3A_343 = arith.constant 47 : i32
              %broadcast_in_dim3A_344 = vector.broadcast %broadcast_in_dim3A_343 : i32 to vector<16xi32>
              %gather3A_345 = tpu.vector_load_idx %arg12[%broadcast_in_dim3A_149, %broadcast_in_dim3A_344, %min3A_177] : memref<2x64x256xf32, #tpu.memory_space<vmem>>[vector<16xi32>, vector<16xi32>, vector<16xi32>], vector<16xf32>,
              tpu.vector_store_idx %arg13[%add3A_201, %broadcast_in_dim3A_344], %gather3A_345 : memref<128x128xf32, #tpu.memory_space<vmem>>[vector<16xi32>, vector<16xi32>], vector<16xf32>,
              %broadcast_in_dim3A_346 = arith.constant 48 : i32
              %broadcast_in_dim3A_347 = vector.broadcast %broadcast_in_dim3A_346 : i32 to vector<16xi32>
              %gather3A_348 = tpu.vector_load_idx %arg12[%broadcast_in_dim3A_149, %broadcast_in_dim3A_347, %min3A_177] : memref<2x64x256xf32, #tpu.memory_space<vmem>>[vector<16xi32>, vector<16xi32>, vector<16xi32>], vector<16xf32>,
              tpu.vector_store_idx %arg13[%add3A_201, %broadcast_in_dim3A_347], %gather3A_348 : memref<128x128xf32, #tpu.memory_space<vmem>>[vector<16xi32>, vector<16xi32>], vector<16xf32>,
              %broadcast_in_dim3A_349 = arith.constant 49 : i32
              %broadcast_in_dim3A_350 = vector.broadcast %broadcast_in_dim3A_349 : i32 to vector<16xi32>
              %gather3A_351 = tpu.vector_load_idx %arg12[%broadcast_in_dim3A_149, %broadcast_in_dim3A_350, %min3A_177] : memref<2x64x256xf32, #tpu.memory_space<vmem>>[vector<16xi32>, vector<16xi32>, vector<16xi32>], vector<16xf32>,
              tpu.vector_store_idx %arg13[%add3A_201, %broadcast_in_dim3A_350], %gather3A_351 : memref<128x128xf32, #tpu.memory_space<vmem>>[vector<16xi32>, vector<16xi32>], vector<16xf32>,
              %broadcast_in_dim3A_352 = arith.constant 50 : i32
              %broadcast_in_dim3A_353 = vector.broadcast %broadcast_in_dim3A_352 : i32 to vector<16xi32>
              %gather3A_354 = tpu.vector_load_idx %arg12[%broadcast_in_dim3A_149, %broadcast_in_dim3A_353, %min3A_177] : memref<2x64x256xf32, #tpu.memory_space<vmem>>[vector<16xi32>, vector<16xi32>, vector<16xi32>], vector<16xf32>,
              tpu.vector_store_idx %arg13[%add3A_201, %broadcast_in_dim3A_353], %gather3A_354 : memref<128x128xf32, #tpu.memory_space<vmem>>[vector<16xi32>, vector<16xi32>], vector<16xf32>,
              %broadcast_in_dim3A_355 = arith.constant 51 : i32
              %broadcast_in_dim3A_356 = vector.broadcast %broadcast_in_dim3A_355 : i32 to vector<16xi32>
              %gather3A_357 = tpu.vector_load_idx %arg12[%broadcast_in_dim3A_149, %broadcast_in_dim3A_356, %min3A_177] : memref<2x64x256xf32, #tpu.memory_space<vmem>>[vector<16xi32>, vector<16xi32>, vector<16xi32>], vector<16xf32>,
              tpu.vector_store_idx %arg13[%add3A_201, %broadcast_in_dim3A_356], %gather3A_357 : memref<128x128xf32, #tpu.memory_space<vmem>>[vector<16xi32>, vector<16xi32>], vector<16xf32>,
              %broadcast_in_dim3A_358 = arith.constant 52 : i32
              %broadcast_in_dim3A_359 = vector.broadcast %broadcast_in_dim3A_358 : i32 to vector<16xi32>
              %gather3A_360 = tpu.vector_load_idx %arg12[%broadcast_in_dim3A_149, %broadcast_in_dim3A_359, %min3A_177] : memref<2x64x256xf32, #tpu.memory_space<vmem>>[vector<16xi32>, vector<16xi32>, vector<16xi32>], vector<16xf32>,
              tpu.vector_store_idx %arg13[%add3A_201, %broadcast_in_dim3A_359], %gather3A_360 : memref<128x128xf32, #tpu.memory_space<vmem>>[vector<16xi32>, vector<16xi32>], vector<16xf32>,
              %broadcast_in_dim3A_361 = arith.constant 53 : i32
              %broadcast_in_dim3A_362 = vector.broadcast %broadcast_in_dim3A_361 : i32 to vector<16xi32>
              %gather3A_363 = tpu.vector_load_idx %arg12[%broadcast_in_dim3A_149, %broadcast_in_dim3A_362, %min3A_177] : memref<2x64x256xf32, #tpu.memory_space<vmem>>[vector<16xi32>, vector<16xi32>, vector<16xi32>], vector<16xf32>,
              tpu.vector_store_idx %arg13[%add3A_201, %broadcast_in_dim3A_362], %gather3A_363 : memref<128x128xf32, #tpu.memory_space<vmem>>[vector<16xi32>, vector<16xi32>], vector<16xf32>,
              %broadcast_in_dim3A_364 = arith.constant 54 : i32
              %broadcast_in_dim3A_365 = vector.broadcast %broadcast_in_dim3A_364 : i32 to vector<16xi32>
              %gather3A_366 = tpu.vector_load_idx %arg12[%broadcast_in_dim3A_149, %broadcast_in_dim3A_365, %min3A_177] : memref<2x64x256xf32, #tpu.memory_space<vmem>>[vector<16xi32>, vector<16xi32>, vector<16xi32>], vector<16xf32>,
              tpu.vector_store_idx %arg13[%add3A_201, %broadcast_in_dim3A_365], %gather3A_366 : memref<128x128xf32, #tpu.memory_space<vmem>>[vector<16xi32>, vector<16xi32>], vector<16xf32>,
              %broadcast_in_dim3A_367 = arith.constant 55 : i32
              %broadcast_in_dim3A_368 = vector.broadcast %broadcast_in_dim3A_367 : i32 to vector<16xi32>
              %gather3A_369 = tpu.vector_load_idx %arg12[%broadcast_in_dim3A_149, %broadcast_in_dim3A_368, %min3A_177] : memref<2x64x256xf32, #tpu.memory_space<vmem>>[vector<16xi32>, vector<16xi32>, vector<16xi32>], vector<16xf32>,
              tpu.vector_store_idx %arg13[%add3A_201, %broadcast_in_dim3A_368], %gather3A_369 : memref<128x128xf32, #tpu.memory_space<vmem>>[vector<16xi32>, vector<16xi32>], vector<16xf32>,
              %broadcast_in_dim3A_370 = arith.constant 56 : i32
              %broadcast_in_dim3A_371 = vector.broadcast %broadcast_in_dim3A_370 : i32 to vector<16xi32>
              %gather3A_372 = tpu.vector_load_idx %arg12[%broadcast_in_dim3A_149, %broadcast_in_dim3A_371, %min3A_177] : memref<2x64x256xf32, #tpu.memory_space<vmem>>[vector<16xi32>, vector<16xi32>, vector<16xi32>], vector<16xf32>,
              tpu.vector_store_idx %arg13[%add3A_201, %broadcast_in_dim3A_371], %gather3A_372 : memref<128x128xf32, #tpu.memory_space<vmem>>[vector<16xi32>, vector<16xi32>], vector<16xf32>,
              %broadcast_in_dim3A_373 = arith.constant 57 : i32
              %broadcast_in_dim3A_374 = vector.broadcast %broadcast_in_dim3A_373 : i32 to vector<16xi32>
              %gather3A_375 = tpu.vector_load_idx %arg12[%broadcast_in_dim3A_149, %broadcast_in_dim3A_374, %min3A_177] : memref<2x64x256xf32, #tpu.memory_space<vmem>>[vector<16xi32>, vector<16xi32>, vector<16xi32>], vector<16xf32>,
              tpu.vector_store_idx %arg13[%add3A_201, %broadcast_in_dim3A_374], %gather3A_375 : memref<128x128xf32, #tpu.memory_space<vmem>>[vector<16xi32>, vector<16xi32>], vector<16xf32>,
              %broadcast_in_dim3A_376 = arith.constant 58 : i32
              %broadcast_in_dim3A_377 = vector.broadcast %broadcast_in_dim3A_376 : i32 to vector<16xi32>
              %gather3A_378 = tpu.vector_load_idx %arg12[%broadcast_in_dim3A_149, %broadcast_in_dim3A_377, %min3A_177] : memref<2x64x256xf32, #tpu.memory_space<vmem>>[vector<16xi32>, vector<16xi32>, vector<16xi32>], vector<16xf32>,
              tpu.vector_store_idx %arg13[%add3A_201, %broadcast_in_dim3A_377], %gather3A_378 : memref<128x128xf32, #tpu.memory_space<vmem>>[vector<16xi32>, vector<16xi32>], vector<16xf32>,
              %broadcast_in_dim3A_379 = arith.constant 59 : i32
              %broadcast_in_dim3A_380 = vector.broadcast %broadcast_in_dim3A_379 : i32 to vector<16xi32>
              %gather3A_381 = tpu.vector_load_idx %arg12[%broadcast_in_dim3A_149, %broadcast_in_dim3A_380, %min3A_177] : memref<2x64x256xf32, #tpu.memory_space<vmem>>[vector<16xi32>, vector<16xi32>, vector<16xi32>], vector<16xf32>,
              tpu.vector_store_idx %arg13[%add3A_201, %broadcast_in_dim3A_380], %gather3A_381 : memref<128x128xf32, #tpu.memory_space<vmem>>[vector<16xi32>, vector<16xi32>], vector<16xf32>,
              %broadcast_in_dim3A_382 = arith.constant 60 : i32
              %broadcast_in_dim3A_383 = vector.broadcast %broadcast_in_dim3A_382 : i32 to vector<16xi32>
              %gather3A_384 = tpu.vector_load_idx %arg12[%broadcast_in_dim3A_149, %broadcast_in_dim3A_383, %min3A_177] : memref<2x64x256xf32, #tpu.memory_space<vmem>>[vector<16xi32>, vector<16xi32>, vector<16xi32>], vector<16xf32>,
              tpu.vector_store_idx %arg13[%add3A_201, %broadcast_in_dim3A_383], %gather3A_384 : memref<128x128xf32, #tpu.memory_space<vmem>>[vector<16xi32>, vector<16xi32>], vector<16xf32>,
              %broadcast_in_dim3A_385 = arith.constant 61 : i32
              %broadcast_in_dim3A_386 = vector.broadcast %broadcast_in_dim3A_385 : i32 to vector<16xi32>
              %gather3A_387 = tpu.vector_load_idx %arg12[%broadcast_in_dim3A_149, %broadcast_in_dim3A_386, %min3A_177] : memref<2x64x256xf32, #tpu.memory_space<vmem>>[vector<16xi32>, vector<16xi32>, vector<16xi32>], vector<16xf32>,
              tpu.vector_store_idx %arg13[%add3A_201, %broadcast_in_dim3A_386], %gather3A_387 : memref<128x128xf32, #tpu.memory_space<vmem>>[vector<16xi32>, vector<16xi32>], vector<16xf32>,
              %broadcast_in_dim3A_388 = arith.constant 62 : i32
              %broadcast_in_dim3A_389 = vector.broadcast %broadcast_in_dim3A_388 : i32 to vector<16xi32>
              %gather3A_390 = tpu.vector_load_idx %arg12[%broadcast_in_dim3A_149, %broadcast_in_dim3A_389, %min3A_177] : memref<2x64x256xf32, #tpu.memory_space<vmem>>[vector<16xi32>, vector<16xi32>, vector<16xi32>], vector<16xf32>,
              tpu.vector_store_idx %arg13[%add3A_201, %broadcast_in_dim3A_389], %gather3A_390 : memref<128x128xf32, #tpu.memory_space<vmem>>[vector<16xi32>, vector<16xi32>], vector<16xf32>,
              %broadcast_in_dim3A_391 = arith.constant 63 : i32
              %broadcast_in_dim3A_392 = vector.broadcast %broadcast_in_dim3A_391 : i32 to vector<16xi32>
              %gather3A_393 = tpu.vector_load_idx %arg12[%broadcast_in_dim3A_149, %broadcast_in_dim3A_392, %min3A_177] : memref<2x64x256xf32, #tpu.memory_space<vmem>>[vector<16xi32>, vector<16xi32>, vector<16xi32>], vector<16xf32>,
              tpu.vector_store_idx %arg13[%add3A_201, %broadcast_in_dim3A_392], %gather3A_393 : memref<128x128xf32, #tpu.memory_space<vmem>>[vector<16xi32>, vector<16xi32>], vector<16xf32>,
              %broadcast_in_dim3A_394 = arith.constant 0 : i32
              %broadcast_in_dim3A_395 = vector.broadcast %broadcast_in_dim3A_394 : i32 to vector<16xi32>
              tpu.vector_store_idx %arg14[%broadcast_in_dim3A_395, %add3A_201], %select_n3A : memref<1x128xi32, #tpu.memory_space<vmem>>[vector<16xi32>, vector<16xi32>], vector<16xi32>,
            } else {
            }
            %add3A_196 = arith.addi %while3A_152, %squeeze3A : i32
            %add3A_197 = arith.addi %select_n3A_190, %squeeze3A : i32
            %eq3A_198 = arith.constant 16 : i32
            %eq3A_199 = arith.cmpi eq, %squeeze3A, %eq3A_198 : i32
            scf.yield %add3A_196, %add3A_197, %eq3A_199 : i32, i32, i1
          }
          scf.yield %while3A_151#0, %while3A_151#1 : i32, i32
        }
        %dma_start3A = arith.constant 0 : i32
        %dma_start3A_66 = arith.constant 2 : i32
        %dma_start3A_67 = arith.constant 0 : i32
        %dma_start3A_68 = tpu.memref_slice %arg14[%dma_start3A, %dma_start3A_67] : memref<1x128xi32, #tpu.memory_space<vmem>> -> memref<1x128xi32, #tpu.memory_space<vmem>>
        %dma_start3A_69 = tpu.memref_squeeze %dma_start3A_68 : memref<1x128xi32, #tpu.memory_space<vmem>> -> memref<128xi32, #tpu.memory_space<vmem>>
        %dma_start3A_70 = arith.constant 0 : i32
        %dma_start3A_71 = arith.constant 0 : i32
        %dma_start3A_72 = tpu.memref_slice %arg8[%dma_start3A_70, %dma_start3A_71] : memref<32776x128xf32, #tpu.memory_space<hbm>> -> memref<32776x128xf32, #tpu.memory_space<hbm>>
        %dma_start3A_73 = tpu.memref_slice %arg15[%dma_start3A_66] : memref<3x!tpu.dma_semaphore, #tpu.memory_space<semaphore_mem>> -> memref<1x!tpu.dma_semaphore, #tpu.memory_space<semaphore_mem>>
        %dma_start3A_74 = tpu.memref_squeeze %dma_start3A_73 : memref<1x!tpu.dma_semaphore, #tpu.memory_space<semaphore_mem>> -> memref<!tpu.dma_semaphore, #tpu.memory_space<semaphore_mem>>
        tpu.enqueue_indirect_dma source(%arg13 : memref<128x128xf32, #tpu.memory_space<vmem>>) target(%dma_start3A_72 : memref<32776x128xf32, #tpu.memory_space<hbm>>) offsets(%dma_start3A_69 : memref<128xi32, #tpu.memory_space<vmem>>) semaphore(%dma_start3A_74 : memref<!tpu.dma_semaphore, #tpu.memory_space<semaphore_mem>>)
        %dma_wait3A = arith.constant 0 : i32
        %dma_wait3A_75 = arith.constant 2 : i32
        %dma_wait3A_76 = arith.constant 0 : i32
        %dma_wait3A_77 = tpu.memref_slice %arg14[%dma_wait3A, %dma_wait3A_76] : memref<1x128xi32, #tpu.memory_space<vmem>> -> memref<1x128xi32, #tpu.memory_space<vmem>>
        %dma_wait3A_78 = tpu.memref_squeeze %dma_wait3A_77 : memref<1x128xi32, #tpu.memory_space<vmem>> -> memref<128xi32, #tpu.memory_space<vmem>>
        %dma_wait3A_79 = arith.constant 0 : i32
        %dma_wait3A_80 = arith.constant 0 : i32
        %dma_wait3A_81 = tpu.memref_slice %arg8[%dma_wait3A_79, %dma_wait3A_80] : memref<32776x128xf32, #tpu.memory_space<hbm>> -> memref<32776x128xf32, #tpu.memory_space<hbm>>
        %dma_wait3A_82 = tpu.memref_slice %arg15[%dma_wait3A_75] : memref<3x!tpu.dma_semaphore, #tpu.memory_space<semaphore_mem>> -> memref<1x!tpu.dma_semaphore, #tpu.memory_space<semaphore_mem>>
        %dma_wait3A_83 = tpu.memref_squeeze %dma_wait3A_82 : memref<1x!tpu.dma_semaphore, #tpu.memory_space<semaphore_mem>> -> memref<!tpu.dma_semaphore, #tpu.memory_space<semaphore_mem>>
        tpu.wait_indirect_dma semaphore(%dma_wait3A_83 : memref<!tpu.dma_semaphore, #tpu.memory_space<semaphore_mem>>) src(%arg13 : memref<128x128xf32, #tpu.memory_space<vmem>>) dst(%dma_wait3A_81 : memref<32776x128xf32, #tpu.memory_space<hbm>>)
        %broadcast_in_dim3A_84 = arith.constant 0 : i32
        %broadcast_in_dim3A_85 = vector.broadcast %broadcast_in_dim3A_84 : i32 to vector<16xi32>
        %broadcast_in_dim3A_86 = arith.constant 32768 : i32
        %broadcast_in_dim3A_87 = vector.broadcast %broadcast_in_dim3A_86 : i32 to vector<16xi32>
        %add3A_88 = arith.constant 0 : i32
        %add3A_89 = vector.broadcast %add3A_88 : i32 to vector<16xi32>
        %add3A_90 = arith.addi %add3A_89, %iota3A : vector<16xi32>
        tpu.vector_store_idx %arg14[%broadcast_in_dim3A_85, %add3A_90], %broadcast_in_dim3A_87 : memref<1x128xi32, #tpu.memory_space<vmem>>[vector<16xi32>, vector<16xi32>], vector<16xi32>,
        %add3A_91 = arith.constant 16 : i32
        %add3A_92 = vector.broadcast %add3A_91 : i32 to vector<16xi32>
        %add3A_93 = arith.addi %add3A_92, %iota3A : vector<16xi32>
        tpu.vector_store_idx %arg14[%broadcast_in_dim3A_85, %add3A_93], %broadcast_in_dim3A_87 : memref<1x128xi32, #tpu.memory_space<vmem>>[vector<16xi32>, vector<16xi32>], vector<16xi32>,
        %add3A_94 = arith.constant 32 : i32
        %add3A_95 = vector.broadcast %add3A_94 : i32 to vector<16xi32>
        %add3A_96 = arith.addi %add3A_95, %iota3A : vector<16xi32>
        tpu.vector_store_idx %arg14[%broadcast_in_dim3A_85, %add3A_96], %broadcast_in_dim3A_87 : memref<1x128xi32, #tpu.memory_space<vmem>>[vector<16xi32>, vector<16xi32>], vector<16xi32>,
        %add3A_97 = arith.constant 48 : i32
        %add3A_98 = vector.broadcast %add3A_97 : i32 to vector<16xi32>
        %add3A_99 = arith.addi %add3A_98, %iota3A : vector<16xi32>
        tpu.vector_store_idx %arg14[%broadcast_in_dim3A_85, %add3A_99], %broadcast_in_dim3A_87 : memref<1x128xi32, #tpu.memory_space<vmem>>[vector<16xi32>, vector<16xi32>], vector<16xi32>,
        %add3A_100 = arith.constant 64 : i32
        %add3A_101 = vector.broadcast %add3A_100 : i32 to vector<16xi32>
        %add3A_102 = arith.addi %add3A_101, %iota3A : vector<16xi32>
        tpu.vector_store_idx %arg14[%broadcast_in_dim3A_85, %add3A_102], %broadcast_in_dim3A_87 : memref<1x128xi32, #tpu.memory_space<vmem>>[vector<16xi32>, vector<16xi32>], vector<16xi32>,
        %add3A_103 = arith.constant 80 : i32
        %add3A_104 = vector.broadcast %add3A_103 : i32 to vector<16xi32>
        %add3A_105 = arith.addi %add3A_104, %iota3A : vector<16xi32>
        tpu.vector_store_idx %arg14[%broadcast_in_dim3A_85, %add3A_105], %broadcast_in_dim3A_87 : memref<1x128xi32, #tpu.memory_space<vmem>>[vector<16xi32>, vector<16xi32>], vector<16xi32>,
        %add3A_106 = arith.constant 96 : i32
        %add3A_107 = vector.broadcast %add3A_106 : i32 to vector<16xi32>
        %add3A_108 = arith.addi %add3A_107, %iota3A : vector<16xi32>
        tpu.vector_store_idx %arg14[%broadcast_in_dim3A_85, %add3A_108], %broadcast_in_dim3A_87 : memref<1x128xi32, #tpu.memory_space<vmem>>[vector<16xi32>, vector<16xi32>], vector<16xi32>,
        %add3A_109 = arith.constant 112 : i32
        %add3A_110 = vector.broadcast %add3A_109 : i32 to vector<16xi32>
        %add3A_111 = arith.addi %add3A_110, %iota3A : vector<16xi32>
        tpu.vector_store_idx %arg14[%broadcast_in_dim3A_85, %add3A_111], %broadcast_in_dim3A_87 : memref<1x128xi32, #tpu.memory_space<vmem>>[vector<16xi32>, vector<16xi32>], vector<16xi32>,
      } else {
      }
    } else {
    }
    %eq3A_2 = arith.constant 1 : i32
    %eq3A_3 = arith.cmpi eq, %arg0, %eq3A_2 : i32
    %convert_element_type3A_4 = arith.extui %eq3A_3 : i1 to i32
    %cond3A_5 = arith.constant 0 : i32
    %cond3A_6 = arith.cmpi ne, %convert_element_type3A_4, %cond3A_5 : i32
    scf.if %cond3A_6 {
      %mul3A = arith.constant 245 : i32
      %mul3A_7 = arith.muli %arg1, %mul3A : i32
      %sub3A = arith.constant 3907 : i32
      %sub3A_8 = arith.subi %sub3A, %mul3A_7 : i32
      %max3A = arith.constant 0 : i32
      %max3A_9 = arith.maxsi %sub3A_8, %max3A : i32
      %min3A = arith.constant 245 : i32
      %min3A_10 = arith.minsi %min3A, %max3A_9 : i32
      "tpu.region"() ({
        %run_scoped3A = tpu.sem_alloc : memref<!tpu.dma_semaphore, #tpu.memory_space<semaphore_mem>>
        %dma_start3A = arith.constant 0 : i32
        %dma_start3A_50 = tpu.memref_slice %arg10[%dma_start3A] : memref<32896xi32, #tpu.memory_space<vmem>> -> memref<16512xi32, #tpu.memory_space<vmem>>
        %dma_start3A_51 = arith.constant 0 : i32
        %dma_start3A_52 = tpu.memref_slice %arg10[%dma_start3A_51] : memref<32896xi32, #tpu.memory_space<vmem>> -> memref<16512xi32, #tpu.memory_space<vmem>>
        tpu.enqueue_dma source(%arg6 : memref<16512xi32, #tpu.memory_space<hbm>>) target(%dma_start3A_52 : memref<16512xi32, #tpu.memory_space<vmem>>) target_semaphore(%run_scoped3A : memref<!tpu.dma_semaphore, #tpu.memory_space<semaphore_mem>>)
        %dma_wait3A = arith.constant 0 : i32
        %dma_wait3A_53 = tpu.memref_slice %arg10[%dma_wait3A] : memref<32896xi32, #tpu.memory_space<vmem>> -> memref<16512xi32, #tpu.memory_space<vmem>>
        %dma_wait3A_54 = arith.constant 0 : i32
        %dma_wait3A_55 = tpu.memref_slice %arg10[%dma_wait3A_54] : memref<32896xi32, #tpu.memory_space<vmem>> -> memref<16512xi32, #tpu.memory_space<vmem>>
        tpu.wait_dma2 semaphore(%run_scoped3A : memref<!tpu.dma_semaphore, #tpu.memory_space<semaphore_mem>>) src(%arg6 : memref<16512xi32, #tpu.memory_space<hbm>>) dst(%dma_wait3A_55 : memref<16512xi32, #tpu.memory_space<vmem>>)
        tpu.yield
      }) : () -> ()
      "tpu.region"() ({
        %run_scoped3A = tpu.sem_alloc : memref<!tpu.dma_semaphore, #tpu.memory_space<semaphore_mem>>
        %dma_start3A = arith.constant 0 : i32
        %dma_start3A_50 = tpu.memref_slice %arg11[%dma_start3A] : memref<32896xi32, #tpu.memory_space<vmem>> -> memref<16512xi32, #tpu.memory_space<vmem>>
        %dma_start3A_51 = arith.constant 0 : i32
        %dma_start3A_52 = tpu.memref_slice %arg11[%dma_start3A_51] : memref<32896xi32, #tpu.memory_space<vmem>> -> memref<16512xi32, #tpu.memory_space<vmem>>
        tpu.enqueue_dma source(%arg7 : memref<16512xi32, #tpu.memory_space<hbm>>) target(%dma_start3A_52 : memref<16512xi32, #tpu.memory_space<vmem>>) target_semaphore(%run_scoped3A : memref<!tpu.dma_semaphore, #tpu.memory_space<semaphore_mem>>)
        %dma_wait3A = arith.constant 0 : i32
        %dma_wait3A_53 = tpu.memref_slice %arg11[%dma_wait3A] : memref<32896xi32, #tpu.memory_space<vmem>> -> memref<16512xi32, #tpu.memory_space<vmem>>
        %dma_wait3A_54 = arith.constant 0 : i32
        %dma_wait3A_55 = tpu.memref_slice %arg11[%dma_wait3A_54] : memref<32896xi32, #tpu.memory_space<vmem>> -> memref<16512xi32, #tpu.memory_space<vmem>>
        tpu.wait_dma2 semaphore(%run_scoped3A : memref<!tpu.dma_semaphore, #tpu.memory_space<semaphore_mem>>) src(%arg7 : memref<16512xi32, #tpu.memory_space<hbm>>) dst(%dma_wait3A_55 : memref<16512xi32, #tpu.memory_space<vmem>>)
        tpu.yield
      }) : () -> ()
      %iota3A = tpu.iota {dimensions = array<i32: 0>} : vector<16xi32>
      %broadcast_in_dim3A = arith.constant 0 : i32
      %broadcast_in_dim3A_11 = vector.broadcast %broadcast_in_dim3A : i32 to vector<16xi32>
      %broadcast_in_dim3A_12 = arith.constant 16384 : i32
      %broadcast_in_dim3A_13 = vector.broadcast %broadcast_in_dim3A_12 : i32 to vector<16xi32>
      %add3A = arith.constant 0 : i32
      %add3A_14 = vector.broadcast %add3A : i32 to vector<16xi32>
      %add3A_15 = arith.addi %add3A_14, %iota3A : vector<16xi32>
      tpu.vector_store_idx %arg14[%broadcast_in_dim3A_11, %add3A_15], %broadcast_in_dim3A_13 : memref<1x128xi32, #tpu.memory_space<vmem>>[vector<16xi32>, vector<16xi32>], vector<16xi32>,
      %add3A_16 = arith.constant 16 : i32
      %add3A_17 = vector.broadcast %add3A_16 : i32 to vector<16xi32>
      %add3A_18 = arith.addi %add3A_17, %iota3A : vector<16xi32>
      tpu.vector_store_idx %arg14[%broadcast_in_dim3A_11, %add3A_18], %broadcast_in_dim3A_13 : memref<1x128xi32, #tpu.memory_space<vmem>>[vector<16xi32>, vector<16xi32>], vector<16xi32>,
      %add3A_19 = arith.constant 32 : i32
      %add3A_20 = vector.broadcast %add3A_19 : i32 to vector<16xi32>
      %add3A_21 = arith.addi %add3A_20, %iota3A : vector<16xi32>
      tpu.vector_store_idx %arg14[%broadcast_in_dim3A_11, %add3A_21], %broadcast_in_dim3A_13 : memref<1x128xi32, #tpu.memory_space<vmem>>[vector<16xi32>, vector<16xi32>], vector<16xi32>,
      %add3A_22 = arith.constant 48 : i32
      %add3A_23 = vector.broadcast %add3A_22 : i32 to vector<16xi32>
      %add3A_24 = arith.addi %add3A_23, %iota3A : vector<16xi32>
      tpu.vector_store_idx %arg14[%broadcast_in_dim3A_11, %add3A_24], %broadcast_in_dim3A_13 : memref<1x128xi32, #tpu.memory_space<vmem>>[vector<16xi32>, vector<16xi32>], vector<16xi32>,
      %add3A_25 = arith.constant 64 : i32
      %add3A_26 = vector.broadcast %add3A_25 : i32 to vector<16xi32>
      %add3A_27 = arith.addi %add3A_26, %iota3A : vector<16xi32>
      tpu.vector_store_idx %arg14[%broadcast_in_dim3A_11, %add3A_27], %broadcast_in_dim3A_13 : memref<1x128xi32, #tpu.memory_space<vmem>>[vector<16xi32>, vector<16xi32>], vector<16xi32>,
      %add3A_28 = arith.constant 80 : i32
      %add3A_29 = vector.broadcast %add3A_28 : i32 to vector<16xi32>
      %add3A_30 = arith.addi %add3A_29, %iota3A : vector<16xi32>
      tpu.vector_store_idx %arg14[%broadcast_in_dim3A_11, %add3A_30], %broadcast_in_dim3A_13 : memref<1x128xi32, #tpu.memory_space<vmem>>[vector<16xi32>, vector<16xi32>], vector<16xi32>,
      %add3A_31 = arith.constant 96 : i32
      %add3A_32 = vector.broadcast %add3A_31 : i32 to vector<16xi32>
      %add3A_33 = arith.addi %add3A_32, %iota3A : vector<16xi32>
      tpu.vector_store_idx %arg14[%broadcast_in_dim3A_11, %add3A_33], %broadcast_in_dim3A_13 : memref<1x128xi32, #tpu.memory_space<vmem>>[vector<16xi32>, vector<16xi32>], vector<16xi32>,
      %add3A_34 = arith.constant 112 : i32
      %add3A_35 = vector.broadcast %add3A_34 : i32 to vector<16xi32>
      %add3A_36 = arith.addi %add3A_35, %iota3A : vector<16xi32>
      tpu.vector_store_idx %arg14[%broadcast_in_dim3A_11, %add3A_36], %broadcast_in_dim3A_13 : memref<1x128xi32, #tpu.memory_space<vmem>>[vector<16xi32>, vector<16xi32>], vector<16xi32>,
      %mul3A_37 = arith.constant 256 : i32
      %mul3A_38 = arith.muli %mul3A_7, %mul3A_37 : i32
      %scan3A = arith.constant 0 : i32
      %scan3A_39 = arith.constant 16384 : i32
      %scan3A_40 = arith.constant 0 : i32
      %scan3A_41 = arith.constant 16 : i32
      %scan3A_42 = arith.addi %scan3A_40, %scan3A_41 : i32
      %scan3A_43 = arith.constant 1 : i32
      %scan3A_44:2 = scf.for %scan3A_50 = %scan3A_40 to %scan3A_42 step %scan3A_43 iter_args(%scan3A_51 = %scan3A, %scan3A_52 = %scan3A_39) -> (i32, i32)  : i32 {
        %add3A_53 = arith.addi %scan3A_51, %scan3A_52 : i32
        %jit3A = arith.constant 2 : i32
        %div3A = arith.divsi %add3A_53, %jit3A : i32
        %sign3A = arith.constant 0 : i32
        %sign3A_54 = arith.cmpi sgt, %add3A_53, %sign3A : i32
        %sign3A_55 = arith.extui %sign3A_54 : i1 to i32
        %sign3A_56 = arith.constant 0 : i32
        %sign3A_57 = arith.cmpi slt, %add3A_53, %sign3A_56 : i32
        %sign3A_58 = arith.extui %sign3A_57 : i1 to i32
        %sign3A_59 = arith.subi %sign3A_55, %sign3A_58 : i32
        %sign3A_60 = arith.constant 0 : i32
        %sign3A_61 = arith.cmpi sgt, %jit3A, %sign3A_60 : i32
        %sign3A_62 = arith.extui %sign3A_61 : i1 to i32
        %sign3A_63 = arith.constant 0 : i32
        %sign3A_64 = arith.cmpi slt, %jit3A, %sign3A_63 : i32
        %sign3A_65 = arith.extui %sign3A_64 : i1 to i32
        %sign3A_66 = arith.subi %sign3A_62, %sign3A_65 : i32
        %ne3A = arith.cmpi ne, %sign3A_59, %sign3A_66 : i32
        %rem3A = arith.remsi %add3A_53, %jit3A : i32
        %ne3A_67 = arith.constant 0 : i32
        %ne3A_68 = arith.cmpi ne, %rem3A, %ne3A_67 : i32
        %and3A = arith.andi %ne3A, %ne3A_68 : i1
        %sub3A_69 = arith.constant 1 : i32
        %sub3A_70 = arith.subi %div3A, %sub3A_69 : i32
        %select_n3A = arith.select %and3A, %sub3A_70, %div3A : i32
        %get3A = arith.index_cast %select_n3A : i32 to index
        %get3A_71 = tpu.vector_load %arg10[%get3A] {strides = array<i32>} : memref<32896xi32, #tpu.memory_space<vmem>>, vector<16xi32>,
        %slice3A = vector.extract_strided_slice %get3A_71 {offsets = [0], sizes = [1], strides = [1]} : vector<16xi32> to vector<1xi32>
        %squeeze3A = vector.extract %slice3A[0] : i32 from vector<1xi32>
        %lt3A = arith.cmpi slt, %squeeze3A, %mul3A_38 : i32
        %add3A_72 = arith.constant 1 : i32
        %add3A_73 = arith.addi %select_n3A, %add3A_72 : i32
        %select_n3A_74 = arith.select %lt3A, %add3A_73, %scan3A_51 : i32
        %lt3A_75 = arith.cmpi slt, %squeeze3A, %mul3A_38 : i32
        %select_n3A_76 = arith.select %lt3A_75, %scan3A_52, %select_n3A : i32
        scf.yield %select_n3A_74, %select_n3A_76 : i32, i32
      }
      %scan3A_45 = arith.constant 16 : i32
      %gt3A = arith.constant 0 : i32
      %gt3A_46 = arith.cmpi sgt, %min3A_10, %gt3A : i32
      %convert_element_type3A_47 = arith.extui %gt3A_46 : i1 to i32
      %cond3A_48 = arith.constant 0 : i32
      %cond3A_49 = arith.cmpi ne, %convert_element_type3A_47, %cond3A_48 : i32
      scf.if %cond3A_49 {
        %gt3A_50 = arith.constant 0 : i32
        %gt3A_51 = arith.cmpi sgt, %min3A_10, %gt3A_50 : i32
        %convert_element_type3A_52 = arith.extui %gt3A_51 : i1 to i32
        %cond3A_53 = arith.constant 0 : i32
        %cond3A_54 = arith.cmpi ne, %convert_element_type3A_52, %cond3A_53 : i32
        scf.if %cond3A_54 {
          %rem3A = arith.constant 0 : i32
          %rem3A_112 = arith.constant 2 : i32
          %rem3A_113 = arith.remsi %rem3A, %rem3A_112 : i32
          %add3A_114 = arith.constant 0 : i32
          %add3A_115 = arith.addi %mul3A_7, %add3A_114 : i32
          %mul3A_116 = arith.constant 256 : i32
          %mul3A_117 = arith.muli %add3A_115, %mul3A_116 : i32
          %min3A_118 = arith.constant 999808 : i32
          %min3A_119 = arith.minsi %mul3A_117, %min3A_118 : i32
          %multiple_of3A = tpu.assume_multiple %min3A_119, 128 : i32
          %dma_start3A_120 = arith.constant 0 : i32
          %dma_start3A_121 = arith.constant 0 : i32
          %dma_start3A_122 = tpu.memref_slice %arg12[%rem3A_113, %dma_start3A_120, %dma_start3A_121] : memref<2x64x256xf32, #tpu.memory_space<vmem>> -> memref<1x64x256xf32, #tpu.memory_space<vmem>>
          %dma_start3A_123 = tpu.memref_squeeze %dma_start3A_122 : memref<1x64x256xf32, #tpu.memory_space<vmem>> -> memref<64x256xf32, #tpu.memory_space<vmem>>
          %dma_start3A_124 = arith.constant 0 : i32
          %dma_start3A_125 = tpu.memref_slice %arg3[%dma_start3A_124, %multiple_of3A] : memref<64x1000000xf32, #tpu.memory_space<hbm>> -> memref<64x256xf32, #tpu.memory_space<hbm>>
          %dma_start3A_126 = tpu.memref_slice %arg15[%rem3A_113] : memref<3x!tpu.dma_semaphore, #tpu.memory_space<semaphore_mem>> -> memref<1x!tpu.dma_semaphore, #tpu.memory_space<semaphore_mem>>
          %dma_start3A_127 = tpu.memref_squeeze %dma_start3A_126 : memref<1x!tpu.dma_semaphore, #tpu.memory_space<semaphore_mem>> -> memref<!tpu.dma_semaphore, #tpu.memory_space<semaphore_mem>>
          %dma_start3A_128 = arith.constant 0 : i32
          %dma_start3A_129 = arith.constant 0 : i32
          %dma_start3A_130 = tpu.memref_slice %arg12[%rem3A_113, %dma_start3A_128, %dma_start3A_129] : memref<2x64x256xf32, #tpu.memory_space<vmem>> -> memref<1x64x256xf32, #tpu.memory_space<vmem>>
          %dma_start3A_131 = tpu.memref_squeeze %dma_start3A_130 : memref<1x64x256xf32, #tpu.memory_space<vmem>> -> memref<64x256xf32, #tpu.memory_space<vmem>>
          %dma_start3A_132 = arith.constant 0 : i32
          %dma_start3A_133 = tpu.memref_slice %arg3[%dma_start3A_132, %multiple_of3A] : memref<64x1000000xf32, #tpu.memory_space<hbm>> -> memref<64x256xf32, #tpu.memory_space<hbm>>
          tpu.enqueue_dma source(%dma_start3A_133 : memref<64x256xf32, #tpu.memory_space<hbm>>) target(%dma_start3A_131 : memref<64x256xf32, #tpu.memory_space<vmem>>) target_semaphore(%dma_start3A_127 : memref<!tpu.dma_semaphore, #tpu.memory_space<semaphore_mem>>)
        } else {
        }
        %while3A = arith.constant 0 : i32
        %while3A_55 = arith.constant 0 : i32
        %while3A_56 = arith.subi %min3A_10, %while3A : i32
        %while3A_57 = arith.addi %while3A, %while3A_56 : i32
        %while3A_58 = arith.constant 1 : i32
        %while3A_59 = arith.divsi %while3A_56, %while3A_58 : i32
        %while3A_60 = arith.muli %while3A_59, %while3A_58 : i32
        %while3A_61 = arith.addi %while3A, %while3A_60 : i32
        %while3A_62 = arith.constant 1 : i32
        %while3A_63:2 = scf.for %while3A_112 = %while3A to %while3A_61 step %while3A_62 iter_args(%while3A_113 = %scan3A_44#0, %while3A_114 = %while3A_55) -> (i32, i32)  : i32 {
          %add3A_115 = arith.constant 2 : i32
          %add3A_116 = arith.addi %while3A_112, %add3A_115 : i32
          %sub3A_117 = arith.constant 1 : i32
          %sub3A_118 = arith.subi %add3A_116, %sub3A_117 : i32
          %lt3A = arith.cmpi slt, %sub3A_118, %min3A_10 : i32
          %convert_element_type3A_119 = arith.extui %lt3A : i1 to i32
          %cond3A_120 = arith.constant 0 : i32
          %cond3A_121 = arith.cmpi ne, %convert_element_type3A_119, %cond3A_120 : i32
          scf.if %cond3A_121 {
            %add3A_152 = arith.constant 2 : i32
            %add3A_153 = arith.addi %while3A_112, %add3A_152 : i32
            %sub3A_154 = arith.constant 1 : i32
            %sub3A_155 = arith.subi %add3A_153, %sub3A_154 : i32
            %rem3A_156 = arith.constant 2 : i32
            %rem3A_157 = arith.remsi %sub3A_155, %rem3A_156 : i32
            %add3A_158 = arith.addi %mul3A_7, %sub3A_155 : i32
            %mul3A_159 = arith.constant 256 : i32
            %mul3A_160 = arith.muli %add3A_158, %mul3A_159 : i32
            %min3A_161 = arith.constant 999808 : i32
            %min3A_162 = arith.minsi %mul3A_160, %min3A_161 : i32
            %multiple_of3A_163 = tpu.assume_multiple %min3A_162, 128 : i32
            %dma_start3A_164 = arith.constant 0 : i32
            %dma_start3A_165 = arith.constant 0 : i32
            %dma_start3A_166 = tpu.memref_slice %arg12[%rem3A_157, %dma_start3A_164, %dma_start3A_165] : memref<2x64x256xf32, #tpu.memory_space<vmem>> -> memref<1x64x256xf32, #tpu.memory_space<vmem>>
            %dma_start3A_167 = tpu.memref_squeeze %dma_start3A_166 : memref<1x64x256xf32, #tpu.memory_space<vmem>> -> memref<64x256xf32, #tpu.memory_space<vmem>>
            %dma_start3A_168 = arith.constant 0 : i32
            %dma_start3A_169 = tpu.memref_slice %arg3[%dma_start3A_168, %multiple_of3A_163] : memref<64x1000000xf32, #tpu.memory_space<hbm>> -> memref<64x256xf32, #tpu.memory_space<hbm>>
            %dma_start3A_170 = tpu.memref_slice %arg15[%rem3A_157] : memref<3x!tpu.dma_semaphore, #tpu.memory_space<semaphore_mem>> -> memref<1x!tpu.dma_semaphore, #tpu.memory_space<semaphore_mem>>
            %dma_start3A_171 = tpu.memref_squeeze %dma_start3A_170 : memref<1x!tpu.dma_semaphore, #tpu.memory_space<semaphore_mem>> -> memref<!tpu.dma_semaphore, #tpu.memory_space<semaphore_mem>>
            %dma_start3A_172 = arith.constant 0 : i32
            %dma_start3A_173 = arith.constant 0 : i32
            %dma_start3A_174 = tpu.memref_slice %arg12[%rem3A_157, %dma_start3A_172, %dma_start3A_173] : memref<2x64x256xf32, #tpu.memory_space<vmem>> -> memref<1x64x256xf32, #tpu.memory_space<vmem>>
            %dma_start3A_175 = tpu.memref_squeeze %dma_start3A_174 : memref<1x64x256xf32, #tpu.memory_space<vmem>> -> memref<64x256xf32, #tpu.memory_space<vmem>>
            %dma_start3A_176 = arith.constant 0 : i32
            %dma_start3A_177 = tpu.memref_slice %arg3[%dma_start3A_176, %multiple_of3A_163] : memref<64x1000000xf32, #tpu.memory_space<hbm>> -> memref<64x256xf32, #tpu.memory_space<hbm>>
            tpu.enqueue_dma source(%dma_start3A_177 : memref<64x256xf32, #tpu.memory_space<hbm>>) target(%dma_start3A_175 : memref<64x256xf32, #tpu.memory_space<vmem>>) target_semaphore(%dma_start3A_171 : memref<!tpu.dma_semaphore, #tpu.memory_space<semaphore_mem>>)
          } else {
          }
          %rem3A = arith.constant 2 : i32
          %rem3A_122 = arith.remsi %while3A_112, %rem3A : i32
          %add3A_123 = arith.addi %mul3A_7, %while3A_112 : i32
          %mul3A_124 = arith.constant 256 : i32
          %mul3A_125 = arith.muli %add3A_123, %mul3A_124 : i32
          %min3A_126 = arith.constant 999808 : i32
          %min3A_127 = arith.minsi %mul3A_125, %min3A_126 : i32
          %multiple_of3A = tpu.assume_multiple %min3A_127, 128 : i32
          %dma_wait3A_128 = arith.constant 0 : i32
          %dma_wait3A_129 = arith.constant 0 : i32
          %dma_wait3A_130 = tpu.memref_slice %arg12[%rem3A_122, %dma_wait3A_128, %dma_wait3A_129] : memref<2x64x256xf32, #tpu.memory_space<vmem>> -> memref<1x64x256xf32, #tpu.memory_space<vmem>>
          %dma_wait3A_131 = tpu.memref_squeeze %dma_wait3A_130 : memref<1x64x256xf32, #tpu.memory_space<vmem>> -> memref<64x256xf32, #tpu.memory_space<vmem>>
          %dma_wait3A_132 = arith.constant 0 : i32
          %dma_wait3A_133 = tpu.memref_slice %arg3[%dma_wait3A_132, %multiple_of3A] : memref<64x1000000xf32, #tpu.memory_space<hbm>> -> memref<64x256xf32, #tpu.memory_space<hbm>>
          %dma_wait3A_134 = tpu.memref_slice %arg15[%rem3A_122] : memref<3x!tpu.dma_semaphore, #tpu.memory_space<semaphore_mem>> -> memref<1x!tpu.dma_semaphore, #tpu.memory_space<semaphore_mem>>
          %dma_wait3A_135 = tpu.memref_squeeze %dma_wait3A_134 : memref<1x!tpu.dma_semaphore, #tpu.memory_space<semaphore_mem>> -> memref<!tpu.dma_semaphore, #tpu.memory_space<semaphore_mem>>
          %dma_wait3A_136 = arith.constant 0 : i32
          %dma_wait3A_137 = arith.constant 0 : i32
          %dma_wait3A_138 = tpu.memref_slice %arg12[%rem3A_122, %dma_wait3A_136, %dma_wait3A_137] : memref<2x64x256xf32, #tpu.memory_space<vmem>> -> memref<1x64x256xf32, #tpu.memory_space<vmem>>
          %dma_wait3A_139 = tpu.memref_squeeze %dma_wait3A_138 : memref<1x64x256xf32, #tpu.memory_space<vmem>> -> memref<64x256xf32, #tpu.memory_space<vmem>>
          %dma_wait3A_140 = arith.constant 0 : i32
          %dma_wait3A_141 = tpu.memref_slice %arg3[%dma_wait3A_140, %multiple_of3A] : memref<64x1000000xf32, #tpu.memory_space<hbm>> -> memref<64x256xf32, #tpu.memory_space<hbm>>
          tpu.wait_dma2 semaphore(%dma_wait3A_135 : memref<!tpu.dma_semaphore, #tpu.memory_space<semaphore_mem>>) src(%dma_wait3A_141 : memref<64x256xf32, #tpu.memory_space<hbm>>) dst(%dma_wait3A_139 : memref<64x256xf32, #tpu.memory_space<vmem>>)
          %add3A_142 = arith.addi %mul3A_7, %while3A_112 : i32
          %add3A_143 = arith.constant 1 : i32
          %add3A_144 = arith.addi %add3A_142, %add3A_143 : i32
          %mul3A_145 = arith.constant 256 : i32
          %mul3A_146 = arith.muli %add3A_144, %mul3A_145 : i32
          %rem3A_147 = arith.constant 2 : i32
          %rem3A_148 = arith.remsi %while3A_112, %rem3A_147 : i32
          %broadcast_in_dim3A_149 = vector.broadcast %rem3A_148 : i32 to vector<16xi32>
          %while3A_150 = arith.constant true
          %while3A_151:3 = scf.while (%while3A_152 = %while3A_113, %while3A_153 = %while3A_114, %while3A_154 = %while3A_150) : (i32, i32, i1) -> (i32, i32, i1) {
            scf.condition(%while3A_154) %while3A_152, %while3A_153, %while3A_154 : i32, i32, i1
          } do {
          ^bb0(%while3A_152: i32, %while3A_153: i32, %while3A_154: i1):
            %add3A_155 = vector.broadcast %while3A_152 : i32 to vector<16xi32>
            %add3A_156 = arith.addi %add3A_155, %iota3A : vector<16xi32>
            %min3A_157 = arith.constant 16511 : i32
            %min3A_158 = vector.broadcast %min3A_157 : i32 to vector<16xi32>
            %min3A_159 = arith.minsi %add3A_156, %min3A_158 : vector<16xi32>
            %gather3A = tpu.vector_load_idx %arg10[%min3A_159] : memref<32896xi32, #tpu.memory_space<vmem>>[vector<16xi32>], vector<16xi32>,
            %lt3A_160 = vector.broadcast %mul3A_146 : i32 to vector<16xi32>
            %lt3A_161 = arith.cmpi slt, %gather3A, %lt3A_160 : vector<16xi32>
            %all_reduce_population_count3A = tpu.all_reduce %lt3A_161 {dim = 0 : i64, kind = #tpu.reduction_kind<sum>} : vector<16xi1> -> vector<16xi32>
            %slice3A = vector.extract_strided_slice %all_reduce_population_count3A {offsets = [0], sizes = [1], strides = [1]} : vector<16xi32> to vector<1xi32>
            %squeeze3A = vector.extract %slice3A[0] : i32 from vector<1xi32>
            %gather3A_162 = tpu.vector_load_idx %arg11[%min3A_159] : memref<32896xi32, #tpu.memory_space<vmem>>[vector<16xi32>], vector<16xi32>,
            %broadcast_in_dim3A_163 = arith.constant 16384 : i32
            %broadcast_in_dim3A_164 = vector.broadcast %broadcast_in_dim3A_163 : i32 to vector<16xi32>
            %select_n3A = arith.select %lt3A_161, %gather3A_162, %broadcast_in_dim3A_164 : vector<16xi1>, vector<16xi32>
            %shift_right_arithmetic3A = arith.constant 8 : i32
            %shift_right_arithmetic3A_165 = vector.broadcast %shift_right_arithmetic3A : i32 to vector<16xi32>
            %shift_right_arithmetic3A_166 = arith.shrsi %gather3A, %shift_right_arithmetic3A_165 : vector<16xi32>
            %shift_left3A = arith.constant 8 : i32
            %shift_left3A_167 = vector.broadcast %shift_left3A : i32 to vector<16xi32>
            %shift_left3A_168 = arith.shli %shift_right_arithmetic3A_166, %shift_left3A_167 : vector<16xi32>
            %min3A_169 = arith.constant 999808 : i32
            %min3A_170 = vector.broadcast %min3A_169 : i32 to vector<16xi32>
            %min3A_171 = arith.minsi %shift_left3A_168, %min3A_170 : vector<16xi32>
            %sub3A_172 = arith.subi %gather3A, %min3A_171 : vector<16xi32>
            %jit3A = arith.constant 0 : i32
            %jit3A_173 = arith.constant 255 : i32
            %max3A_174 = vector.broadcast %jit3A : i32 to vector<16xi32>
            %max3A_175 = arith.maxsi %max3A_174, %sub3A_172 : vector<16xi32>
            %min3A_176 = vector.broadcast %jit3A_173 : i32 to vector<16xi32>
            %min3A_177 = arith.minsi %min3A_176, %max3A_175 : vector<16xi32>
            %add3A_178 = arith.constant 16 : i32
            %add3A_179 = arith.addi %while3A_153, %add3A_178 : i32
            %gt3A_180 = arith.constant 128 : i32
            %gt3A_181 = arith.cmpi sgt, %add3A_179, %gt3A_180 : i32
            %convert_element_type3A_182 = arith.extui %gt3A_181 : i1 to i32
            %cond3A_183 = arith.constant 0 : i32
            %cond3A_184 = arith.cmpi ne, %convert_element_type3A_182, %cond3A_183 : i32
            scf.if %cond3A_184 {
              %dma_start3A_200 = arith.constant 0 : i32
              %dma_start3A_201 = arith.constant 2 : i32
              %dma_start3A_202 = arith.constant 0 : i32
              %dma_start3A_203 = tpu.memref_slice %arg14[%dma_start3A_200, %dma_start3A_202] : memref<1x128xi32, #tpu.memory_space<vmem>> -> memref<1x128xi32, #tpu.memory_space<vmem>>
              %dma_start3A_204 = tpu.memref_squeeze %dma_start3A_203 : memref<1x128xi32, #tpu.memory_space<vmem>> -> memref<128xi32, #tpu.memory_space<vmem>>
              %dma_start3A_205 = arith.constant 0 : i32
              %dma_start3A_206 = arith.constant 0 : i32
              %dma_start3A_207 = tpu.memref_slice %arg9[%dma_start3A_205, %dma_start3A_206] : memref<16392x128xf32, #tpu.memory_space<hbm>> -> memref<16392x128xf32, #tpu.memory_space<hbm>>
              %dma_start3A_208 = tpu.memref_slice %arg15[%dma_start3A_201] : memref<3x!tpu.dma_semaphore, #tpu.memory_space<semaphore_mem>> -> memref<1x!tpu.dma_semaphore, #tpu.memory_space<semaphore_mem>>
              %dma_start3A_209 = tpu.memref_squeeze %dma_start3A_208 : memref<1x!tpu.dma_semaphore, #tpu.memory_space<semaphore_mem>> -> memref<!tpu.dma_semaphore, #tpu.memory_space<semaphore_mem>>
              tpu.enqueue_indirect_dma source(%arg13 : memref<128x128xf32, #tpu.memory_space<vmem>>) target(%dma_start3A_207 : memref<16392x128xf32, #tpu.memory_space<hbm>>) offsets(%dma_start3A_204 : memref<128xi32, #tpu.memory_space<vmem>>) semaphore(%dma_start3A_209 : memref<!tpu.dma_semaphore, #tpu.memory_space<semaphore_mem>>)
              %dma_wait3A_210 = arith.constant 0 : i32
              %dma_wait3A_211 = arith.constant 2 : i32
              %dma_wait3A_212 = arith.constant 0 : i32
              %dma_wait3A_213 = tpu.memref_slice %arg14[%dma_wait3A_210, %dma_wait3A_212] : memref<1x128xi32, #tpu.memory_space<vmem>> -> memref<1x128xi32, #tpu.memory_space<vmem>>
              %dma_wait3A_214 = tpu.memref_squeeze %dma_wait3A_213 : memref<1x128xi32, #tpu.memory_space<vmem>> -> memref<128xi32, #tpu.memory_space<vmem>>
              %dma_wait3A_215 = arith.constant 0 : i32
              %dma_wait3A_216 = arith.constant 0 : i32
              %dma_wait3A_217 = tpu.memref_slice %arg9[%dma_wait3A_215, %dma_wait3A_216] : memref<16392x128xf32, #tpu.memory_space<hbm>> -> memref<16392x128xf32, #tpu.memory_space<hbm>>
              %dma_wait3A_218 = tpu.memref_slice %arg15[%dma_wait3A_211] : memref<3x!tpu.dma_semaphore, #tpu.memory_space<semaphore_mem>> -> memref<1x!tpu.dma_semaphore, #tpu.memory_space<semaphore_mem>>
              %dma_wait3A_219 = tpu.memref_squeeze %dma_wait3A_218 : memref<1x!tpu.dma_semaphore, #tpu.memory_space<semaphore_mem>> -> memref<!tpu.dma_semaphore, #tpu.memory_space<semaphore_mem>>
              tpu.wait_indirect_dma semaphore(%dma_wait3A_219 : memref<!tpu.dma_semaphore, #tpu.memory_space<semaphore_mem>>) src(%arg13 : memref<128x128xf32, #tpu.memory_space<vmem>>) dst(%dma_wait3A_217 : memref<16392x128xf32, #tpu.memory_space<hbm>>)
              %broadcast_in_dim3A_220 = arith.constant 0 : i32
              %broadcast_in_dim3A_221 = vector.broadcast %broadcast_in_dim3A_220 : i32 to vector<16xi32>
              %broadcast_in_dim3A_222 = arith.constant 16384 : i32
              %broadcast_in_dim3A_223 = vector.broadcast %broadcast_in_dim3A_222 : i32 to vector<16xi32>
              %add3A_224 = arith.constant 0 : i32
              %add3A_225 = vector.broadcast %add3A_224 : i32 to vector<16xi32>
              %add3A_226 = arith.addi %add3A_225, %iota3A : vector<16xi32>
              tpu.vector_store_idx %arg14[%broadcast_in_dim3A_221, %add3A_226], %broadcast_in_dim3A_223 : memref<1x128xi32, #tpu.memory_space<vmem>>[vector<16xi32>, vector<16xi32>], vector<16xi32>,
              %add3A_227 = arith.constant 16 : i32
              %add3A_228 = vector.broadcast %add3A_227 : i32 to vector<16xi32>
              %add3A_229 = arith.addi %add3A_228, %iota3A : vector<16xi32>
              tpu.vector_store_idx %arg14[%broadcast_in_dim3A_221, %add3A_229], %broadcast_in_dim3A_223 : memref<1x128xi32, #tpu.memory_space<vmem>>[vector<16xi32>, vector<16xi32>], vector<16xi32>,
              %add3A_230 = arith.constant 32 : i32
              %add3A_231 = vector.broadcast %add3A_230 : i32 to vector<16xi32>
              %add3A_232 = arith.addi %add3A_231, %iota3A : vector<16xi32>
              tpu.vector_store_idx %arg14[%broadcast_in_dim3A_221, %add3A_232], %broadcast_in_dim3A_223 : memref<1x128xi32, #tpu.memory_space<vmem>>[vector<16xi32>, vector<16xi32>], vector<16xi32>,
              %add3A_233 = arith.constant 48 : i32
              %add3A_234 = vector.broadcast %add3A_233 : i32 to vector<16xi32>
              %add3A_235 = arith.addi %add3A_234, %iota3A : vector<16xi32>
              tpu.vector_store_idx %arg14[%broadcast_in_dim3A_221, %add3A_235], %broadcast_in_dim3A_223 : memref<1x128xi32, #tpu.memory_space<vmem>>[vector<16xi32>, vector<16xi32>], vector<16xi32>,
              %add3A_236 = arith.constant 64 : i32
              %add3A_237 = vector.broadcast %add3A_236 : i32 to vector<16xi32>
              %add3A_238 = arith.addi %add3A_237, %iota3A : vector<16xi32>
              tpu.vector_store_idx %arg14[%broadcast_in_dim3A_221, %add3A_238], %broadcast_in_dim3A_223 : memref<1x128xi32, #tpu.memory_space<vmem>>[vector<16xi32>, vector<16xi32>], vector<16xi32>,
              %add3A_239 = arith.constant 80 : i32
              %add3A_240 = vector.broadcast %add3A_239 : i32 to vector<16xi32>
              %add3A_241 = arith.addi %add3A_240, %iota3A : vector<16xi32>
              tpu.vector_store_idx %arg14[%broadcast_in_dim3A_221, %add3A_241], %broadcast_in_dim3A_223 : memref<1x128xi32, #tpu.memory_space<vmem>>[vector<16xi32>, vector<16xi32>], vector<16xi32>,
              %add3A_242 = arith.constant 96 : i32
              %add3A_243 = vector.broadcast %add3A_242 : i32 to vector<16xi32>
              %add3A_244 = arith.addi %add3A_243, %iota3A : vector<16xi32>
              tpu.vector_store_idx %arg14[%broadcast_in_dim3A_221, %add3A_244], %broadcast_in_dim3A_223 : memref<1x128xi32, #tpu.memory_space<vmem>>[vector<16xi32>, vector<16xi32>], vector<16xi32>,
              %add3A_245 = arith.constant 112 : i32
              %add3A_246 = vector.broadcast %add3A_245 : i32 to vector<16xi32>
              %add3A_247 = arith.addi %add3A_246, %iota3A : vector<16xi32>
              tpu.vector_store_idx %arg14[%broadcast_in_dim3A_221, %add3A_247], %broadcast_in_dim3A_223 : memref<1x128xi32, #tpu.memory_space<vmem>>[vector<16xi32>, vector<16xi32>], vector<16xi32>,
            } else {
            }
            %add3A_185 = arith.constant 16 : i32
            %add3A_186 = arith.addi %while3A_153, %add3A_185 : i32
            %gt3A_187 = arith.constant 128 : i32
            %gt3A_188 = arith.cmpi sgt, %add3A_186, %gt3A_187 : i32
            %jit3A_189 = arith.constant 0 : i32
            %select_n3A_190 = arith.select %gt3A_188, %jit3A_189, %while3A_153 : i32
            %gt3A_191 = arith.constant 0 : i32
            %gt3A_192 = arith.cmpi sgt, %squeeze3A, %gt3A_191 : i32
            %convert_element_type3A_193 = arith.extui %gt3A_192 : i1 to i32
            %cond3A_194 = arith.constant 0 : i32
            %cond3A_195 = arith.cmpi ne, %convert_element_type3A_193, %cond3A_194 : i32
            scf.if %cond3A_195 {
              %add3A_200 = vector.broadcast %select_n3A_190 : i32 to vector<16xi32>
              %add3A_201 = arith.addi %add3A_200, %iota3A : vector<16xi32>
              %broadcast_in_dim3A_202 = arith.constant 0 : i32
              %broadcast_in_dim3A_203 = vector.broadcast %broadcast_in_dim3A_202 : i32 to vector<16xi32>
              %gather3A_204 = tpu.vector_load_idx %arg12[%broadcast_in_dim3A_149, %broadcast_in_dim3A_203, %min3A_177] : memref<2x64x256xf32, #tpu.memory_space<vmem>>[vector<16xi32>, vector<16xi32>, vector<16xi32>], vector<16xf32>,
              tpu.vector_store_idx %arg13[%add3A_201, %broadcast_in_dim3A_203], %gather3A_204 : memref<128x128xf32, #tpu.memory_space<vmem>>[vector<16xi32>, vector<16xi32>], vector<16xf32>,
              %broadcast_in_dim3A_205 = arith.constant 1 : i32
              %broadcast_in_dim3A_206 = vector.broadcast %broadcast_in_dim3A_205 : i32 to vector<16xi32>
              %gather3A_207 = tpu.vector_load_idx %arg12[%broadcast_in_dim3A_149, %broadcast_in_dim3A_206, %min3A_177] : memref<2x64x256xf32, #tpu.memory_space<vmem>>[vector<16xi32>, vector<16xi32>, vector<16xi32>], vector<16xf32>,
              tpu.vector_store_idx %arg13[%add3A_201, %broadcast_in_dim3A_206], %gather3A_207 : memref<128x128xf32, #tpu.memory_space<vmem>>[vector<16xi32>, vector<16xi32>], vector<16xf32>,
              %broadcast_in_dim3A_208 = arith.constant 2 : i32
              %broadcast_in_dim3A_209 = vector.broadcast %broadcast_in_dim3A_208 : i32 to vector<16xi32>
              %gather3A_210 = tpu.vector_load_idx %arg12[%broadcast_in_dim3A_149, %broadcast_in_dim3A_209, %min3A_177] : memref<2x64x256xf32, #tpu.memory_space<vmem>>[vector<16xi32>, vector<16xi32>, vector<16xi32>], vector<16xf32>,
              tpu.vector_store_idx %arg13[%add3A_201, %broadcast_in_dim3A_209], %gather3A_210 : memref<128x128xf32, #tpu.memory_space<vmem>>[vector<16xi32>, vector<16xi32>], vector<16xf32>,
              %broadcast_in_dim3A_211 = arith.constant 3 : i32
              %broadcast_in_dim3A_212 = vector.broadcast %broadcast_in_dim3A_211 : i32 to vector<16xi32>
              %gather3A_213 = tpu.vector_load_idx %arg12[%broadcast_in_dim3A_149, %broadcast_in_dim3A_212, %min3A_177] : memref<2x64x256xf32, #tpu.memory_space<vmem>>[vector<16xi32>, vector<16xi32>, vector<16xi32>], vector<16xf32>,
              tpu.vector_store_idx %arg13[%add3A_201, %broadcast_in_dim3A_212], %gather3A_213 : memref<128x128xf32, #tpu.memory_space<vmem>>[vector<16xi32>, vector<16xi32>], vector<16xf32>,
              %broadcast_in_dim3A_214 = arith.constant 4 : i32
              %broadcast_in_dim3A_215 = vector.broadcast %broadcast_in_dim3A_214 : i32 to vector<16xi32>
              %gather3A_216 = tpu.vector_load_idx %arg12[%broadcast_in_dim3A_149, %broadcast_in_dim3A_215, %min3A_177] : memref<2x64x256xf32, #tpu.memory_space<vmem>>[vector<16xi32>, vector<16xi32>, vector<16xi32>], vector<16xf32>,
              tpu.vector_store_idx %arg13[%add3A_201, %broadcast_in_dim3A_215], %gather3A_216 : memref<128x128xf32, #tpu.memory_space<vmem>>[vector<16xi32>, vector<16xi32>], vector<16xf32>,
              %broadcast_in_dim3A_217 = arith.constant 5 : i32
              %broadcast_in_dim3A_218 = vector.broadcast %broadcast_in_dim3A_217 : i32 to vector<16xi32>
              %gather3A_219 = tpu.vector_load_idx %arg12[%broadcast_in_dim3A_149, %broadcast_in_dim3A_218, %min3A_177] : memref<2x64x256xf32, #tpu.memory_space<vmem>>[vector<16xi32>, vector<16xi32>, vector<16xi32>], vector<16xf32>,
              tpu.vector_store_idx %arg13[%add3A_201, %broadcast_in_dim3A_218], %gather3A_219 : memref<128x128xf32, #tpu.memory_space<vmem>>[vector<16xi32>, vector<16xi32>], vector<16xf32>,
              %broadcast_in_dim3A_220 = arith.constant 6 : i32
              %broadcast_in_dim3A_221 = vector.broadcast %broadcast_in_dim3A_220 : i32 to vector<16xi32>
              %gather3A_222 = tpu.vector_load_idx %arg12[%broadcast_in_dim3A_149, %broadcast_in_dim3A_221, %min3A_177] : memref<2x64x256xf32, #tpu.memory_space<vmem>>[vector<16xi32>, vector<16xi32>, vector<16xi32>], vector<16xf32>,
              tpu.vector_store_idx %arg13[%add3A_201, %broadcast_in_dim3A_221], %gather3A_222 : memref<128x128xf32, #tpu.memory_space<vmem>>[vector<16xi32>, vector<16xi32>], vector<16xf32>,
              %broadcast_in_dim3A_223 = arith.constant 7 : i32
              %broadcast_in_dim3A_224 = vector.broadcast %broadcast_in_dim3A_223 : i32 to vector<16xi32>
              %gather3A_225 = tpu.vector_load_idx %arg12[%broadcast_in_dim3A_149, %broadcast_in_dim3A_224, %min3A_177] : memref<2x64x256xf32, #tpu.memory_space<vmem>>[vector<16xi32>, vector<16xi32>, vector<16xi32>], vector<16xf32>,
              tpu.vector_store_idx %arg13[%add3A_201, %broadcast_in_dim3A_224], %gather3A_225 : memref<128x128xf32, #tpu.memory_space<vmem>>[vector<16xi32>, vector<16xi32>], vector<16xf32>,
              %broadcast_in_dim3A_226 = arith.constant 8 : i32
              %broadcast_in_dim3A_227 = vector.broadcast %broadcast_in_dim3A_226 : i32 to vector<16xi32>
              %gather3A_228 = tpu.vector_load_idx %arg12[%broadcast_in_dim3A_149, %broadcast_in_dim3A_227, %min3A_177] : memref<2x64x256xf32, #tpu.memory_space<vmem>>[vector<16xi32>, vector<16xi32>, vector<16xi32>], vector<16xf32>,
              tpu.vector_store_idx %arg13[%add3A_201, %broadcast_in_dim3A_227], %gather3A_228 : memref<128x128xf32, #tpu.memory_space<vmem>>[vector<16xi32>, vector<16xi32>], vector<16xf32>,
              %broadcast_in_dim3A_229 = arith.constant 9 : i32
              %broadcast_in_dim3A_230 = vector.broadcast %broadcast_in_dim3A_229 : i32 to vector<16xi32>
              %gather3A_231 = tpu.vector_load_idx %arg12[%broadcast_in_dim3A_149, %broadcast_in_dim3A_230, %min3A_177] : memref<2x64x256xf32, #tpu.memory_space<vmem>>[vector<16xi32>, vector<16xi32>, vector<16xi32>], vector<16xf32>,
              tpu.vector_store_idx %arg13[%add3A_201, %broadcast_in_dim3A_230], %gather3A_231 : memref<128x128xf32, #tpu.memory_space<vmem>>[vector<16xi32>, vector<16xi32>], vector<16xf32>,
              %broadcast_in_dim3A_232 = arith.constant 10 : i32
              %broadcast_in_dim3A_233 = vector.broadcast %broadcast_in_dim3A_232 : i32 to vector<16xi32>
              %gather3A_234 = tpu.vector_load_idx %arg12[%broadcast_in_dim3A_149, %broadcast_in_dim3A_233, %min3A_177] : memref<2x64x256xf32, #tpu.memory_space<vmem>>[vector<16xi32>, vector<16xi32>, vector<16xi32>], vector<16xf32>,
              tpu.vector_store_idx %arg13[%add3A_201, %broadcast_in_dim3A_233], %gather3A_234 : memref<128x128xf32, #tpu.memory_space<vmem>>[vector<16xi32>, vector<16xi32>], vector<16xf32>,
              %broadcast_in_dim3A_235 = arith.constant 11 : i32
              %broadcast_in_dim3A_236 = vector.broadcast %broadcast_in_dim3A_235 : i32 to vector<16xi32>
              %gather3A_237 = tpu.vector_load_idx %arg12[%broadcast_in_dim3A_149, %broadcast_in_dim3A_236, %min3A_177] : memref<2x64x256xf32, #tpu.memory_space<vmem>>[vector<16xi32>, vector<16xi32>, vector<16xi32>], vector<16xf32>,
              tpu.vector_store_idx %arg13[%add3A_201, %broadcast_in_dim3A_236], %gather3A_237 : memref<128x128xf32, #tpu.memory_space<vmem>>[vector<16xi32>, vector<16xi32>], vector<16xf32>,
              %broadcast_in_dim3A_238 = arith.constant 12 : i32
              %broadcast_in_dim3A_239 = vector.broadcast %broadcast_in_dim3A_238 : i32 to vector<16xi32>
              %gather3A_240 = tpu.vector_load_idx %arg12[%broadcast_in_dim3A_149, %broadcast_in_dim3A_239, %min3A_177] : memref<2x64x256xf32, #tpu.memory_space<vmem>>[vector<16xi32>, vector<16xi32>, vector<16xi32>], vector<16xf32>,
              tpu.vector_store_idx %arg13[%add3A_201, %broadcast_in_dim3A_239], %gather3A_240 : memref<128x128xf32, #tpu.memory_space<vmem>>[vector<16xi32>, vector<16xi32>], vector<16xf32>,
              %broadcast_in_dim3A_241 = arith.constant 13 : i32
              %broadcast_in_dim3A_242 = vector.broadcast %broadcast_in_dim3A_241 : i32 to vector<16xi32>
              %gather3A_243 = tpu.vector_load_idx %arg12[%broadcast_in_dim3A_149, %broadcast_in_dim3A_242, %min3A_177] : memref<2x64x256xf32, #tpu.memory_space<vmem>>[vector<16xi32>, vector<16xi32>, vector<16xi32>], vector<16xf32>,
              tpu.vector_store_idx %arg13[%add3A_201, %broadcast_in_dim3A_242], %gather3A_243 : memref<128x128xf32, #tpu.memory_space<vmem>>[vector<16xi32>, vector<16xi32>], vector<16xf32>,
              %broadcast_in_dim3A_244 = arith.constant 14 : i32
              %broadcast_in_dim3A_245 = vector.broadcast %broadcast_in_dim3A_244 : i32 to vector<16xi32>
              %gather3A_246 = tpu.vector_load_idx %arg12[%broadcast_in_dim3A_149, %broadcast_in_dim3A_245, %min3A_177] : memref<2x64x256xf32, #tpu.memory_space<vmem>>[vector<16xi32>, vector<16xi32>, vector<16xi32>], vector<16xf32>,
              tpu.vector_store_idx %arg13[%add3A_201, %broadcast_in_dim3A_245], %gather3A_246 : memref<128x128xf32, #tpu.memory_space<vmem>>[vector<16xi32>, vector<16xi32>], vector<16xf32>,
              %broadcast_in_dim3A_247 = arith.constant 15 : i32
              %broadcast_in_dim3A_248 = vector.broadcast %broadcast_in_dim3A_247 : i32 to vector<16xi32>
              %gather3A_249 = tpu.vector_load_idx %arg12[%broadcast_in_dim3A_149, %broadcast_in_dim3A_248, %min3A_177] : memref<2x64x256xf32, #tpu.memory_space<vmem>>[vector<16xi32>, vector<16xi32>, vector<16xi32>], vector<16xf32>,
              tpu.vector_store_idx %arg13[%add3A_201, %broadcast_in_dim3A_248], %gather3A_249 : memref<128x128xf32, #tpu.memory_space<vmem>>[vector<16xi32>, vector<16xi32>], vector<16xf32>,
              %broadcast_in_dim3A_250 = arith.constant 16 : i32
              %broadcast_in_dim3A_251 = vector.broadcast %broadcast_in_dim3A_250 : i32 to vector<16xi32>
              %gather3A_252 = tpu.vector_load_idx %arg12[%broadcast_in_dim3A_149, %broadcast_in_dim3A_251, %min3A_177] : memref<2x64x256xf32, #tpu.memory_space<vmem>>[vector<16xi32>, vector<16xi32>, vector<16xi32>], vector<16xf32>,
              tpu.vector_store_idx %arg13[%add3A_201, %broadcast_in_dim3A_251], %gather3A_252 : memref<128x128xf32, #tpu.memory_space<vmem>>[vector<16xi32>, vector<16xi32>], vector<16xf32>,
              %broadcast_in_dim3A_253 = arith.constant 17 : i32
              %broadcast_in_dim3A_254 = vector.broadcast %broadcast_in_dim3A_253 : i32 to vector<16xi32>
              %gather3A_255 = tpu.vector_load_idx %arg12[%broadcast_in_dim3A_149, %broadcast_in_dim3A_254, %min3A_177] : memref<2x64x256xf32, #tpu.memory_space<vmem>>[vector<16xi32>, vector<16xi32>, vector<16xi32>], vector<16xf32>,
              tpu.vector_store_idx %arg13[%add3A_201, %broadcast_in_dim3A_254], %gather3A_255 : memref<128x128xf32, #tpu.memory_space<vmem>>[vector<16xi32>, vector<16xi32>], vector<16xf32>,
              %broadcast_in_dim3A_256 = arith.constant 18 : i32
              %broadcast_in_dim3A_257 = vector.broadcast %broadcast_in_dim3A_256 : i32 to vector<16xi32>
              %gather3A_258 = tpu.vector_load_idx %arg12[%broadcast_in_dim3A_149, %broadcast_in_dim3A_257, %min3A_177] : memref<2x64x256xf32, #tpu.memory_space<vmem>>[vector<16xi32>, vector<16xi32>, vector<16xi32>], vector<16xf32>,
              tpu.vector_store_idx %arg13[%add3A_201, %broadcast_in_dim3A_257], %gather3A_258 : memref<128x128xf32, #tpu.memory_space<vmem>>[vector<16xi32>, vector<16xi32>], vector<16xf32>,
              %broadcast_in_dim3A_259 = arith.constant 19 : i32
              %broadcast_in_dim3A_260 = vector.broadcast %broadcast_in_dim3A_259 : i32 to vector<16xi32>
              %gather3A_261 = tpu.vector_load_idx %arg12[%broadcast_in_dim3A_149, %broadcast_in_dim3A_260, %min3A_177] : memref<2x64x256xf32, #tpu.memory_space<vmem>>[vector<16xi32>, vector<16xi32>, vector<16xi32>], vector<16xf32>,
              tpu.vector_store_idx %arg13[%add3A_201, %broadcast_in_dim3A_260], %gather3A_261 : memref<128x128xf32, #tpu.memory_space<vmem>>[vector<16xi32>, vector<16xi32>], vector<16xf32>,
              %broadcast_in_dim3A_262 = arith.constant 20 : i32
              %broadcast_in_dim3A_263 = vector.broadcast %broadcast_in_dim3A_262 : i32 to vector<16xi32>
              %gather3A_264 = tpu.vector_load_idx %arg12[%broadcast_in_dim3A_149, %broadcast_in_dim3A_263, %min3A_177] : memref<2x64x256xf32, #tpu.memory_space<vmem>>[vector<16xi32>, vector<16xi32>, vector<16xi32>], vector<16xf32>,
              tpu.vector_store_idx %arg13[%add3A_201, %broadcast_in_dim3A_263], %gather3A_264 : memref<128x128xf32, #tpu.memory_space<vmem>>[vector<16xi32>, vector<16xi32>], vector<16xf32>,
              %broadcast_in_dim3A_265 = arith.constant 21 : i32
              %broadcast_in_dim3A_266 = vector.broadcast %broadcast_in_dim3A_265 : i32 to vector<16xi32>
              %gather3A_267 = tpu.vector_load_idx %arg12[%broadcast_in_dim3A_149, %broadcast_in_dim3A_266, %min3A_177] : memref<2x64x256xf32, #tpu.memory_space<vmem>>[vector<16xi32>, vector<16xi32>, vector<16xi32>], vector<16xf32>,
              tpu.vector_store_idx %arg13[%add3A_201, %broadcast_in_dim3A_266], %gather3A_267 : memref<128x128xf32, #tpu.memory_space<vmem>>[vector<16xi32>, vector<16xi32>], vector<16xf32>,
              %broadcast_in_dim3A_268 = arith.constant 22 : i32
              %broadcast_in_dim3A_269 = vector.broadcast %broadcast_in_dim3A_268 : i32 to vector<16xi32>
              %gather3A_270 = tpu.vector_load_idx %arg12[%broadcast_in_dim3A_149, %broadcast_in_dim3A_269, %min3A_177] : memref<2x64x256xf32, #tpu.memory_space<vmem>>[vector<16xi32>, vector<16xi32>, vector<16xi32>], vector<16xf32>,
              tpu.vector_store_idx %arg13[%add3A_201, %broadcast_in_dim3A_269], %gather3A_270 : memref<128x128xf32, #tpu.memory_space<vmem>>[vector<16xi32>, vector<16xi32>], vector<16xf32>,
              %broadcast_in_dim3A_271 = arith.constant 23 : i32
              %broadcast_in_dim3A_272 = vector.broadcast %broadcast_in_dim3A_271 : i32 to vector<16xi32>
              %gather3A_273 = tpu.vector_load_idx %arg12[%broadcast_in_dim3A_149, %broadcast_in_dim3A_272, %min3A_177] : memref<2x64x256xf32, #tpu.memory_space<vmem>>[vector<16xi32>, vector<16xi32>, vector<16xi32>], vector<16xf32>,
              tpu.vector_store_idx %arg13[%add3A_201, %broadcast_in_dim3A_272], %gather3A_273 : memref<128x128xf32, #tpu.memory_space<vmem>>[vector<16xi32>, vector<16xi32>], vector<16xf32>,
              %broadcast_in_dim3A_274 = arith.constant 24 : i32
              %broadcast_in_dim3A_275 = vector.broadcast %broadcast_in_dim3A_274 : i32 to vector<16xi32>
              %gather3A_276 = tpu.vector_load_idx %arg12[%broadcast_in_dim3A_149, %broadcast_in_dim3A_275, %min3A_177] : memref<2x64x256xf32, #tpu.memory_space<vmem>>[vector<16xi32>, vector<16xi32>, vector<16xi32>], vector<16xf32>,
              tpu.vector_store_idx %arg13[%add3A_201, %broadcast_in_dim3A_275], %gather3A_276 : memref<128x128xf32, #tpu.memory_space<vmem>>[vector<16xi32>, vector<16xi32>], vector<16xf32>,
              %broadcast_in_dim3A_277 = arith.constant 25 : i32
              %broadcast_in_dim3A_278 = vector.broadcast %broadcast_in_dim3A_277 : i32 to vector<16xi32>
              %gather3A_279 = tpu.vector_load_idx %arg12[%broadcast_in_dim3A_149, %broadcast_in_dim3A_278, %min3A_177] : memref<2x64x256xf32, #tpu.memory_space<vmem>>[vector<16xi32>, vector<16xi32>, vector<16xi32>], vector<16xf32>,
              tpu.vector_store_idx %arg13[%add3A_201, %broadcast_in_dim3A_278], %gather3A_279 : memref<128x128xf32, #tpu.memory_space<vmem>>[vector<16xi32>, vector<16xi32>], vector<16xf32>,
              %broadcast_in_dim3A_280 = arith.constant 26 : i32
              %broadcast_in_dim3A_281 = vector.broadcast %broadcast_in_dim3A_280 : i32 to vector<16xi32>
              %gather3A_282 = tpu.vector_load_idx %arg12[%broadcast_in_dim3A_149, %broadcast_in_dim3A_281, %min3A_177] : memref<2x64x256xf32, #tpu.memory_space<vmem>>[vector<16xi32>, vector<16xi32>, vector<16xi32>], vector<16xf32>,
              tpu.vector_store_idx %arg13[%add3A_201, %broadcast_in_dim3A_281], %gather3A_282 : memref<128x128xf32, #tpu.memory_space<vmem>>[vector<16xi32>, vector<16xi32>], vector<16xf32>,
              %broadcast_in_dim3A_283 = arith.constant 27 : i32
              %broadcast_in_dim3A_284 = vector.broadcast %broadcast_in_dim3A_283 : i32 to vector<16xi32>
              %gather3A_285 = tpu.vector_load_idx %arg12[%broadcast_in_dim3A_149, %broadcast_in_dim3A_284, %min3A_177] : memref<2x64x256xf32, #tpu.memory_space<vmem>>[vector<16xi32>, vector<16xi32>, vector<16xi32>], vector<16xf32>,
              tpu.vector_store_idx %arg13[%add3A_201, %broadcast_in_dim3A_284], %gather3A_285 : memref<128x128xf32, #tpu.memory_space<vmem>>[vector<16xi32>, vector<16xi32>], vector<16xf32>,
              %broadcast_in_dim3A_286 = arith.constant 28 : i32
              %broadcast_in_dim3A_287 = vector.broadcast %broadcast_in_dim3A_286 : i32 to vector<16xi32>
              %gather3A_288 = tpu.vector_load_idx %arg12[%broadcast_in_dim3A_149, %broadcast_in_dim3A_287, %min3A_177] : memref<2x64x256xf32, #tpu.memory_space<vmem>>[vector<16xi32>, vector<16xi32>, vector<16xi32>], vector<16xf32>,
              tpu.vector_store_idx %arg13[%add3A_201, %broadcast_in_dim3A_287], %gather3A_288 : memref<128x128xf32, #tpu.memory_space<vmem>>[vector<16xi32>, vector<16xi32>], vector<16xf32>,
              %broadcast_in_dim3A_289 = arith.constant 29 : i32
              %broadcast_in_dim3A_290 = vector.broadcast %broadcast_in_dim3A_289 : i32 to vector<16xi32>
              %gather3A_291 = tpu.vector_load_idx %arg12[%broadcast_in_dim3A_149, %broadcast_in_dim3A_290, %min3A_177] : memref<2x64x256xf32, #tpu.memory_space<vmem>>[vector<16xi32>, vector<16xi32>, vector<16xi32>], vector<16xf32>,
              tpu.vector_store_idx %arg13[%add3A_201, %broadcast_in_dim3A_290], %gather3A_291 : memref<128x128xf32, #tpu.memory_space<vmem>>[vector<16xi32>, vector<16xi32>], vector<16xf32>,
              %broadcast_in_dim3A_292 = arith.constant 30 : i32
              %broadcast_in_dim3A_293 = vector.broadcast %broadcast_in_dim3A_292 : i32 to vector<16xi32>
              %gather3A_294 = tpu.vector_load_idx %arg12[%broadcast_in_dim3A_149, %broadcast_in_dim3A_293, %min3A_177] : memref<2x64x256xf32, #tpu.memory_space<vmem>>[vector<16xi32>, vector<16xi32>, vector<16xi32>], vector<16xf32>,
              tpu.vector_store_idx %arg13[%add3A_201, %broadcast_in_dim3A_293], %gather3A_294 : memref<128x128xf32, #tpu.memory_space<vmem>>[vector<16xi32>, vector<16xi32>], vector<16xf32>,
              %broadcast_in_dim3A_295 = arith.constant 31 : i32
              %broadcast_in_dim3A_296 = vector.broadcast %broadcast_in_dim3A_295 : i32 to vector<16xi32>
              %gather3A_297 = tpu.vector_load_idx %arg12[%broadcast_in_dim3A_149, %broadcast_in_dim3A_296, %min3A_177] : memref<2x64x256xf32, #tpu.memory_space<vmem>>[vector<16xi32>, vector<16xi32>, vector<16xi32>], vector<16xf32>,
              tpu.vector_store_idx %arg13[%add3A_201, %broadcast_in_dim3A_296], %gather3A_297 : memref<128x128xf32, #tpu.memory_space<vmem>>[vector<16xi32>, vector<16xi32>], vector<16xf32>,
              %broadcast_in_dim3A_298 = arith.constant 32 : i32
              %broadcast_in_dim3A_299 = vector.broadcast %broadcast_in_dim3A_298 : i32 to vector<16xi32>
              %gather3A_300 = tpu.vector_load_idx %arg12[%broadcast_in_dim3A_149, %broadcast_in_dim3A_299, %min3A_177] : memref<2x64x256xf32, #tpu.memory_space<vmem>>[vector<16xi32>, vector<16xi32>, vector<16xi32>], vector<16xf32>,
              tpu.vector_store_idx %arg13[%add3A_201, %broadcast_in_dim3A_299], %gather3A_300 : memref<128x128xf32, #tpu.memory_space<vmem>>[vector<16xi32>, vector<16xi32>], vector<16xf32>,
              %broadcast_in_dim3A_301 = arith.constant 33 : i32
              %broadcast_in_dim3A_302 = vector.broadcast %broadcast_in_dim3A_301 : i32 to vector<16xi32>
              %gather3A_303 = tpu.vector_load_idx %arg12[%broadcast_in_dim3A_149, %broadcast_in_dim3A_302, %min3A_177] : memref<2x64x256xf32, #tpu.memory_space<vmem>>[vector<16xi32>, vector<16xi32>, vector<16xi32>], vector<16xf32>,
              tpu.vector_store_idx %arg13[%add3A_201, %broadcast_in_dim3A_302], %gather3A_303 : memref<128x128xf32, #tpu.memory_space<vmem>>[vector<16xi32>, vector<16xi32>], vector<16xf32>,
              %broadcast_in_dim3A_304 = arith.constant 34 : i32
              %broadcast_in_dim3A_305 = vector.broadcast %broadcast_in_dim3A_304 : i32 to vector<16xi32>
              %gather3A_306 = tpu.vector_load_idx %arg12[%broadcast_in_dim3A_149, %broadcast_in_dim3A_305, %min3A_177] : memref<2x64x256xf32, #tpu.memory_space<vmem>>[vector<16xi32>, vector<16xi32>, vector<16xi32>], vector<16xf32>,
              tpu.vector_store_idx %arg13[%add3A_201, %broadcast_in_dim3A_305], %gather3A_306 : memref<128x128xf32, #tpu.memory_space<vmem>>[vector<16xi32>, vector<16xi32>], vector<16xf32>,
              %broadcast_in_dim3A_307 = arith.constant 35 : i32
              %broadcast_in_dim3A_308 = vector.broadcast %broadcast_in_dim3A_307 : i32 to vector<16xi32>
              %gather3A_309 = tpu.vector_load_idx %arg12[%broadcast_in_dim3A_149, %broadcast_in_dim3A_308, %min3A_177] : memref<2x64x256xf32, #tpu.memory_space<vmem>>[vector<16xi32>, vector<16xi32>, vector<16xi32>], vector<16xf32>,
              tpu.vector_store_idx %arg13[%add3A_201, %broadcast_in_dim3A_308], %gather3A_309 : memref<128x128xf32, #tpu.memory_space<vmem>>[vector<16xi32>, vector<16xi32>], vector<16xf32>,
              %broadcast_in_dim3A_310 = arith.constant 36 : i32
              %broadcast_in_dim3A_311 = vector.broadcast %broadcast_in_dim3A_310 : i32 to vector<16xi32>
              %gather3A_312 = tpu.vector_load_idx %arg12[%broadcast_in_dim3A_149, %broadcast_in_dim3A_311, %min3A_177] : memref<2x64x256xf32, #tpu.memory_space<vmem>>[vector<16xi32>, vector<16xi32>, vector<16xi32>], vector<16xf32>,
              tpu.vector_store_idx %arg13[%add3A_201, %broadcast_in_dim3A_311], %gather3A_312 : memref<128x128xf32, #tpu.memory_space<vmem>>[vector<16xi32>, vector<16xi32>], vector<16xf32>,
              %broadcast_in_dim3A_313 = arith.constant 37 : i32
              %broadcast_in_dim3A_314 = vector.broadcast %broadcast_in_dim3A_313 : i32 to vector<16xi32>
              %gather3A_315 = tpu.vector_load_idx %arg12[%broadcast_in_dim3A_149, %broadcast_in_dim3A_314, %min3A_177] : memref<2x64x256xf32, #tpu.memory_space<vmem>>[vector<16xi32>, vector<16xi32>, vector<16xi32>], vector<16xf32>,
              tpu.vector_store_idx %arg13[%add3A_201, %broadcast_in_dim3A_314], %gather3A_315 : memref<128x128xf32, #tpu.memory_space<vmem>>[vector<16xi32>, vector<16xi32>], vector<16xf32>,
              %broadcast_in_dim3A_316 = arith.constant 38 : i32
              %broadcast_in_dim3A_317 = vector.broadcast %broadcast_in_dim3A_316 : i32 to vector<16xi32>
              %gather3A_318 = tpu.vector_load_idx %arg12[%broadcast_in_dim3A_149, %broadcast_in_dim3A_317, %min3A_177] : memref<2x64x256xf32, #tpu.memory_space<vmem>>[vector<16xi32>, vector<16xi32>, vector<16xi32>], vector<16xf32>,
              tpu.vector_store_idx %arg13[%add3A_201, %broadcast_in_dim3A_317], %gather3A_318 : memref<128x128xf32, #tpu.memory_space<vmem>>[vector<16xi32>, vector<16xi32>], vector<16xf32>,
              %broadcast_in_dim3A_319 = arith.constant 39 : i32
              %broadcast_in_dim3A_320 = vector.broadcast %broadcast_in_dim3A_319 : i32 to vector<16xi32>
              %gather3A_321 = tpu.vector_load_idx %arg12[%broadcast_in_dim3A_149, %broadcast_in_dim3A_320, %min3A_177] : memref<2x64x256xf32, #tpu.memory_space<vmem>>[vector<16xi32>, vector<16xi32>, vector<16xi32>], vector<16xf32>,
              tpu.vector_store_idx %arg13[%add3A_201, %broadcast_in_dim3A_320], %gather3A_321 : memref<128x128xf32, #tpu.memory_space<vmem>>[vector<16xi32>, vector<16xi32>], vector<16xf32>,
              %broadcast_in_dim3A_322 = arith.constant 40 : i32
              %broadcast_in_dim3A_323 = vector.broadcast %broadcast_in_dim3A_322 : i32 to vector<16xi32>
              %gather3A_324 = tpu.vector_load_idx %arg12[%broadcast_in_dim3A_149, %broadcast_in_dim3A_323, %min3A_177] : memref<2x64x256xf32, #tpu.memory_space<vmem>>[vector<16xi32>, vector<16xi32>, vector<16xi32>], vector<16xf32>,
              tpu.vector_store_idx %arg13[%add3A_201, %broadcast_in_dim3A_323], %gather3A_324 : memref<128x128xf32, #tpu.memory_space<vmem>>[vector<16xi32>, vector<16xi32>], vector<16xf32>,
              %broadcast_in_dim3A_325 = arith.constant 41 : i32
              %broadcast_in_dim3A_326 = vector.broadcast %broadcast_in_dim3A_325 : i32 to vector<16xi32>
              %gather3A_327 = tpu.vector_load_idx %arg12[%broadcast_in_dim3A_149, %broadcast_in_dim3A_326, %min3A_177] : memref<2x64x256xf32, #tpu.memory_space<vmem>>[vector<16xi32>, vector<16xi32>, vector<16xi32>], vector<16xf32>,
              tpu.vector_store_idx %arg13[%add3A_201, %broadcast_in_dim3A_326], %gather3A_327 : memref<128x128xf32, #tpu.memory_space<vmem>>[vector<16xi32>, vector<16xi32>], vector<16xf32>,
              %broadcast_in_dim3A_328 = arith.constant 42 : i32
              %broadcast_in_dim3A_329 = vector.broadcast %broadcast_in_dim3A_328 : i32 to vector<16xi32>
              %gather3A_330 = tpu.vector_load_idx %arg12[%broadcast_in_dim3A_149, %broadcast_in_dim3A_329, %min3A_177] : memref<2x64x256xf32, #tpu.memory_space<vmem>>[vector<16xi32>, vector<16xi32>, vector<16xi32>], vector<16xf32>,
              tpu.vector_store_idx %arg13[%add3A_201, %broadcast_in_dim3A_329], %gather3A_330 : memref<128x128xf32, #tpu.memory_space<vmem>>[vector<16xi32>, vector<16xi32>], vector<16xf32>,
              %broadcast_in_dim3A_331 = arith.constant 43 : i32
              %broadcast_in_dim3A_332 = vector.broadcast %broadcast_in_dim3A_331 : i32 to vector<16xi32>
              %gather3A_333 = tpu.vector_load_idx %arg12[%broadcast_in_dim3A_149, %broadcast_in_dim3A_332, %min3A_177] : memref<2x64x256xf32, #tpu.memory_space<vmem>>[vector<16xi32>, vector<16xi32>, vector<16xi32>], vector<16xf32>,
              tpu.vector_store_idx %arg13[%add3A_201, %broadcast_in_dim3A_332], %gather3A_333 : memref<128x128xf32, #tpu.memory_space<vmem>>[vector<16xi32>, vector<16xi32>], vector<16xf32>,
              %broadcast_in_dim3A_334 = arith.constant 44 : i32
              %broadcast_in_dim3A_335 = vector.broadcast %broadcast_in_dim3A_334 : i32 to vector<16xi32>
              %gather3A_336 = tpu.vector_load_idx %arg12[%broadcast_in_dim3A_149, %broadcast_in_dim3A_335, %min3A_177] : memref<2x64x256xf32, #tpu.memory_space<vmem>>[vector<16xi32>, vector<16xi32>, vector<16xi32>], vector<16xf32>,
              tpu.vector_store_idx %arg13[%add3A_201, %broadcast_in_dim3A_335], %gather3A_336 : memref<128x128xf32, #tpu.memory_space<vmem>>[vector<16xi32>, vector<16xi32>], vector<16xf32>,
              %broadcast_in_dim3A_337 = arith.constant 45 : i32
              %broadcast_in_dim3A_338 = vector.broadcast %broadcast_in_dim3A_337 : i32 to vector<16xi32>
              %gather3A_339 = tpu.vector_load_idx %arg12[%broadcast_in_dim3A_149, %broadcast_in_dim3A_338, %min3A_177] : memref<2x64x256xf32, #tpu.memory_space<vmem>>[vector<16xi32>, vector<16xi32>, vector<16xi32>], vector<16xf32>,
              tpu.vector_store_idx %arg13[%add3A_201, %broadcast_in_dim3A_338], %gather3A_339 : memref<128x128xf32, #tpu.memory_space<vmem>>[vector<16xi32>, vector<16xi32>], vector<16xf32>,
              %broadcast_in_dim3A_340 = arith.constant 46 : i32
              %broadcast_in_dim3A_341 = vector.broadcast %broadcast_in_dim3A_340 : i32 to vector<16xi32>
              %gather3A_342 = tpu.vector_load_idx %arg12[%broadcast_in_dim3A_149, %broadcast_in_dim3A_341, %min3A_177] : memref<2x64x256xf32, #tpu.memory_space<vmem>>[vector<16xi32>, vector<16xi32>, vector<16xi32>], vector<16xf32>,
              tpu.vector_store_idx %arg13[%add3A_201, %broadcast_in_dim3A_341], %gather3A_342 : memref<128x128xf32, #tpu.memory_space<vmem>>[vector<16xi32>, vector<16xi32>], vector<16xf32>,
              %broadcast_in_dim3A_343 = arith.constant 47 : i32
              %broadcast_in_dim3A_344 = vector.broadcast %broadcast_in_dim3A_343 : i32 to vector<16xi32>
              %gather3A_345 = tpu.vector_load_idx %arg12[%broadcast_in_dim3A_149, %broadcast_in_dim3A_344, %min3A_177] : memref<2x64x256xf32, #tpu.memory_space<vmem>>[vector<16xi32>, vector<16xi32>, vector<16xi32>], vector<16xf32>,
              tpu.vector_store_idx %arg13[%add3A_201, %broadcast_in_dim3A_344], %gather3A_345 : memref<128x128xf32, #tpu.memory_space<vmem>>[vector<16xi32>, vector<16xi32>], vector<16xf32>,
              %broadcast_in_dim3A_346 = arith.constant 48 : i32
              %broadcast_in_dim3A_347 = vector.broadcast %broadcast_in_dim3A_346 : i32 to vector<16xi32>
              %gather3A_348 = tpu.vector_load_idx %arg12[%broadcast_in_dim3A_149, %broadcast_in_dim3A_347, %min3A_177] : memref<2x64x256xf32, #tpu.memory_space<vmem>>[vector<16xi32>, vector<16xi32>, vector<16xi32>], vector<16xf32>,
              tpu.vector_store_idx %arg13[%add3A_201, %broadcast_in_dim3A_347], %gather3A_348 : memref<128x128xf32, #tpu.memory_space<vmem>>[vector<16xi32>, vector<16xi32>], vector<16xf32>,
              %broadcast_in_dim3A_349 = arith.constant 49 : i32
              %broadcast_in_dim3A_350 = vector.broadcast %broadcast_in_dim3A_349 : i32 to vector<16xi32>
              %gather3A_351 = tpu.vector_load_idx %arg12[%broadcast_in_dim3A_149, %broadcast_in_dim3A_350, %min3A_177] : memref<2x64x256xf32, #tpu.memory_space<vmem>>[vector<16xi32>, vector<16xi32>, vector<16xi32>], vector<16xf32>,
              tpu.vector_store_idx %arg13[%add3A_201, %broadcast_in_dim3A_350], %gather3A_351 : memref<128x128xf32, #tpu.memory_space<vmem>>[vector<16xi32>, vector<16xi32>], vector<16xf32>,
              %broadcast_in_dim3A_352 = arith.constant 50 : i32
              %broadcast_in_dim3A_353 = vector.broadcast %broadcast_in_dim3A_352 : i32 to vector<16xi32>
              %gather3A_354 = tpu.vector_load_idx %arg12[%broadcast_in_dim3A_149, %broadcast_in_dim3A_353, %min3A_177] : memref<2x64x256xf32, #tpu.memory_space<vmem>>[vector<16xi32>, vector<16xi32>, vector<16xi32>], vector<16xf32>,
              tpu.vector_store_idx %arg13[%add3A_201, %broadcast_in_dim3A_353], %gather3A_354 : memref<128x128xf32, #tpu.memory_space<vmem>>[vector<16xi32>, vector<16xi32>], vector<16xf32>,
              %broadcast_in_dim3A_355 = arith.constant 51 : i32
              %broadcast_in_dim3A_356 = vector.broadcast %broadcast_in_dim3A_355 : i32 to vector<16xi32>
              %gather3A_357 = tpu.vector_load_idx %arg12[%broadcast_in_dim3A_149, %broadcast_in_dim3A_356, %min3A_177] : memref<2x64x256xf32, #tpu.memory_space<vmem>>[vector<16xi32>, vector<16xi32>, vector<16xi32>], vector<16xf32>,
              tpu.vector_store_idx %arg13[%add3A_201, %broadcast_in_dim3A_356], %gather3A_357 : memref<128x128xf32, #tpu.memory_space<vmem>>[vector<16xi32>, vector<16xi32>], vector<16xf32>,
              %broadcast_in_dim3A_358 = arith.constant 52 : i32
              %broadcast_in_dim3A_359 = vector.broadcast %broadcast_in_dim3A_358 : i32 to vector<16xi32>
              %gather3A_360 = tpu.vector_load_idx %arg12[%broadcast_in_dim3A_149, %broadcast_in_dim3A_359, %min3A_177] : memref<2x64x256xf32, #tpu.memory_space<vmem>>[vector<16xi32>, vector<16xi32>, vector<16xi32>], vector<16xf32>,
              tpu.vector_store_idx %arg13[%add3A_201, %broadcast_in_dim3A_359], %gather3A_360 : memref<128x128xf32, #tpu.memory_space<vmem>>[vector<16xi32>, vector<16xi32>], vector<16xf32>,
              %broadcast_in_dim3A_361 = arith.constant 53 : i32
              %broadcast_in_dim3A_362 = vector.broadcast %broadcast_in_dim3A_361 : i32 to vector<16xi32>
              %gather3A_363 = tpu.vector_load_idx %arg12[%broadcast_in_dim3A_149, %broadcast_in_dim3A_362, %min3A_177] : memref<2x64x256xf32, #tpu.memory_space<vmem>>[vector<16xi32>, vector<16xi32>, vector<16xi32>], vector<16xf32>,
              tpu.vector_store_idx %arg13[%add3A_201, %broadcast_in_dim3A_362], %gather3A_363 : memref<128x128xf32, #tpu.memory_space<vmem>>[vector<16xi32>, vector<16xi32>], vector<16xf32>,
              %broadcast_in_dim3A_364 = arith.constant 54 : i32
              %broadcast_in_dim3A_365 = vector.broadcast %broadcast_in_dim3A_364 : i32 to vector<16xi32>
              %gather3A_366 = tpu.vector_load_idx %arg12[%broadcast_in_dim3A_149, %broadcast_in_dim3A_365, %min3A_177] : memref<2x64x256xf32, #tpu.memory_space<vmem>>[vector<16xi32>, vector<16xi32>, vector<16xi32>], vector<16xf32>,
              tpu.vector_store_idx %arg13[%add3A_201, %broadcast_in_dim3A_365], %gather3A_366 : memref<128x128xf32, #tpu.memory_space<vmem>>[vector<16xi32>, vector<16xi32>], vector<16xf32>,
              %broadcast_in_dim3A_367 = arith.constant 55 : i32
              %broadcast_in_dim3A_368 = vector.broadcast %broadcast_in_dim3A_367 : i32 to vector<16xi32>
              %gather3A_369 = tpu.vector_load_idx %arg12[%broadcast_in_dim3A_149, %broadcast_in_dim3A_368, %min3A_177] : memref<2x64x256xf32, #tpu.memory_space<vmem>>[vector<16xi32>, vector<16xi32>, vector<16xi32>], vector<16xf32>,
              tpu.vector_store_idx %arg13[%add3A_201, %broadcast_in_dim3A_368], %gather3A_369 : memref<128x128xf32, #tpu.memory_space<vmem>>[vector<16xi32>, vector<16xi32>], vector<16xf32>,
              %broadcast_in_dim3A_370 = arith.constant 56 : i32
              %broadcast_in_dim3A_371 = vector.broadcast %broadcast_in_dim3A_370 : i32 to vector<16xi32>
              %gather3A_372 = tpu.vector_load_idx %arg12[%broadcast_in_dim3A_149, %broadcast_in_dim3A_371, %min3A_177] : memref<2x64x256xf32, #tpu.memory_space<vmem>>[vector<16xi32>, vector<16xi32>, vector<16xi32>], vector<16xf32>,
              tpu.vector_store_idx %arg13[%add3A_201, %broadcast_in_dim3A_371], %gather3A_372 : memref<128x128xf32, #tpu.memory_space<vmem>>[vector<16xi32>, vector<16xi32>], vector<16xf32>,
              %broadcast_in_dim3A_373 = arith.constant 57 : i32
              %broadcast_in_dim3A_374 = vector.broadcast %broadcast_in_dim3A_373 : i32 to vector<16xi32>
              %gather3A_375 = tpu.vector_load_idx %arg12[%broadcast_in_dim3A_149, %broadcast_in_dim3A_374, %min3A_177] : memref<2x64x256xf32, #tpu.memory_space<vmem>>[vector<16xi32>, vector<16xi32>, vector<16xi32>], vector<16xf32>,
              tpu.vector_store_idx %arg13[%add3A_201, %broadcast_in_dim3A_374], %gather3A_375 : memref<128x128xf32, #tpu.memory_space<vmem>>[vector<16xi32>, vector<16xi32>], vector<16xf32>,
              %broadcast_in_dim3A_376 = arith.constant 58 : i32
              %broadcast_in_dim3A_377 = vector.broadcast %broadcast_in_dim3A_376 : i32 to vector<16xi32>
              %gather3A_378 = tpu.vector_load_idx %arg12[%broadcast_in_dim3A_149, %broadcast_in_dim3A_377, %min3A_177] : memref<2x64x256xf32, #tpu.memory_space<vmem>>[vector<16xi32>, vector<16xi32>, vector<16xi32>], vector<16xf32>,
              tpu.vector_store_idx %arg13[%add3A_201, %broadcast_in_dim3A_377], %gather3A_378 : memref<128x128xf32, #tpu.memory_space<vmem>>[vector<16xi32>, vector<16xi32>], vector<16xf32>,
              %broadcast_in_dim3A_379 = arith.constant 59 : i32
              %broadcast_in_dim3A_380 = vector.broadcast %broadcast_in_dim3A_379 : i32 to vector<16xi32>
              %gather3A_381 = tpu.vector_load_idx %arg12[%broadcast_in_dim3A_149, %broadcast_in_dim3A_380, %min3A_177] : memref<2x64x256xf32, #tpu.memory_space<vmem>>[vector<16xi32>, vector<16xi32>, vector<16xi32>], vector<16xf32>,
              tpu.vector_store_idx %arg13[%add3A_201, %broadcast_in_dim3A_380], %gather3A_381 : memref<128x128xf32, #tpu.memory_space<vmem>>[vector<16xi32>, vector<16xi32>], vector<16xf32>,
              %broadcast_in_dim3A_382 = arith.constant 60 : i32
              %broadcast_in_dim3A_383 = vector.broadcast %broadcast_in_dim3A_382 : i32 to vector<16xi32>
              %gather3A_384 = tpu.vector_load_idx %arg12[%broadcast_in_dim3A_149, %broadcast_in_dim3A_383, %min3A_177] : memref<2x64x256xf32, #tpu.memory_space<vmem>>[vector<16xi32>, vector<16xi32>, vector<16xi32>], vector<16xf32>,
              tpu.vector_store_idx %arg13[%add3A_201, %broadcast_in_dim3A_383], %gather3A_384 : memref<128x128xf32, #tpu.memory_space<vmem>>[vector<16xi32>, vector<16xi32>], vector<16xf32>,
              %broadcast_in_dim3A_385 = arith.constant 61 : i32
              %broadcast_in_dim3A_386 = vector.broadcast %broadcast_in_dim3A_385 : i32 to vector<16xi32>
              %gather3A_387 = tpu.vector_load_idx %arg12[%broadcast_in_dim3A_149, %broadcast_in_dim3A_386, %min3A_177] : memref<2x64x256xf32, #tpu.memory_space<vmem>>[vector<16xi32>, vector<16xi32>, vector<16xi32>], vector<16xf32>,
              tpu.vector_store_idx %arg13[%add3A_201, %broadcast_in_dim3A_386], %gather3A_387 : memref<128x128xf32, #tpu.memory_space<vmem>>[vector<16xi32>, vector<16xi32>], vector<16xf32>,
              %broadcast_in_dim3A_388 = arith.constant 62 : i32
              %broadcast_in_dim3A_389 = vector.broadcast %broadcast_in_dim3A_388 : i32 to vector<16xi32>
              %gather3A_390 = tpu.vector_load_idx %arg12[%broadcast_in_dim3A_149, %broadcast_in_dim3A_389, %min3A_177] : memref<2x64x256xf32, #tpu.memory_space<vmem>>[vector<16xi32>, vector<16xi32>, vector<16xi32>], vector<16xf32>,
              tpu.vector_store_idx %arg13[%add3A_201, %broadcast_in_dim3A_389], %gather3A_390 : memref<128x128xf32, #tpu.memory_space<vmem>>[vector<16xi32>, vector<16xi32>], vector<16xf32>,
              %broadcast_in_dim3A_391 = arith.constant 63 : i32
              %broadcast_in_dim3A_392 = vector.broadcast %broadcast_in_dim3A_391 : i32 to vector<16xi32>
              %gather3A_393 = tpu.vector_load_idx %arg12[%broadcast_in_dim3A_149, %broadcast_in_dim3A_392, %min3A_177] : memref<2x64x256xf32, #tpu.memory_space<vmem>>[vector<16xi32>, vector<16xi32>, vector<16xi32>], vector<16xf32>,
              tpu.vector_store_idx %arg13[%add3A_201, %broadcast_in_dim3A_392], %gather3A_393 : memref<128x128xf32, #tpu.memory_space<vmem>>[vector<16xi32>, vector<16xi32>], vector<16xf32>,
              %broadcast_in_dim3A_394 = arith.constant 0 : i32
              %broadcast_in_dim3A_395 = vector.broadcast %broadcast_in_dim3A_394 : i32 to vector<16xi32>
              tpu.vector_store_idx %arg14[%broadcast_in_dim3A_395, %add3A_201], %select_n3A : memref<1x128xi32, #tpu.memory_space<vmem>>[vector<16xi32>, vector<16xi32>], vector<16xi32>,
            } else {
            }
            %add3A_196 = arith.addi %while3A_152, %squeeze3A : i32
            %add3A_197 = arith.addi %select_n3A_190, %squeeze3A : i32
            %eq3A_198 = arith.constant 16 : i32
            %eq3A_199 = arith.cmpi eq, %squeeze3A, %eq3A_198 : i32
            scf.yield %add3A_196, %add3A_197, %eq3A_199 : i32, i32, i1
          }
          scf.yield %while3A_151#0, %while3A_151#1 : i32, i32
        }
        %while3A_64 = arith.constant 1 : i32
        %while3A_65:2 = scf.for %while3A_112 = %while3A_61 to %while3A_57 step %while3A_64 iter_args(%while3A_113 = %while3A_63#0, %while3A_114 = %while3A_63#1) -> (i32, i32)  : i32 {
          %add3A_115 = arith.constant 2 : i32
          %add3A_116 = arith.addi %while3A_112, %add3A_115 : i32
          %sub3A_117 = arith.constant 1 : i32
          %sub3A_118 = arith.subi %add3A_116, %sub3A_117 : i32
          %lt3A = arith.cmpi slt, %sub3A_118, %min3A_10 : i32
          %convert_element_type3A_119 = arith.extui %lt3A : i1 to i32
          %cond3A_120 = arith.constant 0 : i32
          %cond3A_121 = arith.cmpi ne, %convert_element_type3A_119, %cond3A_120 : i32
          scf.if %cond3A_121 {
            %add3A_152 = arith.constant 2 : i32
            %add3A_153 = arith.addi %while3A_112, %add3A_152 : i32
            %sub3A_154 = arith.constant 1 : i32
            %sub3A_155 = arith.subi %add3A_153, %sub3A_154 : i32
            %rem3A_156 = arith.constant 2 : i32
            %rem3A_157 = arith.remsi %sub3A_155, %rem3A_156 : i32
            %add3A_158 = arith.addi %mul3A_7, %sub3A_155 : i32
            %mul3A_159 = arith.constant 256 : i32
            %mul3A_160 = arith.muli %add3A_158, %mul3A_159 : i32
            %min3A_161 = arith.constant 999808 : i32
            %min3A_162 = arith.minsi %mul3A_160, %min3A_161 : i32
            %multiple_of3A_163 = tpu.assume_multiple %min3A_162, 128 : i32
            %dma_start3A_164 = arith.constant 0 : i32
            %dma_start3A_165 = arith.constant 0 : i32
            %dma_start3A_166 = tpu.memref_slice %arg12[%rem3A_157, %dma_start3A_164, %dma_start3A_165] : memref<2x64x256xf32, #tpu.memory_space<vmem>> -> memref<1x64x256xf32, #tpu.memory_space<vmem>>
            %dma_start3A_167 = tpu.memref_squeeze %dma_start3A_166 : memref<1x64x256xf32, #tpu.memory_space<vmem>> -> memref<64x256xf32, #tpu.memory_space<vmem>>
            %dma_start3A_168 = arith.constant 0 : i32
            %dma_start3A_169 = tpu.memref_slice %arg3[%dma_start3A_168, %multiple_of3A_163] : memref<64x1000000xf32, #tpu.memory_space<hbm>> -> memref<64x256xf32, #tpu.memory_space<hbm>>
            %dma_start3A_170 = tpu.memref_slice %arg15[%rem3A_157] : memref<3x!tpu.dma_semaphore, #tpu.memory_space<semaphore_mem>> -> memref<1x!tpu.dma_semaphore, #tpu.memory_space<semaphore_mem>>
            %dma_start3A_171 = tpu.memref_squeeze %dma_start3A_170 : memref<1x!tpu.dma_semaphore, #tpu.memory_space<semaphore_mem>> -> memref<!tpu.dma_semaphore, #tpu.memory_space<semaphore_mem>>
            %dma_start3A_172 = arith.constant 0 : i32
            %dma_start3A_173 = arith.constant 0 : i32
            %dma_start3A_174 = tpu.memref_slice %arg12[%rem3A_157, %dma_start3A_172, %dma_start3A_173] : memref<2x64x256xf32, #tpu.memory_space<vmem>> -> memref<1x64x256xf32, #tpu.memory_space<vmem>>
            %dma_start3A_175 = tpu.memref_squeeze %dma_start3A_174 : memref<1x64x256xf32, #tpu.memory_space<vmem>> -> memref<64x256xf32, #tpu.memory_space<vmem>>
            %dma_start3A_176 = arith.constant 0 : i32
            %dma_start3A_177 = tpu.memref_slice %arg3[%dma_start3A_176, %multiple_of3A_163] : memref<64x1000000xf32, #tpu.memory_space<hbm>> -> memref<64x256xf32, #tpu.memory_space<hbm>>
            tpu.enqueue_dma source(%dma_start3A_177 : memref<64x256xf32, #tpu.memory_space<hbm>>) target(%dma_start3A_175 : memref<64x256xf32, #tpu.memory_space<vmem>>) target_semaphore(%dma_start3A_171 : memref<!tpu.dma_semaphore, #tpu.memory_space<semaphore_mem>>)
          } else {
          }
          %rem3A = arith.constant 2 : i32
          %rem3A_122 = arith.remsi %while3A_112, %rem3A : i32
          %add3A_123 = arith.addi %mul3A_7, %while3A_112 : i32
          %mul3A_124 = arith.constant 256 : i32
          %mul3A_125 = arith.muli %add3A_123, %mul3A_124 : i32
          %min3A_126 = arith.constant 999808 : i32
          %min3A_127 = arith.minsi %mul3A_125, %min3A_126 : i32
          %multiple_of3A = tpu.assume_multiple %min3A_127, 128 : i32
          %dma_wait3A_128 = arith.constant 0 : i32
          %dma_wait3A_129 = arith.constant 0 : i32
          %dma_wait3A_130 = tpu.memref_slice %arg12[%rem3A_122, %dma_wait3A_128, %dma_wait3A_129] : memref<2x64x256xf32, #tpu.memory_space<vmem>> -> memref<1x64x256xf32, #tpu.memory_space<vmem>>
          %dma_wait3A_131 = tpu.memref_squeeze %dma_wait3A_130 : memref<1x64x256xf32, #tpu.memory_space<vmem>> -> memref<64x256xf32, #tpu.memory_space<vmem>>
          %dma_wait3A_132 = arith.constant 0 : i32
          %dma_wait3A_133 = tpu.memref_slice %arg3[%dma_wait3A_132, %multiple_of3A] : memref<64x1000000xf32, #tpu.memory_space<hbm>> -> memref<64x256xf32, #tpu.memory_space<hbm>>
          %dma_wait3A_134 = tpu.memref_slice %arg15[%rem3A_122] : memref<3x!tpu.dma_semaphore, #tpu.memory_space<semaphore_mem>> -> memref<1x!tpu.dma_semaphore, #tpu.memory_space<semaphore_mem>>
          %dma_wait3A_135 = tpu.memref_squeeze %dma_wait3A_134 : memref<1x!tpu.dma_semaphore, #tpu.memory_space<semaphore_mem>> -> memref<!tpu.dma_semaphore, #tpu.memory_space<semaphore_mem>>
          %dma_wait3A_136 = arith.constant 0 : i32
          %dma_wait3A_137 = arith.constant 0 : i32
          %dma_wait3A_138 = tpu.memref_slice %arg12[%rem3A_122, %dma_wait3A_136, %dma_wait3A_137] : memref<2x64x256xf32, #tpu.memory_space<vmem>> -> memref<1x64x256xf32, #tpu.memory_space<vmem>>
          %dma_wait3A_139 = tpu.memref_squeeze %dma_wait3A_138 : memref<1x64x256xf32, #tpu.memory_space<vmem>> -> memref<64x256xf32, #tpu.memory_space<vmem>>
          %dma_wait3A_140 = arith.constant 0 : i32
          %dma_wait3A_141 = tpu.memref_slice %arg3[%dma_wait3A_140, %multiple_of3A] : memref<64x1000000xf32, #tpu.memory_space<hbm>> -> memref<64x256xf32, #tpu.memory_space<hbm>>
          tpu.wait_dma2 semaphore(%dma_wait3A_135 : memref<!tpu.dma_semaphore, #tpu.memory_space<semaphore_mem>>) src(%dma_wait3A_141 : memref<64x256xf32, #tpu.memory_space<hbm>>) dst(%dma_wait3A_139 : memref<64x256xf32, #tpu.memory_space<vmem>>)
          %add3A_142 = arith.addi %mul3A_7, %while3A_112 : i32
          %add3A_143 = arith.constant 1 : i32
          %add3A_144 = arith.addi %add3A_142, %add3A_143 : i32
          %mul3A_145 = arith.constant 256 : i32
          %mul3A_146 = arith.muli %add3A_144, %mul3A_145 : i32
          %rem3A_147 = arith.constant 2 : i32
          %rem3A_148 = arith.remsi %while3A_112, %rem3A_147 : i32
          %broadcast_in_dim3A_149 = vector.broadcast %rem3A_148 : i32 to vector<16xi32>
          %while3A_150 = arith.constant true
          %while3A_151:3 = scf.while (%while3A_152 = %while3A_113, %while3A_153 = %while3A_114, %while3A_154 = %while3A_150) : (i32, i32, i1) -> (i32, i32, i1) {
            scf.condition(%while3A_154) %while3A_152, %while3A_153, %while3A_154 : i32, i32, i1
          } do {
          ^bb0(%while3A_152: i32, %while3A_153: i32, %while3A_154: i1):
            %add3A_155 = vector.broadcast %while3A_152 : i32 to vector<16xi32>
            %add3A_156 = arith.addi %add3A_155, %iota3A : vector<16xi32>
            %min3A_157 = arith.constant 16511 : i32
            %min3A_158 = vector.broadcast %min3A_157 : i32 to vector<16xi32>
            %min3A_159 = arith.minsi %add3A_156, %min3A_158 : vector<16xi32>
            %gather3A = tpu.vector_load_idx %arg10[%min3A_159] : memref<32896xi32, #tpu.memory_space<vmem>>[vector<16xi32>], vector<16xi32>,
            %lt3A_160 = vector.broadcast %mul3A_146 : i32 to vector<16xi32>
            %lt3A_161 = arith.cmpi slt, %gather3A, %lt3A_160 : vector<16xi32>
            %all_reduce_population_count3A = tpu.all_reduce %lt3A_161 {dim = 0 : i64, kind = #tpu.reduction_kind<sum>} : vector<16xi1> -> vector<16xi32>
            %slice3A = vector.extract_strided_slice %all_reduce_population_count3A {offsets = [0], sizes = [1], strides = [1]} : vector<16xi32> to vector<1xi32>
            %squeeze3A = vector.extract %slice3A[0] : i32 from vector<1xi32>
            %gather3A_162 = tpu.vector_load_idx %arg11[%min3A_159] : memref<32896xi32, #tpu.memory_space<vmem>>[vector<16xi32>], vector<16xi32>,
            %broadcast_in_dim3A_163 = arith.constant 16384 : i32
            %broadcast_in_dim3A_164 = vector.broadcast %broadcast_in_dim3A_163 : i32 to vector<16xi32>
            %select_n3A = arith.select %lt3A_161, %gather3A_162, %broadcast_in_dim3A_164 : vector<16xi1>, vector<16xi32>
            %shift_right_arithmetic3A = arith.constant 8 : i32
            %shift_right_arithmetic3A_165 = vector.broadcast %shift_right_arithmetic3A : i32 to vector<16xi32>
            %shift_right_arithmetic3A_166 = arith.shrsi %gather3A, %shift_right_arithmetic3A_165 : vector<16xi32>
            %shift_left3A = arith.constant 8 : i32
            %shift_left3A_167 = vector.broadcast %shift_left3A : i32 to vector<16xi32>
            %shift_left3A_168 = arith.shli %shift_right_arithmetic3A_166, %shift_left3A_167 : vector<16xi32>
            %min3A_169 = arith.constant 999808 : i32
            %min3A_170 = vector.broadcast %min3A_169 : i32 to vector<16xi32>
            %min3A_171 = arith.minsi %shift_left3A_168, %min3A_170 : vector<16xi32>
            %sub3A_172 = arith.subi %gather3A, %min3A_171 : vector<16xi32>
            %jit3A = arith.constant 0 : i32
            %jit3A_173 = arith.constant 255 : i32
            %max3A_174 = vector.broadcast %jit3A : i32 to vector<16xi32>
            %max3A_175 = arith.maxsi %max3A_174, %sub3A_172 : vector<16xi32>
            %min3A_176 = vector.broadcast %jit3A_173 : i32 to vector<16xi32>
            %min3A_177 = arith.minsi %min3A_176, %max3A_175 : vector<16xi32>
            %add3A_178 = arith.constant 16 : i32
            %add3A_179 = arith.addi %while3A_153, %add3A_178 : i32
            %gt3A_180 = arith.constant 128 : i32
            %gt3A_181 = arith.cmpi sgt, %add3A_179, %gt3A_180 : i32
            %convert_element_type3A_182 = arith.extui %gt3A_181 : i1 to i32
            %cond3A_183 = arith.constant 0 : i32
            %cond3A_184 = arith.cmpi ne, %convert_element_type3A_182, %cond3A_183 : i32
            scf.if %cond3A_184 {
              %dma_start3A_200 = arith.constant 0 : i32
              %dma_start3A_201 = arith.constant 2 : i32
              %dma_start3A_202 = arith.constant 0 : i32
              %dma_start3A_203 = tpu.memref_slice %arg14[%dma_start3A_200, %dma_start3A_202] : memref<1x128xi32, #tpu.memory_space<vmem>> -> memref<1x128xi32, #tpu.memory_space<vmem>>
              %dma_start3A_204 = tpu.memref_squeeze %dma_start3A_203 : memref<1x128xi32, #tpu.memory_space<vmem>> -> memref<128xi32, #tpu.memory_space<vmem>>
              %dma_start3A_205 = arith.constant 0 : i32
              %dma_start3A_206 = arith.constant 0 : i32
              %dma_start3A_207 = tpu.memref_slice %arg9[%dma_start3A_205, %dma_start3A_206] : memref<16392x128xf32, #tpu.memory_space<hbm>> -> memref<16392x128xf32, #tpu.memory_space<hbm>>
              %dma_start3A_208 = tpu.memref_slice %arg15[%dma_start3A_201] : memref<3x!tpu.dma_semaphore, #tpu.memory_space<semaphore_mem>> -> memref<1x!tpu.dma_semaphore, #tpu.memory_space<semaphore_mem>>
              %dma_start3A_209 = tpu.memref_squeeze %dma_start3A_208 : memref<1x!tpu.dma_semaphore, #tpu.memory_space<semaphore_mem>> -> memref<!tpu.dma_semaphore, #tpu.memory_space<semaphore_mem>>
              tpu.enqueue_indirect_dma source(%arg13 : memref<128x128xf32, #tpu.memory_space<vmem>>) target(%dma_start3A_207 : memref<16392x128xf32, #tpu.memory_space<hbm>>) offsets(%dma_start3A_204 : memref<128xi32, #tpu.memory_space<vmem>>) semaphore(%dma_start3A_209 : memref<!tpu.dma_semaphore, #tpu.memory_space<semaphore_mem>>)
              %dma_wait3A_210 = arith.constant 0 : i32
              %dma_wait3A_211 = arith.constant 2 : i32
              %dma_wait3A_212 = arith.constant 0 : i32
              %dma_wait3A_213 = tpu.memref_slice %arg14[%dma_wait3A_210, %dma_wait3A_212] : memref<1x128xi32, #tpu.memory_space<vmem>> -> memref<1x128xi32, #tpu.memory_space<vmem>>
              %dma_wait3A_214 = tpu.memref_squeeze %dma_wait3A_213 : memref<1x128xi32, #tpu.memory_space<vmem>> -> memref<128xi32, #tpu.memory_space<vmem>>
              %dma_wait3A_215 = arith.constant 0 : i32
              %dma_wait3A_216 = arith.constant 0 : i32
              %dma_wait3A_217 = tpu.memref_slice %arg9[%dma_wait3A_215, %dma_wait3A_216] : memref<16392x128xf32, #tpu.memory_space<hbm>> -> memref<16392x128xf32, #tpu.memory_space<hbm>>
              %dma_wait3A_218 = tpu.memref_slice %arg15[%dma_wait3A_211] : memref<3x!tpu.dma_semaphore, #tpu.memory_space<semaphore_mem>> -> memref<1x!tpu.dma_semaphore, #tpu.memory_space<semaphore_mem>>
              %dma_wait3A_219 = tpu.memref_squeeze %dma_wait3A_218 : memref<1x!tpu.dma_semaphore, #tpu.memory_space<semaphore_mem>> -> memref<!tpu.dma_semaphore, #tpu.memory_space<semaphore_mem>>
              tpu.wait_indirect_dma semaphore(%dma_wait3A_219 : memref<!tpu.dma_semaphore, #tpu.memory_space<semaphore_mem>>) src(%arg13 : memref<128x128xf32, #tpu.memory_space<vmem>>) dst(%dma_wait3A_217 : memref<16392x128xf32, #tpu.memory_space<hbm>>)
              %broadcast_in_dim3A_220 = arith.constant 0 : i32
              %broadcast_in_dim3A_221 = vector.broadcast %broadcast_in_dim3A_220 : i32 to vector<16xi32>
              %broadcast_in_dim3A_222 = arith.constant 16384 : i32
              %broadcast_in_dim3A_223 = vector.broadcast %broadcast_in_dim3A_222 : i32 to vector<16xi32>
              %add3A_224 = arith.constant 0 : i32
              %add3A_225 = vector.broadcast %add3A_224 : i32 to vector<16xi32>
              %add3A_226 = arith.addi %add3A_225, %iota3A : vector<16xi32>
              tpu.vector_store_idx %arg14[%broadcast_in_dim3A_221, %add3A_226], %broadcast_in_dim3A_223 : memref<1x128xi32, #tpu.memory_space<vmem>>[vector<16xi32>, vector<16xi32>], vector<16xi32>,
              %add3A_227 = arith.constant 16 : i32
              %add3A_228 = vector.broadcast %add3A_227 : i32 to vector<16xi32>
              %add3A_229 = arith.addi %add3A_228, %iota3A : vector<16xi32>
              tpu.vector_store_idx %arg14[%broadcast_in_dim3A_221, %add3A_229], %broadcast_in_dim3A_223 : memref<1x128xi32, #tpu.memory_space<vmem>>[vector<16xi32>, vector<16xi32>], vector<16xi32>,
              %add3A_230 = arith.constant 32 : i32
              %add3A_231 = vector.broadcast %add3A_230 : i32 to vector<16xi32>
              %add3A_232 = arith.addi %add3A_231, %iota3A : vector<16xi32>
              tpu.vector_store_idx %arg14[%broadcast_in_dim3A_221, %add3A_232], %broadcast_in_dim3A_223 : memref<1x128xi32, #tpu.memory_space<vmem>>[vector<16xi32>, vector<16xi32>], vector<16xi32>,
              %add3A_233 = arith.constant 48 : i32
              %add3A_234 = vector.broadcast %add3A_233 : i32 to vector<16xi32>
              %add3A_235 = arith.addi %add3A_234, %iota3A : vector<16xi32>
              tpu.vector_store_idx %arg14[%broadcast_in_dim3A_221, %add3A_235], %broadcast_in_dim3A_223 : memref<1x128xi32, #tpu.memory_space<vmem>>[vector<16xi32>, vector<16xi32>], vector<16xi32>,
              %add3A_236 = arith.constant 64 : i32
              %add3A_237 = vector.broadcast %add3A_236 : i32 to vector<16xi32>
              %add3A_238 = arith.addi %add3A_237, %iota3A : vector<16xi32>
              tpu.vector_store_idx %arg14[%broadcast_in_dim3A_221, %add3A_238], %broadcast_in_dim3A_223 : memref<1x128xi32, #tpu.memory_space<vmem>>[vector<16xi32>, vector<16xi32>], vector<16xi32>,
              %add3A_239 = arith.constant 80 : i32
              %add3A_240 = vector.broadcast %add3A_239 : i32 to vector<16xi32>
              %add3A_241 = arith.addi %add3A_240, %iota3A : vector<16xi32>
              tpu.vector_store_idx %arg14[%broadcast_in_dim3A_221, %add3A_241], %broadcast_in_dim3A_223 : memref<1x128xi32, #tpu.memory_space<vmem>>[vector<16xi32>, vector<16xi32>], vector<16xi32>,
              %add3A_242 = arith.constant 96 : i32
              %add3A_243 = vector.broadcast %add3A_242 : i32 to vector<16xi32>
              %add3A_244 = arith.addi %add3A_243, %iota3A : vector<16xi32>
              tpu.vector_store_idx %arg14[%broadcast_in_dim3A_221, %add3A_244], %broadcast_in_dim3A_223 : memref<1x128xi32, #tpu.memory_space<vmem>>[vector<16xi32>, vector<16xi32>], vector<16xi32>,
              %add3A_245 = arith.constant 112 : i32
              %add3A_246 = vector.broadcast %add3A_245 : i32 to vector<16xi32>
              %add3A_247 = arith.addi %add3A_246, %iota3A : vector<16xi32>
              tpu.vector_store_idx %arg14[%broadcast_in_dim3A_221, %add3A_247], %broadcast_in_dim3A_223 : memref<1x128xi32, #tpu.memory_space<vmem>>[vector<16xi32>, vector<16xi32>], vector<16xi32>,
            } else {
            }
            %add3A_185 = arith.constant 16 : i32
            %add3A_186 = arith.addi %while3A_153, %add3A_185 : i32
            %gt3A_187 = arith.constant 128 : i32
            %gt3A_188 = arith.cmpi sgt, %add3A_186, %gt3A_187 : i32
            %jit3A_189 = arith.constant 0 : i32
            %select_n3A_190 = arith.select %gt3A_188, %jit3A_189, %while3A_153 : i32
            %gt3A_191 = arith.constant 0 : i32
            %gt3A_192 = arith.cmpi sgt, %squeeze3A, %gt3A_191 : i32
            %convert_element_type3A_193 = arith.extui %gt3A_192 : i1 to i32
            %cond3A_194 = arith.constant 0 : i32
            %cond3A_195 = arith.cmpi ne, %convert_element_type3A_193, %cond3A_194 : i32
            scf.if %cond3A_195 {
              %add3A_200 = vector.broadcast %select_n3A_190 : i32 to vector<16xi32>
              %add3A_201 = arith.addi %add3A_200, %iota3A : vector<16xi32>
              %broadcast_in_dim3A_202 = arith.constant 0 : i32
              %broadcast_in_dim3A_203 = vector.broadcast %broadcast_in_dim3A_202 : i32 to vector<16xi32>
              %gather3A_204 = tpu.vector_load_idx %arg12[%broadcast_in_dim3A_149, %broadcast_in_dim3A_203, %min3A_177] : memref<2x64x256xf32, #tpu.memory_space<vmem>>[vector<16xi32>, vector<16xi32>, vector<16xi32>], vector<16xf32>,
              tpu.vector_store_idx %arg13[%add3A_201, %broadcast_in_dim3A_203], %gather3A_204 : memref<128x128xf32, #tpu.memory_space<vmem>>[vector<16xi32>, vector<16xi32>], vector<16xf32>,
              %broadcast_in_dim3A_205 = arith.constant 1 : i32
              %broadcast_in_dim3A_206 = vector.broadcast %broadcast_in_dim3A_205 : i32 to vector<16xi32>
              %gather3A_207 = tpu.vector_load_idx %arg12[%broadcast_in_dim3A_149, %broadcast_in_dim3A_206, %min3A_177] : memref<2x64x256xf32, #tpu.memory_space<vmem>>[vector<16xi32>, vector<16xi32>, vector<16xi32>], vector<16xf32>,
              tpu.vector_store_idx %arg13[%add3A_201, %broadcast_in_dim3A_206], %gather3A_207 : memref<128x128xf32, #tpu.memory_space<vmem>>[vector<16xi32>, vector<16xi32>], vector<16xf32>,
              %broadcast_in_dim3A_208 = arith.constant 2 : i32
              %broadcast_in_dim3A_209 = vector.broadcast %broadcast_in_dim3A_208 : i32 to vector<16xi32>
              %gather3A_210 = tpu.vector_load_idx %arg12[%broadcast_in_dim3A_149, %broadcast_in_dim3A_209, %min3A_177] : memref<2x64x256xf32, #tpu.memory_space<vmem>>[vector<16xi32>, vector<16xi32>, vector<16xi32>], vector<16xf32>,
              tpu.vector_store_idx %arg13[%add3A_201, %broadcast_in_dim3A_209], %gather3A_210 : memref<128x128xf32, #tpu.memory_space<vmem>>[vector<16xi32>, vector<16xi32>], vector<16xf32>,
              %broadcast_in_dim3A_211 = arith.constant 3 : i32
              %broadcast_in_dim3A_212 = vector.broadcast %broadcast_in_dim3A_211 : i32 to vector<16xi32>
              %gather3A_213 = tpu.vector_load_idx %arg12[%broadcast_in_dim3A_149, %broadcast_in_dim3A_212, %min3A_177] : memref<2x64x256xf32, #tpu.memory_space<vmem>>[vector<16xi32>, vector<16xi32>, vector<16xi32>], vector<16xf32>,
              tpu.vector_store_idx %arg13[%add3A_201, %broadcast_in_dim3A_212], %gather3A_213 : memref<128x128xf32, #tpu.memory_space<vmem>>[vector<16xi32>, vector<16xi32>], vector<16xf32>,
              %broadcast_in_dim3A_214 = arith.constant 4 : i32
              %broadcast_in_dim3A_215 = vector.broadcast %broadcast_in_dim3A_214 : i32 to vector<16xi32>
              %gather3A_216 = tpu.vector_load_idx %arg12[%broadcast_in_dim3A_149, %broadcast_in_dim3A_215, %min3A_177] : memref<2x64x256xf32, #tpu.memory_space<vmem>>[vector<16xi32>, vector<16xi32>, vector<16xi32>], vector<16xf32>,
              tpu.vector_store_idx %arg13[%add3A_201, %broadcast_in_dim3A_215], %gather3A_216 : memref<128x128xf32, #tpu.memory_space<vmem>>[vector<16xi32>, vector<16xi32>], vector<16xf32>,
              %broadcast_in_dim3A_217 = arith.constant 5 : i32
              %broadcast_in_dim3A_218 = vector.broadcast %broadcast_in_dim3A_217 : i32 to vector<16xi32>
              %gather3A_219 = tpu.vector_load_idx %arg12[%broadcast_in_dim3A_149, %broadcast_in_dim3A_218, %min3A_177] : memref<2x64x256xf32, #tpu.memory_space<vmem>>[vector<16xi32>, vector<16xi32>, vector<16xi32>], vector<16xf32>,
              tpu.vector_store_idx %arg13[%add3A_201, %broadcast_in_dim3A_218], %gather3A_219 : memref<128x128xf32, #tpu.memory_space<vmem>>[vector<16xi32>, vector<16xi32>], vector<16xf32>,
              %broadcast_in_dim3A_220 = arith.constant 6 : i32
              %broadcast_in_dim3A_221 = vector.broadcast %broadcast_in_dim3A_220 : i32 to vector<16xi32>
              %gather3A_222 = tpu.vector_load_idx %arg12[%broadcast_in_dim3A_149, %broadcast_in_dim3A_221, %min3A_177] : memref<2x64x256xf32, #tpu.memory_space<vmem>>[vector<16xi32>, vector<16xi32>, vector<16xi32>], vector<16xf32>,
              tpu.vector_store_idx %arg13[%add3A_201, %broadcast_in_dim3A_221], %gather3A_222 : memref<128x128xf32, #tpu.memory_space<vmem>>[vector<16xi32>, vector<16xi32>], vector<16xf32>,
              %broadcast_in_dim3A_223 = arith.constant 7 : i32
              %broadcast_in_dim3A_224 = vector.broadcast %broadcast_in_dim3A_223 : i32 to vector<16xi32>
              %gather3A_225 = tpu.vector_load_idx %arg12[%broadcast_in_dim3A_149, %broadcast_in_dim3A_224, %min3A_177] : memref<2x64x256xf32, #tpu.memory_space<vmem>>[vector<16xi32>, vector<16xi32>, vector<16xi32>], vector<16xf32>,
              tpu.vector_store_idx %arg13[%add3A_201, %broadcast_in_dim3A_224], %gather3A_225 : memref<128x128xf32, #tpu.memory_space<vmem>>[vector<16xi32>, vector<16xi32>], vector<16xf32>,
              %broadcast_in_dim3A_226 = arith.constant 8 : i32
              %broadcast_in_dim3A_227 = vector.broadcast %broadcast_in_dim3A_226 : i32 to vector<16xi32>
              %gather3A_228 = tpu.vector_load_idx %arg12[%broadcast_in_dim3A_149, %broadcast_in_dim3A_227, %min3A_177] : memref<2x64x256xf32, #tpu.memory_space<vmem>>[vector<16xi32>, vector<16xi32>, vector<16xi32>], vector<16xf32>,
              tpu.vector_store_idx %arg13[%add3A_201, %broadcast_in_dim3A_227], %gather3A_228 : memref<128x128xf32, #tpu.memory_space<vmem>>[vector<16xi32>, vector<16xi32>], vector<16xf32>,
              %broadcast_in_dim3A_229 = arith.constant 9 : i32
              %broadcast_in_dim3A_230 = vector.broadcast %broadcast_in_dim3A_229 : i32 to vector<16xi32>
              %gather3A_231 = tpu.vector_load_idx %arg12[%broadcast_in_dim3A_149, %broadcast_in_dim3A_230, %min3A_177] : memref<2x64x256xf32, #tpu.memory_space<vmem>>[vector<16xi32>, vector<16xi32>, vector<16xi32>], vector<16xf32>,
              tpu.vector_store_idx %arg13[%add3A_201, %broadcast_in_dim3A_230], %gather3A_231 : memref<128x128xf32, #tpu.memory_space<vmem>>[vector<16xi32>, vector<16xi32>], vector<16xf32>,
              %broadcast_in_dim3A_232 = arith.constant 10 : i32
              %broadcast_in_dim3A_233 = vector.broadcast %broadcast_in_dim3A_232 : i32 to vector<16xi32>
              %gather3A_234 = tpu.vector_load_idx %arg12[%broadcast_in_dim3A_149, %broadcast_in_dim3A_233, %min3A_177] : memref<2x64x256xf32, #tpu.memory_space<vmem>>[vector<16xi32>, vector<16xi32>, vector<16xi32>], vector<16xf32>,
              tpu.vector_store_idx %arg13[%add3A_201, %broadcast_in_dim3A_233], %gather3A_234 : memref<128x128xf32, #tpu.memory_space<vmem>>[vector<16xi32>, vector<16xi32>], vector<16xf32>,
              %broadcast_in_dim3A_235 = arith.constant 11 : i32
              %broadcast_in_dim3A_236 = vector.broadcast %broadcast_in_dim3A_235 : i32 to vector<16xi32>
              %gather3A_237 = tpu.vector_load_idx %arg12[%broadcast_in_dim3A_149, %broadcast_in_dim3A_236, %min3A_177] : memref<2x64x256xf32, #tpu.memory_space<vmem>>[vector<16xi32>, vector<16xi32>, vector<16xi32>], vector<16xf32>,
              tpu.vector_store_idx %arg13[%add3A_201, %broadcast_in_dim3A_236], %gather3A_237 : memref<128x128xf32, #tpu.memory_space<vmem>>[vector<16xi32>, vector<16xi32>], vector<16xf32>,
              %broadcast_in_dim3A_238 = arith.constant 12 : i32
              %broadcast_in_dim3A_239 = vector.broadcast %broadcast_in_dim3A_238 : i32 to vector<16xi32>
              %gather3A_240 = tpu.vector_load_idx %arg12[%broadcast_in_dim3A_149, %broadcast_in_dim3A_239, %min3A_177] : memref<2x64x256xf32, #tpu.memory_space<vmem>>[vector<16xi32>, vector<16xi32>, vector<16xi32>], vector<16xf32>,
              tpu.vector_store_idx %arg13[%add3A_201, %broadcast_in_dim3A_239], %gather3A_240 : memref<128x128xf32, #tpu.memory_space<vmem>>[vector<16xi32>, vector<16xi32>], vector<16xf32>,
              %broadcast_in_dim3A_241 = arith.constant 13 : i32
              %broadcast_in_dim3A_242 = vector.broadcast %broadcast_in_dim3A_241 : i32 to vector<16xi32>
              %gather3A_243 = tpu.vector_load_idx %arg12[%broadcast_in_dim3A_149, %broadcast_in_dim3A_242, %min3A_177] : memref<2x64x256xf32, #tpu.memory_space<vmem>>[vector<16xi32>, vector<16xi32>, vector<16xi32>], vector<16xf32>,
              tpu.vector_store_idx %arg13[%add3A_201, %broadcast_in_dim3A_242], %gather3A_243 : memref<128x128xf32, #tpu.memory_space<vmem>>[vector<16xi32>, vector<16xi32>], vector<16xf32>,
              %broadcast_in_dim3A_244 = arith.constant 14 : i32
              %broadcast_in_dim3A_245 = vector.broadcast %broadcast_in_dim3A_244 : i32 to vector<16xi32>
              %gather3A_246 = tpu.vector_load_idx %arg12[%broadcast_in_dim3A_149, %broadcast_in_dim3A_245, %min3A_177] : memref<2x64x256xf32, #tpu.memory_space<vmem>>[vector<16xi32>, vector<16xi32>, vector<16xi32>], vector<16xf32>,
              tpu.vector_store_idx %arg13[%add3A_201, %broadcast_in_dim3A_245], %gather3A_246 : memref<128x128xf32, #tpu.memory_space<vmem>>[vector<16xi32>, vector<16xi32>], vector<16xf32>,
              %broadcast_in_dim3A_247 = arith.constant 15 : i32
              %broadcast_in_dim3A_248 = vector.broadcast %broadcast_in_dim3A_247 : i32 to vector<16xi32>
              %gather3A_249 = tpu.vector_load_idx %arg12[%broadcast_in_dim3A_149, %broadcast_in_dim3A_248, %min3A_177] : memref<2x64x256xf32, #tpu.memory_space<vmem>>[vector<16xi32>, vector<16xi32>, vector<16xi32>], vector<16xf32>,
              tpu.vector_store_idx %arg13[%add3A_201, %broadcast_in_dim3A_248], %gather3A_249 : memref<128x128xf32, #tpu.memory_space<vmem>>[vector<16xi32>, vector<16xi32>], vector<16xf32>,
              %broadcast_in_dim3A_250 = arith.constant 16 : i32
              %broadcast_in_dim3A_251 = vector.broadcast %broadcast_in_dim3A_250 : i32 to vector<16xi32>
              %gather3A_252 = tpu.vector_load_idx %arg12[%broadcast_in_dim3A_149, %broadcast_in_dim3A_251, %min3A_177] : memref<2x64x256xf32, #tpu.memory_space<vmem>>[vector<16xi32>, vector<16xi32>, vector<16xi32>], vector<16xf32>,
              tpu.vector_store_idx %arg13[%add3A_201, %broadcast_in_dim3A_251], %gather3A_252 : memref<128x128xf32, #tpu.memory_space<vmem>>[vector<16xi32>, vector<16xi32>], vector<16xf32>,
              %broadcast_in_dim3A_253 = arith.constant 17 : i32
              %broadcast_in_dim3A_254 = vector.broadcast %broadcast_in_dim3A_253 : i32 to vector<16xi32>
              %gather3A_255 = tpu.vector_load_idx %arg12[%broadcast_in_dim3A_149, %broadcast_in_dim3A_254, %min3A_177] : memref<2x64x256xf32, #tpu.memory_space<vmem>>[vector<16xi32>, vector<16xi32>, vector<16xi32>], vector<16xf32>,
              tpu.vector_store_idx %arg13[%add3A_201, %broadcast_in_dim3A_254], %gather3A_255 : memref<128x128xf32, #tpu.memory_space<vmem>>[vector<16xi32>, vector<16xi32>], vector<16xf32>,
              %broadcast_in_dim3A_256 = arith.constant 18 : i32
              %broadcast_in_dim3A_257 = vector.broadcast %broadcast_in_dim3A_256 : i32 to vector<16xi32>
              %gather3A_258 = tpu.vector_load_idx %arg12[%broadcast_in_dim3A_149, %broadcast_in_dim3A_257, %min3A_177] : memref<2x64x256xf32, #tpu.memory_space<vmem>>[vector<16xi32>, vector<16xi32>, vector<16xi32>], vector<16xf32>,
              tpu.vector_store_idx %arg13[%add3A_201, %broadcast_in_dim3A_257], %gather3A_258 : memref<128x128xf32, #tpu.memory_space<vmem>>[vector<16xi32>, vector<16xi32>], vector<16xf32>,
              %broadcast_in_dim3A_259 = arith.constant 19 : i32
              %broadcast_in_dim3A_260 = vector.broadcast %broadcast_in_dim3A_259 : i32 to vector<16xi32>
              %gather3A_261 = tpu.vector_load_idx %arg12[%broadcast_in_dim3A_149, %broadcast_in_dim3A_260, %min3A_177] : memref<2x64x256xf32, #tpu.memory_space<vmem>>[vector<16xi32>, vector<16xi32>, vector<16xi32>], vector<16xf32>,
              tpu.vector_store_idx %arg13[%add3A_201, %broadcast_in_dim3A_260], %gather3A_261 : memref<128x128xf32, #tpu.memory_space<vmem>>[vector<16xi32>, vector<16xi32>], vector<16xf32>,
              %broadcast_in_dim3A_262 = arith.constant 20 : i32
              %broadcast_in_dim3A_263 = vector.broadcast %broadcast_in_dim3A_262 : i32 to vector<16xi32>
              %gather3A_264 = tpu.vector_load_idx %arg12[%broadcast_in_dim3A_149, %broadcast_in_dim3A_263, %min3A_177] : memref<2x64x256xf32, #tpu.memory_space<vmem>>[vector<16xi32>, vector<16xi32>, vector<16xi32>], vector<16xf32>,
              tpu.vector_store_idx %arg13[%add3A_201, %broadcast_in_dim3A_263], %gather3A_264 : memref<128x128xf32, #tpu.memory_space<vmem>>[vector<16xi32>, vector<16xi32>], vector<16xf32>,
              %broadcast_in_dim3A_265 = arith.constant 21 : i32
              %broadcast_in_dim3A_266 = vector.broadcast %broadcast_in_dim3A_265 : i32 to vector<16xi32>
              %gather3A_267 = tpu.vector_load_idx %arg12[%broadcast_in_dim3A_149, %broadcast_in_dim3A_266, %min3A_177] : memref<2x64x256xf32, #tpu.memory_space<vmem>>[vector<16xi32>, vector<16xi32>, vector<16xi32>], vector<16xf32>,
              tpu.vector_store_idx %arg13[%add3A_201, %broadcast_in_dim3A_266], %gather3A_267 : memref<128x128xf32, #tpu.memory_space<vmem>>[vector<16xi32>, vector<16xi32>], vector<16xf32>,
              %broadcast_in_dim3A_268 = arith.constant 22 : i32
              %broadcast_in_dim3A_269 = vector.broadcast %broadcast_in_dim3A_268 : i32 to vector<16xi32>
              %gather3A_270 = tpu.vector_load_idx %arg12[%broadcast_in_dim3A_149, %broadcast_in_dim3A_269, %min3A_177] : memref<2x64x256xf32, #tpu.memory_space<vmem>>[vector<16xi32>, vector<16xi32>, vector<16xi32>], vector<16xf32>,
              tpu.vector_store_idx %arg13[%add3A_201, %broadcast_in_dim3A_269], %gather3A_270 : memref<128x128xf32, #tpu.memory_space<vmem>>[vector<16xi32>, vector<16xi32>], vector<16xf32>,
              %broadcast_in_dim3A_271 = arith.constant 23 : i32
              %broadcast_in_dim3A_272 = vector.broadcast %broadcast_in_dim3A_271 : i32 to vector<16xi32>
              %gather3A_273 = tpu.vector_load_idx %arg12[%broadcast_in_dim3A_149, %broadcast_in_dim3A_272, %min3A_177] : memref<2x64x256xf32, #tpu.memory_space<vmem>>[vector<16xi32>, vector<16xi32>, vector<16xi32>], vector<16xf32>,
              tpu.vector_store_idx %arg13[%add3A_201, %broadcast_in_dim3A_272], %gather3A_273 : memref<128x128xf32, #tpu.memory_space<vmem>>[vector<16xi32>, vector<16xi32>], vector<16xf32>,
              %broadcast_in_dim3A_274 = arith.constant 24 : i32
              %broadcast_in_dim3A_275 = vector.broadcast %broadcast_in_dim3A_274 : i32 to vector<16xi32>
              %gather3A_276 = tpu.vector_load_idx %arg12[%broadcast_in_dim3A_149, %broadcast_in_dim3A_275, %min3A_177] : memref<2x64x256xf32, #tpu.memory_space<vmem>>[vector<16xi32>, vector<16xi32>, vector<16xi32>], vector<16xf32>,
              tpu.vector_store_idx %arg13[%add3A_201, %broadcast_in_dim3A_275], %gather3A_276 : memref<128x128xf32, #tpu.memory_space<vmem>>[vector<16xi32>, vector<16xi32>], vector<16xf32>,
              %broadcast_in_dim3A_277 = arith.constant 25 : i32
              %broadcast_in_dim3A_278 = vector.broadcast %broadcast_in_dim3A_277 : i32 to vector<16xi32>
              %gather3A_279 = tpu.vector_load_idx %arg12[%broadcast_in_dim3A_149, %broadcast_in_dim3A_278, %min3A_177] : memref<2x64x256xf32, #tpu.memory_space<vmem>>[vector<16xi32>, vector<16xi32>, vector<16xi32>], vector<16xf32>,
              tpu.vector_store_idx %arg13[%add3A_201, %broadcast_in_dim3A_278], %gather3A_279 : memref<128x128xf32, #tpu.memory_space<vmem>>[vector<16xi32>, vector<16xi32>], vector<16xf32>,
              %broadcast_in_dim3A_280 = arith.constant 26 : i32
              %broadcast_in_dim3A_281 = vector.broadcast %broadcast_in_dim3A_280 : i32 to vector<16xi32>
              %gather3A_282 = tpu.vector_load_idx %arg12[%broadcast_in_dim3A_149, %broadcast_in_dim3A_281, %min3A_177] : memref<2x64x256xf32, #tpu.memory_space<vmem>>[vector<16xi32>, vector<16xi32>, vector<16xi32>], vector<16xf32>,
              tpu.vector_store_idx %arg13[%add3A_201, %broadcast_in_dim3A_281], %gather3A_282 : memref<128x128xf32, #tpu.memory_space<vmem>>[vector<16xi32>, vector<16xi32>], vector<16xf32>,
              %broadcast_in_dim3A_283 = arith.constant 27 : i32
              %broadcast_in_dim3A_284 = vector.broadcast %broadcast_in_dim3A_283 : i32 to vector<16xi32>
              %gather3A_285 = tpu.vector_load_idx %arg12[%broadcast_in_dim3A_149, %broadcast_in_dim3A_284, %min3A_177] : memref<2x64x256xf32, #tpu.memory_space<vmem>>[vector<16xi32>, vector<16xi32>, vector<16xi32>], vector<16xf32>,
              tpu.vector_store_idx %arg13[%add3A_201, %broadcast_in_dim3A_284], %gather3A_285 : memref<128x128xf32, #tpu.memory_space<vmem>>[vector<16xi32>, vector<16xi32>], vector<16xf32>,
              %broadcast_in_dim3A_286 = arith.constant 28 : i32
              %broadcast_in_dim3A_287 = vector.broadcast %broadcast_in_dim3A_286 : i32 to vector<16xi32>
              %gather3A_288 = tpu.vector_load_idx %arg12[%broadcast_in_dim3A_149, %broadcast_in_dim3A_287, %min3A_177] : memref<2x64x256xf32, #tpu.memory_space<vmem>>[vector<16xi32>, vector<16xi32>, vector<16xi32>], vector<16xf32>,
              tpu.vector_store_idx %arg13[%add3A_201, %broadcast_in_dim3A_287], %gather3A_288 : memref<128x128xf32, #tpu.memory_space<vmem>>[vector<16xi32>, vector<16xi32>], vector<16xf32>,
              %broadcast_in_dim3A_289 = arith.constant 29 : i32
              %broadcast_in_dim3A_290 = vector.broadcast %broadcast_in_dim3A_289 : i32 to vector<16xi32>
              %gather3A_291 = tpu.vector_load_idx %arg12[%broadcast_in_dim3A_149, %broadcast_in_dim3A_290, %min3A_177] : memref<2x64x256xf32, #tpu.memory_space<vmem>>[vector<16xi32>, vector<16xi32>, vector<16xi32>], vector<16xf32>,
              tpu.vector_store_idx %arg13[%add3A_201, %broadcast_in_dim3A_290], %gather3A_291 : memref<128x128xf32, #tpu.memory_space<vmem>>[vector<16xi32>, vector<16xi32>], vector<16xf32>,
              %broadcast_in_dim3A_292 = arith.constant 30 : i32
              %broadcast_in_dim3A_293 = vector.broadcast %broadcast_in_dim3A_292 : i32 to vector<16xi32>
              %gather3A_294 = tpu.vector_load_idx %arg12[%broadcast_in_dim3A_149, %broadcast_in_dim3A_293, %min3A_177] : memref<2x64x256xf32, #tpu.memory_space<vmem>>[vector<16xi32>, vector<16xi32>, vector<16xi32>], vector<16xf32>,
              tpu.vector_store_idx %arg13[%add3A_201, %broadcast_in_dim3A_293], %gather3A_294 : memref<128x128xf32, #tpu.memory_space<vmem>>[vector<16xi32>, vector<16xi32>], vector<16xf32>,
              %broadcast_in_dim3A_295 = arith.constant 31 : i32
              %broadcast_in_dim3A_296 = vector.broadcast %broadcast_in_dim3A_295 : i32 to vector<16xi32>
              %gather3A_297 = tpu.vector_load_idx %arg12[%broadcast_in_dim3A_149, %broadcast_in_dim3A_296, %min3A_177] : memref<2x64x256xf32, #tpu.memory_space<vmem>>[vector<16xi32>, vector<16xi32>, vector<16xi32>], vector<16xf32>,
              tpu.vector_store_idx %arg13[%add3A_201, %broadcast_in_dim3A_296], %gather3A_297 : memref<128x128xf32, #tpu.memory_space<vmem>>[vector<16xi32>, vector<16xi32>], vector<16xf32>,
              %broadcast_in_dim3A_298 = arith.constant 32 : i32
              %broadcast_in_dim3A_299 = vector.broadcast %broadcast_in_dim3A_298 : i32 to vector<16xi32>
              %gather3A_300 = tpu.vector_load_idx %arg12[%broadcast_in_dim3A_149, %broadcast_in_dim3A_299, %min3A_177] : memref<2x64x256xf32, #tpu.memory_space<vmem>>[vector<16xi32>, vector<16xi32>, vector<16xi32>], vector<16xf32>,
              tpu.vector_store_idx %arg13[%add3A_201, %broadcast_in_dim3A_299], %gather3A_300 : memref<128x128xf32, #tpu.memory_space<vmem>>[vector<16xi32>, vector<16xi32>], vector<16xf32>,
              %broadcast_in_dim3A_301 = arith.constant 33 : i32
              %broadcast_in_dim3A_302 = vector.broadcast %broadcast_in_dim3A_301 : i32 to vector<16xi32>
              %gather3A_303 = tpu.vector_load_idx %arg12[%broadcast_in_dim3A_149, %broadcast_in_dim3A_302, %min3A_177] : memref<2x64x256xf32, #tpu.memory_space<vmem>>[vector<16xi32>, vector<16xi32>, vector<16xi32>], vector<16xf32>,
              tpu.vector_store_idx %arg13[%add3A_201, %broadcast_in_dim3A_302], %gather3A_303 : memref<128x128xf32, #tpu.memory_space<vmem>>[vector<16xi32>, vector<16xi32>], vector<16xf32>,
              %broadcast_in_dim3A_304 = arith.constant 34 : i32
              %broadcast_in_dim3A_305 = vector.broadcast %broadcast_in_dim3A_304 : i32 to vector<16xi32>
              %gather3A_306 = tpu.vector_load_idx %arg12[%broadcast_in_dim3A_149, %broadcast_in_dim3A_305, %min3A_177] : memref<2x64x256xf32, #tpu.memory_space<vmem>>[vector<16xi32>, vector<16xi32>, vector<16xi32>], vector<16xf32>,
              tpu.vector_store_idx %arg13[%add3A_201, %broadcast_in_dim3A_305], %gather3A_306 : memref<128x128xf32, #tpu.memory_space<vmem>>[vector<16xi32>, vector<16xi32>], vector<16xf32>,
              %broadcast_in_dim3A_307 = arith.constant 35 : i32
              %broadcast_in_dim3A_308 = vector.broadcast %broadcast_in_dim3A_307 : i32 to vector<16xi32>
              %gather3A_309 = tpu.vector_load_idx %arg12[%broadcast_in_dim3A_149, %broadcast_in_dim3A_308, %min3A_177] : memref<2x64x256xf32, #tpu.memory_space<vmem>>[vector<16xi32>, vector<16xi32>, vector<16xi32>], vector<16xf32>,
              tpu.vector_store_idx %arg13[%add3A_201, %broadcast_in_dim3A_308], %gather3A_309 : memref<128x128xf32, #tpu.memory_space<vmem>>[vector<16xi32>, vector<16xi32>], vector<16xf32>,
              %broadcast_in_dim3A_310 = arith.constant 36 : i32
              %broadcast_in_dim3A_311 = vector.broadcast %broadcast_in_dim3A_310 : i32 to vector<16xi32>
              %gather3A_312 = tpu.vector_load_idx %arg12[%broadcast_in_dim3A_149, %broadcast_in_dim3A_311, %min3A_177] : memref<2x64x256xf32, #tpu.memory_space<vmem>>[vector<16xi32>, vector<16xi32>, vector<16xi32>], vector<16xf32>,
              tpu.vector_store_idx %arg13[%add3A_201, %broadcast_in_dim3A_311], %gather3A_312 : memref<128x128xf32, #tpu.memory_space<vmem>>[vector<16xi32>, vector<16xi32>], vector<16xf32>,
              %broadcast_in_dim3A_313 = arith.constant 37 : i32
              %broadcast_in_dim3A_314 = vector.broadcast %broadcast_in_dim3A_313 : i32 to vector<16xi32>
              %gather3A_315 = tpu.vector_load_idx %arg12[%broadcast_in_dim3A_149, %broadcast_in_dim3A_314, %min3A_177] : memref<2x64x256xf32, #tpu.memory_space<vmem>>[vector<16xi32>, vector<16xi32>, vector<16xi32>], vector<16xf32>,
              tpu.vector_store_idx %arg13[%add3A_201, %broadcast_in_dim3A_314], %gather3A_315 : memref<128x128xf32, #tpu.memory_space<vmem>>[vector<16xi32>, vector<16xi32>], vector<16xf32>,
              %broadcast_in_dim3A_316 = arith.constant 38 : i32
              %broadcast_in_dim3A_317 = vector.broadcast %broadcast_in_dim3A_316 : i32 to vector<16xi32>
              %gather3A_318 = tpu.vector_load_idx %arg12[%broadcast_in_dim3A_149, %broadcast_in_dim3A_317, %min3A_177] : memref<2x64x256xf32, #tpu.memory_space<vmem>>[vector<16xi32>, vector<16xi32>, vector<16xi32>], vector<16xf32>,
              tpu.vector_store_idx %arg13[%add3A_201, %broadcast_in_dim3A_317], %gather3A_318 : memref<128x128xf32, #tpu.memory_space<vmem>>[vector<16xi32>, vector<16xi32>], vector<16xf32>,
              %broadcast_in_dim3A_319 = arith.constant 39 : i32
              %broadcast_in_dim3A_320 = vector.broadcast %broadcast_in_dim3A_319 : i32 to vector<16xi32>
              %gather3A_321 = tpu.vector_load_idx %arg12[%broadcast_in_dim3A_149, %broadcast_in_dim3A_320, %min3A_177] : memref<2x64x256xf32, #tpu.memory_space<vmem>>[vector<16xi32>, vector<16xi32>, vector<16xi32>], vector<16xf32>,
              tpu.vector_store_idx %arg13[%add3A_201, %broadcast_in_dim3A_320], %gather3A_321 : memref<128x128xf32, #tpu.memory_space<vmem>>[vector<16xi32>, vector<16xi32>], vector<16xf32>,
              %broadcast_in_dim3A_322 = arith.constant 40 : i32
              %broadcast_in_dim3A_323 = vector.broadcast %broadcast_in_dim3A_322 : i32 to vector<16xi32>
              %gather3A_324 = tpu.vector_load_idx %arg12[%broadcast_in_dim3A_149, %broadcast_in_dim3A_323, %min3A_177] : memref<2x64x256xf32, #tpu.memory_space<vmem>>[vector<16xi32>, vector<16xi32>, vector<16xi32>], vector<16xf32>,
              tpu.vector_store_idx %arg13[%add3A_201, %broadcast_in_dim3A_323], %gather3A_324 : memref<128x128xf32, #tpu.memory_space<vmem>>[vector<16xi32>, vector<16xi32>], vector<16xf32>,
              %broadcast_in_dim3A_325 = arith.constant 41 : i32
              %broadcast_in_dim3A_326 = vector.broadcast %broadcast_in_dim3A_325 : i32 to vector<16xi32>
              %gather3A_327 = tpu.vector_load_idx %arg12[%broadcast_in_dim3A_149, %broadcast_in_dim3A_326, %min3A_177] : memref<2x64x256xf32, #tpu.memory_space<vmem>>[vector<16xi32>, vector<16xi32>, vector<16xi32>], vector<16xf32>,
              tpu.vector_store_idx %arg13[%add3A_201, %broadcast_in_dim3A_326], %gather3A_327 : memref<128x128xf32, #tpu.memory_space<vmem>>[vector<16xi32>, vector<16xi32>], vector<16xf32>,
              %broadcast_in_dim3A_328 = arith.constant 42 : i32
              %broadcast_in_dim3A_329 = vector.broadcast %broadcast_in_dim3A_328 : i32 to vector<16xi32>
              %gather3A_330 = tpu.vector_load_idx %arg12[%broadcast_in_dim3A_149, %broadcast_in_dim3A_329, %min3A_177] : memref<2x64x256xf32, #tpu.memory_space<vmem>>[vector<16xi32>, vector<16xi32>, vector<16xi32>], vector<16xf32>,
              tpu.vector_store_idx %arg13[%add3A_201, %broadcast_in_dim3A_329], %gather3A_330 : memref<128x128xf32, #tpu.memory_space<vmem>>[vector<16xi32>, vector<16xi32>], vector<16xf32>,
              %broadcast_in_dim3A_331 = arith.constant 43 : i32
              %broadcast_in_dim3A_332 = vector.broadcast %broadcast_in_dim3A_331 : i32 to vector<16xi32>
              %gather3A_333 = tpu.vector_load_idx %arg12[%broadcast_in_dim3A_149, %broadcast_in_dim3A_332, %min3A_177] : memref<2x64x256xf32, #tpu.memory_space<vmem>>[vector<16xi32>, vector<16xi32>, vector<16xi32>], vector<16xf32>,
              tpu.vector_store_idx %arg13[%add3A_201, %broadcast_in_dim3A_332], %gather3A_333 : memref<128x128xf32, #tpu.memory_space<vmem>>[vector<16xi32>, vector<16xi32>], vector<16xf32>,
              %broadcast_in_dim3A_334 = arith.constant 44 : i32
              %broadcast_in_dim3A_335 = vector.broadcast %broadcast_in_dim3A_334 : i32 to vector<16xi32>
              %gather3A_336 = tpu.vector_load_idx %arg12[%broadcast_in_dim3A_149, %broadcast_in_dim3A_335, %min3A_177] : memref<2x64x256xf32, #tpu.memory_space<vmem>>[vector<16xi32>, vector<16xi32>, vector<16xi32>], vector<16xf32>,
              tpu.vector_store_idx %arg13[%add3A_201, %broadcast_in_dim3A_335], %gather3A_336 : memref<128x128xf32, #tpu.memory_space<vmem>>[vector<16xi32>, vector<16xi32>], vector<16xf32>,
              %broadcast_in_dim3A_337 = arith.constant 45 : i32
              %broadcast_in_dim3A_338 = vector.broadcast %broadcast_in_dim3A_337 : i32 to vector<16xi32>
              %gather3A_339 = tpu.vector_load_idx %arg12[%broadcast_in_dim3A_149, %broadcast_in_dim3A_338, %min3A_177] : memref<2x64x256xf32, #tpu.memory_space<vmem>>[vector<16xi32>, vector<16xi32>, vector<16xi32>], vector<16xf32>,
              tpu.vector_store_idx %arg13[%add3A_201, %broadcast_in_dim3A_338], %gather3A_339 : memref<128x128xf32, #tpu.memory_space<vmem>>[vector<16xi32>, vector<16xi32>], vector<16xf32>,
              %broadcast_in_dim3A_340 = arith.constant 46 : i32
              %broadcast_in_dim3A_341 = vector.broadcast %broadcast_in_dim3A_340 : i32 to vector<16xi32>
              %gather3A_342 = tpu.vector_load_idx %arg12[%broadcast_in_dim3A_149, %broadcast_in_dim3A_341, %min3A_177] : memref<2x64x256xf32, #tpu.memory_space<vmem>>[vector<16xi32>, vector<16xi32>, vector<16xi32>], vector<16xf32>,
              tpu.vector_store_idx %arg13[%add3A_201, %broadcast_in_dim3A_341], %gather3A_342 : memref<128x128xf32, #tpu.memory_space<vmem>>[vector<16xi32>, vector<16xi32>], vector<16xf32>,
              %broadcast_in_dim3A_343 = arith.constant 47 : i32
              %broadcast_in_dim3A_344 = vector.broadcast %broadcast_in_dim3A_343 : i32 to vector<16xi32>
              %gather3A_345 = tpu.vector_load_idx %arg12[%broadcast_in_dim3A_149, %broadcast_in_dim3A_344, %min3A_177] : memref<2x64x256xf32, #tpu.memory_space<vmem>>[vector<16xi32>, vector<16xi32>, vector<16xi32>], vector<16xf32>,
              tpu.vector_store_idx %arg13[%add3A_201, %broadcast_in_dim3A_344], %gather3A_345 : memref<128x128xf32, #tpu.memory_space<vmem>>[vector<16xi32>, vector<16xi32>], vector<16xf32>,
              %broadcast_in_dim3A_346 = arith.constant 48 : i32
              %broadcast_in_dim3A_347 = vector.broadcast %broadcast_in_dim3A_346 : i32 to vector<16xi32>
              %gather3A_348 = tpu.vector_load_idx %arg12[%broadcast_in_dim3A_149, %broadcast_in_dim3A_347, %min3A_177] : memref<2x64x256xf32, #tpu.memory_space<vmem>>[vector<16xi32>, vector<16xi32>, vector<16xi32>], vector<16xf32>,
              tpu.vector_store_idx %arg13[%add3A_201, %broadcast_in_dim3A_347], %gather3A_348 : memref<128x128xf32, #tpu.memory_space<vmem>>[vector<16xi32>, vector<16xi32>], vector<16xf32>,
              %broadcast_in_dim3A_349 = arith.constant 49 : i32
              %broadcast_in_dim3A_350 = vector.broadcast %broadcast_in_dim3A_349 : i32 to vector<16xi32>
              %gather3A_351 = tpu.vector_load_idx %arg12[%broadcast_in_dim3A_149, %broadcast_in_dim3A_350, %min3A_177] : memref<2x64x256xf32, #tpu.memory_space<vmem>>[vector<16xi32>, vector<16xi32>, vector<16xi32>], vector<16xf32>,
              tpu.vector_store_idx %arg13[%add3A_201, %broadcast_in_dim3A_350], %gather3A_351 : memref<128x128xf32, #tpu.memory_space<vmem>>[vector<16xi32>, vector<16xi32>], vector<16xf32>,
              %broadcast_in_dim3A_352 = arith.constant 50 : i32
              %broadcast_in_dim3A_353 = vector.broadcast %broadcast_in_dim3A_352 : i32 to vector<16xi32>
              %gather3A_354 = tpu.vector_load_idx %arg12[%broadcast_in_dim3A_149, %broadcast_in_dim3A_353, %min3A_177] : memref<2x64x256xf32, #tpu.memory_space<vmem>>[vector<16xi32>, vector<16xi32>, vector<16xi32>], vector<16xf32>,
              tpu.vector_store_idx %arg13[%add3A_201, %broadcast_in_dim3A_353], %gather3A_354 : memref<128x128xf32, #tpu.memory_space<vmem>>[vector<16xi32>, vector<16xi32>], vector<16xf32>,
              %broadcast_in_dim3A_355 = arith.constant 51 : i32
              %broadcast_in_dim3A_356 = vector.broadcast %broadcast_in_dim3A_355 : i32 to vector<16xi32>
              %gather3A_357 = tpu.vector_load_idx %arg12[%broadcast_in_dim3A_149, %broadcast_in_dim3A_356, %min3A_177] : memref<2x64x256xf32, #tpu.memory_space<vmem>>[vector<16xi32>, vector<16xi32>, vector<16xi32>], vector<16xf32>,
              tpu.vector_store_idx %arg13[%add3A_201, %broadcast_in_dim3A_356], %gather3A_357 : memref<128x128xf32, #tpu.memory_space<vmem>>[vector<16xi32>, vector<16xi32>], vector<16xf32>,
              %broadcast_in_dim3A_358 = arith.constant 52 : i32
              %broadcast_in_dim3A_359 = vector.broadcast %broadcast_in_dim3A_358 : i32 to vector<16xi32>
              %gather3A_360 = tpu.vector_load_idx %arg12[%broadcast_in_dim3A_149, %broadcast_in_dim3A_359, %min3A_177] : memref<2x64x256xf32, #tpu.memory_space<vmem>>[vector<16xi32>, vector<16xi32>, vector<16xi32>], vector<16xf32>,
              tpu.vector_store_idx %arg13[%add3A_201, %broadcast_in_dim3A_359], %gather3A_360 : memref<128x128xf32, #tpu.memory_space<vmem>>[vector<16xi32>, vector<16xi32>], vector<16xf32>,
              %broadcast_in_dim3A_361 = arith.constant 53 : i32
              %broadcast_in_dim3A_362 = vector.broadcast %broadcast_in_dim3A_361 : i32 to vector<16xi32>
              %gather3A_363 = tpu.vector_load_idx %arg12[%broadcast_in_dim3A_149, %broadcast_in_dim3A_362, %min3A_177] : memref<2x64x256xf32, #tpu.memory_space<vmem>>[vector<16xi32>, vector<16xi32>, vector<16xi32>], vector<16xf32>,
              tpu.vector_store_idx %arg13[%add3A_201, %broadcast_in_dim3A_362], %gather3A_363 : memref<128x128xf32, #tpu.memory_space<vmem>>[vector<16xi32>, vector<16xi32>], vector<16xf32>,
              %broadcast_in_dim3A_364 = arith.constant 54 : i32
              %broadcast_in_dim3A_365 = vector.broadcast %broadcast_in_dim3A_364 : i32 to vector<16xi32>
              %gather3A_366 = tpu.vector_load_idx %arg12[%broadcast_in_dim3A_149, %broadcast_in_dim3A_365, %min3A_177] : memref<2x64x256xf32, #tpu.memory_space<vmem>>[vector<16xi32>, vector<16xi32>, vector<16xi32>], vector<16xf32>,
              tpu.vector_store_idx %arg13[%add3A_201, %broadcast_in_dim3A_365], %gather3A_366 : memref<128x128xf32, #tpu.memory_space<vmem>>[vector<16xi32>, vector<16xi32>], vector<16xf32>,
              %broadcast_in_dim3A_367 = arith.constant 55 : i32
              %broadcast_in_dim3A_368 = vector.broadcast %broadcast_in_dim3A_367 : i32 to vector<16xi32>
              %gather3A_369 = tpu.vector_load_idx %arg12[%broadcast_in_dim3A_149, %broadcast_in_dim3A_368, %min3A_177] : memref<2x64x256xf32, #tpu.memory_space<vmem>>[vector<16xi32>, vector<16xi32>, vector<16xi32>], vector<16xf32>,
              tpu.vector_store_idx %arg13[%add3A_201, %broadcast_in_dim3A_368], %gather3A_369 : memref<128x128xf32, #tpu.memory_space<vmem>>[vector<16xi32>, vector<16xi32>], vector<16xf32>,
              %broadcast_in_dim3A_370 = arith.constant 56 : i32
              %broadcast_in_dim3A_371 = vector.broadcast %broadcast_in_dim3A_370 : i32 to vector<16xi32>
              %gather3A_372 = tpu.vector_load_idx %arg12[%broadcast_in_dim3A_149, %broadcast_in_dim3A_371, %min3A_177] : memref<2x64x256xf32, #tpu.memory_space<vmem>>[vector<16xi32>, vector<16xi32>, vector<16xi32>], vector<16xf32>,
              tpu.vector_store_idx %arg13[%add3A_201, %broadcast_in_dim3A_371], %gather3A_372 : memref<128x128xf32, #tpu.memory_space<vmem>>[vector<16xi32>, vector<16xi32>], vector<16xf32>,
              %broadcast_in_dim3A_373 = arith.constant 57 : i32
              %broadcast_in_dim3A_374 = vector.broadcast %broadcast_in_dim3A_373 : i32 to vector<16xi32>
              %gather3A_375 = tpu.vector_load_idx %arg12[%broadcast_in_dim3A_149, %broadcast_in_dim3A_374, %min3A_177] : memref<2x64x256xf32, #tpu.memory_space<vmem>>[vector<16xi32>, vector<16xi32>, vector<16xi32>], vector<16xf32>,
              tpu.vector_store_idx %arg13[%add3A_201, %broadcast_in_dim3A_374], %gather3A_375 : memref<128x128xf32, #tpu.memory_space<vmem>>[vector<16xi32>, vector<16xi32>], vector<16xf32>,
              %broadcast_in_dim3A_376 = arith.constant 58 : i32
              %broadcast_in_dim3A_377 = vector.broadcast %broadcast_in_dim3A_376 : i32 to vector<16xi32>
              %gather3A_378 = tpu.vector_load_idx %arg12[%broadcast_in_dim3A_149, %broadcast_in_dim3A_377, %min3A_177] : memref<2x64x256xf32, #tpu.memory_space<vmem>>[vector<16xi32>, vector<16xi32>, vector<16xi32>], vector<16xf32>,
              tpu.vector_store_idx %arg13[%add3A_201, %broadcast_in_dim3A_377], %gather3A_378 : memref<128x128xf32, #tpu.memory_space<vmem>>[vector<16xi32>, vector<16xi32>], vector<16xf32>,
              %broadcast_in_dim3A_379 = arith.constant 59 : i32
              %broadcast_in_dim3A_380 = vector.broadcast %broadcast_in_dim3A_379 : i32 to vector<16xi32>
              %gather3A_381 = tpu.vector_load_idx %arg12[%broadcast_in_dim3A_149, %broadcast_in_dim3A_380, %min3A_177] : memref<2x64x256xf32, #tpu.memory_space<vmem>>[vector<16xi32>, vector<16xi32>, vector<16xi32>], vector<16xf32>,
              tpu.vector_store_idx %arg13[%add3A_201, %broadcast_in_dim3A_380], %gather3A_381 : memref<128x128xf32, #tpu.memory_space<vmem>>[vector<16xi32>, vector<16xi32>], vector<16xf32>,
              %broadcast_in_dim3A_382 = arith.constant 60 : i32
              %broadcast_in_dim3A_383 = vector.broadcast %broadcast_in_dim3A_382 : i32 to vector<16xi32>
              %gather3A_384 = tpu.vector_load_idx %arg12[%broadcast_in_dim3A_149, %broadcast_in_dim3A_383, %min3A_177] : memref<2x64x256xf32, #tpu.memory_space<vmem>>[vector<16xi32>, vector<16xi32>, vector<16xi32>], vector<16xf32>,
              tpu.vector_store_idx %arg13[%add3A_201, %broadcast_in_dim3A_383], %gather3A_384 : memref<128x128xf32, #tpu.memory_space<vmem>>[vector<16xi32>, vector<16xi32>], vector<16xf32>,
              %broadcast_in_dim3A_385 = arith.constant 61 : i32
              %broadcast_in_dim3A_386 = vector.broadcast %broadcast_in_dim3A_385 : i32 to vector<16xi32>
              %gather3A_387 = tpu.vector_load_idx %arg12[%broadcast_in_dim3A_149, %broadcast_in_dim3A_386, %min3A_177] : memref<2x64x256xf32, #tpu.memory_space<vmem>>[vector<16xi32>, vector<16xi32>, vector<16xi32>], vector<16xf32>,
              tpu.vector_store_idx %arg13[%add3A_201, %broadcast_in_dim3A_386], %gather3A_387 : memref<128x128xf32, #tpu.memory_space<vmem>>[vector<16xi32>, vector<16xi32>], vector<16xf32>,
              %broadcast_in_dim3A_388 = arith.constant 62 : i32
              %broadcast_in_dim3A_389 = vector.broadcast %broadcast_in_dim3A_388 : i32 to vector<16xi32>
              %gather3A_390 = tpu.vector_load_idx %arg12[%broadcast_in_dim3A_149, %broadcast_in_dim3A_389, %min3A_177] : memref<2x64x256xf32, #tpu.memory_space<vmem>>[vector<16xi32>, vector<16xi32>, vector<16xi32>], vector<16xf32>,
              tpu.vector_store_idx %arg13[%add3A_201, %broadcast_in_dim3A_389], %gather3A_390 : memref<128x128xf32, #tpu.memory_space<vmem>>[vector<16xi32>, vector<16xi32>], vector<16xf32>,
              %broadcast_in_dim3A_391 = arith.constant 63 : i32
              %broadcast_in_dim3A_392 = vector.broadcast %broadcast_in_dim3A_391 : i32 to vector<16xi32>
              %gather3A_393 = tpu.vector_load_idx %arg12[%broadcast_in_dim3A_149, %broadcast_in_dim3A_392, %min3A_177] : memref<2x64x256xf32, #tpu.memory_space<vmem>>[vector<16xi32>, vector<16xi32>, vector<16xi32>], vector<16xf32>,
              tpu.vector_store_idx %arg13[%add3A_201, %broadcast_in_dim3A_392], %gather3A_393 : memref<128x128xf32, #tpu.memory_space<vmem>>[vector<16xi32>, vector<16xi32>], vector<16xf32>,
              %broadcast_in_dim3A_394 = arith.constant 0 : i32
              %broadcast_in_dim3A_395 = vector.broadcast %broadcast_in_dim3A_394 : i32 to vector<16xi32>
              tpu.vector_store_idx %arg14[%broadcast_in_dim3A_395, %add3A_201], %select_n3A : memref<1x128xi32, #tpu.memory_space<vmem>>[vector<16xi32>, vector<16xi32>], vector<16xi32>,
            } else {
            }
            %add3A_196 = arith.addi %while3A_152, %squeeze3A : i32
            %add3A_197 = arith.addi %select_n3A_190, %squeeze3A : i32
            %eq3A_198 = arith.constant 16 : i32
            %eq3A_199 = arith.cmpi eq, %squeeze3A, %eq3A_198 : i32
            scf.yield %add3A_196, %add3A_197, %eq3A_199 : i32, i32, i1
          }
          scf.yield %while3A_151#0, %while3A_151#1 : i32, i32
        }
        %dma_start3A = arith.constant 0 : i32
        %dma_start3A_66 = arith.constant 2 : i32
        %dma_start3A_67 = arith.constant 0 : i32
        %dma_start3A_68 = tpu.memref_slice %arg14[%dma_start3A, %dma_start3A_67] : memref<1x128xi32, #tpu.memory_space<vmem>> -> memref<1x128xi32, #tpu.memory_space<vmem>>
        %dma_start3A_69 = tpu.memref_squeeze %dma_start3A_68 : memref<1x128xi32, #tpu.memory_space<vmem>> -> memref<128xi32, #tpu.memory_space<vmem>>
        %dma_start3A_70 = arith.constant 0 : i32
        %dma_start3A_71 = arith.constant 0 : i32
        %dma_start3A_72 = tpu.memref_slice %arg9[%dma_start3A_70, %dma_start3A_71] : memref<16392x128xf32, #tpu.memory_space<hbm>> -> memref<16392x128xf32, #tpu.memory_space<hbm>>
        %dma_start3A_73 = tpu.memref_slice %arg15[%dma_start3A_66] : memref<3x!tpu.dma_semaphore, #tpu.memory_space<semaphore_mem>> -> memref<1x!tpu.dma_semaphore, #tpu.memory_space<semaphore_mem>>
        %dma_start3A_74 = tpu.memref_squeeze %dma_start3A_73 : memref<1x!tpu.dma_semaphore, #tpu.memory_space<semaphore_mem>> -> memref<!tpu.dma_semaphore, #tpu.memory_space<semaphore_mem>>
        tpu.enqueue_indirect_dma source(%arg13 : memref<128x128xf32, #tpu.memory_space<vmem>>) target(%dma_start3A_72 : memref<16392x128xf32, #tpu.memory_space<hbm>>) offsets(%dma_start3A_69 : memref<128xi32, #tpu.memory_space<vmem>>) semaphore(%dma_start3A_74 : memref<!tpu.dma_semaphore, #tpu.memory_space<semaphore_mem>>)
        %dma_wait3A = arith.constant 0 : i32
        %dma_wait3A_75 = arith.constant 2 : i32
        %dma_wait3A_76 = arith.constant 0 : i32
        %dma_wait3A_77 = tpu.memref_slice %arg14[%dma_wait3A, %dma_wait3A_76] : memref<1x128xi32, #tpu.memory_space<vmem>> -> memref<1x128xi32, #tpu.memory_space<vmem>>
        %dma_wait3A_78 = tpu.memref_squeeze %dma_wait3A_77 : memref<1x128xi32, #tpu.memory_space<vmem>> -> memref<128xi32, #tpu.memory_space<vmem>>
        %dma_wait3A_79 = arith.constant 0 : i32
        %dma_wait3A_80 = arith.constant 0 : i32
        %dma_wait3A_81 = tpu.memref_slice %arg9[%dma_wait3A_79, %dma_wait3A_80] : memref<16392x128xf32, #tpu.memory_space<hbm>> -> memref<16392x128xf32, #tpu.memory_space<hbm>>
        %dma_wait3A_82 = tpu.memref_slice %arg15[%dma_wait3A_75] : memref<3x!tpu.dma_semaphore, #tpu.memory_space<semaphore_mem>> -> memref<1x!tpu.dma_semaphore, #tpu.memory_space<semaphore_mem>>
        %dma_wait3A_83 = tpu.memref_squeeze %dma_wait3A_82 : memref<1x!tpu.dma_semaphore, #tpu.memory_space<semaphore_mem>> -> memref<!tpu.dma_semaphore, #tpu.memory_space<semaphore_mem>>
        tpu.wait_indirect_dma semaphore(%dma_wait3A_83 : memref<!tpu.dma_semaphore, #tpu.memory_space<semaphore_mem>>) src(%arg13 : memref<128x128xf32, #tpu.memory_space<vmem>>) dst(%dma_wait3A_81 : memref<16392x128xf32, #tpu.memory_space<hbm>>)
        %broadcast_in_dim3A_84 = arith.constant 0 : i32
        %broadcast_in_dim3A_85 = vector.broadcast %broadcast_in_dim3A_84 : i32 to vector<16xi32>
        %broadcast_in_dim3A_86 = arith.constant 16384 : i32
        %broadcast_in_dim3A_87 = vector.broadcast %broadcast_in_dim3A_86 : i32 to vector<16xi32>
        %add3A_88 = arith.constant 0 : i32
        %add3A_89 = vector.broadcast %add3A_88 : i32 to vector<16xi32>
        %add3A_90 = arith.addi %add3A_89, %iota3A : vector<16xi32>
        tpu.vector_store_idx %arg14[%broadcast_in_dim3A_85, %add3A_90], %broadcast_in_dim3A_87 : memref<1x128xi32, #tpu.memory_space<vmem>>[vector<16xi32>, vector<16xi32>], vector<16xi32>,
        %add3A_91 = arith.constant 16 : i32
        %add3A_92 = vector.broadcast %add3A_91 : i32 to vector<16xi32>
        %add3A_93 = arith.addi %add3A_92, %iota3A : vector<16xi32>
        tpu.vector_store_idx %arg14[%broadcast_in_dim3A_85, %add3A_93], %broadcast_in_dim3A_87 : memref<1x128xi32, #tpu.memory_space<vmem>>[vector<16xi32>, vector<16xi32>], vector<16xi32>,
        %add3A_94 = arith.constant 32 : i32
        %add3A_95 = vector.broadcast %add3A_94 : i32 to vector<16xi32>
        %add3A_96 = arith.addi %add3A_95, %iota3A : vector<16xi32>
        tpu.vector_store_idx %arg14[%broadcast_in_dim3A_85, %add3A_96], %broadcast_in_dim3A_87 : memref<1x128xi32, #tpu.memory_space<vmem>>[vector<16xi32>, vector<16xi32>], vector<16xi32>,
        %add3A_97 = arith.constant 48 : i32
        %add3A_98 = vector.broadcast %add3A_97 : i32 to vector<16xi32>
        %add3A_99 = arith.addi %add3A_98, %iota3A : vector<16xi32>
        tpu.vector_store_idx %arg14[%broadcast_in_dim3A_85, %add3A_99], %broadcast_in_dim3A_87 : memref<1x128xi32, #tpu.memory_space<vmem>>[vector<16xi32>, vector<16xi32>], vector<16xi32>,
        %add3A_100 = arith.constant 64 : i32
        %add3A_101 = vector.broadcast %add3A_100 : i32 to vector<16xi32>
        %add3A_102 = arith.addi %add3A_101, %iota3A : vector<16xi32>
        tpu.vector_store_idx %arg14[%broadcast_in_dim3A_85, %add3A_102], %broadcast_in_dim3A_87 : memref<1x128xi32, #tpu.memory_space<vmem>>[vector<16xi32>, vector<16xi32>], vector<16xi32>,
        %add3A_103 = arith.constant 80 : i32
        %add3A_104 = vector.broadcast %add3A_103 : i32 to vector<16xi32>
        %add3A_105 = arith.addi %add3A_104, %iota3A : vector<16xi32>
        tpu.vector_store_idx %arg14[%broadcast_in_dim3A_85, %add3A_105], %broadcast_in_dim3A_87 : memref<1x128xi32, #tpu.memory_space<vmem>>[vector<16xi32>, vector<16xi32>], vector<16xi32>,
        %add3A_106 = arith.constant 96 : i32
        %add3A_107 = vector.broadcast %add3A_106 : i32 to vector<16xi32>
        %add3A_108 = arith.addi %add3A_107, %iota3A : vector<16xi32>
        tpu.vector_store_idx %arg14[%broadcast_in_dim3A_85, %add3A_108], %broadcast_in_dim3A_87 : memref<1x128xi32, #tpu.memory_space<vmem>>[vector<16xi32>, vector<16xi32>], vector<16xi32>,
        %add3A_109 = arith.constant 112 : i32
        %add3A_110 = vector.broadcast %add3A_109 : i32 to vector<16xi32>
        %add3A_111 = arith.addi %add3A_110, %iota3A : vector<16xi32>
        tpu.vector_store_idx %arg14[%broadcast_in_dim3A_85, %add3A_111], %broadcast_in_dim3A_87 : memref<1x128xi32, #tpu.memory_space<vmem>>[vector<16xi32>, vector<16xi32>], vector<16xi32>,
      } else {
      }
    } else {
    }
    return
  }
}

#map = affine_map<(d0, d1) -> (0, 0)>
#map1 = affine_map<(d0, d1) -> (0)>
module attributes {stable_mosaic.version = 14 : i64} {
  func.func @combine(%arg0: i32, %arg1: i32, %arg2: memref<32776x128xf32, #tpu.memory_space<hbm>>, %arg3: memref<16392x128xf32, #tpu.memory_space<hbm>>, %arg4: memref<128xf32, #tpu.memory_space<hbm>>, %arg5: memref<128xf32, #tpu.memory_space<hbm>>, %arg6: memref<16384xf32, #tpu.memory_space<hbm>>, %arg7: memref<256x128xf32, #tpu.memory_space<vmem>>, %arg8: memref<256x128xf32, #tpu.memory_space<vmem>>, %arg9: memref<256x128xf32, #tpu.memory_space<vmem>>, %arg10: memref<512xf32, #tpu.memory_space<vmem>>, %arg11: memref<128xf32, #tpu.memory_space<vmem>>, %arg12: memref<128xf32, #tpu.memory_space<vmem>>, %arg13: memref<!tpu.dma_semaphore, #tpu.memory_space<semaphore_mem>>) attributes {dimension_semantics = [#tpu.dimension_semantics<core_parallel>, #tpu.dimension_semantics<subcore_parallel>], iteration_bounds = array<i64: 2, 16>, scalar_prefetch = 0 : i64, scratch_operands = 7 : i64, tpu.core_type = #tpu.core_type<sc_vector_subcore>, window_params = [{transform_indices = #map}, {transform_indices = #map}, {transform_indices = #map1}, {transform_indices = #map1}, {transform_indices = #map1}]} {
    %mul3A = arith.constant 2 : i32
    %mul3A_0 = arith.muli %arg1, %mul3A : i32
    %add3A = arith.addi %mul3A_0, %arg0 : i32
    %mul3A_1 = arith.constant 512 : i32
    %mul3A_2 = arith.muli %add3A, %mul3A_1 : i32
    "tpu.region"() ({
      %run_scoped3A = tpu.sem_alloc : memref<!tpu.dma_semaphore, #tpu.memory_space<semaphore_mem>>
      tpu.enqueue_dma source(%arg4 : memref<128xf32, #tpu.memory_space<hbm>>) target(%arg11 : memref<128xf32, #tpu.memory_space<vmem>>) target_semaphore(%run_scoped3A : memref<!tpu.dma_semaphore, #tpu.memory_space<semaphore_mem>>)
      tpu.wait_dma2 semaphore(%run_scoped3A : memref<!tpu.dma_semaphore, #tpu.memory_space<semaphore_mem>>) src(%arg4 : memref<128xf32, #tpu.memory_space<hbm>>) dst(%arg11 : memref<128xf32, #tpu.memory_space<vmem>>)
      tpu.yield
    }) : () -> ()
    "tpu.region"() ({
      %run_scoped3A = tpu.sem_alloc : memref<!tpu.dma_semaphore, #tpu.memory_space<semaphore_mem>>
      tpu.enqueue_dma source(%arg5 : memref<128xf32, #tpu.memory_space<hbm>>) target(%arg12 : memref<128xf32, #tpu.memory_space<vmem>>) target_semaphore(%run_scoped3A : memref<!tpu.dma_semaphore, #tpu.memory_space<semaphore_mem>>)
      tpu.wait_dma2 semaphore(%run_scoped3A : memref<!tpu.dma_semaphore, #tpu.memory_space<semaphore_mem>>) src(%arg5 : memref<128xf32, #tpu.memory_space<hbm>>) dst(%arg12 : memref<128xf32, #tpu.memory_space<vmem>>)
      tpu.yield
    }) : () -> ()
    %get3A = arith.constant 0 : index
    %get3A_3 = tpu.vector_load %arg11[%get3A] {strides = array<i32>} : memref<128xf32, #tpu.memory_space<vmem>>, vector<16xf32>,
    %get3A_4 = arith.constant 0 : index
    %get3A_5 = tpu.vector_load %arg12[%get3A_4] {strides = array<i32>} : memref<128xf32, #tpu.memory_space<vmem>>, vector<16xf32>,
    %iota3A = tpu.iota {dimensions = array<i32: 0>} : vector<16xi32>
    %scan3A = arith.constant 0 : i32
    %scan3A_6 = arith.constant 0 : i32
    %scan3A_7 = arith.constant 2 : i32
    %scan3A_8 = arith.addi %scan3A_6, %scan3A_7 : i32
    %scan3A_9 = arith.constant 1 : i32
    scf.for %scan3A_11 = %scan3A_6 to %scan3A_8 step %scan3A_9  : i32 {
      %mul3A_12 = arith.constant 256 : i32
      %mul3A_13 = arith.muli %scan3A_11, %mul3A_12 : i32
      %add3A_14 = arith.addi %mul3A_2, %mul3A_13 : i32
      %dma_start3A = arith.constant 0 : i32
      %dma_start3A_15 = tpu.memref_slice %arg2[%add3A_14, %dma_start3A] : memref<32776x128xf32, #tpu.memory_space<hbm>> -> memref<256x128xf32, #tpu.memory_space<hbm>>
      %dma_start3A_16 = arith.constant 0 : i32
      %dma_start3A_17 = tpu.memref_slice %arg2[%add3A_14, %dma_start3A_16] : memref<32776x128xf32, #tpu.memory_space<hbm>> -> memref<256x128xf32, #tpu.memory_space<hbm>>
      tpu.enqueue_dma source(%dma_start3A_17 : memref<256x128xf32, #tpu.memory_space<hbm>>) target(%arg7 : memref<256x128xf32, #tpu.memory_space<vmem>>) target_semaphore(%arg13 : memref<!tpu.dma_semaphore, #tpu.memory_space<semaphore_mem>>)
      %add3A_18 = arith.constant 16384 : i32
      %add3A_19 = arith.addi %add3A_18, %add3A_14 : i32
      %dma_start3A_20 = arith.constant 0 : i32
      %dma_start3A_21 = tpu.memref_slice %arg2[%add3A_19, %dma_start3A_20] : memref<32776x128xf32, #tpu.memory_space<hbm>> -> memref<256x128xf32, #tpu.memory_space<hbm>>
      %dma_start3A_22 = arith.constant 0 : i32
      %dma_start3A_23 = tpu.memref_slice %arg2[%add3A_19, %dma_start3A_22] : memref<32776x128xf32, #tpu.memory_space<hbm>> -> memref<256x128xf32, #tpu.memory_space<hbm>>
      tpu.enqueue_dma source(%dma_start3A_23 : memref<256x128xf32, #tpu.memory_space<hbm>>) target(%arg8 : memref<256x128xf32, #tpu.memory_space<vmem>>) target_semaphore(%arg13 : memref<!tpu.dma_semaphore, #tpu.memory_space<semaphore_mem>>)
      %dma_start3A_24 = arith.constant 0 : i32
      %dma_start3A_25 = tpu.memref_slice %arg3[%add3A_14, %dma_start3A_24] : memref<16392x128xf32, #tpu.memory_space<hbm>> -> memref<256x128xf32, #tpu.memory_space<hbm>>
      %dma_start3A_26 = arith.constant 0 : i32
      %dma_start3A_27 = tpu.memref_slice %arg3[%add3A_14, %dma_start3A_26] : memref<16392x128xf32, #tpu.memory_space<hbm>> -> memref<256x128xf32, #tpu.memory_space<hbm>>
      tpu.enqueue_dma source(%dma_start3A_27 : memref<256x128xf32, #tpu.memory_space<hbm>>) target(%arg9 : memref<256x128xf32, #tpu.memory_space<vmem>>) target_semaphore(%arg13 : memref<!tpu.dma_semaphore, #tpu.memory_space<semaphore_mem>>)
      %dma_wait3A = arith.constant 0 : i32
      %dma_wait3A_28 = tpu.memref_slice %arg2[%add3A_14, %dma_wait3A] : memref<32776x128xf32, #tpu.memory_space<hbm>> -> memref<256x128xf32, #tpu.memory_space<hbm>>
      %dma_wait3A_29 = arith.constant 0 : i32
      %dma_wait3A_30 = tpu.memref_slice %arg2[%add3A_14, %dma_wait3A_29] : memref<32776x128xf32, #tpu.memory_space<hbm>> -> memref<256x128xf32, #tpu.memory_space<hbm>>
      tpu.wait_dma2 semaphore(%arg13 : memref<!tpu.dma_semaphore, #tpu.memory_space<semaphore_mem>>) src(%dma_wait3A_30 : memref<256x128xf32, #tpu.memory_space<hbm>>) dst(%arg7 : memref<256x128xf32, #tpu.memory_space<vmem>>)
      %dma_wait3A_31 = arith.constant 0 : i32
      %dma_wait3A_32 = tpu.memref_slice %arg2[%add3A_19, %dma_wait3A_31] : memref<32776x128xf32, #tpu.memory_space<hbm>> -> memref<256x128xf32, #tpu.memory_space<hbm>>
      %dma_wait3A_33 = arith.constant 0 : i32
      %dma_wait3A_34 = tpu.memref_slice %arg2[%add3A_19, %dma_wait3A_33] : memref<32776x128xf32, #tpu.memory_space<hbm>> -> memref<256x128xf32, #tpu.memory_space<hbm>>
      tpu.wait_dma2 semaphore(%arg13 : memref<!tpu.dma_semaphore, #tpu.memory_space<semaphore_mem>>) src(%dma_wait3A_34 : memref<256x128xf32, #tpu.memory_space<hbm>>) dst(%arg8 : memref<256x128xf32, #tpu.memory_space<vmem>>)
      %dma_wait3A_35 = arith.constant 0 : i32
      %dma_wait3A_36 = tpu.memref_slice %arg3[%add3A_14, %dma_wait3A_35] : memref<16392x128xf32, #tpu.memory_space<hbm>> -> memref<256x128xf32, #tpu.memory_space<hbm>>
      %dma_wait3A_37 = arith.constant 0 : i32
      %dma_wait3A_38 = tpu.memref_slice %arg3[%add3A_14, %dma_wait3A_37] : memref<16392x128xf32, #tpu.memory_space<hbm>> -> memref<256x128xf32, #tpu.memory_space<hbm>>
      tpu.wait_dma2 semaphore(%arg13 : memref<!tpu.dma_semaphore, #tpu.memory_space<semaphore_mem>>) src(%dma_wait3A_38 : memref<256x128xf32, #tpu.memory_space<hbm>>) dst(%arg9 : memref<256x128xf32, #tpu.memory_space<vmem>>)
      %scan3A_39 = arith.constant 0 : i32
      %scan3A_40 = arith.constant 0 : i32
      %scan3A_41 = arith.constant 16 : i32
      %scan3A_42 = arith.addi %scan3A_40, %scan3A_41 : i32
      %scan3A_43 = arith.constant 1 : i32
      scf.for %scan3A_45 = %scan3A_40 to %scan3A_42 step %scan3A_43  : i32 {
        %mul3A_46 = arith.constant 16 : i32
        %mul3A_47 = arith.muli %scan3A_45, %mul3A_46 : i32
        %add3A_48 = vector.broadcast %mul3A_47 : i32 to vector<16xi32>
        %add3A_49 = arith.addi %add3A_48, %iota3A : vector<16xi32>
        %broadcast_in_dim3A = arith.constant 0.000000e+00 : f32
        %broadcast_in_dim3A_50 = vector.broadcast %broadcast_in_dim3A : f32 to vector<16xf32>
        %broadcast_in_dim3A_51 = arith.constant 0 : i32
        %broadcast_in_dim3A_52 = vector.broadcast %broadcast_in_dim3A_51 : i32 to vector<16xi32>
        %gather3A = tpu.vector_load_idx %arg7[%add3A_49, %broadcast_in_dim3A_52] : memref<256x128xf32, #tpu.memory_space<vmem>>[vector<16xi32>, vector<16xi32>], vector<16xf32>,
        %gather3A_53 = tpu.vector_load_idx %arg9[%add3A_49, %broadcast_in_dim3A_52] : memref<256x128xf32, #tpu.memory_space<vmem>>[vector<16xi32>, vector<16xi32>], vector<16xf32>,
        %mul3A_54 = arith.mulf %gather3A, %gather3A_53 : vector<16xf32>
        %gather3A_55 = tpu.vector_load_idx %arg8[%add3A_49, %broadcast_in_dim3A_52] : memref<256x128xf32, #tpu.memory_space<vmem>>[vector<16xi32>, vector<16xi32>], vector<16xf32>,
        %mul3A_56 = arith.mulf %mul3A_54, %gather3A_55 : vector<16xf32>
        %add3A_57 = arith.addf %broadcast_in_dim3A_50, %mul3A_56 : vector<16xf32>
        %broadcast_in_dim3A_58 = arith.constant 1 : i32
        %broadcast_in_dim3A_59 = vector.broadcast %broadcast_in_dim3A_58 : i32 to vector<16xi32>
        %gather3A_60 = tpu.vector_load_idx %arg7[%add3A_49, %broadcast_in_dim3A_59] : memref<256x128xf32, #tpu.memory_space<vmem>>[vector<16xi32>, vector<16xi32>], vector<16xf32>,
        %gather3A_61 = tpu.vector_load_idx %arg9[%add3A_49, %broadcast_in_dim3A_59] : memref<256x128xf32, #tpu.memory_space<vmem>>[vector<16xi32>, vector<16xi32>], vector<16xf32>,
        %mul3A_62 = arith.mulf %gather3A_60, %gather3A_61 : vector<16xf32>
        %gather3A_63 = tpu.vector_load_idx %arg8[%add3A_49, %broadcast_in_dim3A_59] : memref<256x128xf32, #tpu.memory_space<vmem>>[vector<16xi32>, vector<16xi32>], vector<16xf32>,
        %mul3A_64 = arith.mulf %mul3A_62, %gather3A_63 : vector<16xf32>
        %add3A_65 = arith.addf %add3A_57, %mul3A_64 : vector<16xf32>
        %broadcast_in_dim3A_66 = arith.constant 2 : i32
        %broadcast_in_dim3A_67 = vector.broadcast %broadcast_in_dim3A_66 : i32 to vector<16xi32>
        %gather3A_68 = tpu.vector_load_idx %arg7[%add3A_49, %broadcast_in_dim3A_67] : memref<256x128xf32, #tpu.memory_space<vmem>>[vector<16xi32>, vector<16xi32>], vector<16xf32>,
        %gather3A_69 = tpu.vector_load_idx %arg9[%add3A_49, %broadcast_in_dim3A_67] : memref<256x128xf32, #tpu.memory_space<vmem>>[vector<16xi32>, vector<16xi32>], vector<16xf32>,
        %mul3A_70 = arith.mulf %gather3A_68, %gather3A_69 : vector<16xf32>
        %gather3A_71 = tpu.vector_load_idx %arg8[%add3A_49, %broadcast_in_dim3A_67] : memref<256x128xf32, #tpu.memory_space<vmem>>[vector<16xi32>, vector<16xi32>], vector<16xf32>,
        %mul3A_72 = arith.mulf %mul3A_70, %gather3A_71 : vector<16xf32>
        %add3A_73 = arith.addf %add3A_65, %mul3A_72 : vector<16xf32>
        %broadcast_in_dim3A_74 = arith.constant 3 : i32
        %broadcast_in_dim3A_75 = vector.broadcast %broadcast_in_dim3A_74 : i32 to vector<16xi32>
        %gather3A_76 = tpu.vector_load_idx %arg7[%add3A_49, %broadcast_in_dim3A_75] : memref<256x128xf32, #tpu.memory_space<vmem>>[vector<16xi32>, vector<16xi32>], vector<16xf32>,
        %gather3A_77 = tpu.vector_load_idx %arg9[%add3A_49, %broadcast_in_dim3A_75] : memref<256x128xf32, #tpu.memory_space<vmem>>[vector<16xi32>, vector<16xi32>], vector<16xf32>,
        %mul3A_78 = arith.mulf %gather3A_76, %gather3A_77 : vector<16xf32>
        %gather3A_79 = tpu.vector_load_idx %arg8[%add3A_49, %broadcast_in_dim3A_75] : memref<256x128xf32, #tpu.memory_space<vmem>>[vector<16xi32>, vector<16xi32>], vector<16xf32>,
        %mul3A_80 = arith.mulf %mul3A_78, %gather3A_79 : vector<16xf32>
        %add3A_81 = arith.addf %add3A_73, %mul3A_80 : vector<16xf32>
        %broadcast_in_dim3A_82 = arith.constant 4 : i32
        %broadcast_in_dim3A_83 = vector.broadcast %broadcast_in_dim3A_82 : i32 to vector<16xi32>
        %gather3A_84 = tpu.vector_load_idx %arg7[%add3A_49, %broadcast_in_dim3A_83] : memref<256x128xf32, #tpu.memory_space<vmem>>[vector<16xi32>, vector<16xi32>], vector<16xf32>,
        %gather3A_85 = tpu.vector_load_idx %arg9[%add3A_49, %broadcast_in_dim3A_83] : memref<256x128xf32, #tpu.memory_space<vmem>>[vector<16xi32>, vector<16xi32>], vector<16xf32>,
        %mul3A_86 = arith.mulf %gather3A_84, %gather3A_85 : vector<16xf32>
        %gather3A_87 = tpu.vector_load_idx %arg8[%add3A_49, %broadcast_in_dim3A_83] : memref<256x128xf32, #tpu.memory_space<vmem>>[vector<16xi32>, vector<16xi32>], vector<16xf32>,
        %mul3A_88 = arith.mulf %mul3A_86, %gather3A_87 : vector<16xf32>
        %add3A_89 = arith.addf %add3A_81, %mul3A_88 : vector<16xf32>
        %broadcast_in_dim3A_90 = arith.constant 5 : i32
        %broadcast_in_dim3A_91 = vector.broadcast %broadcast_in_dim3A_90 : i32 to vector<16xi32>
        %gather3A_92 = tpu.vector_load_idx %arg7[%add3A_49, %broadcast_in_dim3A_91] : memref<256x128xf32, #tpu.memory_space<vmem>>[vector<16xi32>, vector<16xi32>], vector<16xf32>,
        %gather3A_93 = tpu.vector_load_idx %arg9[%add3A_49, %broadcast_in_dim3A_91] : memref<256x128xf32, #tpu.memory_space<vmem>>[vector<16xi32>, vector<16xi32>], vector<16xf32>,
        %mul3A_94 = arith.mulf %gather3A_92, %gather3A_93 : vector<16xf32>
        %gather3A_95 = tpu.vector_load_idx %arg8[%add3A_49, %broadcast_in_dim3A_91] : memref<256x128xf32, #tpu.memory_space<vmem>>[vector<16xi32>, vector<16xi32>], vector<16xf32>,
        %mul3A_96 = arith.mulf %mul3A_94, %gather3A_95 : vector<16xf32>
        %add3A_97 = arith.addf %add3A_89, %mul3A_96 : vector<16xf32>
        %broadcast_in_dim3A_98 = arith.constant 6 : i32
        %broadcast_in_dim3A_99 = vector.broadcast %broadcast_in_dim3A_98 : i32 to vector<16xi32>
        %gather3A_100 = tpu.vector_load_idx %arg7[%add3A_49, %broadcast_in_dim3A_99] : memref<256x128xf32, #tpu.memory_space<vmem>>[vector<16xi32>, vector<16xi32>], vector<16xf32>,
        %gather3A_101 = tpu.vector_load_idx %arg9[%add3A_49, %broadcast_in_dim3A_99] : memref<256x128xf32, #tpu.memory_space<vmem>>[vector<16xi32>, vector<16xi32>], vector<16xf32>,
        %mul3A_102 = arith.mulf %gather3A_100, %gather3A_101 : vector<16xf32>
        %gather3A_103 = tpu.vector_load_idx %arg8[%add3A_49, %broadcast_in_dim3A_99] : memref<256x128xf32, #tpu.memory_space<vmem>>[vector<16xi32>, vector<16xi32>], vector<16xf32>,
        %mul3A_104 = arith.mulf %mul3A_102, %gather3A_103 : vector<16xf32>
        %add3A_105 = arith.addf %add3A_97, %mul3A_104 : vector<16xf32>
        %broadcast_in_dim3A_106 = arith.constant 7 : i32
        %broadcast_in_dim3A_107 = vector.broadcast %broadcast_in_dim3A_106 : i32 to vector<16xi32>
        %gather3A_108 = tpu.vector_load_idx %arg7[%add3A_49, %broadcast_in_dim3A_107] : memref<256x128xf32, #tpu.memory_space<vmem>>[vector<16xi32>, vector<16xi32>], vector<16xf32>,
        %gather3A_109 = tpu.vector_load_idx %arg9[%add3A_49, %broadcast_in_dim3A_107] : memref<256x128xf32, #tpu.memory_space<vmem>>[vector<16xi32>, vector<16xi32>], vector<16xf32>,
        %mul3A_110 = arith.mulf %gather3A_108, %gather3A_109 : vector<16xf32>
        %gather3A_111 = tpu.vector_load_idx %arg8[%add3A_49, %broadcast_in_dim3A_107] : memref<256x128xf32, #tpu.memory_space<vmem>>[vector<16xi32>, vector<16xi32>], vector<16xf32>,
        %mul3A_112 = arith.mulf %mul3A_110, %gather3A_111 : vector<16xf32>
        %add3A_113 = arith.addf %add3A_105, %mul3A_112 : vector<16xf32>
        %broadcast_in_dim3A_114 = arith.constant 8 : i32
        %broadcast_in_dim3A_115 = vector.broadcast %broadcast_in_dim3A_114 : i32 to vector<16xi32>
        %gather3A_116 = tpu.vector_load_idx %arg7[%add3A_49, %broadcast_in_dim3A_115] : memref<256x128xf32, #tpu.memory_space<vmem>>[vector<16xi32>, vector<16xi32>], vector<16xf32>,
        %gather3A_117 = tpu.vector_load_idx %arg9[%add3A_49, %broadcast_in_dim3A_115] : memref<256x128xf32, #tpu.memory_space<vmem>>[vector<16xi32>, vector<16xi32>], vector<16xf32>,
        %mul3A_118 = arith.mulf %gather3A_116, %gather3A_117 : vector<16xf32>
        %gather3A_119 = tpu.vector_load_idx %arg8[%add3A_49, %broadcast_in_dim3A_115] : memref<256x128xf32, #tpu.memory_space<vmem>>[vector<16xi32>, vector<16xi32>], vector<16xf32>,
        %mul3A_120 = arith.mulf %mul3A_118, %gather3A_119 : vector<16xf32>
        %add3A_121 = arith.addf %add3A_113, %mul3A_120 : vector<16xf32>
        %broadcast_in_dim3A_122 = arith.constant 9 : i32
        %broadcast_in_dim3A_123 = vector.broadcast %broadcast_in_dim3A_122 : i32 to vector<16xi32>
        %gather3A_124 = tpu.vector_load_idx %arg7[%add3A_49, %broadcast_in_dim3A_123] : memref<256x128xf32, #tpu.memory_space<vmem>>[vector<16xi32>, vector<16xi32>], vector<16xf32>,
        %gather3A_125 = tpu.vector_load_idx %arg9[%add3A_49, %broadcast_in_dim3A_123] : memref<256x128xf32, #tpu.memory_space<vmem>>[vector<16xi32>, vector<16xi32>], vector<16xf32>,
        %mul3A_126 = arith.mulf %gather3A_124, %gather3A_125 : vector<16xf32>
        %gather3A_127 = tpu.vector_load_idx %arg8[%add3A_49, %broadcast_in_dim3A_123] : memref<256x128xf32, #tpu.memory_space<vmem>>[vector<16xi32>, vector<16xi32>], vector<16xf32>,
        %mul3A_128 = arith.mulf %mul3A_126, %gather3A_127 : vector<16xf32>
        %add3A_129 = arith.addf %add3A_121, %mul3A_128 : vector<16xf32>
        %broadcast_in_dim3A_130 = arith.constant 10 : i32
        %broadcast_in_dim3A_131 = vector.broadcast %broadcast_in_dim3A_130 : i32 to vector<16xi32>
        %gather3A_132 = tpu.vector_load_idx %arg7[%add3A_49, %broadcast_in_dim3A_131] : memref<256x128xf32, #tpu.memory_space<vmem>>[vector<16xi32>, vector<16xi32>], vector<16xf32>,
        %gather3A_133 = tpu.vector_load_idx %arg9[%add3A_49, %broadcast_in_dim3A_131] : memref<256x128xf32, #tpu.memory_space<vmem>>[vector<16xi32>, vector<16xi32>], vector<16xf32>,
        %mul3A_134 = arith.mulf %gather3A_132, %gather3A_133 : vector<16xf32>
        %gather3A_135 = tpu.vector_load_idx %arg8[%add3A_49, %broadcast_in_dim3A_131] : memref<256x128xf32, #tpu.memory_space<vmem>>[vector<16xi32>, vector<16xi32>], vector<16xf32>,
        %mul3A_136 = arith.mulf %mul3A_134, %gather3A_135 : vector<16xf32>
        %add3A_137 = arith.addf %add3A_129, %mul3A_136 : vector<16xf32>
        %broadcast_in_dim3A_138 = arith.constant 11 : i32
        %broadcast_in_dim3A_139 = vector.broadcast %broadcast_in_dim3A_138 : i32 to vector<16xi32>
        %gather3A_140 = tpu.vector_load_idx %arg7[%add3A_49, %broadcast_in_dim3A_139] : memref<256x128xf32, #tpu.memory_space<vmem>>[vector<16xi32>, vector<16xi32>], vector<16xf32>,
        %gather3A_141 = tpu.vector_load_idx %arg9[%add3A_49, %broadcast_in_dim3A_139] : memref<256x128xf32, #tpu.memory_space<vmem>>[vector<16xi32>, vector<16xi32>], vector<16xf32>,
        %mul3A_142 = arith.mulf %gather3A_140, %gather3A_141 : vector<16xf32>
        %gather3A_143 = tpu.vector_load_idx %arg8[%add3A_49, %broadcast_in_dim3A_139] : memref<256x128xf32, #tpu.memory_space<vmem>>[vector<16xi32>, vector<16xi32>], vector<16xf32>,
        %mul3A_144 = arith.mulf %mul3A_142, %gather3A_143 : vector<16xf32>
        %add3A_145 = arith.addf %add3A_137, %mul3A_144 : vector<16xf32>
        %broadcast_in_dim3A_146 = arith.constant 12 : i32
        %broadcast_in_dim3A_147 = vector.broadcast %broadcast_in_dim3A_146 : i32 to vector<16xi32>
        %gather3A_148 = tpu.vector_load_idx %arg7[%add3A_49, %broadcast_in_dim3A_147] : memref<256x128xf32, #tpu.memory_space<vmem>>[vector<16xi32>, vector<16xi32>], vector<16xf32>,
        %gather3A_149 = tpu.vector_load_idx %arg9[%add3A_49, %broadcast_in_dim3A_147] : memref<256x128xf32, #tpu.memory_space<vmem>>[vector<16xi32>, vector<16xi32>], vector<16xf32>,
        %mul3A_150 = arith.mulf %gather3A_148, %gather3A_149 : vector<16xf32>
        %gather3A_151 = tpu.vector_load_idx %arg8[%add3A_49, %broadcast_in_dim3A_147] : memref<256x128xf32, #tpu.memory_space<vmem>>[vector<16xi32>, vector<16xi32>], vector<16xf32>,
        %mul3A_152 = arith.mulf %mul3A_150, %gather3A_151 : vector<16xf32>
        %add3A_153 = arith.addf %add3A_145, %mul3A_152 : vector<16xf32>
        %broadcast_in_dim3A_154 = arith.constant 13 : i32
        %broadcast_in_dim3A_155 = vector.broadcast %broadcast_in_dim3A_154 : i32 to vector<16xi32>
        %gather3A_156 = tpu.vector_load_idx %arg7[%add3A_49, %broadcast_in_dim3A_155] : memref<256x128xf32, #tpu.memory_space<vmem>>[vector<16xi32>, vector<16xi32>], vector<16xf32>,
        %gather3A_157 = tpu.vector_load_idx %arg9[%add3A_49, %broadcast_in_dim3A_155] : memref<256x128xf32, #tpu.memory_space<vmem>>[vector<16xi32>, vector<16xi32>], vector<16xf32>,
        %mul3A_158 = arith.mulf %gather3A_156, %gather3A_157 : vector<16xf32>
        %gather3A_159 = tpu.vector_load_idx %arg8[%add3A_49, %broadcast_in_dim3A_155] : memref<256x128xf32, #tpu.memory_space<vmem>>[vector<16xi32>, vector<16xi32>], vector<16xf32>,
        %mul3A_160 = arith.mulf %mul3A_158, %gather3A_159 : vector<16xf32>
        %add3A_161 = arith.addf %add3A_153, %mul3A_160 : vector<16xf32>
        %broadcast_in_dim3A_162 = arith.constant 14 : i32
        %broadcast_in_dim3A_163 = vector.broadcast %broadcast_in_dim3A_162 : i32 to vector<16xi32>
        %gather3A_164 = tpu.vector_load_idx %arg7[%add3A_49, %broadcast_in_dim3A_163] : memref<256x128xf32, #tpu.memory_space<vmem>>[vector<16xi32>, vector<16xi32>], vector<16xf32>,
        %gather3A_165 = tpu.vector_load_idx %arg9[%add3A_49, %broadcast_in_dim3A_163] : memref<256x128xf32, #tpu.memory_space<vmem>>[vector<16xi32>, vector<16xi32>], vector<16xf32>,
        %mul3A_166 = arith.mulf %gather3A_164, %gather3A_165 : vector<16xf32>
        %gather3A_167 = tpu.vector_load_idx %arg8[%add3A_49, %broadcast_in_dim3A_163] : memref<256x128xf32, #tpu.memory_space<vmem>>[vector<16xi32>, vector<16xi32>], vector<16xf32>,
        %mul3A_168 = arith.mulf %mul3A_166, %gather3A_167 : vector<16xf32>
        %add3A_169 = arith.addf %add3A_161, %mul3A_168 : vector<16xf32>
        %broadcast_in_dim3A_170 = arith.constant 15 : i32
        %broadcast_in_dim3A_171 = vector.broadcast %broadcast_in_dim3A_170 : i32 to vector<16xi32>
        %gather3A_172 = tpu.vector_load_idx %arg7[%add3A_49, %broadcast_in_dim3A_171] : memref<256x128xf32, #tpu.memory_space<vmem>>[vector<16xi32>, vector<16xi32>], vector<16xf32>,
        %gather3A_173 = tpu.vector_load_idx %arg9[%add3A_49, %broadcast_in_dim3A_171] : memref<256x128xf32, #tpu.memory_space<vmem>>[vector<16xi32>, vector<16xi32>], vector<16xf32>,
        %mul3A_174 = arith.mulf %gather3A_172, %gather3A_173 : vector<16xf32>
        %gather3A_175 = tpu.vector_load_idx %arg8[%add3A_49, %broadcast_in_dim3A_171] : memref<256x128xf32, #tpu.memory_space<vmem>>[vector<16xi32>, vector<16xi32>], vector<16xf32>,
        %mul3A_176 = arith.mulf %mul3A_174, %gather3A_175 : vector<16xf32>
        %add3A_177 = arith.addf %add3A_169, %mul3A_176 : vector<16xf32>
        %broadcast_in_dim3A_178 = arith.constant 16 : i32
        %broadcast_in_dim3A_179 = vector.broadcast %broadcast_in_dim3A_178 : i32 to vector<16xi32>
        %gather3A_180 = tpu.vector_load_idx %arg7[%add3A_49, %broadcast_in_dim3A_179] : memref<256x128xf32, #tpu.memory_space<vmem>>[vector<16xi32>, vector<16xi32>], vector<16xf32>,
        %gather3A_181 = tpu.vector_load_idx %arg9[%add3A_49, %broadcast_in_dim3A_179] : memref<256x128xf32, #tpu.memory_space<vmem>>[vector<16xi32>, vector<16xi32>], vector<16xf32>,
        %mul3A_182 = arith.mulf %gather3A_180, %gather3A_181 : vector<16xf32>
        %gather3A_183 = tpu.vector_load_idx %arg8[%add3A_49, %broadcast_in_dim3A_179] : memref<256x128xf32, #tpu.memory_space<vmem>>[vector<16xi32>, vector<16xi32>], vector<16xf32>,
        %mul3A_184 = arith.mulf %mul3A_182, %gather3A_183 : vector<16xf32>
        %add3A_185 = arith.addf %add3A_177, %mul3A_184 : vector<16xf32>
        %broadcast_in_dim3A_186 = arith.constant 17 : i32
        %broadcast_in_dim3A_187 = vector.broadcast %broadcast_in_dim3A_186 : i32 to vector<16xi32>
        %gather3A_188 = tpu.vector_load_idx %arg7[%add3A_49, %broadcast_in_dim3A_187] : memref<256x128xf32, #tpu.memory_space<vmem>>[vector<16xi32>, vector<16xi32>], vector<16xf32>,
        %gather3A_189 = tpu.vector_load_idx %arg9[%add3A_49, %broadcast_in_dim3A_187] : memref<256x128xf32, #tpu.memory_space<vmem>>[vector<16xi32>, vector<16xi32>], vector<16xf32>,
        %mul3A_190 = arith.mulf %gather3A_188, %gather3A_189 : vector<16xf32>
        %gather3A_191 = tpu.vector_load_idx %arg8[%add3A_49, %broadcast_in_dim3A_187] : memref<256x128xf32, #tpu.memory_space<vmem>>[vector<16xi32>, vector<16xi32>], vector<16xf32>,
        %mul3A_192 = arith.mulf %mul3A_190, %gather3A_191 : vector<16xf32>
        %add3A_193 = arith.addf %add3A_185, %mul3A_192 : vector<16xf32>
        %broadcast_in_dim3A_194 = arith.constant 18 : i32
        %broadcast_in_dim3A_195 = vector.broadcast %broadcast_in_dim3A_194 : i32 to vector<16xi32>
        %gather3A_196 = tpu.vector_load_idx %arg7[%add3A_49, %broadcast_in_dim3A_195] : memref<256x128xf32, #tpu.memory_space<vmem>>[vector<16xi32>, vector<16xi32>], vector<16xf32>,
        %gather3A_197 = tpu.vector_load_idx %arg9[%add3A_49, %broadcast_in_dim3A_195] : memref<256x128xf32, #tpu.memory_space<vmem>>[vector<16xi32>, vector<16xi32>], vector<16xf32>,
        %mul3A_198 = arith.mulf %gather3A_196, %gather3A_197 : vector<16xf32>
        %gather3A_199 = tpu.vector_load_idx %arg8[%add3A_49, %broadcast_in_dim3A_195] : memref<256x128xf32, #tpu.memory_space<vmem>>[vector<16xi32>, vector<16xi32>], vector<16xf32>,
        %mul3A_200 = arith.mulf %mul3A_198, %gather3A_199 : vector<16xf32>
        %add3A_201 = arith.addf %add3A_193, %mul3A_200 : vector<16xf32>
        %broadcast_in_dim3A_202 = arith.constant 19 : i32
        %broadcast_in_dim3A_203 = vector.broadcast %broadcast_in_dim3A_202 : i32 to vector<16xi32>
        %gather3A_204 = tpu.vector_load_idx %arg7[%add3A_49, %broadcast_in_dim3A_203] : memref<256x128xf32, #tpu.memory_space<vmem>>[vector<16xi32>, vector<16xi32>], vector<16xf32>,
        %gather3A_205 = tpu.vector_load_idx %arg9[%add3A_49, %broadcast_in_dim3A_203] : memref<256x128xf32, #tpu.memory_space<vmem>>[vector<16xi32>, vector<16xi32>], vector<16xf32>,
        %mul3A_206 = arith.mulf %gather3A_204, %gather3A_205 : vector<16xf32>
        %gather3A_207 = tpu.vector_load_idx %arg8[%add3A_49, %broadcast_in_dim3A_203] : memref<256x128xf32, #tpu.memory_space<vmem>>[vector<16xi32>, vector<16xi32>], vector<16xf32>,
        %mul3A_208 = arith.mulf %mul3A_206, %gather3A_207 : vector<16xf32>
        %add3A_209 = arith.addf %add3A_201, %mul3A_208 : vector<16xf32>
        %broadcast_in_dim3A_210 = arith.constant 20 : i32
        %broadcast_in_dim3A_211 = vector.broadcast %broadcast_in_dim3A_210 : i32 to vector<16xi32>
        %gather3A_212 = tpu.vector_load_idx %arg7[%add3A_49, %broadcast_in_dim3A_211] : memref<256x128xf32, #tpu.memory_space<vmem>>[vector<16xi32>, vector<16xi32>], vector<16xf32>,
        %gather3A_213 = tpu.vector_load_idx %arg9[%add3A_49, %broadcast_in_dim3A_211] : memref<256x128xf32, #tpu.memory_space<vmem>>[vector<16xi32>, vector<16xi32>], vector<16xf32>,
        %mul3A_214 = arith.mulf %gather3A_212, %gather3A_213 : vector<16xf32>
        %gather3A_215 = tpu.vector_load_idx %arg8[%add3A_49, %broadcast_in_dim3A_211] : memref<256x128xf32, #tpu.memory_space<vmem>>[vector<16xi32>, vector<16xi32>], vector<16xf32>,
        %mul3A_216 = arith.mulf %mul3A_214, %gather3A_215 : vector<16xf32>
        %add3A_217 = arith.addf %add3A_209, %mul3A_216 : vector<16xf32>
        %broadcast_in_dim3A_218 = arith.constant 21 : i32
        %broadcast_in_dim3A_219 = vector.broadcast %broadcast_in_dim3A_218 : i32 to vector<16xi32>
        %gather3A_220 = tpu.vector_load_idx %arg7[%add3A_49, %broadcast_in_dim3A_219] : memref<256x128xf32, #tpu.memory_space<vmem>>[vector<16xi32>, vector<16xi32>], vector<16xf32>,
        %gather3A_221 = tpu.vector_load_idx %arg9[%add3A_49, %broadcast_in_dim3A_219] : memref<256x128xf32, #tpu.memory_space<vmem>>[vector<16xi32>, vector<16xi32>], vector<16xf32>,
        %mul3A_222 = arith.mulf %gather3A_220, %gather3A_221 : vector<16xf32>
        %gather3A_223 = tpu.vector_load_idx %arg8[%add3A_49, %broadcast_in_dim3A_219] : memref<256x128xf32, #tpu.memory_space<vmem>>[vector<16xi32>, vector<16xi32>], vector<16xf32>,
        %mul3A_224 = arith.mulf %mul3A_222, %gather3A_223 : vector<16xf32>
        %add3A_225 = arith.addf %add3A_217, %mul3A_224 : vector<16xf32>
        %broadcast_in_dim3A_226 = arith.constant 22 : i32
        %broadcast_in_dim3A_227 = vector.broadcast %broadcast_in_dim3A_226 : i32 to vector<16xi32>
        %gather3A_228 = tpu.vector_load_idx %arg7[%add3A_49, %broadcast_in_dim3A_227] : memref<256x128xf32, #tpu.memory_space<vmem>>[vector<16xi32>, vector<16xi32>], vector<16xf32>,
        %gather3A_229 = tpu.vector_load_idx %arg9[%add3A_49, %broadcast_in_dim3A_227] : memref<256x128xf32, #tpu.memory_space<vmem>>[vector<16xi32>, vector<16xi32>], vector<16xf32>,
        %mul3A_230 = arith.mulf %gather3A_228, %gather3A_229 : vector<16xf32>
        %gather3A_231 = tpu.vector_load_idx %arg8[%add3A_49, %broadcast_in_dim3A_227] : memref<256x128xf32, #tpu.memory_space<vmem>>[vector<16xi32>, vector<16xi32>], vector<16xf32>,
        %mul3A_232 = arith.mulf %mul3A_230, %gather3A_231 : vector<16xf32>
        %add3A_233 = arith.addf %add3A_225, %mul3A_232 : vector<16xf32>
        %broadcast_in_dim3A_234 = arith.constant 23 : i32
        %broadcast_in_dim3A_235 = vector.broadcast %broadcast_in_dim3A_234 : i32 to vector<16xi32>
        %gather3A_236 = tpu.vector_load_idx %arg7[%add3A_49, %broadcast_in_dim3A_235] : memref<256x128xf32, #tpu.memory_space<vmem>>[vector<16xi32>, vector<16xi32>], vector<16xf32>,
        %gather3A_237 = tpu.vector_load_idx %arg9[%add3A_49, %broadcast_in_dim3A_235] : memref<256x128xf32, #tpu.memory_space<vmem>>[vector<16xi32>, vector<16xi32>], vector<16xf32>,
        %mul3A_238 = arith.mulf %gather3A_236, %gather3A_237 : vector<16xf32>
        %gather3A_239 = tpu.vector_load_idx %arg8[%add3A_49, %broadcast_in_dim3A_235] : memref<256x128xf32, #tpu.memory_space<vmem>>[vector<16xi32>, vector<16xi32>], vector<16xf32>,
        %mul3A_240 = arith.mulf %mul3A_238, %gather3A_239 : vector<16xf32>
        %add3A_241 = arith.addf %add3A_233, %mul3A_240 : vector<16xf32>
        %broadcast_in_dim3A_242 = arith.constant 24 : i32
        %broadcast_in_dim3A_243 = vector.broadcast %broadcast_in_dim3A_242 : i32 to vector<16xi32>
        %gather3A_244 = tpu.vector_load_idx %arg7[%add3A_49, %broadcast_in_dim3A_243] : memref<256x128xf32, #tpu.memory_space<vmem>>[vector<16xi32>, vector<16xi32>], vector<16xf32>,
        %gather3A_245 = tpu.vector_load_idx %arg9[%add3A_49, %broadcast_in_dim3A_243] : memref<256x128xf32, #tpu.memory_space<vmem>>[vector<16xi32>, vector<16xi32>], vector<16xf32>,
        %mul3A_246 = arith.mulf %gather3A_244, %gather3A_245 : vector<16xf32>
        %gather3A_247 = tpu.vector_load_idx %arg8[%add3A_49, %broadcast_in_dim3A_243] : memref<256x128xf32, #tpu.memory_space<vmem>>[vector<16xi32>, vector<16xi32>], vector<16xf32>,
        %mul3A_248 = arith.mulf %mul3A_246, %gather3A_247 : vector<16xf32>
        %add3A_249 = arith.addf %add3A_241, %mul3A_248 : vector<16xf32>
        %broadcast_in_dim3A_250 = arith.constant 25 : i32
        %broadcast_in_dim3A_251 = vector.broadcast %broadcast_in_dim3A_250 : i32 to vector<16xi32>
        %gather3A_252 = tpu.vector_load_idx %arg7[%add3A_49, %broadcast_in_dim3A_251] : memref<256x128xf32, #tpu.memory_space<vmem>>[vector<16xi32>, vector<16xi32>], vector<16xf32>,
        %gather3A_253 = tpu.vector_load_idx %arg9[%add3A_49, %broadcast_in_dim3A_251] : memref<256x128xf32, #tpu.memory_space<vmem>>[vector<16xi32>, vector<16xi32>], vector<16xf32>,
        %mul3A_254 = arith.mulf %gather3A_252, %gather3A_253 : vector<16xf32>
        %gather3A_255 = tpu.vector_load_idx %arg8[%add3A_49, %broadcast_in_dim3A_251] : memref<256x128xf32, #tpu.memory_space<vmem>>[vector<16xi32>, vector<16xi32>], vector<16xf32>,
        %mul3A_256 = arith.mulf %mul3A_254, %gather3A_255 : vector<16xf32>
        %add3A_257 = arith.addf %add3A_249, %mul3A_256 : vector<16xf32>
        %broadcast_in_dim3A_258 = arith.constant 26 : i32
        %broadcast_in_dim3A_259 = vector.broadcast %broadcast_in_dim3A_258 : i32 to vector<16xi32>
        %gather3A_260 = tpu.vector_load_idx %arg7[%add3A_49, %broadcast_in_dim3A_259] : memref<256x128xf32, #tpu.memory_space<vmem>>[vector<16xi32>, vector<16xi32>], vector<16xf32>,
        %gather3A_261 = tpu.vector_load_idx %arg9[%add3A_49, %broadcast_in_dim3A_259] : memref<256x128xf32, #tpu.memory_space<vmem>>[vector<16xi32>, vector<16xi32>], vector<16xf32>,
        %mul3A_262 = arith.mulf %gather3A_260, %gather3A_261 : vector<16xf32>
        %gather3A_263 = tpu.vector_load_idx %arg8[%add3A_49, %broadcast_in_dim3A_259] : memref<256x128xf32, #tpu.memory_space<vmem>>[vector<16xi32>, vector<16xi32>], vector<16xf32>,
        %mul3A_264 = arith.mulf %mul3A_262, %gather3A_263 : vector<16xf32>
        %add3A_265 = arith.addf %add3A_257, %mul3A_264 : vector<16xf32>
        %broadcast_in_dim3A_266 = arith.constant 27 : i32
        %broadcast_in_dim3A_267 = vector.broadcast %broadcast_in_dim3A_266 : i32 to vector<16xi32>
        %gather3A_268 = tpu.vector_load_idx %arg7[%add3A_49, %broadcast_in_dim3A_267] : memref<256x128xf32, #tpu.memory_space<vmem>>[vector<16xi32>, vector<16xi32>], vector<16xf32>,
        %gather3A_269 = tpu.vector_load_idx %arg9[%add3A_49, %broadcast_in_dim3A_267] : memref<256x128xf32, #tpu.memory_space<vmem>>[vector<16xi32>, vector<16xi32>], vector<16xf32>,
        %mul3A_270 = arith.mulf %gather3A_268, %gather3A_269 : vector<16xf32>
        %gather3A_271 = tpu.vector_load_idx %arg8[%add3A_49, %broadcast_in_dim3A_267] : memref<256x128xf32, #tpu.memory_space<vmem>>[vector<16xi32>, vector<16xi32>], vector<16xf32>,
        %mul3A_272 = arith.mulf %mul3A_270, %gather3A_271 : vector<16xf32>
        %add3A_273 = arith.addf %add3A_265, %mul3A_272 : vector<16xf32>
        %broadcast_in_dim3A_274 = arith.constant 28 : i32
        %broadcast_in_dim3A_275 = vector.broadcast %broadcast_in_dim3A_274 : i32 to vector<16xi32>
        %gather3A_276 = tpu.vector_load_idx %arg7[%add3A_49, %broadcast_in_dim3A_275] : memref<256x128xf32, #tpu.memory_space<vmem>>[vector<16xi32>, vector<16xi32>], vector<16xf32>,
        %gather3A_277 = tpu.vector_load_idx %arg9[%add3A_49, %broadcast_in_dim3A_275] : memref<256x128xf32, #tpu.memory_space<vmem>>[vector<16xi32>, vector<16xi32>], vector<16xf32>,
        %mul3A_278 = arith.mulf %gather3A_276, %gather3A_277 : vector<16xf32>
        %gather3A_279 = tpu.vector_load_idx %arg8[%add3A_49, %broadcast_in_dim3A_275] : memref<256x128xf32, #tpu.memory_space<vmem>>[vector<16xi32>, vector<16xi32>], vector<16xf32>,
        %mul3A_280 = arith.mulf %mul3A_278, %gather3A_279 : vector<16xf32>
        %add3A_281 = arith.addf %add3A_273, %mul3A_280 : vector<16xf32>
        %broadcast_in_dim3A_282 = arith.constant 29 : i32
        %broadcast_in_dim3A_283 = vector.broadcast %broadcast_in_dim3A_282 : i32 to vector<16xi32>
        %gather3A_284 = tpu.vector_load_idx %arg7[%add3A_49, %broadcast_in_dim3A_283] : memref<256x128xf32, #tpu.memory_space<vmem>>[vector<16xi32>, vector<16xi32>], vector<16xf32>,
        %gather3A_285 = tpu.vector_load_idx %arg9[%add3A_49, %broadcast_in_dim3A_283] : memref<256x128xf32, #tpu.memory_space<vmem>>[vector<16xi32>, vector<16xi32>], vector<16xf32>,
        %mul3A_286 = arith.mulf %gather3A_284, %gather3A_285 : vector<16xf32>
        %gather3A_287 = tpu.vector_load_idx %arg8[%add3A_49, %broadcast_in_dim3A_283] : memref<256x128xf32, #tpu.memory_space<vmem>>[vector<16xi32>, vector<16xi32>], vector<16xf32>,
        %mul3A_288 = arith.mulf %mul3A_286, %gather3A_287 : vector<16xf32>
        %add3A_289 = arith.addf %add3A_281, %mul3A_288 : vector<16xf32>
        %broadcast_in_dim3A_290 = arith.constant 30 : i32
        %broadcast_in_dim3A_291 = vector.broadcast %broadcast_in_dim3A_290 : i32 to vector<16xi32>
        %gather3A_292 = tpu.vector_load_idx %arg7[%add3A_49, %broadcast_in_dim3A_291] : memref<256x128xf32, #tpu.memory_space<vmem>>[vector<16xi32>, vector<16xi32>], vector<16xf32>,
        %gather3A_293 = tpu.vector_load_idx %arg9[%add3A_49, %broadcast_in_dim3A_291] : memref<256x128xf32, #tpu.memory_space<vmem>>[vector<16xi32>, vector<16xi32>], vector<16xf32>,
        %mul3A_294 = arith.mulf %gather3A_292, %gather3A_293 : vector<16xf32>
        %gather3A_295 = tpu.vector_load_idx %arg8[%add3A_49, %broadcast_in_dim3A_291] : memref<256x128xf32, #tpu.memory_space<vmem>>[vector<16xi32>, vector<16xi32>], vector<16xf32>,
        %mul3A_296 = arith.mulf %mul3A_294, %gather3A_295 : vector<16xf32>
        %add3A_297 = arith.addf %add3A_289, %mul3A_296 : vector<16xf32>
        %broadcast_in_dim3A_298 = arith.constant 31 : i32
        %broadcast_in_dim3A_299 = vector.broadcast %broadcast_in_dim3A_298 : i32 to vector<16xi32>
        %gather3A_300 = tpu.vector_load_idx %arg7[%add3A_49, %broadcast_in_dim3A_299] : memref<256x128xf32, #tpu.memory_space<vmem>>[vector<16xi32>, vector<16xi32>], vector<16xf32>,
        %gather3A_301 = tpu.vector_load_idx %arg9[%add3A_49, %broadcast_in_dim3A_299] : memref<256x128xf32, #tpu.memory_space<vmem>>[vector<16xi32>, vector<16xi32>], vector<16xf32>,
        %mul3A_302 = arith.mulf %gather3A_300, %gather3A_301 : vector<16xf32>
        %gather3A_303 = tpu.vector_load_idx %arg8[%add3A_49, %broadcast_in_dim3A_299] : memref<256x128xf32, #tpu.memory_space<vmem>>[vector<16xi32>, vector<16xi32>], vector<16xf32>,
        %mul3A_304 = arith.mulf %mul3A_302, %gather3A_303 : vector<16xf32>
        %add3A_305 = arith.addf %add3A_297, %mul3A_304 : vector<16xf32>
        %broadcast_in_dim3A_306 = arith.constant 32 : i32
        %broadcast_in_dim3A_307 = vector.broadcast %broadcast_in_dim3A_306 : i32 to vector<16xi32>
        %gather3A_308 = tpu.vector_load_idx %arg7[%add3A_49, %broadcast_in_dim3A_307] : memref<256x128xf32, #tpu.memory_space<vmem>>[vector<16xi32>, vector<16xi32>], vector<16xf32>,
        %gather3A_309 = tpu.vector_load_idx %arg9[%add3A_49, %broadcast_in_dim3A_307] : memref<256x128xf32, #tpu.memory_space<vmem>>[vector<16xi32>, vector<16xi32>], vector<16xf32>,
        %mul3A_310 = arith.mulf %gather3A_308, %gather3A_309 : vector<16xf32>
        %gather3A_311 = tpu.vector_load_idx %arg8[%add3A_49, %broadcast_in_dim3A_307] : memref<256x128xf32, #tpu.memory_space<vmem>>[vector<16xi32>, vector<16xi32>], vector<16xf32>,
        %mul3A_312 = arith.mulf %mul3A_310, %gather3A_311 : vector<16xf32>
        %add3A_313 = arith.addf %add3A_305, %mul3A_312 : vector<16xf32>
        %broadcast_in_dim3A_314 = arith.constant 33 : i32
        %broadcast_in_dim3A_315 = vector.broadcast %broadcast_in_dim3A_314 : i32 to vector<16xi32>
        %gather3A_316 = tpu.vector_load_idx %arg7[%add3A_49, %broadcast_in_dim3A_315] : memref<256x128xf32, #tpu.memory_space<vmem>>[vector<16xi32>, vector<16xi32>], vector<16xf32>,
        %gather3A_317 = tpu.vector_load_idx %arg9[%add3A_49, %broadcast_in_dim3A_315] : memref<256x128xf32, #tpu.memory_space<vmem>>[vector<16xi32>, vector<16xi32>], vector<16xf32>,
        %mul3A_318 = arith.mulf %gather3A_316, %gather3A_317 : vector<16xf32>
        %gather3A_319 = tpu.vector_load_idx %arg8[%add3A_49, %broadcast_in_dim3A_315] : memref<256x128xf32, #tpu.memory_space<vmem>>[vector<16xi32>, vector<16xi32>], vector<16xf32>,
        %mul3A_320 = arith.mulf %mul3A_318, %gather3A_319 : vector<16xf32>
        %add3A_321 = arith.addf %add3A_313, %mul3A_320 : vector<16xf32>
        %broadcast_in_dim3A_322 = arith.constant 34 : i32
        %broadcast_in_dim3A_323 = vector.broadcast %broadcast_in_dim3A_322 : i32 to vector<16xi32>
        %gather3A_324 = tpu.vector_load_idx %arg7[%add3A_49, %broadcast_in_dim3A_323] : memref<256x128xf32, #tpu.memory_space<vmem>>[vector<16xi32>, vector<16xi32>], vector<16xf32>,
        %gather3A_325 = tpu.vector_load_idx %arg9[%add3A_49, %broadcast_in_dim3A_323] : memref<256x128xf32, #tpu.memory_space<vmem>>[vector<16xi32>, vector<16xi32>], vector<16xf32>,
        %mul3A_326 = arith.mulf %gather3A_324, %gather3A_325 : vector<16xf32>
        %gather3A_327 = tpu.vector_load_idx %arg8[%add3A_49, %broadcast_in_dim3A_323] : memref<256x128xf32, #tpu.memory_space<vmem>>[vector<16xi32>, vector<16xi32>], vector<16xf32>,
        %mul3A_328 = arith.mulf %mul3A_326, %gather3A_327 : vector<16xf32>
        %add3A_329 = arith.addf %add3A_321, %mul3A_328 : vector<16xf32>
        %broadcast_in_dim3A_330 = arith.constant 35 : i32
        %broadcast_in_dim3A_331 = vector.broadcast %broadcast_in_dim3A_330 : i32 to vector<16xi32>
        %gather3A_332 = tpu.vector_load_idx %arg7[%add3A_49, %broadcast_in_dim3A_331] : memref<256x128xf32, #tpu.memory_space<vmem>>[vector<16xi32>, vector<16xi32>], vector<16xf32>,
        %gather3A_333 = tpu.vector_load_idx %arg9[%add3A_49, %broadcast_in_dim3A_331] : memref<256x128xf32, #tpu.memory_space<vmem>>[vector<16xi32>, vector<16xi32>], vector<16xf32>,
        %mul3A_334 = arith.mulf %gather3A_332, %gather3A_333 : vector<16xf32>
        %gather3A_335 = tpu.vector_load_idx %arg8[%add3A_49, %broadcast_in_dim3A_331] : memref<256x128xf32, #tpu.memory_space<vmem>>[vector<16xi32>, vector<16xi32>], vector<16xf32>,
        %mul3A_336 = arith.mulf %mul3A_334, %gather3A_335 : vector<16xf32>
        %add3A_337 = arith.addf %add3A_329, %mul3A_336 : vector<16xf32>
        %broadcast_in_dim3A_338 = arith.constant 36 : i32
        %broadcast_in_dim3A_339 = vector.broadcast %broadcast_in_dim3A_338 : i32 to vector<16xi32>
        %gather3A_340 = tpu.vector_load_idx %arg7[%add3A_49, %broadcast_in_dim3A_339] : memref<256x128xf32, #tpu.memory_space<vmem>>[vector<16xi32>, vector<16xi32>], vector<16xf32>,
        %gather3A_341 = tpu.vector_load_idx %arg9[%add3A_49, %broadcast_in_dim3A_339] : memref<256x128xf32, #tpu.memory_space<vmem>>[vector<16xi32>, vector<16xi32>], vector<16xf32>,
        %mul3A_342 = arith.mulf %gather3A_340, %gather3A_341 : vector<16xf32>
        %gather3A_343 = tpu.vector_load_idx %arg8[%add3A_49, %broadcast_in_dim3A_339] : memref<256x128xf32, #tpu.memory_space<vmem>>[vector<16xi32>, vector<16xi32>], vector<16xf32>,
        %mul3A_344 = arith.mulf %mul3A_342, %gather3A_343 : vector<16xf32>
        %add3A_345 = arith.addf %add3A_337, %mul3A_344 : vector<16xf32>
        %broadcast_in_dim3A_346 = arith.constant 37 : i32
        %broadcast_in_dim3A_347 = vector.broadcast %broadcast_in_dim3A_346 : i32 to vector<16xi32>
        %gather3A_348 = tpu.vector_load_idx %arg7[%add3A_49, %broadcast_in_dim3A_347] : memref<256x128xf32, #tpu.memory_space<vmem>>[vector<16xi32>, vector<16xi32>], vector<16xf32>,
        %gather3A_349 = tpu.vector_load_idx %arg9[%add3A_49, %broadcast_in_dim3A_347] : memref<256x128xf32, #tpu.memory_space<vmem>>[vector<16xi32>, vector<16xi32>], vector<16xf32>,
        %mul3A_350 = arith.mulf %gather3A_348, %gather3A_349 : vector<16xf32>
        %gather3A_351 = tpu.vector_load_idx %arg8[%add3A_49, %broadcast_in_dim3A_347] : memref<256x128xf32, #tpu.memory_space<vmem>>[vector<16xi32>, vector<16xi32>], vector<16xf32>,
        %mul3A_352 = arith.mulf %mul3A_350, %gather3A_351 : vector<16xf32>
        %add3A_353 = arith.addf %add3A_345, %mul3A_352 : vector<16xf32>
        %broadcast_in_dim3A_354 = arith.constant 38 : i32
        %broadcast_in_dim3A_355 = vector.broadcast %broadcast_in_dim3A_354 : i32 to vector<16xi32>
        %gather3A_356 = tpu.vector_load_idx %arg7[%add3A_49, %broadcast_in_dim3A_355] : memref<256x128xf32, #tpu.memory_space<vmem>>[vector<16xi32>, vector<16xi32>], vector<16xf32>,
        %gather3A_357 = tpu.vector_load_idx %arg9[%add3A_49, %broadcast_in_dim3A_355] : memref<256x128xf32, #tpu.memory_space<vmem>>[vector<16xi32>, vector<16xi32>], vector<16xf32>,
        %mul3A_358 = arith.mulf %gather3A_356, %gather3A_357 : vector<16xf32>
        %gather3A_359 = tpu.vector_load_idx %arg8[%add3A_49, %broadcast_in_dim3A_355] : memref<256x128xf32, #tpu.memory_space<vmem>>[vector<16xi32>, vector<16xi32>], vector<16xf32>,
        %mul3A_360 = arith.mulf %mul3A_358, %gather3A_359 : vector<16xf32>
        %add3A_361 = arith.addf %add3A_353, %mul3A_360 : vector<16xf32>
        %broadcast_in_dim3A_362 = arith.constant 39 : i32
        %broadcast_in_dim3A_363 = vector.broadcast %broadcast_in_dim3A_362 : i32 to vector<16xi32>
        %gather3A_364 = tpu.vector_load_idx %arg7[%add3A_49, %broadcast_in_dim3A_363] : memref<256x128xf32, #tpu.memory_space<vmem>>[vector<16xi32>, vector<16xi32>], vector<16xf32>,
        %gather3A_365 = tpu.vector_load_idx %arg9[%add3A_49, %broadcast_in_dim3A_363] : memref<256x128xf32, #tpu.memory_space<vmem>>[vector<16xi32>, vector<16xi32>], vector<16xf32>,
        %mul3A_366 = arith.mulf %gather3A_364, %gather3A_365 : vector<16xf32>
        %gather3A_367 = tpu.vector_load_idx %arg8[%add3A_49, %broadcast_in_dim3A_363] : memref<256x128xf32, #tpu.memory_space<vmem>>[vector<16xi32>, vector<16xi32>], vector<16xf32>,
        %mul3A_368 = arith.mulf %mul3A_366, %gather3A_367 : vector<16xf32>
        %add3A_369 = arith.addf %add3A_361, %mul3A_368 : vector<16xf32>
        %broadcast_in_dim3A_370 = arith.constant 40 : i32
        %broadcast_in_dim3A_371 = vector.broadcast %broadcast_in_dim3A_370 : i32 to vector<16xi32>
        %gather3A_372 = tpu.vector_load_idx %arg7[%add3A_49, %broadcast_in_dim3A_371] : memref<256x128xf32, #tpu.memory_space<vmem>>[vector<16xi32>, vector<16xi32>], vector<16xf32>,
        %gather3A_373 = tpu.vector_load_idx %arg9[%add3A_49, %broadcast_in_dim3A_371] : memref<256x128xf32, #tpu.memory_space<vmem>>[vector<16xi32>, vector<16xi32>], vector<16xf32>,
        %mul3A_374 = arith.mulf %gather3A_372, %gather3A_373 : vector<16xf32>
        %gather3A_375 = tpu.vector_load_idx %arg8[%add3A_49, %broadcast_in_dim3A_371] : memref<256x128xf32, #tpu.memory_space<vmem>>[vector<16xi32>, vector<16xi32>], vector<16xf32>,
        %mul3A_376 = arith.mulf %mul3A_374, %gather3A_375 : vector<16xf32>
        %add3A_377 = arith.addf %add3A_369, %mul3A_376 : vector<16xf32>
        %broadcast_in_dim3A_378 = arith.constant 41 : i32
        %broadcast_in_dim3A_379 = vector.broadcast %broadcast_in_dim3A_378 : i32 to vector<16xi32>
        %gather3A_380 = tpu.vector_load_idx %arg7[%add3A_49, %broadcast_in_dim3A_379] : memref<256x128xf32, #tpu.memory_space<vmem>>[vector<16xi32>, vector<16xi32>], vector<16xf32>,
        %gather3A_381 = tpu.vector_load_idx %arg9[%add3A_49, %broadcast_in_dim3A_379] : memref<256x128xf32, #tpu.memory_space<vmem>>[vector<16xi32>, vector<16xi32>], vector<16xf32>,
        %mul3A_382 = arith.mulf %gather3A_380, %gather3A_381 : vector<16xf32>
        %gather3A_383 = tpu.vector_load_idx %arg8[%add3A_49, %broadcast_in_dim3A_379] : memref<256x128xf32, #tpu.memory_space<vmem>>[vector<16xi32>, vector<16xi32>], vector<16xf32>,
        %mul3A_384 = arith.mulf %mul3A_382, %gather3A_383 : vector<16xf32>
        %add3A_385 = arith.addf %add3A_377, %mul3A_384 : vector<16xf32>
        %broadcast_in_dim3A_386 = arith.constant 42 : i32
        %broadcast_in_dim3A_387 = vector.broadcast %broadcast_in_dim3A_386 : i32 to vector<16xi32>
        %gather3A_388 = tpu.vector_load_idx %arg7[%add3A_49, %broadcast_in_dim3A_387] : memref<256x128xf32, #tpu.memory_space<vmem>>[vector<16xi32>, vector<16xi32>], vector<16xf32>,
        %gather3A_389 = tpu.vector_load_idx %arg9[%add3A_49, %broadcast_in_dim3A_387] : memref<256x128xf32, #tpu.memory_space<vmem>>[vector<16xi32>, vector<16xi32>], vector<16xf32>,
        %mul3A_390 = arith.mulf %gather3A_388, %gather3A_389 : vector<16xf32>
        %gather3A_391 = tpu.vector_load_idx %arg8[%add3A_49, %broadcast_in_dim3A_387] : memref<256x128xf32, #tpu.memory_space<vmem>>[vector<16xi32>, vector<16xi32>], vector<16xf32>,
        %mul3A_392 = arith.mulf %mul3A_390, %gather3A_391 : vector<16xf32>
        %add3A_393 = arith.addf %add3A_385, %mul3A_392 : vector<16xf32>
        %broadcast_in_dim3A_394 = arith.constant 43 : i32
        %broadcast_in_dim3A_395 = vector.broadcast %broadcast_in_dim3A_394 : i32 to vector<16xi32>
        %gather3A_396 = tpu.vector_load_idx %arg7[%add3A_49, %broadcast_in_dim3A_395] : memref<256x128xf32, #tpu.memory_space<vmem>>[vector<16xi32>, vector<16xi32>], vector<16xf32>,
        %gather3A_397 = tpu.vector_load_idx %arg9[%add3A_49, %broadcast_in_dim3A_395] : memref<256x128xf32, #tpu.memory_space<vmem>>[vector<16xi32>, vector<16xi32>], vector<16xf32>,
        %mul3A_398 = arith.mulf %gather3A_396, %gather3A_397 : vector<16xf32>
        %gather3A_399 = tpu.vector_load_idx %arg8[%add3A_49, %broadcast_in_dim3A_395] : memref<256x128xf32, #tpu.memory_space<vmem>>[vector<16xi32>, vector<16xi32>], vector<16xf32>,
        %mul3A_400 = arith.mulf %mul3A_398, %gather3A_399 : vector<16xf32>
        %add3A_401 = arith.addf %add3A_393, %mul3A_400 : vector<16xf32>
        %broadcast_in_dim3A_402 = arith.constant 44 : i32
        %broadcast_in_dim3A_403 = vector.broadcast %broadcast_in_dim3A_402 : i32 to vector<16xi32>
        %gather3A_404 = tpu.vector_load_idx %arg7[%add3A_49, %broadcast_in_dim3A_403] : memref<256x128xf32, #tpu.memory_space<vmem>>[vector<16xi32>, vector<16xi32>], vector<16xf32>,
        %gather3A_405 = tpu.vector_load_idx %arg9[%add3A_49, %broadcast_in_dim3A_403] : memref<256x128xf32, #tpu.memory_space<vmem>>[vector<16xi32>, vector<16xi32>], vector<16xf32>,
        %mul3A_406 = arith.mulf %gather3A_404, %gather3A_405 : vector<16xf32>
        %gather3A_407 = tpu.vector_load_idx %arg8[%add3A_49, %broadcast_in_dim3A_403] : memref<256x128xf32, #tpu.memory_space<vmem>>[vector<16xi32>, vector<16xi32>], vector<16xf32>,
        %mul3A_408 = arith.mulf %mul3A_406, %gather3A_407 : vector<16xf32>
        %add3A_409 = arith.addf %add3A_401, %mul3A_408 : vector<16xf32>
        %broadcast_in_dim3A_410 = arith.constant 45 : i32
        %broadcast_in_dim3A_411 = vector.broadcast %broadcast_in_dim3A_410 : i32 to vector<16xi32>
        %gather3A_412 = tpu.vector_load_idx %arg7[%add3A_49, %broadcast_in_dim3A_411] : memref<256x128xf32, #tpu.memory_space<vmem>>[vector<16xi32>, vector<16xi32>], vector<16xf32>,
        %gather3A_413 = tpu.vector_load_idx %arg9[%add3A_49, %broadcast_in_dim3A_411] : memref<256x128xf32, #tpu.memory_space<vmem>>[vector<16xi32>, vector<16xi32>], vector<16xf32>,
        %mul3A_414 = arith.mulf %gather3A_412, %gather3A_413 : vector<16xf32>
        %gather3A_415 = tpu.vector_load_idx %arg8[%add3A_49, %broadcast_in_dim3A_411] : memref<256x128xf32, #tpu.memory_space<vmem>>[vector<16xi32>, vector<16xi32>], vector<16xf32>,
        %mul3A_416 = arith.mulf %mul3A_414, %gather3A_415 : vector<16xf32>
        %add3A_417 = arith.addf %add3A_409, %mul3A_416 : vector<16xf32>
        %broadcast_in_dim3A_418 = arith.constant 46 : i32
        %broadcast_in_dim3A_419 = vector.broadcast %broadcast_in_dim3A_418 : i32 to vector<16xi32>
        %gather3A_420 = tpu.vector_load_idx %arg7[%add3A_49, %broadcast_in_dim3A_419] : memref<256x128xf32, #tpu.memory_space<vmem>>[vector<16xi32>, vector<16xi32>], vector<16xf32>,
        %gather3A_421 = tpu.vector_load_idx %arg9[%add3A_49, %broadcast_in_dim3A_419] : memref<256x128xf32, #tpu.memory_space<vmem>>[vector<16xi32>, vector<16xi32>], vector<16xf32>,
        %mul3A_422 = arith.mulf %gather3A_420, %gather3A_421 : vector<16xf32>
        %gather3A_423 = tpu.vector_load_idx %arg8[%add3A_49, %broadcast_in_dim3A_419] : memref<256x128xf32, #tpu.memory_space<vmem>>[vector<16xi32>, vector<16xi32>], vector<16xf32>,
        %mul3A_424 = arith.mulf %mul3A_422, %gather3A_423 : vector<16xf32>
        %add3A_425 = arith.addf %add3A_417, %mul3A_424 : vector<16xf32>
        %broadcast_in_dim3A_426 = arith.constant 47 : i32
        %broadcast_in_dim3A_427 = vector.broadcast %broadcast_in_dim3A_426 : i32 to vector<16xi32>
        %gather3A_428 = tpu.vector_load_idx %arg7[%add3A_49, %broadcast_in_dim3A_427] : memref<256x128xf32, #tpu.memory_space<vmem>>[vector<16xi32>, vector<16xi32>], vector<16xf32>,
        %gather3A_429 = tpu.vector_load_idx %arg9[%add3A_49, %broadcast_in_dim3A_427] : memref<256x128xf32, #tpu.memory_space<vmem>>[vector<16xi32>, vector<16xi32>], vector<16xf32>,
        %mul3A_430 = arith.mulf %gather3A_428, %gather3A_429 : vector<16xf32>
        %gather3A_431 = tpu.vector_load_idx %arg8[%add3A_49, %broadcast_in_dim3A_427] : memref<256x128xf32, #tpu.memory_space<vmem>>[vector<16xi32>, vector<16xi32>], vector<16xf32>,
        %mul3A_432 = arith.mulf %mul3A_430, %gather3A_431 : vector<16xf32>
        %add3A_433 = arith.addf %add3A_425, %mul3A_432 : vector<16xf32>
        %broadcast_in_dim3A_434 = arith.constant 48 : i32
        %broadcast_in_dim3A_435 = vector.broadcast %broadcast_in_dim3A_434 : i32 to vector<16xi32>
        %gather3A_436 = tpu.vector_load_idx %arg7[%add3A_49, %broadcast_in_dim3A_435] : memref<256x128xf32, #tpu.memory_space<vmem>>[vector<16xi32>, vector<16xi32>], vector<16xf32>,
        %gather3A_437 = tpu.vector_load_idx %arg9[%add3A_49, %broadcast_in_dim3A_435] : memref<256x128xf32, #tpu.memory_space<vmem>>[vector<16xi32>, vector<16xi32>], vector<16xf32>,
        %mul3A_438 = arith.mulf %gather3A_436, %gather3A_437 : vector<16xf32>
        %gather3A_439 = tpu.vector_load_idx %arg8[%add3A_49, %broadcast_in_dim3A_435] : memref<256x128xf32, #tpu.memory_space<vmem>>[vector<16xi32>, vector<16xi32>], vector<16xf32>,
        %mul3A_440 = arith.mulf %mul3A_438, %gather3A_439 : vector<16xf32>
        %add3A_441 = arith.addf %add3A_433, %mul3A_440 : vector<16xf32>
        %broadcast_in_dim3A_442 = arith.constant 49 : i32
        %broadcast_in_dim3A_443 = vector.broadcast %broadcast_in_dim3A_442 : i32 to vector<16xi32>
        %gather3A_444 = tpu.vector_load_idx %arg7[%add3A_49, %broadcast_in_dim3A_443] : memref<256x128xf32, #tpu.memory_space<vmem>>[vector<16xi32>, vector<16xi32>], vector<16xf32>,
        %gather3A_445 = tpu.vector_load_idx %arg9[%add3A_49, %broadcast_in_dim3A_443] : memref<256x128xf32, #tpu.memory_space<vmem>>[vector<16xi32>, vector<16xi32>], vector<16xf32>,
        %mul3A_446 = arith.mulf %gather3A_444, %gather3A_445 : vector<16xf32>
        %gather3A_447 = tpu.vector_load_idx %arg8[%add3A_49, %broadcast_in_dim3A_443] : memref<256x128xf32, #tpu.memory_space<vmem>>[vector<16xi32>, vector<16xi32>], vector<16xf32>,
        %mul3A_448 = arith.mulf %mul3A_446, %gather3A_447 : vector<16xf32>
        %add3A_449 = arith.addf %add3A_441, %mul3A_448 : vector<16xf32>
        %broadcast_in_dim3A_450 = arith.constant 50 : i32
        %broadcast_in_dim3A_451 = vector.broadcast %broadcast_in_dim3A_450 : i32 to vector<16xi32>
        %gather3A_452 = tpu.vector_load_idx %arg7[%add3A_49, %broadcast_in_dim3A_451] : memref<256x128xf32, #tpu.memory_space<vmem>>[vector<16xi32>, vector<16xi32>], vector<16xf32>,
        %gather3A_453 = tpu.vector_load_idx %arg9[%add3A_49, %broadcast_in_dim3A_451] : memref<256x128xf32, #tpu.memory_space<vmem>>[vector<16xi32>, vector<16xi32>], vector<16xf32>,
        %mul3A_454 = arith.mulf %gather3A_452, %gather3A_453 : vector<16xf32>
        %gather3A_455 = tpu.vector_load_idx %arg8[%add3A_49, %broadcast_in_dim3A_451] : memref<256x128xf32, #tpu.memory_space<vmem>>[vector<16xi32>, vector<16xi32>], vector<16xf32>,
        %mul3A_456 = arith.mulf %mul3A_454, %gather3A_455 : vector<16xf32>
        %add3A_457 = arith.addf %add3A_449, %mul3A_456 : vector<16xf32>
        %broadcast_in_dim3A_458 = arith.constant 51 : i32
        %broadcast_in_dim3A_459 = vector.broadcast %broadcast_in_dim3A_458 : i32 to vector<16xi32>
        %gather3A_460 = tpu.vector_load_idx %arg7[%add3A_49, %broadcast_in_dim3A_459] : memref<256x128xf32, #tpu.memory_space<vmem>>[vector<16xi32>, vector<16xi32>], vector<16xf32>,
        %gather3A_461 = tpu.vector_load_idx %arg9[%add3A_49, %broadcast_in_dim3A_459] : memref<256x128xf32, #tpu.memory_space<vmem>>[vector<16xi32>, vector<16xi32>], vector<16xf32>,
        %mul3A_462 = arith.mulf %gather3A_460, %gather3A_461 : vector<16xf32>
        %gather3A_463 = tpu.vector_load_idx %arg8[%add3A_49, %broadcast_in_dim3A_459] : memref<256x128xf32, #tpu.memory_space<vmem>>[vector<16xi32>, vector<16xi32>], vector<16xf32>,
        %mul3A_464 = arith.mulf %mul3A_462, %gather3A_463 : vector<16xf32>
        %add3A_465 = arith.addf %add3A_457, %mul3A_464 : vector<16xf32>
        %broadcast_in_dim3A_466 = arith.constant 52 : i32
        %broadcast_in_dim3A_467 = vector.broadcast %broadcast_in_dim3A_466 : i32 to vector<16xi32>
        %gather3A_468 = tpu.vector_load_idx %arg7[%add3A_49, %broadcast_in_dim3A_467] : memref<256x128xf32, #tpu.memory_space<vmem>>[vector<16xi32>, vector<16xi32>], vector<16xf32>,
        %gather3A_469 = tpu.vector_load_idx %arg9[%add3A_49, %broadcast_in_dim3A_467] : memref<256x128xf32, #tpu.memory_space<vmem>>[vector<16xi32>, vector<16xi32>], vector<16xf32>,
        %mul3A_470 = arith.mulf %gather3A_468, %gather3A_469 : vector<16xf32>
        %gather3A_471 = tpu.vector_load_idx %arg8[%add3A_49, %broadcast_in_dim3A_467] : memref<256x128xf32, #tpu.memory_space<vmem>>[vector<16xi32>, vector<16xi32>], vector<16xf32>,
        %mul3A_472 = arith.mulf %mul3A_470, %gather3A_471 : vector<16xf32>
        %add3A_473 = arith.addf %add3A_465, %mul3A_472 : vector<16xf32>
        %broadcast_in_dim3A_474 = arith.constant 53 : i32
        %broadcast_in_dim3A_475 = vector.broadcast %broadcast_in_dim3A_474 : i32 to vector<16xi32>
        %gather3A_476 = tpu.vector_load_idx %arg7[%add3A_49, %broadcast_in_dim3A_475] : memref<256x128xf32, #tpu.memory_space<vmem>>[vector<16xi32>, vector<16xi32>], vector<16xf32>,
        %gather3A_477 = tpu.vector_load_idx %arg9[%add3A_49, %broadcast_in_dim3A_475] : memref<256x128xf32, #tpu.memory_space<vmem>>[vector<16xi32>, vector<16xi32>], vector<16xf32>,
        %mul3A_478 = arith.mulf %gather3A_476, %gather3A_477 : vector<16xf32>
        %gather3A_479 = tpu.vector_load_idx %arg8[%add3A_49, %broadcast_in_dim3A_475] : memref<256x128xf32, #tpu.memory_space<vmem>>[vector<16xi32>, vector<16xi32>], vector<16xf32>,
        %mul3A_480 = arith.mulf %mul3A_478, %gather3A_479 : vector<16xf32>
        %add3A_481 = arith.addf %add3A_473, %mul3A_480 : vector<16xf32>
        %broadcast_in_dim3A_482 = arith.constant 54 : i32
        %broadcast_in_dim3A_483 = vector.broadcast %broadcast_in_dim3A_482 : i32 to vector<16xi32>
        %gather3A_484 = tpu.vector_load_idx %arg7[%add3A_49, %broadcast_in_dim3A_483] : memref<256x128xf32, #tpu.memory_space<vmem>>[vector<16xi32>, vector<16xi32>], vector<16xf32>,
        %gather3A_485 = tpu.vector_load_idx %arg9[%add3A_49, %broadcast_in_dim3A_483] : memref<256x128xf32, #tpu.memory_space<vmem>>[vector<16xi32>, vector<16xi32>], vector<16xf32>,
        %mul3A_486 = arith.mulf %gather3A_484, %gather3A_485 : vector<16xf32>
        %gather3A_487 = tpu.vector_load_idx %arg8[%add3A_49, %broadcast_in_dim3A_483] : memref<256x128xf32, #tpu.memory_space<vmem>>[vector<16xi32>, vector<16xi32>], vector<16xf32>,
        %mul3A_488 = arith.mulf %mul3A_486, %gather3A_487 : vector<16xf32>
        %add3A_489 = arith.addf %add3A_481, %mul3A_488 : vector<16xf32>
        %broadcast_in_dim3A_490 = arith.constant 55 : i32
        %broadcast_in_dim3A_491 = vector.broadcast %broadcast_in_dim3A_490 : i32 to vector<16xi32>
        %gather3A_492 = tpu.vector_load_idx %arg7[%add3A_49, %broadcast_in_dim3A_491] : memref<256x128xf32, #tpu.memory_space<vmem>>[vector<16xi32>, vector<16xi32>], vector<16xf32>,
        %gather3A_493 = tpu.vector_load_idx %arg9[%add3A_49, %broadcast_in_dim3A_491] : memref<256x128xf32, #tpu.memory_space<vmem>>[vector<16xi32>, vector<16xi32>], vector<16xf32>,
        %mul3A_494 = arith.mulf %gather3A_492, %gather3A_493 : vector<16xf32>
        %gather3A_495 = tpu.vector_load_idx %arg8[%add3A_49, %broadcast_in_dim3A_491] : memref<256x128xf32, #tpu.memory_space<vmem>>[vector<16xi32>, vector<16xi32>], vector<16xf32>,
        %mul3A_496 = arith.mulf %mul3A_494, %gather3A_495 : vector<16xf32>
        %add3A_497 = arith.addf %add3A_489, %mul3A_496 : vector<16xf32>
        %broadcast_in_dim3A_498 = arith.constant 56 : i32
        %broadcast_in_dim3A_499 = vector.broadcast %broadcast_in_dim3A_498 : i32 to vector<16xi32>
        %gather3A_500 = tpu.vector_load_idx %arg7[%add3A_49, %broadcast_in_dim3A_499] : memref<256x128xf32, #tpu.memory_space<vmem>>[vector<16xi32>, vector<16xi32>], vector<16xf32>,
        %gather3A_501 = tpu.vector_load_idx %arg9[%add3A_49, %broadcast_in_dim3A_499] : memref<256x128xf32, #tpu.memory_space<vmem>>[vector<16xi32>, vector<16xi32>], vector<16xf32>,
        %mul3A_502 = arith.mulf %gather3A_500, %gather3A_501 : vector<16xf32>
        %gather3A_503 = tpu.vector_load_idx %arg8[%add3A_49, %broadcast_in_dim3A_499] : memref<256x128xf32, #tpu.memory_space<vmem>>[vector<16xi32>, vector<16xi32>], vector<16xf32>,
        %mul3A_504 = arith.mulf %mul3A_502, %gather3A_503 : vector<16xf32>
        %add3A_505 = arith.addf %add3A_497, %mul3A_504 : vector<16xf32>
        %broadcast_in_dim3A_506 = arith.constant 57 : i32
        %broadcast_in_dim3A_507 = vector.broadcast %broadcast_in_dim3A_506 : i32 to vector<16xi32>
        %gather3A_508 = tpu.vector_load_idx %arg7[%add3A_49, %broadcast_in_dim3A_507] : memref<256x128xf32, #tpu.memory_space<vmem>>[vector<16xi32>, vector<16xi32>], vector<16xf32>,
        %gather3A_509 = tpu.vector_load_idx %arg9[%add3A_49, %broadcast_in_dim3A_507] : memref<256x128xf32, #tpu.memory_space<vmem>>[vector<16xi32>, vector<16xi32>], vector<16xf32>,
        %mul3A_510 = arith.mulf %gather3A_508, %gather3A_509 : vector<16xf32>
        %gather3A_511 = tpu.vector_load_idx %arg8[%add3A_49, %broadcast_in_dim3A_507] : memref<256x128xf32, #tpu.memory_space<vmem>>[vector<16xi32>, vector<16xi32>], vector<16xf32>,
        %mul3A_512 = arith.mulf %mul3A_510, %gather3A_511 : vector<16xf32>
        %add3A_513 = arith.addf %add3A_505, %mul3A_512 : vector<16xf32>
        %broadcast_in_dim3A_514 = arith.constant 58 : i32
        %broadcast_in_dim3A_515 = vector.broadcast %broadcast_in_dim3A_514 : i32 to vector<16xi32>
        %gather3A_516 = tpu.vector_load_idx %arg7[%add3A_49, %broadcast_in_dim3A_515] : memref<256x128xf32, #tpu.memory_space<vmem>>[vector<16xi32>, vector<16xi32>], vector<16xf32>,
        %gather3A_517 = tpu.vector_load_idx %arg9[%add3A_49, %broadcast_in_dim3A_515] : memref<256x128xf32, #tpu.memory_space<vmem>>[vector<16xi32>, vector<16xi32>], vector<16xf32>,
        %mul3A_518 = arith.mulf %gather3A_516, %gather3A_517 : vector<16xf32>
        %gather3A_519 = tpu.vector_load_idx %arg8[%add3A_49, %broadcast_in_dim3A_515] : memref<256x128xf32, #tpu.memory_space<vmem>>[vector<16xi32>, vector<16xi32>], vector<16xf32>,
        %mul3A_520 = arith.mulf %mul3A_518, %gather3A_519 : vector<16xf32>
        %add3A_521 = arith.addf %add3A_513, %mul3A_520 : vector<16xf32>
        %broadcast_in_dim3A_522 = arith.constant 59 : i32
        %broadcast_in_dim3A_523 = vector.broadcast %broadcast_in_dim3A_522 : i32 to vector<16xi32>
        %gather3A_524 = tpu.vector_load_idx %arg7[%add3A_49, %broadcast_in_dim3A_523] : memref<256x128xf32, #tpu.memory_space<vmem>>[vector<16xi32>, vector<16xi32>], vector<16xf32>,
        %gather3A_525 = tpu.vector_load_idx %arg9[%add3A_49, %broadcast_in_dim3A_523] : memref<256x128xf32, #tpu.memory_space<vmem>>[vector<16xi32>, vector<16xi32>], vector<16xf32>,
        %mul3A_526 = arith.mulf %gather3A_524, %gather3A_525 : vector<16xf32>
        %gather3A_527 = tpu.vector_load_idx %arg8[%add3A_49, %broadcast_in_dim3A_523] : memref<256x128xf32, #tpu.memory_space<vmem>>[vector<16xi32>, vector<16xi32>], vector<16xf32>,
        %mul3A_528 = arith.mulf %mul3A_526, %gather3A_527 : vector<16xf32>
        %add3A_529 = arith.addf %add3A_521, %mul3A_528 : vector<16xf32>
        %broadcast_in_dim3A_530 = arith.constant 60 : i32
        %broadcast_in_dim3A_531 = vector.broadcast %broadcast_in_dim3A_530 : i32 to vector<16xi32>
        %gather3A_532 = tpu.vector_load_idx %arg7[%add3A_49, %broadcast_in_dim3A_531] : memref<256x128xf32, #tpu.memory_space<vmem>>[vector<16xi32>, vector<16xi32>], vector<16xf32>,
        %gather3A_533 = tpu.vector_load_idx %arg9[%add3A_49, %broadcast_in_dim3A_531] : memref<256x128xf32, #tpu.memory_space<vmem>>[vector<16xi32>, vector<16xi32>], vector<16xf32>,
        %mul3A_534 = arith.mulf %gather3A_532, %gather3A_533 : vector<16xf32>
        %gather3A_535 = tpu.vector_load_idx %arg8[%add3A_49, %broadcast_in_dim3A_531] : memref<256x128xf32, #tpu.memory_space<vmem>>[vector<16xi32>, vector<16xi32>], vector<16xf32>,
        %mul3A_536 = arith.mulf %mul3A_534, %gather3A_535 : vector<16xf32>
        %add3A_537 = arith.addf %add3A_529, %mul3A_536 : vector<16xf32>
        %broadcast_in_dim3A_538 = arith.constant 61 : i32
        %broadcast_in_dim3A_539 = vector.broadcast %broadcast_in_dim3A_538 : i32 to vector<16xi32>
        %gather3A_540 = tpu.vector_load_idx %arg7[%add3A_49, %broadcast_in_dim3A_539] : memref<256x128xf32, #tpu.memory_space<vmem>>[vector<16xi32>, vector<16xi32>], vector<16xf32>,
        %gather3A_541 = tpu.vector_load_idx %arg9[%add3A_49, %broadcast_in_dim3A_539] : memref<256x128xf32, #tpu.memory_space<vmem>>[vector<16xi32>, vector<16xi32>], vector<16xf32>,
        %mul3A_542 = arith.mulf %gather3A_540, %gather3A_541 : vector<16xf32>
        %gather3A_543 = tpu.vector_load_idx %arg8[%add3A_49, %broadcast_in_dim3A_539] : memref<256x128xf32, #tpu.memory_space<vmem>>[vector<16xi32>, vector<16xi32>], vector<16xf32>,
        %mul3A_544 = arith.mulf %mul3A_542, %gather3A_543 : vector<16xf32>
        %add3A_545 = arith.addf %add3A_537, %mul3A_544 : vector<16xf32>
        %broadcast_in_dim3A_546 = arith.constant 62 : i32
        %broadcast_in_dim3A_547 = vector.broadcast %broadcast_in_dim3A_546 : i32 to vector<16xi32>
        %gather3A_548 = tpu.vector_load_idx %arg7[%add3A_49, %broadcast_in_dim3A_547] : memref<256x128xf32, #tpu.memory_space<vmem>>[vector<16xi32>, vector<16xi32>], vector<16xf32>,
        %gather3A_549 = tpu.vector_load_idx %arg9[%add3A_49, %broadcast_in_dim3A_547] : memref<256x128xf32, #tpu.memory_space<vmem>>[vector<16xi32>, vector<16xi32>], vector<16xf32>,
        %mul3A_550 = arith.mulf %gather3A_548, %gather3A_549 : vector<16xf32>
        %gather3A_551 = tpu.vector_load_idx %arg8[%add3A_49, %broadcast_in_dim3A_547] : memref<256x128xf32, #tpu.memory_space<vmem>>[vector<16xi32>, vector<16xi32>], vector<16xf32>,
        %mul3A_552 = arith.mulf %mul3A_550, %gather3A_551 : vector<16xf32>
        %add3A_553 = arith.addf %add3A_545, %mul3A_552 : vector<16xf32>
        %broadcast_in_dim3A_554 = arith.constant 63 : i32
        %broadcast_in_dim3A_555 = vector.broadcast %broadcast_in_dim3A_554 : i32 to vector<16xi32>
        %gather3A_556 = tpu.vector_load_idx %arg7[%add3A_49, %broadcast_in_dim3A_555] : memref<256x128xf32, #tpu.memory_space<vmem>>[vector<16xi32>, vector<16xi32>], vector<16xf32>,
        %gather3A_557 = tpu.vector_load_idx %arg9[%add3A_49, %broadcast_in_dim3A_555] : memref<256x128xf32, #tpu.memory_space<vmem>>[vector<16xi32>, vector<16xi32>], vector<16xf32>,
        %mul3A_558 = arith.mulf %gather3A_556, %gather3A_557 : vector<16xf32>
        %gather3A_559 = tpu.vector_load_idx %arg8[%add3A_49, %broadcast_in_dim3A_555] : memref<256x128xf32, #tpu.memory_space<vmem>>[vector<16xi32>, vector<16xi32>], vector<16xf32>,
        %mul3A_560 = arith.mulf %mul3A_558, %gather3A_559 : vector<16xf32>
        %add3A_561 = arith.addf %add3A_553, %mul3A_560 : vector<16xf32>
        %mul3A_562 = arith.mulf %add3A_561, %get3A_3 : vector<16xf32>
        %add3A_563 = arith.addf %mul3A_562, %get3A_5 : vector<16xf32>
        %neg3A = arith.constant 0.000000e+00 : f32
        %neg3A_564 = vector.broadcast %neg3A : f32 to vector<16xf32>
        %neg3A_565 = arith.subf %neg3A_564, %add3A_563 : vector<16xf32>
        %exp3A = math.exp %neg3A_565 : vector<16xf32>
        %add3A_566 = arith.constant 1.000000e+00 : f32
        %add3A_567 = vector.broadcast %add3A_566 : f32 to vector<16xf32>
        %add3A_568 = arith.addf %add3A_567, %exp3A : vector<16xf32>
        %div3A = arith.constant 1.000000e+00 : f32
        %div3A_569 = vector.broadcast %div3A : f32 to vector<16xf32>
        %div3A_570 = arith.divf %div3A_569, %add3A_568 : vector<16xf32>
        %mul3A_571 = arith.constant 256 : i32
        %mul3A_572 = arith.muli %scan3A_11, %mul3A_571 : i32
        %mul3A_573 = arith.constant 16 : i32
        %mul3A_574 = arith.muli %scan3A_45, %mul3A_573 : i32
        %add3A_575 = arith.addi %mul3A_572, %mul3A_574 : i32
        %swap3A = arith.index_cast %add3A_575 : i32 to index
        %swap3A_576 = tpu.vector_load %arg10[%swap3A] {strides = array<i32>} : memref<512xf32, #tpu.memory_space<vmem>>, vector<16xf32>,
        tpu.vector_store %arg10[%swap3A], %div3A_570 {strides = array<i32>} : memref<512xf32, #tpu.memory_space<vmem>>, vector<16xf32>,
      }
      %scan3A_44 = arith.constant 16 : i32
    }
    %scan3A_10 = arith.constant 2 : i32
    "tpu.region"() ({
      %run_scoped3A = tpu.sem_alloc : memref<!tpu.dma_semaphore, #tpu.memory_space<semaphore_mem>>
      %dma_start3A = tpu.memref_slice %arg6[%mul3A_2] : memref<16384xf32, #tpu.memory_space<hbm>> -> memref<512xf32, #tpu.memory_space<hbm>>
      %dma_start3A_11 = tpu.memref_slice %arg6[%mul3A_2] : memref<16384xf32, #tpu.memory_space<hbm>> -> memref<512xf32, #tpu.memory_space<hbm>>
      tpu.enqueue_dma source(%arg10 : memref<512xf32, #tpu.memory_space<vmem>>) target(%dma_start3A_11 : memref<512xf32, #tpu.memory_space<hbm>>) target_semaphore(%run_scoped3A : memref<!tpu.dma_semaphore, #tpu.memory_space<semaphore_mem>>)
      %dma_wait3A = tpu.memref_slice %arg6[%mul3A_2] : memref<16384xf32, #tpu.memory_space<hbm>> -> memref<512xf32, #tpu.memory_space<hbm>>
      %dma_wait3A_12 = tpu.memref_slice %arg6[%mul3A_2] : memref<16384xf32, #tpu.memory_space<hbm>> -> memref<512xf32, #tpu.memory_space<hbm>>
      tpu.wait_dma2 semaphore(%run_scoped3A : memref<!tpu.dma_semaphore, #tpu.memory_space<semaphore_mem>>) src(%arg10 : memref<512xf32, #tpu.memory_space<vmem>>) dst(%dma_wait3A_12 : memref<512xf32, #tpu.memory_space<hbm>>)
      tpu.yield
    }) : () -> ()
    return
  }
}

</mosaic_0001>

<sc_bundles>
// kernel: gather_offload_async_start.1
scs
__scs_entry_jumppad:
0x0: {  	(pc) =	sbr.rel $0x88, $3  }
0x1: {  	(tag) =	ssettag $0x0;
	lr =	simm.s32 $0x1  }
0x2: {  	[smem:$0x3F9C] =	sst lr;
	_ =	strace $0xD0000000  }
0x3: {  	_ = 	snop  }
0x4: {  	_ = 	snop  }
0x5: {  	_ = 	snop  }
0x6: {  	_ = 	snop  }
0x7: {  	_ = 	snop  }
__scs_overlays_trampoline_lowered:
0x8: {  	[smem:$0x3FAB] =	sst s0  }
0x9: {  	[smem:$0x3FAC] =	sst s1  }
0xa: {  	[smem:$0x3FAD] =	sst s2  }
0xb: {  	[smem:$0x3FAE] =	sst s3  }
0xc: {  	[smem:$0x3FAF] =	sst s4  }
0xd: {  	[smem:$0x3FB0] =	sst s5  }
0xe: {  	[smem:$0x3FB1] =	sst s6  }
0xf: {  	[smem:$0x3FB2] =	sst s7  }
0x10: {  	[smem:$0x3FB3] =	sst s8  }
0x11: {  	[smem:$0x3FB4] =	sst s9;
	s0 =	simm.s32 @!p0 $0x0  }
0x12: {  	s1 =	sld [smem:$0x3F9A];
	s0 =	simm.s32 @p0 $0x1  }
0x13: {  	[smem:$0x3FB5] =	sst s0;
	s0 =	simm.s32 @!p1 $0x0  }
0x14: {  	s2 =	sld [smem:$0x3F99];
	s0 =	simm.s32 @p1 $0x1  }
0x15: {  	[smem:$0x3FB6] =	sst s0;
	s0 =	simm.s32 @!p2 $0x0  }
0x16: {  	s3 =	sld [smem:$0x3FDB];
	s0 =	simm.s32 @p2 $0x1  }
0x17: {  	s4 =	simm.s32 $0x1BF5;
	[smem:$0x3FB8] =	sst s0  }
0x18: {  	s0 =	sld [smem:$0x3F9B];
	_ =	swait.ge [sflag:s4], $0x0  }
0x19: {  	s7 =	sld [smem:$0x3F9C]  }
0x1a: {  	s8 =	sadd.s32 $0xFFFFE003, lr  }
0x1b: {  	s9 =	sadd.s32 $0xFFFFFEF7, lr;
	s5 =	simm.s32 $0xFFFFFFFF;
	p2 =	slt.u32 s8, $0xFFFFF086  }
0x1c: {  	p1 =	slt.u32 s9, $0xF7A;
	s5 =	simm.s32 @!p2 $0x0  }
0x1d: {  	s5 =	simm.s32 @p1 $0x1;
	p0 =	seq.s32 s7, s2  }
0x1e: {  	s7 =	smul.u32 @!p0 $0xF7A, s2;
	p2 =	seq.s32 @!p0 s5, $0x0  }
0x1f: {  	s9 =	smul.u32 $0xF7A, s1;
	s8 =	simm.s32 @!p0 $0x1BF5;
	p2 =	por !p2, p0  }
0x20: {  	[sflag:s8] =	ssyncset.s32 @!p0 $0xFFFFF086;
	s6 =	sadd.s32 @!p0 s3, s7;
	s7 =	simm.s32 @!p0 $0x108  }
0x21: {  	s3 =	sadd.s32 s3, s9;
	s6 =	sadd.s32 @!p0 $0x88, s6;
	s7 =	simm.s32 @p2 $0x1082  }
0x22: {  	[simem:s7], [sflag:s8] =	dma.local @!p0 [hbm:s6], $0xF7A  }
0x23: {  	s9 =	sor.u32 $0xD0000000, s2;
	s6 =	simm.s32 $0x108;
	_ =	swait.ge @!p0 [sflag:s8], $0x0  }
0x24: {  	s3 =	sadd.s32 $0x88, s3;
	s6 =	simm.s32 @!p1 $0x1082;
	[sflag:s4] =	ssyncset.s32 $0xFFFFF086  }
0x25: {  	[simem:s6], [sflag:s4] =	dma.local [hbm:s3], $0xF7A  }
0x26: {  	[smem:$0x3F9C] =	sst s1;
	(tag) =	ssettag s2;
	_ =	strace s9  }
0x27: {  	s1 =	sld [smem:$0x3FAC]  }
0x28: {  	s2 =	sld [smem:$0x3FAD]  }
0x29: {  	s4 =	sld [smem:$0x3FAF]  }
0x2a: {  	p0 =	seq.s32 s5, $0x0;
	s5 =	sld [smem:$0x3FB0]  }
0x2b: {  	s6 =	sld [smem:$0x3FB1]  }
0x2c: {  	s7 =	sld [smem:$0x3FB2]  }
0x2d: {  	s3 =	simm.s32 $0x108;
	s8 =	sld [smem:$0x3FB3]  }
0x2e: {  	s3 =	simm.s32 @!p0 $0x1082;
	s9 =	sld [smem:$0x3FB4]  }
0x2f: {  	lr =	sadd.s32 s0, s3;
	s0 =	sld [smem:$0x3FAB]  }
0x30: {  	s3 =	sld [smem:$0x3FAE]  }
0x31: {  	[smem:$0x3FB7] =	sst s10  }
0x32: {  	s10 =	sld [smem:$0x3FB5];
	_ =	sdelay $0x3  }
0x33: {  	p0 =	seq.s32 s10, $0x1;
	s10 =	sld [smem:$0x3FB7];
	_ =	sdelay $0x3  }
0x34: {  	[smem:$0x3FB7] =	sst s10  }
0x35: {  	s10 =	sld [smem:$0x3FB6];
	_ =	sdelay $0x3  }
0x36: {  	p1 =	seq.s32 s10, $0x1;
	s10 =	sld [smem:$0x3FB7];
	_ =	sdelay $0x3  }
0x37: {  	[smem:$0x3FB7] =	sst s10  }
0x38: {  	s10 =	sld [smem:$0x3FB8]  }
0x39: {  	_ = 	snop;
	(pc) =	sbr.ind lr, $3  }
0x3a: {  	_ = 	snop  }
0x3b: {  	_ = 	snop  }
0x3c: {  	p2 =	seq.s32 s10, $0x1;
	s10 =	sld [smem:$0x3FB7]  }
0x3d: {  	_ =	shalt  }
0x3e: {  	_ =	shalt  }
0x3f: {  	_ =	shalt  }
0x40: {  	_ =	shalt  }
0x41: {  	_ =	shalt  }
0x42: {  	_ =	shalt  }
0x43: {  	_ =	shalt  }
0x44: {  	_ =	shalt  }
0x45: {  	_ =	shalt  }
0x46: {  	_ =	shalt  }
0x47: {  	_ =	shalt  }
0x48: {  	_ =	shalt  }
0x49: {  	_ =	shalt  }
0x4a: {  	_ =	shalt  }
0x4b: {  	_ =	shalt  }
0x4c: {  	_ =	shalt  }
0x4d: {  	_ =	shalt  }
0x4e: {  	_ =	shalt  }
0x4f: {  	_ =	shalt  }
0x50: {  	_ =	shalt  }
0x51: {  	_ =	shalt  }
0x52: {  	_ =	shalt  }
0x53: {  	_ =	shalt  }
0x54: {  	_ =	shalt  }
0x55: {  	_ =	shalt  }
0x56: {  	_ =	shalt  }
0x57: {  	_ =	shalt  }
0x58: {  	_ =	shalt  }
0x59: {  	_ =	shalt  }
0x5a: {  	_ =	shalt  }
0x5b: {  	_ =	shalt  }
0x5c: {  	_ =	shalt  }
0x5d: {  	_ =	shalt  }
0x5e: {  	_ =	shalt  }
0x5f: {  	_ =	shalt  }
0x60: {  	_ =	shalt  }
0x61: {  	_ =	shalt  }
0x62: {  	_ =	shalt  }
0x63: {  	_ =	shalt  }
0x64: {  	_ =	shalt  }
0x65: {  	_ =	shalt  }
0x66: {  	_ =	shalt  }
0x67: {  	_ =	shalt  }
0x68: {  	_ =	shalt  }
0x69: {  	_ =	shalt  }
0x6a: {  	_ =	shalt  }
0x6b: {  	_ =	shalt  }
0x6c: {  	_ =	shalt  }
0x6d: {  	_ =	shalt  }
0x6e: {  	_ =	shalt  }
0x6f: {  	_ =	shalt  }
0x70: {  	_ =	shalt  }
0x71: {  	_ =	shalt  }
0x72: {  	_ =	shalt  }
0x73: {  	_ =	shalt  }
0x74: {  	_ =	shalt  }
0x75: {  	_ =	shalt  }
0x76: {  	_ =	shalt  }
0x77: {  	_ =	shalt  }
0x78: {  	_ =	shalt  }
0x79: {  	_ =	shalt  }
0x7a: {  	_ =	shalt  }
0x7b: {  	_ =	shalt  }
0x7c: {  	_ =	shalt  }
0x7d: {  	_ =	shalt  }
0x7e: {  	_ =	shalt  }
0x7f: {  	_ =	shalt  }
0x80: {  	_ =	shalt  }
0x81: {  	_ =	shalt  }
0x82: {  	_ =	shalt  }
0x83: {  	_ =	shalt  }
0x84: {  	_ =	shalt  }
0x85: {  	_ =	shalt  }
0x86: {  	_ =	shalt  }
0x87: {  	_ =	shalt  }
.Lfunc_end0:
.L_simem_size_0:
called_computation.1_lowered:
.L_overlay_start_0:
0x88: {  	s2 =	sld [smem:$0x3FD9]  }
0x89: {  	s3 =	sld [smem:$0x3FFE];
	_ =	sdelay $0x1  }
0x8a: {  	s1 =	srdreg.scid  }
0x8b: {  	s0 =	sand.u32 $0x1, s1  }
0x8c: {  	s17 =	sshll.u32 s0, $0xA;
	s2 =	sadd.s32 s3, s2  }
0x8d: {  	s2 =	sadd.s32 s2, s17  }
0x8e: {  	[smem:$0x3FC3] =	sst s2  }
0x8f: {  	_ = 	snop  }
0x90: {  	s2 =	sld [smem:$0x3FD0];
	(tm) =	ssettm $0x1  }
0x91: {  	s18 =	sld [smem:$0x3FFB];
	_ =	sdelay $0x3  }
0x92: {  	_ =	strace s18  }
0x93: {  	s3 =	sld [smem:$0x3FFC];
	_ =	sdelay $0x3  }
0x94: {  	_ =	strace s3  }
0x95: {  	s3 =	sld [smem:$0x3FFD];
	_ =	sdelay $0x3  }
0x96: {  	_ =	strace s3  }
0x97: {  	_ =	strace $0x8FFFFFFF  }
0x98: {  	s19 =	sld [smem:$0x3FDB];
	_ =	sdelay $0x1  }
0x99: {  	s4 =	simm.s32 $_scs_section_size  }
0x9a: {  	s5 =	simm.s32 $_size__tile_overlayer_lowered;
	s6 =	simm.s32 $_tile_overlayer_lowered  }
0x9b: {  	s22 =	simm.s32 $0x1BFF;
	s21 =	sshll.u32 s6, $0x1;
	s3 =	sadd.s32 s4, s19  }
0x9c: {  	s7 =	simm.s32 $0x0;
	s20 =	sshll.u32 s5, $0x1;
	s5 =	sadd.s32 s21, s3  }
0x9d: {  	[timem:s7], [sflag:s22] =	dma.local [hbm:s5], s20  }
0x9e: {  	_ =	swait.ge [sflag:s22], s20  }
0x9f: {  	s4 =	ssub.s32 $0x0, s20;
	[sflag:s22] =	ssyncset.done $0x0  }
0xa0: {  	[sflag:s22] =	ssyncadd.s32 s4;
	_ =	sdelay $0x1  }
0xa1: {  	s23 =	simm.s32 $0x1B8B  }
0xa2: {  	_ =	swait.ge [sflag:s23], $0x1  }
0xa3: {  	[sflag:s23] =	ssyncset.done $0x0  }
0xa4: {  	s25 =	simm.s32 $0x1B8E;
	s24 =	sld [smem:$0x3FFE];
	[sflag:s23] =	ssyncadd.s32 $0xFFFFFFFF  }
0xa5: {  	s26 =	simm.s32 $execute0_lowered;
	[smem:$0x3FD2] =	sst s25  }
0xa6: {  	s5 =	sshll.u32 s26, $0x1;
	_ =	strace $0x80000049;
	[dreg:$0x1] =	wrdreg $0xFFFFFFFF  }
0xa7: {  	s28 =	simm.s32 $_size_execute0_lowered;
	s3 =	sadd.s32 s3, s5;
	[dreg:$0x0] =	wrdreg $0x0  }
0xa8: {  	s5 =	sshll.u32 s28, $0x1;
	[dreg:$0x2] =	wrdreg s3  }
0xa9: {  	[dreg:$0x3] =	wrdreg s5  }
0xaa: {  	[dreg:$0x4] =	wrdreg $0xC0  }
0xab: {  	_ =	task [dreg:s7], $0x5FFFF  }
0xac: {  	[dreg:$0x1] =	wrdreg $0xFFFFFFFF  }
0xad: {  	[dreg:$0x0] =	wrdreg $0x60  }
0xae: {  	[dreg:$0x2] =	wrdreg s2  }
0xaf: {  	[dreg:$0x3] =	wrdreg s24  }
0xb0: {  	[dreg:$0x4] =	wrdreg $0x9  }
0xb1: {  	_ =	task.clear_ibuf [dreg:s7], $0x5FFFF;
	_ =	strace $0x90000049  }
0xb2: {  	s29 =	simm.s32 $0x9;
	_ =	strace $0x8000004B  }
0xb3: {  	_ =	swait.ge [sflag:s29], $0x1  }
0xb4: {  	[sflag:s29] =	ssyncadd.s32 $0xFFFFFFFF  }
0xb5: {  	_ =	strace $0x9000004B  }
0xb6: {  	_ =	sfence  }
0xb7: {  	s30 =	sld [smem:$0x0];
	_ =	sdelay $0x2  }
0xb8: {  	s31 =	sshll.u32 s1, $0xD;
	s1 =	sshrl.u32 s1, $0x2  }
0xb9: {  	s3 =	sand.u32 $0x4000, s31;
	s1 =	sadd.s32 s1, s30  }
0xba: {  	s0 =	sor.u32 s3, s0;
	s1 =	sshll.u32 s1, $0x11  }
0xbb: {  	s0 =	sor.u32 s1, s0  }
0xbc: {  	s0 =	sadd.s32 $0x8F2B, s0  }
0xbd: {  	[sflag:s0] =	ssyncadd.remote.s32 $0x1  }
0xbe: {  	_ =	sfence.sel $0xFFFF  }
0xbf: {  	[dreg:$0x0] =	wrdreg $0xFFFFFFFF;
	(pc) =	sbr.abs _section_cstart, $3  }
0xc0: {  	[dreg:$0x1] =	wrdreg $0xFFFFFFFF  }
0xc1: {  	_ =	task.clear_ibuf [dreg:s7], $0x2FFFF;
	_ =	strace $0x9FFFFFFF  }
0xc2: {  	(tm) =	ssettm $0x7FFFFFFF  }
0xc3: {  	_ =	shalt  }
tec
execute0_lowered:
.L_overlay_start_1:
0x0: {  	(tag) =	ssettag $0x1  }
0x1: {  	s1 =	srdreg.scid;
	s2 =	rddreg [dreg:$0x0]  }
0x2: {  	s0 =	stileid.u32;
	s5 =	rddreg [dreg:$0x1];
	s6 =	simm.s32 $0x1  }
0x3: {  	s9 =	simm.s32 $0x1;
	s10 =	simm.s32 $0x3;
	s1 =	sshll.u32 s1, $0x8  }
0x4: {  	s13 =	simm.s32 $0x0;
	s3 =	sshll.u32 s0, $0x9;
	s4 =	sand.u32 $0x100, s1  }
0x5: {  	s12 =	simm.s32 $0x0;
	s1 =	rddreg [dreg:$0x2];
	s3 =	sor.u32 s3, s4  }
0x6: {  	_ =	strace $0x8000004A;
	s4 =	sadd.s32 $0x2000, s5;
	s8 =	ssub.s32 $0x4000, s3  }
.Ltmp0:
0x7: {  	s5 =	sadd.s32 $0x3A00, s5;
	s7 =	sand.u32 $0x1F00, s8;
	(pc) =	sbr.rel .LBB2_1-.Ltmp0, $4  }
0x8: {  	[sflag:s6] =	ssyncpa.u1 $0x0;
	s11 =	smov.u32 s3;
	p0 =	sne.s32 s7, $0x0  }
0x9: {  	s8 =	sshrl.u32 s8, $0xD;
	s7 =	simm.s32 $0x2;
	s9 =	simm.s32 @!p0 $0x0  }
0xa: {  	[sflag:s7] =	ssyncpa.u1 $0x0;
	p0 =	por $0x0, $0x0;
	s8 =	sadd.s32 s9, s8  }
0xb: {  	vm0 =	vmmov $0xffff;
	[sflag:s10] =	ssyncpa.u1 $0x0;
	s10 =	simm.s32 $0x0;
	s9 =	sadd.s32 $0x1, s8  }
.LBB2_4:
0xc: {  	v2 =	vnsel vm1, $0x0, v2  }
0xd: {  	vm1 =	vgt.s32 v0, $0x0;
	v2 =	vmin.u32 v2, $0x3FFF  }
0xe: {  	v0 =	vnsel vm1, $0x0, v0  }
0xf: {  	v0 =	vmin.u32 v0, $0x3FFF  }
0x10: {  	[tilespmem:s15], [sflag:$0x1] =	stream.indirect_vreg.gather [hbm4b:s2+s10], $0x1, v1, vm0, $0x4038;
	[tilespmem:$0x400] =	vst v63  }
0x11: {  	(ifvalue) =	ssetifvalue $0x7FFFFFFF  }
0x12: {  	[tilespmem:s16], [sflag:$0x1] =	stream.indirect_vreg.gather [hbm4b:s2+s10], $0x1, v2, vm0, $0x4038;
	[tilespmem:$0x400] =	vst v63  }
0x13: {  	s29 =	sadd.s32 $0x10, s16;
	(ifvalue) =	ssetifvalue $0x7FFFFFFF  }
0x14: {  	[tilespmem:s29], [sflag:$0x1] =	stream.indirect_vreg.gather [hbm4b:s2+s10], $0x1, v0, vm0, $0x4038;
	[tilespmem:$0x400] =	vst v63  }
0x15: {  	_ =	swait.ge [sflag:s6], $0x100  }
0x16: {  	s30 =	sshrl.u32 s13, $0x3;
	[sflag:s6] =	ssyncset.done $0x0  }
0x17: {  	s31 =	sand.u32 $0x7, s13;
	s15 =	sadd.s32 s5, s30;
	[sflag:s6] =	ssyncadd.s32 $0xFFFFFF00  }
0x18: {  	[hbm4b:s15+s31] =	stream.linear.scatter [tilespmem:s14], [sflag:$0x3], $0x100, $0x38;
	[tilespmem:$0x400] =	vst v63  }
.LBB2_5:
0x19: {  	s15 =	sadd.s32 $0x2000, s11  }
0x1a: {  	p2 =	sgt.s32 s15, $0x3FFF  }
0x1b: {  	s15 =	smov.u32 @p2 s3;
	p2 =	sne.s32 s12, s9  }
.Ltmp1:
0x1c: {  	p1 =	slt.u32 s12, $0x2;
	(pc) =	sbr.rel @!p2 .LBB2_6-.Ltmp1, $4  }
0x1d: {  	s14 =	simm.s32 @!p1 $0x3  }
0x1e: {  	s16 =	sadd.s32 $0x1, s12;
	_ =	swait.ge @!p1 [sflag:s14], $0x100  }
0x1f: {  	s13 =	smov.u32 s11;
	p0 =	por !p0, !p0;
	[sflag:s14] =	ssyncset.done @!p1 $0x0  }
0x20: {  	s12 =	smov.u32 s16;
	s11 =	smov.u32 s15;
	[sflag:s14] =	ssyncadd.s32 @!p1 $0xFFFFFF00  }
.LBB2_1:
0x21: {  	p1 =	sge.u32 s12, s8  }
0x22: {  	s14 =	sxor.u32 @!p1 $0xFFFFFFFF, s12  }
0x23: {  	s31 =	sadd.s32 $0xFFFFFFFF, s12;
	s15 =	sshrl.u32 @!p1 s11, $0x3;
	s14 =	sshll.u32 @!p1 s14, $0x8  }
0x24: {  	s16 =	sand.u32 @!p1 $0x7, s11;
	s15 =	sadd.s32 @!p1 s4, s15;
	s14 =	sand.u32 @!p1 $0x100, s14  }
0x25: {  	[tilespmem:s14], [sflag:$0x2] =	stream.linear.gather @!p1 [hbm4b:s15+s16], $0x100, $0x38;
	[tilespmem:$0x400] =	vst v63  }
0x26: {  	p1 =	sge.u32 s31, s8  }
.Ltmp2:
0x27: {  	_ = 	snop;
	(pc) =	sbr.rel @p1 .LBB2_5-.Ltmp2, $1  }
0x28: {  	_ =	sdelay $0x3  }
0x29: {  	s14 =	simm.s32 $0x1  }
0x2a: {  	_ =	swait.ge [sflag:s7], $0x100;
	s14 =	simm.s32 @!p0 $0x0  }
0x2b: {  	[sflag:s7] =	ssyncset.done $0x0;
	s14 =	sshll.u32 s14, $0x8  }
0x2c: {  	[sflag:s7] =	ssyncadd.s32 $0xFFFFFF00;
	(ifvalue) =	ssetifvalue $0x7FFFFFFF;
	v0 =	vld.msk [tilespmem:s14+$0x0 ss:$0x1], $0xffff;
	_ =	sdelay $0x4  }
0x2d: {  	s15 =	sadd.s32 $0x10, s14;
	vm1 =	vgt.s32 v0, $0x0  }
0x2e: {  	v2 =	vld.msk [tilespmem:s15+$0x0 ss:$0x1], $0xffff;
	v1 =	vnsel vm1, $0x0, v0  }
0x2f: {  	v1 =	vmin.u32 v1, $0x3FFF;
	_ =	sdelay $0x1  }
0x30: {  	s16 =	sshll.u32 s12, $0x8;
	s18 =	simm.s32 $0x20  }
0x31: {  	s16 =	sand.u32 $0x100, s16;
	s17 =	sadd.s32 $0x10, s15;
	s15 =	sor.u32 $0x200, s14  }
0x32: {  	s14 =	sor.u32 $0x200, s16;
	s16 =	sadd.s32 $0x10, s15;
	v0 =	vld.msk [tilespmem:s17+$0x0 ss:$0x1], $0xffff;
	vm1 =	vgt.s32 v2, $0x0;
	(ifvalue) =	ssetifvalue $0x7FFFFFFF  }
.LBB2_3:
0x33: {  	[tilespmem:s15], [sflag:$0x1] =	stream.indirect_vreg.gather [hbm4b:s2+s10], $0x1, v1, vm0, $0x4038;
	[tilespmem:$0x400] =	vst v63  }
0x34: {  	s18 =	sadd.s32 $0x10, s18  }
0x35: {  	v2 =	vnsel vm1, $0x0, v2;
	p1 =	slt.u32 s18, $0xF0  }
.Ltmp3:
0x36: {  	s15 =	smov.u32 s16;
	v1 =	vmin.u32 v2, $0x3FFF;
	(pc) =	sbr.rel @p1 .LBB2_3-.Ltmp3, $3  }
0x37: {  	_ =	sdelay $0x1  }
0x38: {  	s17 =	sadd.s32 $0x10, s17  }
0x39: {  	vm1 =	vgt.s32 v0, $0x0;
	s16 =	sadd.s32 $0x10, s16;
	v2 =	vmov v0;
	(ifvalue) =	ssetifvalue $0x7FFFFFFF;
	v0 =	vld.msk [tilespmem:s17+$0x0 ss:$0x1], $0xffff  }
.Ltmp4:
0x3a: {  	_ = 	snop;
	(pc) =	sbr.rel .LBB2_4-.Ltmp4, $1  }
0x3b: {  	_ =	sdelay $0x3  }
.LBB2_6:
0x3c: {  	_ =	sfence.sel $0x180000  }
0x3d: {  	s2 =	simm.s32 $0x2;
	[bflag:$0x0] =	sbarrier.arrive $0xFFFF  }
0x3e: {  	s30 =	simm.s32 $0x3;
	[sflag:s2] =	ssyncpa.u1 $0x1  }
0x3f: {  	s31 =	simm.s32 $0x1;
	[sflag:s30] =	ssyncpa.u1 $0x1  }
0x40: {  	[sflag:s31] =	ssyncpa.u1 $0x1  }
0x41: {  	p0 =	sne.s32 s0, $0x0;
	_ =	strace $0x9000004A  }
0x42: {  	s0 =	sadd.s32 @!p0 $0x100000, s1;
	[bflag:$0x2] =	sbarrier.arrive $0xFFFF  }
0x43: {  	[sflag:s0] =	ssyncadd.tile.s32 @!p0 $0x1;
	_ =	shalt  }
.Lfunc_end2:
_tile_overlayer_lowered:
.L_overlay_start_2:
0x44: {  	(tag) =	ssettag $0x2  }
0x45: {  	s0 =	rddreg [dreg:$0x0];
	s2 =	stileid.u32  }
0x46: {  	s1 =	rddreg [dreg:$0x1];
	p0 =	sne.s32 s2, $0x0  }
0x47: {  	s3 =	rddreg [dreg:$0x2];
	[bflag:$0x3] =	sbarrier.arrive $0xFFFF;
	s2 =	simm.s32 @!p0 $0x1C01  }
0x48: {  	[timem:s3], [sflag:s2] =	dma.local @!p0 [hbm:s0], s1  }
0x49: {  	s0 =	simm.s32 @!p0 $0x1  }
0x4a: {  	_ =	swait.ge @!p0 [sflag:s0], s1  }
0x4b: {  	s1 =	ssub.s32 @!p0 $0x0, s1;
	[sflag:s0] =	ssyncset.done @!p0 $0x0  }
0x4c: {  	[sflag:s0] =	ssyncadd.s32 @!p0 s1  }
0x4d: {  	[bflag:$0x3] =	sbarrier.arrive $0xFFFF  }
0x4e: {  	_ =	shalt  }

// kernel: gather_offload_async_start
scs
__scs_entry_jumppad:
0x0: {  	(pc) =	sbr.rel $0x88, $3  }
0x1: {  	(tag) =	ssettag $0x0;
	lr =	simm.s32 $0x1  }
0x2: {  	[smem:$0x3F9C] =	sst lr;
	_ =	strace $0xD0000000  }
0x3: {  	_ = 	snop  }
0x4: {  	_ = 	snop  }
0x5: {  	_ = 	snop  }
0x6: {  	_ = 	snop  }
0x7: {  	_ = 	snop  }
__scs_overlays_trampoline_lowered:
0x8: {  	[smem:$0x3FAB] =	sst s0  }
0x9: {  	[smem:$0x3FAC] =	sst s1  }
0xa: {  	[smem:$0x3FAD] =	sst s2  }
0xb: {  	[smem:$0x3FAE] =	sst s3  }
0xc: {  	[smem:$0x3FAF] =	sst s4  }
0xd: {  	[smem:$0x3FB0] =	sst s5  }
0xe: {  	[smem:$0x3FB1] =	sst s6  }
0xf: {  	[smem:$0x3FB2] =	sst s7  }
0x10: {  	[smem:$0x3FB3] =	sst s8  }
0x11: {  	[smem:$0x3FB4] =	sst s9;
	s0 =	simm.s32 @!p0 $0x0  }
0x12: {  	s1 =	sld [smem:$0x3F9A];
	s0 =	simm.s32 @p0 $0x1  }
0x13: {  	[smem:$0x3FB5] =	sst s0;
	s0 =	simm.s32 @!p1 $0x0  }
0x14: {  	s2 =	sld [smem:$0x3F99];
	s0 =	simm.s32 @p1 $0x1  }
0x15: {  	[smem:$0x3FB6] =	sst s0;
	s0 =	simm.s32 @!p2 $0x0  }
0x16: {  	s3 =	sld [smem:$0x3FDB];
	s0 =	simm.s32 @p2 $0x1  }
0x17: {  	s4 =	simm.s32 $0x1BF5;
	[smem:$0x3FB8] =	sst s0  }
0x18: {  	s0 =	sld [smem:$0x3F9B];
	_ =	swait.ge [sflag:s4], $0x0  }
0x19: {  	s7 =	sld [smem:$0x3F9C]  }
0x1a: {  	s8 =	sadd.s32 $0xFFFFE003, lr  }
0x1b: {  	s9 =	sadd.s32 $0xFFFFFEF7, lr;
	s5 =	simm.s32 $0xFFFFFFFF;
	p2 =	slt.u32 s8, $0xFFFFF086  }
0x1c: {  	p1 =	slt.u32 s9, $0xF7A;
	s5 =	simm.s32 @!p2 $0x0  }
0x1d: {  	s5 =	simm.s32 @p1 $0x1;
	p0 =	seq.s32 s7, s2  }
0x1e: {  	s7 =	smul.u32 @!p0 $0xF7A, s2;
	p2 =	seq.s32 @!p0 s5, $0x0  }
0x1f: {  	s9 =	smul.u32 $0xF7A, s1;
	s8 =	simm.s32 @!p0 $0x1BF5;
	p2 =	por !p2, p0  }
0x20: {  	[sflag:s8] =	ssyncset.s32 @!p0 $0xFFFFF086;
	s6 =	sadd.s32 @!p0 s3, s7;
	s7 =	simm.s32 @!p0 $0x108  }
0x21: {  	s3 =	sadd.s32 s3, s9;
	s6 =	sadd.s32 @!p0 $0x88, s6;
	s7 =	simm.s32 @p2 $0x1082  }
0x22: {  	[simem:s7], [sflag:s8] =	dma.local @!p0 [hbm:s6], $0xF7A  }
0x23: {  	s9 =	sor.u32 $0xD0000000, s2;
	s6 =	simm.s32 $0x108;
	_ =	swait.ge @!p0 [sflag:s8], $0x0  }
0x24: {  	s3 =	sadd.s32 $0x88, s3;
	s6 =	simm.s32 @!p1 $0x1082;
	[sflag:s4] =	ssyncset.s32 $0xFFFFF086  }
0x25: {  	[simem:s6], [sflag:s4] =	dma.local [hbm:s3], $0xF7A  }
0x26: {  	[smem:$0x3F9C] =	sst s1;
	(tag) =	ssettag s2;
	_ =	strace s9  }
0x27: {  	s1 =	sld [smem:$0x3FAC]  }
0x28: {  	s2 =	sld [smem:$0x3FAD]  }
0x29: {  	s4 =	sld [smem:$0x3FAF]  }
0x2a: {  	p0 =	seq.s32 s5, $0x0;
	s5 =	sld [smem:$0x3FB0]  }
0x2b: {  	s6 =	sld [smem:$0x3FB1]  }
0x2c: {  	s7 =	sld [smem:$0x3FB2]  }
0x2d: {  	s3 =	simm.s32 $0x108;
	s8 =	sld [smem:$0x3FB3]  }
0x2e: {  	s3 =	simm.s32 @!p0 $0x1082;
	s9 =	sld [smem:$0x3FB4]  }
0x2f: {  	lr =	sadd.s32 s0, s3;
	s0 =	sld [smem:$0x3FAB]  }
0x30: {  	s3 =	sld [smem:$0x3FAE]  }
0x31: {  	[smem:$0x3FB7] =	sst s10  }
0x32: {  	s10 =	sld [smem:$0x3FB5];
	_ =	sdelay $0x3  }
0x33: {  	p0 =	seq.s32 s10, $0x1;
	s10 =	sld [smem:$0x3FB7];
	_ =	sdelay $0x3  }
0x34: {  	[smem:$0x3FB7] =	sst s10  }
0x35: {  	s10 =	sld [smem:$0x3FB6];
	_ =	sdelay $0x3  }
0x36: {  	p1 =	seq.s32 s10, $0x1;
	s10 =	sld [smem:$0x3FB7];
	_ =	sdelay $0x3  }
0x37: {  	[smem:$0x3FB7] =	sst s10  }
0x38: {  	s10 =	sld [smem:$0x3FB8]  }
0x39: {  	_ = 	snop;
	(pc) =	sbr.ind lr, $3  }
0x3a: {  	_ = 	snop  }
0x3b: {  	_ = 	snop  }
0x3c: {  	p2 =	seq.s32 s10, $0x1;
	s10 =	sld [smem:$0x3FB7]  }
0x3d: {  	_ =	shalt  }
0x3e: {  	_ =	shalt  }
0x3f: {  	_ =	shalt  }
0x40: {  	_ =	shalt  }
0x41: {  	_ =	shalt  }
0x42: {  	_ =	shalt  }
0x43: {  	_ =	shalt  }
0x44: {  	_ =	shalt  }
0x45: {  	_ =	shalt  }
0x46: {  	_ =	shalt  }
0x47: {  	_ =	shalt  }
0x48: {  	_ =	shalt  }
0x49: {  	_ =	shalt  }
0x4a: {  	_ =	shalt  }
0x4b: {  	_ =	shalt  }
0x4c: {  	_ =	shalt  }
0x4d: {  	_ =	shalt  }
0x4e: {  	_ =	shalt  }
0x4f: {  	_ =	shalt  }
0x50: {  	_ =	shalt  }
0x51: {  	_ =	shalt  }
0x52: {  	_ =	shalt  }
0x53: {  	_ =	shalt  }
0x54: {  	_ =	shalt  }
0x55: {  	_ =	shalt  }
0x56: {  	_ =	shalt  }
0x57: {  	_ =	shalt  }
0x58: {  	_ =	shalt  }
0x59: {  	_ =	shalt  }
0x5a: {  	_ =	shalt  }
0x5b: {  	_ =	shalt  }
0x5c: {  	_ =	shalt  }
0x5d: {  	_ =	shalt  }
0x5e: {  	_ =	shalt  }
0x5f: {  	_ =	shalt  }
0x60: {  	_ =	shalt  }
0x61: {  	_ =	shalt  }
0x62: {  	_ =	shalt  }
0x63: {  	_ =	shalt  }
0x64: {  	_ =	shalt  }
0x65: {  	_ =	shalt  }
0x66: {  	_ =	shalt  }
0x67: {  	_ =	shalt  }
0x68: {  	_ =	shalt  }
0x69: {  	_ =	shalt  }
0x6a: {  	_ =	shalt  }
0x6b: {  	_ =	shalt  }
0x6c: {  	_ =	shalt  }
0x6d: {  	_ =	shalt  }
0x6e: {  	_ =	shalt  }
0x6f: {  	_ =	shalt  }
0x70: {  	_ =	shalt  }
0x71: {  	_ =	shalt  }
0x72: {  	_ =	shalt  }
0x73: {  	_ =	shalt  }
0x74: {  	_ =	shalt  }
0x75: {  	_ =	shalt  }
0x76: {  	_ =	shalt  }
0x77: {  	_ =	shalt  }
0x78: {  	_ =	shalt  }
0x79: {  	_ =	shalt  }
0x7a: {  	_ =	shalt  }
0x7b: {  	_ =	shalt  }
0x7c: {  	_ =	shalt  }
0x7d: {  	_ =	shalt  }
0x7e: {  	_ =	shalt  }
0x7f: {  	_ =	shalt  }
0x80: {  	_ =	shalt  }
0x81: {  	_ =	shalt  }
0x82: {  	_ =	shalt  }
0x83: {  	_ =	shalt  }
0x84: {  	_ =	shalt  }
0x85: {  	_ =	shalt  }
0x86: {  	_ =	shalt  }
0x87: {  	_ =	shalt  }
.Lfunc_end0:
.L_simem_size_0:
called_computation_lowered:
.L_overlay_start_0:
0x88: {  	s2 =	sld [smem:$0x3FD9]  }
0x89: {  	s3 =	sld [smem:$0x3FFE];
	_ =	sdelay $0x1  }
0x8a: {  	s1 =	srdreg.scid  }
0x8b: {  	s0 =	sand.u32 $0x1, s1  }
0x8c: {  	s16 =	sshll.u32 s0, $0xA;
	s2 =	sadd.s32 s3, s2  }
0x8d: {  	s2 =	sadd.s32 s2, s16  }
0x8e: {  	[smem:$0x3FC3] =	sst s2  }
0x8f: {  	_ = 	snop  }
0x90: {  	(tm) =	ssettm $0x1  }
0x91: {  	s17 =	sld [smem:$0x3FFB];
	_ =	sdelay $0x3  }
0x92: {  	_ =	strace s17  }
0x93: {  	s2 =	sld [smem:$0x3FFC];
	_ =	sdelay $0x3  }
0x94: {  	_ =	strace s2  }
0x95: {  	s2 =	sld [smem:$0x3FFD];
	_ =	sdelay $0x3  }
0x96: {  	_ =	strace s2  }
0x97: {  	_ =	strace $0x8FFFFFFF  }
0x98: {  	s18 =	sld [smem:$0x3FDB];
	_ =	sdelay $0x1  }
0x99: {  	s19 =	simm.s32 $_scs_section_size  }
0x9a: {  	s4 =	simm.s32 $_size__tile_overlayer_lowered;
	s5 =	simm.s32 $_tile_overlayer_lowered  }
0x9b: {  	s22 =	simm.s32 $0x1BFF;
	s21 =	sshll.u32 s5, $0x1;
	s2 =	sadd.s32 s19, s18  }
0x9c: {  	s6 =	simm.s32 $0x0;
	s20 =	sshll.u32 s4, $0x1;
	s4 =	sadd.s32 s21, s2  }
0x9d: {  	[timem:s6], [sflag:s22] =	dma.local [hbm:s4], s20  }
0x9e: {  	_ =	swait.ge [sflag:s22], s20  }
0x9f: {  	s3 =	ssub.s32 $0x0, s20;
	[sflag:s22] =	ssyncset.done $0x0  }
0xa0: {  	[sflag:s22] =	ssyncadd.s32 s3;
	_ =	sdelay $0x1  }
0xa1: {  	s23 =	simm.s32 $0x1B8B  }
0xa2: {  	_ =	swait.ge [sflag:s23], $0x1  }
0xa3: {  	[sflag:s23] =	ssyncset.done $0x0  }
0xa4: {  	s25 =	simm.s32 $0x1B8E;
	s24 =	sld [smem:$0x3FFE];
	[sflag:s23] =	ssyncadd.s32 $0xFFFFFFFF  }
0xa5: {  	s26 =	simm.s32 $execute0_lowered;
	[smem:$0x3FD2] =	sst s25  }
0xa6: {  	s4 =	sshll.u32 s26, $0x1;
	_ =	strace $0x80000046;
	[dreg:$0x1] =	wrdreg $0xFFFFFFFF  }
0xa7: {  	s28 =	simm.s32 $_size_execute0_lowered;
	s2 =	sadd.s32 s2, s4;
	[dreg:$0x0] =	wrdreg $0x0  }
0xa8: {  	s4 =	sshll.u32 s28, $0x1;
	[dreg:$0x2] =	wrdreg s2  }
0xa9: {  	[dreg:$0x3] =	wrdreg s4  }
0xaa: {  	[dreg:$0x4] =	wrdreg $0xC0  }
0xab: {  	_ =	task [dreg:s6], $0x5FFFF  }
0xac: {  	[dreg:$0x1] =	wrdreg $0xFFFFFFFF  }
0xad: {  	[dreg:$0x0] =	wrdreg $0x60  }
0xae: {  	[dreg:$0x2] =	wrdreg s24  }
0xaf: {  	[dreg:$0x3] =	wrdreg $0x9  }
0xb0: {  	_ =	task.clear_ibuf [dreg:s6], $0x4FFFF;
	_ =	strace $0x90000046  }
0xb1: {  	s29 =	simm.s32 $0x9;
	_ =	strace $0x80000048  }
0xb2: {  	_ =	swait.ge [sflag:s29], $0x1  }
0xb3: {  	[sflag:s29] =	ssyncadd.s32 $0xFFFFFFFF  }
0xb4: {  	_ =	strace $0x90000048  }
0xb5: {  	_ =	sfence  }
0xb6: {  	s30 =	sld [smem:$0x0];
	_ =	sdelay $0x2  }
0xb7: {  	s31 =	sshll.u32 s1, $0xD;
	s1 =	sshrl.u32 s1, $0x2  }
0xb8: {  	s3 =	sand.u32 $0x4000, s31;
	s1 =	sadd.s32 s1, s30  }
0xb9: {  	s0 =	sor.u32 s3, s0;
	s1 =	sshll.u32 s1, $0x11  }
0xba: {  	s0 =	sor.u32 s1, s0  }
0xbb: {  	s0 =	sadd.s32 $0x8F2B, s0  }
0xbc: {  	[sflag:s0] =	ssyncadd.remote.s32 $0x1  }
0xbd: {  	_ =	sfence.sel $0xFFFF  }
0xbe: {  	[dreg:$0x0] =	wrdreg $0xFFFFFFFF;
	(pc) =	sbr.abs _section_cstart, $3  }
0xbf: {  	[dreg:$0x1] =	wrdreg $0xFFFFFFFF  }
0xc0: {  	_ =	task.clear_ibuf [dreg:s6], $0x2FFFF;
	_ =	strace $0x9FFFFFFF  }
0xc1: {  	(tm) =	ssettm $0x7FFFFFFF  }
tec
execute0_lowered:
.L_overlay_start_1:
0x0: {  	(tag) =	ssettag $0x1  }
0x1: {  	s1 =	srdreg.scid  }
0x2: {  	s0 =	stileid.u32;
	s2 =	rddreg [dreg:$0x0];
	s6 =	simm.s32 $0x1  }
0x3: {  	s9 =	simm.s32 $0x1;
	s10 =	simm.s32 $0x3;
	s1 =	sshll.u32 s1, $0x9  }
0x4: {  	s13 =	simm.s32 $0x0;
	s3 =	sshll.u32 s0, $0xA;
	s4 =	sand.u32 $0x200, s1  }
0x5: {  	s12 =	simm.s32 $0x0;
	s5 =	sadd.s32 $0x3A00, s2;
	s3 =	sor.u32 s3, s4  }
0x6: {  	s1 =	rddreg [dreg:$0x1];
	_ =	strace $0x80000047;
	s8 =	ssub.s32 $0x8000, s3  }
.Ltmp0:
0x7: {  	s4 =	sadd.s32 $0x1000, s2;
	s7 =	sand.u32 $0x3E00, s8;
	(pc) =	sbr.rel .LBB2_1-.Ltmp0, $4  }
0x8: {  	[sflag:s6] =	ssyncpa.u1 $0x0;
	s11 =	smov.u32 s3;
	p0 =	sne.s32 s7, $0x0  }
0x9: {  	s8 =	sshrl.u32 s8, $0xE;
	s7 =	simm.s32 $0x2;
	s9 =	simm.s32 @!p0 $0x0  }
0xa: {  	[sflag:s7] =	ssyncpa.u1 $0x0;
	p0 =	por $0x0, $0x0;
	s8 =	sadd.s32 s9, s8  }
0xb: {  	vm0 =	vmmov $0xffff;
	[sflag:s10] =	ssyncpa.u1 $0x0;
	s10 =	simm.s32 $0x0;
	s9 =	sadd.s32 $0x1, s8  }
.LBB2_4:
0xc: {  	v2 =	vnsel vm1, $0x0, v2  }
0xd: {  	vm1 =	vgt.s32 v0, $0x0;
	v2 =	vmin.u32 v2, $0x7FFF  }
0xe: {  	v0 =	vnsel vm1, $0x0, v0  }
0xf: {  	v0 =	vmin.u32 v0, $0x7FFF  }
0x10: {  	[tilespmem:s15], [sflag:$0x1] =	stream.indirect_vreg.gather [hbm4b:s2+s10], $0x1, v1, vm0, $0x4038;
	[tilespmem:$0x800] =	vst v63  }
0x11: {  	(ifvalue) =	ssetifvalue $0x7FFFFFFF  }
0x12: {  	[tilespmem:s16], [sflag:$0x1] =	stream.indirect_vreg.gather [hbm4b:s2+s10], $0x1, v2, vm0, $0x4038;
	[tilespmem:$0x800] =	vst v63  }
0x13: {  	s29 =	sadd.s32 $0x10, s16;
	(ifvalue) =	ssetifvalue $0x7FFFFFFF  }
0x14: {  	[tilespmem:s29], [sflag:$0x1] =	stream.indirect_vreg.gather [hbm4b:s2+s10], $0x1, v0, vm0, $0x4038;
	[tilespmem:$0x800] =	vst v63  }
0x15: {  	_ =	swait.ge [sflag:s6], $0x200  }
0x16: {  	s30 =	sshrl.u32 s13, $0x3;
	[sflag:s6] =	ssyncset.done $0x0  }
0x17: {  	s31 =	sand.u32 $0x7, s13;
	s15 =	sadd.s32 s5, s30;
	[sflag:s6] =	ssyncadd.s32 $0xFFFFFE00  }
0x18: {  	[hbm4b:s15+s31] =	stream.linear.scatter [tilespmem:s14], [sflag:$0x3], $0x200, $0x38;
	[tilespmem:$0x800] =	vst v63  }
.LBB2_5:
0x19: {  	s15 =	sadd.s32 $0x4000, s11  }
0x1a: {  	p2 =	sgt.s32 s15, $0x7FFF  }
0x1b: {  	s15 =	smov.u32 @p2 s3;
	p2 =	sne.s32 s12, s9  }
.Ltmp1:
0x1c: {  	p1 =	slt.u32 s12, $0x2;
	(pc) =	sbr.rel @!p2 .LBB2_6-.Ltmp1, $4  }
0x1d: {  	s14 =	simm.s32 @!p1 $0x3  }
0x1e: {  	s16 =	sadd.s32 $0x1, s12;
	_ =	swait.ge @!p1 [sflag:s14], $0x200  }
0x1f: {  	s13 =	smov.u32 s11;
	p0 =	por !p0, !p0;
	[sflag:s14] =	ssyncset.done @!p1 $0x0  }
0x20: {  	s12 =	smov.u32 s16;
	s11 =	smov.u32 s15;
	[sflag:s14] =	ssyncadd.s32 @!p1 $0xFFFFFE00  }
.LBB2_1:
0x21: {  	p1 =	sge.u32 s12, s8  }
0x22: {  	s14 =	sxor.u32 @!p1 $0xFFFFFFFF, s12  }
0x23: {  	s31 =	sadd.s32 $0xFFFFFFFF, s12;
	s15 =	sshrl.u32 @!p1 s11, $0x3;
	s14 =	sshll.u32 @!p1 s14, $0x9  }
0x24: {  	s16 =	sand.u32 @!p1 $0x7, s11;
	s15 =	sadd.s32 @!p1 s4, s15;
	s14 =	sand.u32 @!p1 $0x200, s14  }
0x25: {  	[tilespmem:s14], [sflag:$0x2] =	stream.linear.gather @!p1 [hbm4b:s15+s16], $0x200, $0x38;
	[tilespmem:$0x800] =	vst v63  }
0x26: {  	p1 =	sge.u32 s31, s8  }
.Ltmp2:
0x27: {  	_ = 	snop;
	(pc) =	sbr.rel @p1 .LBB2_5-.Ltmp2, $1  }
0x28: {  	_ =	sdelay $0x3  }
0x29: {  	s14 =	simm.s32 $0x1  }
0x2a: {  	_ =	swait.ge [sflag:s7], $0x200;
	s14 =	simm.s32 @!p0 $0x0  }
0x2b: {  	[sflag:s7] =	ssyncset.done $0x0;
	s14 =	sshll.u32 s14, $0x9  }
0x2c: {  	[sflag:s7] =	ssyncadd.s32 $0xFFFFFE00;
	(ifvalue) =	ssetifvalue $0x7FFFFFFF;
	v0 =	vld.msk [tilespmem:s14+$0x0 ss:$0x1], $0xffff;
	_ =	sdelay $0x4  }
0x2d: {  	s15 =	sadd.s32 $0x10, s14;
	vm1 =	vgt.s32 v0, $0x0  }
0x2e: {  	v2 =	vld.msk [tilespmem:s15+$0x0 ss:$0x1], $0xffff;
	v1 =	vnsel vm1, $0x0, v0  }
0x2f: {  	v1 =	vmin.u32 v1, $0x7FFF;
	_ =	sdelay $0x1  }
0x30: {  	s16 =	sshll.u32 s12, $0x9;
	s18 =	simm.s32 $0x20  }
0x31: {  	s16 =	sand.u32 $0x200, s16;
	s17 =	sadd.s32 $0x10, s15;
	s15 =	sor.u32 $0x400, s14  }
0x32: {  	s14 =	sor.u32 $0x400, s16;
	s16 =	sadd.s32 $0x10, s15;
	v0 =	vld.msk [tilespmem:s17+$0x0 ss:$0x1], $0xffff;
	vm1 =	vgt.s32 v2, $0x0;
	(ifvalue) =	ssetifvalue $0x7FFFFFFF  }
.LBB2_3:
0x33: {  	[tilespmem:s15], [sflag:$0x1] =	stream.indirect_vreg.gather [hbm4b:s2+s10], $0x1, v1, vm0, $0x4038;
	[tilespmem:$0x800] =	vst v63  }
0x34: {  	s18 =	sadd.s32 $0x10, s18  }
0x35: {  	v2 =	vnsel vm1, $0x0, v2;
	p1 =	slt.u32 s18, $0x1F0  }
.Ltmp3:
0x36: {  	s15 =	smov.u32 s16;
	v1 =	vmin.u32 v2, $0x7FFF;
	(pc) =	sbr.rel @p1 .LBB2_3-.Ltmp3, $3  }
0x37: {  	_ =	sdelay $0x1  }
0x38: {  	s17 =	sadd.s32 $0x10, s17  }
0x39: {  	vm1 =	vgt.s32 v0, $0x0;
	s16 =	sadd.s32 $0x10, s16;
	v2 =	vmov v0;
	(ifvalue) =	ssetifvalue $0x7FFFFFFF;
	v0 =	vld.msk [tilespmem:s17+$0x0 ss:$0x1], $0xffff  }
.Ltmp4:
0x3a: {  	_ = 	snop;
	(pc) =	sbr.rel .LBB2_4-.Ltmp4, $1  }
0x3b: {  	_ =	sdelay $0x3  }
.LBB2_6:
0x3c: {  	_ =	sfence.sel $0x180000  }
0x3d: {  	s2 =	simm.s32 $0x2;
	[bflag:$0x0] =	sbarrier.arrive $0xFFFF  }
0x3e: {  	s30 =	simm.s32 $0x3;
	[sflag:s2] =	ssyncpa.u1 $0x1  }
0x3f: {  	s31 =	simm.s32 $0x1;
	[sflag:s30] =	ssyncpa.u1 $0x1  }
0x40: {  	[sflag:s31] =	ssyncpa.u1 $0x1  }
0x41: {  	p0 =	sne.s32 s0, $0x0;
	_ =	strace $0x90000047  }
0x42: {  	s0 =	sadd.s32 @!p0 $0x100000, s1;
	[bflag:$0x2] =	sbarrier.arrive $0xFFFF  }
0x43: {  	[sflag:s0] =	ssyncadd.tile.s32 @!p0 $0x1;
	_ =	shalt  }
.Lfunc_end2:
_tile_overlayer_lowered:
.L_overlay_start_2:
0x44: {  	(tag) =	ssettag $0x2  }
0x45: {  	s0 =	rddreg [dreg:$0x0];
	s2 =	stileid.u32  }
0x46: {  	s1 =	rddreg [dreg:$0x1];
	p0 =	sne.s32 s2, $0x0  }
0x47: {  	s3 =	rddreg [dreg:$0x2];
	[bflag:$0x3] =	sbarrier.arrive $0xFFFF;
	s2 =	simm.s32 @!p0 $0x1C01  }
0x48: {  	[timem:s3], [sflag:s2] =	dma.local @!p0 [hbm:s0], s1  }
0x49: {  	s0 =	simm.s32 @!p0 $0x1  }
0x4a: {  	_ =	swait.ge @!p0 [sflag:s0], s1  }
0x4b: {  	s1 =	ssub.s32 @!p0 $0x0, s1;
	[sflag:s0] =	ssyncset.done @!p0 $0x0  }
0x4c: {  	[sflag:s0] =	ssyncadd.s32 @!p0 s1  }
0x4d: {  	[bflag:$0x3] =	sbarrier.arrive $0xFFFF  }
0x4e: {  	_ =	shalt  }

// kernel: kernel.4.cloned.1.call-start
scs
__scs_entry_jumppad:
0x0: {  	(pc) =	sbr.rel $0x88, $3  }
0x1: {  	(tag) =	ssettag $0x0;
	lr =	simm.s32 $0x1  }
0x2: {  	[smem:$0x3F9C] =	sst lr;
	_ =	strace $0xD0000000  }
0x3: {  	_ = 	snop  }
0x4: {  	_ = 	snop  }
0x5: {  	_ = 	snop  }
0x6: {  	_ = 	snop  }
0x7: {  	_ = 	snop  }
__scs_overlays_trampoline_lowered:
0x8: {  	[smem:$0x3FAB] =	sst s0  }
0x9: {  	[smem:$0x3FAC] =	sst s1  }
0xa: {  	[smem:$0x3FAD] =	sst s2  }
0xb: {  	[smem:$0x3FAE] =	sst s3  }
0xc: {  	[smem:$0x3FAF] =	sst s4  }
0xd: {  	[smem:$0x3FB0] =	sst s5  }
0xe: {  	[smem:$0x3FB1] =	sst s6  }
0xf: {  	[smem:$0x3FB2] =	sst s7  }
0x10: {  	[smem:$0x3FB3] =	sst s8  }
0x11: {  	[smem:$0x3FB4] =	sst s9;
	s0 =	simm.s32 @!p0 $0x0  }
0x12: {  	s1 =	sld [smem:$0x3F9A];
	s0 =	simm.s32 @p0 $0x1  }
0x13: {  	[smem:$0x3FB5] =	sst s0;
	s0 =	simm.s32 @!p1 $0x0  }
0x14: {  	s2 =	sld [smem:$0x3F99];
	s0 =	simm.s32 @p1 $0x1  }
0x15: {  	[smem:$0x3FB6] =	sst s0;
	s0 =	simm.s32 @!p2 $0x0  }
0x16: {  	s3 =	sld [smem:$0x3FDB];
	s0 =	simm.s32 @p2 $0x1  }
0x17: {  	s4 =	simm.s32 $0x1BF5;
	[smem:$0x3FB8] =	sst s0  }
0x18: {  	s0 =	sld [smem:$0x3F9B];
	_ =	swait.ge [sflag:s4], $0x0  }
0x19: {  	s7 =	sld [smem:$0x3F9C]  }
0x1a: {  	s8 =	sadd.s32 $0xFFFFE003, lr  }
0x1b: {  	s9 =	sadd.s32 $0xFFFFFEF7, lr;
	s5 =	simm.s32 $0xFFFFFFFF;
	p2 =	slt.u32 s8, $0xFFFFF086  }
0x1c: {  	p1 =	slt.u32 s9, $0xF7A;
	s5 =	simm.s32 @!p2 $0x0  }
0x1d: {  	s5 =	simm.s32 @p1 $0x1;
	p0 =	seq.s32 s7, s2  }
0x1e: {  	s7 =	smul.u32 @!p0 $0xF7A, s2;
	p2 =	seq.s32 @!p0 s5, $0x0  }
0x1f: {  	s9 =	smul.u32 $0xF7A, s1;
	s8 =	simm.s32 @!p0 $0x1BF5;
	p2 =	por !p2, p0  }
0x20: {  	[sflag:s8] =	ssyncset.s32 @!p0 $0xFFFFF086;
	s6 =	sadd.s32 @!p0 s3, s7;
	s7 =	simm.s32 @!p0 $0x108  }
0x21: {  	s3 =	sadd.s32 s3, s9;
	s6 =	sadd.s32 @!p0 $0x88, s6;
	s7 =	simm.s32 @p2 $0x1082  }
0x22: {  	[simem:s7], [sflag:s8] =	dma.local @!p0 [hbm:s6], $0xF7A  }
0x23: {  	s9 =	sor.u32 $0xD0000000, s2;
	s6 =	simm.s32 $0x108;
	_ =	swait.ge @!p0 [sflag:s8], $0x0  }
0x24: {  	s3 =	sadd.s32 $0x88, s3;
	s6 =	simm.s32 @!p1 $0x1082;
	[sflag:s4] =	ssyncset.s32 $0xFFFFF086  }
0x25: {  	[simem:s6], [sflag:s4] =	dma.local [hbm:s3], $0xF7A  }
0x26: {  	[smem:$0x3F9C] =	sst s1;
	(tag) =	ssettag s2;
	_ =	strace s9  }
0x27: {  	s1 =	sld [smem:$0x3FAC]  }
0x28: {  	s2 =	sld [smem:$0x3FAD]  }
0x29: {  	s4 =	sld [smem:$0x3FAF]  }
0x2a: {  	p0 =	seq.s32 s5, $0x0;
	s5 =	sld [smem:$0x3FB0]  }
0x2b: {  	s6 =	sld [smem:$0x3FB1]  }
0x2c: {  	s7 =	sld [smem:$0x3FB2]  }
0x2d: {  	s3 =	simm.s32 $0x108;
	s8 =	sld [smem:$0x3FB3]  }
0x2e: {  	s3 =	simm.s32 @!p0 $0x1082;
	s9 =	sld [smem:$0x3FB4]  }
0x2f: {  	lr =	sadd.s32 s0, s3;
	s0 =	sld [smem:$0x3FAB]  }
0x30: {  	s3 =	sld [smem:$0x3FAE]  }
0x31: {  	[smem:$0x3FB7] =	sst s10  }
0x32: {  	s10 =	sld [smem:$0x3FB5];
	_ =	sdelay $0x3  }
0x33: {  	p0 =	seq.s32 s10, $0x1;
	s10 =	sld [smem:$0x3FB7];
	_ =	sdelay $0x3  }
0x34: {  	[smem:$0x3FB7] =	sst s10  }
0x35: {  	s10 =	sld [smem:$0x3FB6];
	_ =	sdelay $0x3  }
0x36: {  	p1 =	seq.s32 s10, $0x1;
	s10 =	sld [smem:$0x3FB7];
	_ =	sdelay $0x3  }
0x37: {  	[smem:$0x3FB7] =	sst s10  }
0x38: {  	s10 =	sld [smem:$0x3FB8]  }
0x39: {  	_ = 	snop;
	(pc) =	sbr.ind lr, $3  }
0x3a: {  	_ = 	snop  }
0x3b: {  	_ = 	snop  }
0x3c: {  	p2 =	seq.s32 s10, $0x1;
	s10 =	sld [smem:$0x3FB7]  }
0x3d: {  	_ =	shalt  }
0x3e: {  	_ =	shalt  }
0x3f: {  	_ =	shalt  }
0x40: {  	_ =	shalt  }
0x41: {  	_ =	shalt  }
0x42: {  	_ =	shalt  }
0x43: {  	_ =	shalt  }
0x44: {  	_ =	shalt  }
0x45: {  	_ =	shalt  }
0x46: {  	_ =	shalt  }
0x47: {  	_ =	shalt  }
0x48: {  	_ =	shalt  }
0x49: {  	_ =	shalt  }
0x4a: {  	_ =	shalt  }
0x4b: {  	_ =	shalt  }
0x4c: {  	_ =	shalt  }
0x4d: {  	_ =	shalt  }
0x4e: {  	_ =	shalt  }
0x4f: {  	_ =	shalt  }
0x50: {  	_ =	shalt  }
0x51: {  	_ =	shalt  }
0x52: {  	_ =	shalt  }
0x53: {  	_ =	shalt  }
0x54: {  	_ =	shalt  }
0x55: {  	_ =	shalt  }
0x56: {  	_ =	shalt  }
0x57: {  	_ =	shalt  }
0x58: {  	_ =	shalt  }
0x59: {  	_ =	shalt  }
0x5a: {  	_ =	shalt  }
0x5b: {  	_ =	shalt  }
0x5c: {  	_ =	shalt  }
0x5d: {  	_ =	shalt  }
0x5e: {  	_ =	shalt  }
0x5f: {  	_ =	shalt  }
0x60: {  	_ =	shalt  }
0x61: {  	_ =	shalt  }
0x62: {  	_ =	shalt  }
0x63: {  	_ =	shalt  }
0x64: {  	_ =	shalt  }
0x65: {  	_ =	shalt  }
0x66: {  	_ =	shalt  }
0x67: {  	_ =	shalt  }
0x68: {  	_ =	shalt  }
0x69: {  	_ =	shalt  }
0x6a: {  	_ =	shalt  }
0x6b: {  	_ =	shalt  }
0x6c: {  	_ =	shalt  }
0x6d: {  	_ =	shalt  }
0x6e: {  	_ =	shalt  }
0x6f: {  	_ =	shalt  }
0x70: {  	_ =	shalt  }
0x71: {  	_ =	shalt  }
0x72: {  	_ =	shalt  }
0x73: {  	_ =	shalt  }
0x74: {  	_ =	shalt  }
0x75: {  	_ =	shalt  }
0x76: {  	_ =	shalt  }
0x77: {  	_ =	shalt  }
0x78: {  	_ =	shalt  }
0x79: {  	_ =	shalt  }
0x7a: {  	_ =	shalt  }
0x7b: {  	_ =	shalt  }
0x7c: {  	_ =	shalt  }
0x7d: {  	_ =	shalt  }
0x7e: {  	_ =	shalt  }
0x7f: {  	_ =	shalt  }
0x80: {  	_ =	shalt  }
0x81: {  	_ =	shalt  }
0x82: {  	_ =	shalt  }
0x83: {  	_ =	shalt  }
0x84: {  	_ =	shalt  }
0x85: {  	_ =	shalt  }
0x86: {  	_ =	shalt  }
0x87: {  	_ =	shalt  }
.Lfunc_end0:
.L_simem_size_0:
called_computation.2_lowered:
.L_overlay_start_0:
0x88: {  	s2 =	sld [smem:$0x3FD9]  }
0x89: {  	s3 =	sld [smem:$0x3FFE];
	_ =	sdelay $0x1  }
0x8a: {  	s1 =	srdreg.scid  }
0x8b: {  	s0 =	sand.u32 $0x1, s1  }
0x8c: {  	s17 =	sshll.u32 s0, $0xA;
	s2 =	sadd.s32 s3, s2  }
0x8d: {  	s2 =	sadd.s32 s2, s17  }
0x8e: {  	[smem:$0x3FC3] =	sst s2  }
0x8f: {  	_ = 	snop  }
0x90: {  	s2 =	sld [smem:$0x3FC8]  }
0x91: {  	s18 =	sld [smem:$0x3FC7];
	(tm) =	ssettm $0x1  }
0x92: {  	s4 =	sld [smem:$0x3FFB];
	_ =	sdelay $0x3  }
0x93: {  	_ =	strace s4  }
0x94: {  	s4 =	sld [smem:$0x3FFC];
	_ =	sdelay $0x3  }
0x95: {  	_ =	strace s4  }
0x96: {  	s4 =	sld [smem:$0x3FFD];
	_ =	sdelay $0x3  }
0x97: {  	_ =	strace s4  }
0x98: {  	_ =	strace $0x8FFFFFFF  }
0x99: {  	s19 =	sld [smem:$0x3FDB];
	_ =	sdelay $0x1  }
0x9a: {  	s5 =	simm.s32 $_scs_section_size  }
0x9b: {  	s6 =	simm.s32 $_size__tile_overlayer_lowered;
	s7 =	simm.s32 $_tile_overlayer_lowered  }
0x9c: {  	s22 =	simm.s32 $0x1BFF;
	s21 =	sshll.u32 s7, $0x1;
	s4 =	sadd.s32 s5, s19  }
0x9d: {  	s8 =	simm.s32 $0x0;
	s20 =	sshll.u32 s6, $0x1;
	s6 =	sadd.s32 s21, s4  }
0x9e: {  	[timem:s8], [sflag:s22] =	dma.local [hbm:s6], s20  }
0x9f: {  	_ =	swait.ge [sflag:s22], s20  }
0xa0: {  	s5 =	ssub.s32 $0x0, s20;
	[sflag:s22] =	ssyncset.done $0x0  }
0xa1: {  	[sflag:s22] =	ssyncadd.s32 s5;
	_ =	sdelay $0x1  }
0xa2: {  	s23 =	simm.s32 $0x1B8B  }
0xa3: {  	_ =	swait.ge [sflag:s23], $0x1  }
0xa4: {  	[sflag:s23] =	ssyncset.done $0x0  }
0xa5: {  	s25 =	simm.s32 $0x1B8E;
	s24 =	sld [smem:$0x3FFE];
	[sflag:s23] =	ssyncadd.s32 $0xFFFFFFFF  }
0xa6: {  	s26 =	simm.s32 $execute0_lowered;
	[smem:$0x3FD2] =	sst s25  }
0xa7: {  	s6 =	sshll.u32 s26, $0x1;
	_ =	strace $0x8000004C;
	[dreg:$0x1] =	wrdreg $0xFFFFFFFF  }
0xa8: {  	s28 =	simm.s32 $_size_execute0_lowered;
	s4 =	sadd.s32 s4, s6;
	[dreg:$0x0] =	wrdreg $0x0  }
0xa9: {  	s6 =	sshll.u32 s28, $0x1;
	[dreg:$0x2] =	wrdreg s4  }
0xaa: {  	[dreg:$0x3] =	wrdreg s6  }
0xab: {  	[dreg:$0x4] =	wrdreg $0xC0  }
0xac: {  	_ =	task [dreg:s8], $0x5FFFF  }
0xad: {  	[dreg:$0x1] =	wrdreg $0xFFFFFFFF  }
0xae: {  	[dreg:$0x0] =	wrdreg $0x60  }
0xaf: {  	[dreg:$0x2] =	wrdreg s2  }
0xb0: {  	[dreg:$0x3] =	wrdreg s18  }
0xb1: {  	[dreg:$0x4] =	wrdreg s24  }
0xb2: {  	[dreg:$0x5] =	wrdreg $0x9  }
0xb3: {  	_ =	task.clear_ibuf [dreg:s8], $0x6FFFF;
	_ =	strace $0x9000004C  }
0xb4: {  	s29 =	simm.s32 $0x9;
	_ =	strace $0x8000004E  }
0xb5: {  	_ =	swait.ge [sflag:s29], $0x1  }
0xb6: {  	[sflag:s29] =	ssyncadd.s32 $0xFFFFFFFF  }
0xb7: {  	_ =	strace $0x9000004E  }
0xb8: {  	_ =	sfence  }
0xb9: {  	s30 =	sld [smem:$0x0];
	_ =	sdelay $0x2  }
0xba: {  	s31 =	sshll.u32 s1, $0xD;
	s1 =	sshrl.u32 s1, $0x2  }
0xbb: {  	s3 =	sand.u32 $0x4000, s31;
	s1 =	sadd.s32 s1, s30  }
0xbc: {  	s0 =	sor.u32 s3, s0;
	s1 =	sshll.u32 s1, $0x11  }
0xbd: {  	s0 =	sor.u32 s1, s0  }
0xbe: {  	s0 =	sadd.s32 $0x8F2B, s0  }
0xbf: {  	[sflag:s0] =	ssyncadd.remote.s32 $0x1  }
0xc0: {  	_ =	sfence.sel $0xFFFF  }
0xc1: {  	[dreg:$0x0] =	wrdreg $0xFFFFFFFF;
	(pc) =	sbr.abs _section_cstart, $3  }
0xc2: {  	[dreg:$0x1] =	wrdreg $0xFFFFFFFF  }
0xc3: {  	_ =	task.clear_ibuf [dreg:s8], $0x2FFFF;
	_ =	strace $0x9FFFFFFF  }
0xc4: {  	(tm) =	ssettm $0x7FFFFFFF  }
0xc5: {  	_ =	shalt  }
tec
execute0_lowered:
.L_overlay_start_1:
0x0: {  	(tag) =	ssettag $0x1  }
0x1: {  	s1 =	rddreg [dreg:$0x0]  }
0x2: {  	s2 =	rddreg [dreg:$0x1]  }
0x3: {  	s0 =	rddreg [dreg:$0x2];
	s4 =	simm.s32 $0x0  }
0x4: {  	s8 =	srdreg.scid;
	s3 =	stileid.u32;
	s17 =	simm.s32 $0x4  }
0x5: {  	s18 =	simm.s32 $0x8080;
	s19 =	simm.s32 $0x1C100;
	s22 =	simm.s32 $0x10100  }
0x6: {  	s23 =	simm.s32 $0x18100;
	s24 =	simm.s32 $0x80;
	s25 =	simm.s32 $0x3  }
0x7: {  	s26 =	simm.s32 $0x0;
	[smem:$0x7FF] =	sst s4;
	s6 =	sadd.s32 $0x2800, s0  }
0x8: {  	s7 =	sadd.s32 $0x3A00, s0;
	s13 =	sand.u32 $0x1, s8;
	s9 =	smul.u32 $0xF5, s3  }
.Ltmp0:
0x9: {  	s8 =	sadd.s32 $0x4A00, s0;
	s10 =	sadd.s32 $0x5400, s0;
	(pc) =	sbr.rel .LBB2_1-.Ltmp0, $4  }
0xa: {  	v0 =	vlaneseq.u32;
	s11 =	smul.u32 $0xF500, s3;
	s12 =	sadd.s32 $0x85600, s0;
	s14 =	ssub.s32 $0x2, s13  }
0xb: {  	v1 =	vimm.s32 $0x4000;
	v9 =	vimm.s32 $0x8000;
	v2 =	vor.u32 $0x10, v0;
	_ =	strace $0x8000004D;
	s15 =	sshrl.u32 s14, $0x1;
	s31 =	ssub.s32 $0xF43, s9  }
0xc: {  	v3 =	vor.u32 $0x20, v0;
	v4 =	vor.u32 $0x30, v0;
	v5 =	vor.u32 $0x40, v0;
	p0 =	seq.s32 s13, $0x1;
	s16 =	ssub.s32 s14, s15;
	s13 =	smin.u32 s31, $0xF5  }
0xd: {  	v6 =	vor.u32 $0x50, v0;
	v7 =	vor.u32 $0x60, v0;
	v8 =	vor.u32 $0x70, v0;
	s14 =	sadd.s32 s1, s11;
	s15 =	sadd.s32 s2, s11;
	s16 =	smax.u32 s16, $0x1  }
.LBB2_19:
0xe: {  	[hbm4b:s12+s24] =	stream.indirect.scatter [tilespmem:s23], [sflag:$0x3], $0x80, s19, s24, $0xb8;
	[tilespmem:$0x1C180] =	vst v63  }
0xf: {  	_ =	swait.ge [sflag:s25], $0x4000  }
0x10: {  	[sflag:s25] =	ssyncset.done $0x0  }
0x11: {  	[sflag:s25] =	ssyncadd.s32 $0xFFFFC000  }
0x12: {  	[tilespmem:v0+s19+$0x0] =	vst.idx.msk $0xffff, v1  }
0x13: {  	[tilespmem:v2+s19+$0x0] =	vst.idx.msk $0xffff, v1  }
0x14: {  	[tilespmem:v3+s19+$0x0] =	vst.idx.msk $0xffff, v1  }
0x15: {  	[tilespmem:v4+s19+$0x0] =	vst.idx.msk $0xffff, v1  }
0x16: {  	[tilespmem:v5+s19+$0x0] =	vst.idx.msk $0xffff, v1  }
0x17: {  	[tilespmem:v6+s19+$0x0] =	vst.idx.msk $0xffff, v1  }
0x18: {  	[tilespmem:v7+s19+$0x0] =	vst.idx.msk $0xffff, v1  }
0x19: {  	[tilespmem:v8+s19+$0x0] =	vst.idx.msk $0xffff, v1  }
.LBB2_20:
0x1a: {  	s26 =	sadd.s32 $0x1, s26  }
0x1b: {  	p1 =	sne.s32 s26, s16  }
.Ltmp1:
0x1c: {  	_ = 	snop;
	(pc) =	sbr.rel @!p1 .LBB2_21-.Ltmp1, $1  }
0x1d: {  	_ =	sdelay $0x3  }
.LBB2_1:
.Ltmp2:
0x1e: {  	(pc) =	sbr.rel @!p0 .LBB2_2-.Ltmp2, $2  }
0x1f: {  	_ =	sdelay $0x2  }
0x20: {  	s28 =	simm.s32 $0x0  }
0x21: {  	[tilespmem:s28], [sflag:$0x4] =	stream.linear.gather [hbm4b:s7+s28], $0x4080, $0x38;
	[tilespmem:$0x1C180] =	vst v63  }
0x22: {  	_ =	swait.ge [sflag:s17], $0x4080  }
0x23: {  	[sflag:s17] =	ssyncset.done $0x0  }
0x24: {  	[sflag:s17] =	ssyncadd.s32 $0xFFFFBF80  }
0x25: {  	[tilespmem:s18], [sflag:$0x4] =	stream.linear.gather [hbm4b:s8+s28], $0x4080, $0x38;
	[tilespmem:$0x1C180] =	vst v63  }
0x26: {  	_ =	swait.ge [sflag:s17], $0x4080  }
0x27: {  	[sflag:s17] =	ssyncset.done $0x0  }
0x28: {  	[sflag:s17] =	ssyncadd.s32 $0xFFFFBF80  }
0x29: {  	[tilespmem:v0+s19+$0x0] =	vst.idx.msk $0xffff, v1  }
0x2a: {  	[tilespmem:v2+s19+$0x0] =	vst.idx.msk $0xffff, v1  }
0x2b: {  	[tilespmem:v3+s19+$0x0] =	vst.idx.msk $0xffff, v1  }
0x2c: {  	[tilespmem:v4+s19+$0x0] =	vst.idx.msk $0xffff, v1  }
0x2d: {  	[tilespmem:v5+s19+$0x0] =	vst.idx.msk $0xffff, v1  }
0x2e: {  	[tilespmem:v6+s19+$0x0] =	vst.idx.msk $0xffff, v1  }
0x2f: {  	[tilespmem:v7+s19+$0x0] =	vst.idx.msk $0xffff, v1  }
0x30: {  	s30 =	simm.s32 $0x4000;
	s31 =	simm.s32 $0x4000;
	s29 =	simm.s32 $0xF;
	[tilespmem:v8+s19+$0x0] =	vst.idx.msk $0xffff, v1  }
.LBB2_12:
0x31: {  	s0 =	smov.u32 s30  }
0x32: {  	p1 =	sne.s32 s29, $0x1;
	s3 =	sand.u32 $0x1, s31  }
0x33: {  	p2 =	slt.s32 s31, $0x1;
	p3 =	seq.s32 s3, $0x1  }
0x34: {  	s3 =	sshrl.u32 s31, $0x1F;
	p2 =	por !p2, !p3  }
0x35: {  	s5 =	simm.s32 $0x1;
	s3 =	sadd.s32 s3, s31;
	p2 =	por !p2, !p2  }
0x36: {  	s3 =	sshra.s32 s3, $0x1;
	s5 =	simm.s32 @!p2 $0x0  }
0x37: {  	s30 =	ssub.s32 s3, s5  }
0x38: {  	v10 =	vld [tilespmem:s30+$0x0];
	_ =	sdelay $0x4  }
0x39: {  	(v2sf) =	vpush v10, $0x0;
	_ =	sdelay $0xd  }
.Ltmp3:
0x3a: {  	(pc) =	sbr.rel @p1 .LBB2_12-.Ltmp3, $4  }
0x3b: {  	s3 =	spop (v2sf)  }
0x3c: {  	p2 =	slt.s32 s3, s11;
	s3 =	sadd.s32 $0x1, s30  }
0x3d: {  	s28 =	smov.u32 @p2 s3;
	s30 =	smov.u32 @p2 s0  }
0x3e: {  	s29 =	sadd.s32 $0xFFFFFFFF, s29;
	s31 =	sadd.s32 s28, s30  }
0x3f: {  	s0 =	sand.u32 $0x1, s31  }
0x40: {  	p1 =	slt.s32 s31, $0x1;
	p2 =	seq.s32 s0, $0x1  }
0x41: {  	s21 =	sshrl.u32 s31, $0x1F;
	p1 =	por !p1, !p2  }
0x42: {  	s3 =	simm.s32 $0x1;
	s0 =	sadd.s32 s21, s31;
	p1 =	por !p1, !p1  }
0x43: {  	s0 =	sshra.s32 s0, $0x1;
	s3 =	simm.s32 @!p1 $0x0  }
0x44: {  	s0 =	ssub.s32 s0, s3  }
0x45: {  	v10 =	vld [tilespmem:s0+$0x0];
	_ =	sdelay $0x4  }
0x46: {  	(v2sf) =	vpush v10, $0x0;
	_ =	sdelay $0xc  }
.Ltmp4:
0x47: {  	s5 =	simm.s32 $0x800;
	s20 =	simm.s32 $0x7A1400;
	(pc) =	sbr.rel .LBB2_16-.Ltmp4, $4  }
0x48: {  	[tilespmem:s22], [sflag:$0x1] =	stream.strided.gather [hbm4b:s15+s5], $0x4000, s20, s5, $0x38;
	[tilespmem:$0x1C180] =	vst v63  }
0x49: {  	s31 =	spop (v2sf)  }
0x4a: {  	s0 =	sadd.s32 $0x1, s0;
	p1 =	slt.s32 s31, s11  }
0x4b: {  	s30 =	simm.s32 $0x0;
	s29 =	simm.s32 $0x0;
	s28 =	smov.u32 @p1 s0  }
.LBB2_18:
0x4c: {  	s28 =	sadd.s32 s28, s31;
	s29 =	sadd.s32 s31, s29  }
.LBB2_15:
0x4d: {  	p1 =	seq.s32 s30, s13  }
.Ltmp5:
0x4e: {  	_ = 	snop;
	(pc) =	sbr.rel @p1 .LBB2_19-.Ltmp5, $1  }
0x4f: {  	_ =	sdelay $0x3  }
.LBB2_16:
0x50: {  	s0 =	smov.u32 s30;
	s30 =	sadd.s32 $0x1, s30  }
0x51: {  	p1 =	sge.u32 s30, s13  }
0x52: {  	s5 =	sadd.s32 @!p1 s9, s30  }
0x53: {  	s3 =	sand.u32 @!p1 $0x1, s30;
	s21 =	simm.s32 @!p1 $0x800;
	s5 =	sshll.u32 @!p1 s5, $0x8  }
0x54: {  	s31 =	simm.s32 @!p1 $0x7A1400;
	s20 =	sshll.u32 @!p1 s3, $0xE;
	s5 =	smin.u32 @!p1 s5, $0xF4180  }
0x55: {  	s3 =	sadd.s32 @!p1 $0x1, s3;
	s20 =	sor.u32 @!p1 $0x10100, s20;
	s5 =	sadd.s32 @!p1 s2, s5  }
0x56: {  	[tilespmem:s20], [sflag:s3] =	stream.strided.gather @!p1 [hbm4b:s5+s21], $0x4000, s31, s21, $0x38;
	[tilespmem:$0x1C180] =	vst v63  }
0x57: {  	s21 =	sand.u32 $0x1, s0;
	s0 =	sadd.s32 s9, s0  }
0x58: {  	s0 =	sshll.u32 s0, $0x8;
	s31 =	sshll.u32 s21, $0xE  }
0x59: {  	s3 =	sadd.s32 $0x1, s21;
	s0 =	sadd.s32 $0x100, s0;
	v10 =	vmov s31  }
0x5a: {  	_ =	swait.ge [sflag:s3], $0x4000;
	v11 =	vmov s0;
	v12 =	vor.u32 $0x800, v10  }
0x5b: {  	[sflag:s3] =	ssyncset.done $0x0;
	v13 =	vor.u32 $0x1000, v10;
	v14 =	vor.u32 $0x1800, v10;
	v15 =	vor.u32 $0x2000, v10  }
0x5c: {  	v16 =	vor.u32 $0x2800, v10;
	v17 =	vor.u32 $0x3000, v10;
	v18 =	vor.u32 $0x3800, v10;
	[sflag:s3] =	ssyncadd.s32 $0xFFFFC000  }
.LBB2_17:
0x5d: {  	v19 =	vadd.s32 s28, v0  }
0x5e: {  	vm0 =	vlt.s32 v19, $0x407F  }
0x5f: {  	v19 =	vnsel vm0, $0x407F, v19;
	_ =	sdelay $0x4  }
0x60: {  	v20 =	vld.idx.msk [tilespmem:v19+s4+$0x0], $0xffff;
	_ =	sdelay $0x4  }
0x61: {  	vm0 =	vlt.s32 v20, v11  }
0x62: {  	v21 =	vmpcnt.ones.xlane vm0;
	_ =	sdelay $0x1  }
0x63: {  	(v2sf) =	vpush v21, $0x0;
	_ =	sdelay $0xa  }
0x64: {  	s0 =	sadd.s32 $0x10, s29  }
0x65: {  	p1 =	slt.s32 s0, $0x81  }
0x66: {  	s0 =	simm.s32 @!p1 $0x80;
	s3 =	simm.s32 @!p1 $0x1C100;
	s5 =	simm.s32 @!p1 $0x18100  }
0x67: {  	v19 =	vld.idx.msk [tilespmem:v19+s18+$0x0], $0xffff;
	[hbm4b:s12+s0] =	stream.indirect.scatter @!p1 [tilespmem:s5], [sflag:$0x3], $0x80, s3, s0, $0xb8;
	v21 =	vlaneseq.u32 @!p1  }
0x68: {  	s0 =	simm.s32 @!p1 $0x3;
	v22 =	vor.u32 @!p1 $0x10, v21;
	s31 =	spop (v2sf)  }
0x69: {  	v23 =	vor.u32 @!p1 $0x20, v21;
	_ =	swait.ge @!p1 [sflag:s0], $0x4000  }
0x6a: {  	v24 =	vor.u32 @!p1 $0x30, v21;
	[sflag:s0] =	ssyncset.done @!p1 $0x0  }
0x6b: {  	v25 =	vimm.s32 @!p1 $0x4000;
	v26 =	vor.u32 @!p1 $0x40, v21;
	[sflag:s0] =	ssyncadd.s32 @!p1 $0xFFFFC000  }
0x6c: {  	v27 =	vor.u32 @!p1 $0x50, v21;
	[tilespmem:v21+s3+$0x0] =	vst.idx.msk @!p1 $0xffff, v25  }
0x6d: {  	[tilespmem:v22+s3+$0x0] =	vst.idx.msk @!p1 $0xffff, v25;
	v22 =	vor.u32 @!p1 $0x60, v21  }
0x6e: {  	p2 =	sgt.s32 s31, $0x0;
	v21 =	vor.u32 @!p1 $0x70, v21;
	[tilespmem:v23+s3+$0x0] =	vst.idx.msk @!p1 $0xffff, v25  }
.Ltmp6:
0x6f: {  	[tilespmem:v24+s3+$0x0] =	vst.idx.msk @!p1 $0xffff, v25;
	(pc) =	sbr.rel @!p2 .LBB2_18-.Ltmp6, $4  }
0x70: {  	[tilespmem:v26+s3+$0x0] =	vst.idx.msk @!p1 $0xffff, v25  }
0x71: {  	[tilespmem:v27+s3+$0x0] =	vst.idx.msk @!p1 $0xffff, v25  }
0x72: {  	[tilespmem:v22+s3+$0x0] =	vst.idx.msk @!p1 $0xffff, v25  }
0x73: {  	s29 =	simm.s32 @!p1 $0x0;
	[tilespmem:v21+s3+$0x0] =	vst.idx.msk @!p1 $0xffff, v25  }
0x74: {  	v21 =	vand.u32 $0xFFFFFF00, v20  }
0x75: {  	vm1 =	vlt.s32 v21, $0xF4180  }
0x76: {  	v21 =	vnsel vm1, $0xF4180, v21  }
0x77: {  	v20 =	vsub.s32 v20, v21  }
0x78: {  	vm15 =	vgt.s32 v20, $0x0  }
0x79: {  	v20 =	vnsel vm15, $0x0, v20  }
0x7a: {  	v30 =	vmin.u32 v20, $0xFF  }
0x7b: {  	v20 =	vshll.u32 v30, $0x3  }
0x7c: {  	v23 =	vand.u32 $0x400, v20  }
0x7d: {  	v22 =	vand.u32 $0x7F, v30;
	v31 =	vor.u32 v10, v23  }
0x7e: {  	v34 =	vor.u32 v22, v31;
	_ =	sdelay $0x3  }
0x7f: {  	v20 =	vadd.s32 s29, v0  }
0x80: {  	v24 =	vor.u32 $0x80, v30;
	v21 =	vshll.u32 v20, $0x7;
	v25 =	vld.idx.msk [tilespmem:v34+s22+$0x0], $0xffff  }
0x81: {  	v26 =	vor.u32 v31, v24;
	_ =	sdelay $0x3  }
0x82: {  	[tilespmem:v21+s23+$0x0] =	vst.idx.msk $0xffff, v25  }
0x83: {  	v27 =	vor.u32 $0x1, v21;
	v25 =	vor.u32 $0x100, v22;
	v26 =	vld.idx.msk [tilespmem:v26+s22+$0x0], $0xffff  }
0x84: {  	v28 =	vor.u32 v31, v25;
	_ =	sdelay $0x3  }
0x85: {  	[tilespmem:v27+s23+$0x0] =	vst.idx.msk $0xffff, v26  }
0x86: {  	v35 =	vor.u32 $0x2, v21;
	v26 =	vor.u32 $0x180, v30;
	v27 =	vld.idx.msk [tilespmem:v28+s22+$0x0], $0xffff  }
0x87: {  	v29 =	vor.u32 v31, v26;
	_ =	sdelay $0x3  }
0x88: {  	[tilespmem:v35+s23+$0x0] =	vst.idx.msk $0xffff, v27  }
0x89: {  	v36 =	vor.u32 $0x3, v21;
	v27 =	vor.u32 $0x200, v22;
	v28 =	vld.idx.msk [tilespmem:v29+s22+$0x0], $0xffff  }
0x8a: {  	v32 =	vor.u32 v31, v27;
	_ =	sdelay $0x3  }
0x8b: {  	[tilespmem:v36+s23+$0x0] =	vst.idx.msk $0xffff, v28  }
0x8c: {  	v37 =	vor.u32 $0x4, v21;
	v28 =	vor.u32 $0x280, v30;
	v29 =	vld.idx.msk [tilespmem:v32+s22+$0x0], $0xffff  }
0x8d: {  	v33 =	vor.u32 v31, v28;
	_ =	sdelay $0x3  }
0x8e: {  	[tilespmem:v37+s23+$0x0] =	vst.idx.msk $0xffff, v29  }
0x8f: {  	v38 =	vor.u32 $0x5, v21;
	v29 =	vor.u32 $0x300, v22;
	v32 =	vld.idx.msk [tilespmem:v33+s22+$0x0], $0xffff  }
0x90: {  	v34 =	vor.u32 v31, v29;
	_ =	sdelay $0x3  }
0x91: {  	[tilespmem:v38+s23+$0x0] =	vst.idx.msk $0xffff, v32  }
0x92: {  	v39 =	vor.u32 $0x6, v21;
	v30 =	vor.u32 $0x380, v30;
	v32 =	vld.idx.msk [tilespmem:v34+s22+$0x0], $0xffff  }
0x93: {  	v31 =	vor.u32 v31, v30;
	_ =	sdelay $0x3  }
0x94: {  	[tilespmem:v39+s23+$0x0] =	vst.idx.msk $0xffff, v32  }
0x95: {  	v41 =	vor.u32 v12, v23;
	v40 =	vor.u32 $0x7, v21;
	v31 =	vld.idx.msk [tilespmem:v31+s22+$0x0], $0xffff  }
0x96: {  	v42 =	vor.u32 v41, v22;
	_ =	sdelay $0x3  }
0x97: {  	[tilespmem:v40+s23+$0x0] =	vst.idx.msk $0xffff, v31  }
0x98: {  	v43 =	vor.u32 $0x8, v21;
	v31 =	vld.idx.msk [tilespmem:v42+s22+$0x0], $0xffff  }
0x99: {  	v44 =	vor.u32 v41, v24;
	_ =	sdelay $0x3  }
0x9a: {  	[tilespmem:v43+s23+$0x0] =	vst.idx.msk $0xffff, v31  }
0x9b: {  	v45 =	vor.u32 $0x9, v21;
	v31 =	vld.idx.msk [tilespmem:v44+s22+$0x0], $0xffff  }
0x9c: {  	v46 =	vor.u32 v41, v25;
	_ =	sdelay $0x3  }
0x9d: {  	[tilespmem:v45+s23+$0x0] =	vst.idx.msk $0xffff, v31  }
0x9e: {  	v47 =	vor.u32 $0xA, v21;
	v31 =	vld.idx.msk [tilespmem:v46+s22+$0x0], $0xffff  }
0x9f: {  	v48 =	vor.u32 v41, v26;
	_ =	sdelay $0x3  }
0xa0: {  	[tilespmem:v47+s23+$0x0] =	vst.idx.msk $0xffff, v31  }
0xa1: {  	v49 =	vor.u32 $0xB, v21;
	v31 =	vld.idx.msk [tilespmem:v48+s22+$0x0], $0xffff  }
0xa2: {  	v50 =	vor.u32 v41, v27;
	_ =	sdelay $0x3  }
0xa3: {  	[tilespmem:v49+s23+$0x0] =	vst.idx.msk $0xffff, v31  }
0xa4: {  	v51 =	vor.u32 $0xC, v21;
	v31 =	vld.idx.msk [tilespmem:v50+s22+$0x0], $0xffff  }
0xa5: {  	v52 =	vor.u32 v41, v28;
	_ =	sdelay $0x3  }
0xa6: {  	[tilespmem:v51+s23+$0x0] =	vst.idx.msk $0xffff, v31  }
0xa7: {  	v53 =	vor.u32 $0xD, v21;
	v31 =	vld.idx.msk [tilespmem:v52+s22+$0x0], $0xffff  }
0xa8: {  	v54 =	vor.u32 v41, v29;
	_ =	sdelay $0x3  }
0xa9: {  	[tilespmem:v53+s23+$0x0] =	vst.idx.msk $0xffff, v31  }
0xaa: {  	v55 =	vor.u32 $0xE, v21;
	v31 =	vld.idx.msk [tilespmem:v54+s22+$0x0], $0xffff  }
0xab: {  	v33 =	vor.u32 v41, v30;
	_ =	sdelay $0x3  }
0xac: {  	[tilespmem:v55+s23+$0x0] =	vst.idx.msk $0xffff, v31  }
0xad: {  	v57 =	vor.u32 v13, v23;
	v56 =	vor.u32 $0xF, v21;
	v31 =	vld.idx.msk [tilespmem:v33+s22+$0x0], $0xffff  }
0xae: {  	v58 =	vor.u32 v57, v22;
	_ =	sdelay $0x3  }
0xaf: {  	[tilespmem:v56+s23+$0x0] =	vst.idx.msk $0xffff, v31  }
0xb0: {  	v59 =	vor.u32 $0x10, v21;
	v31 =	vld.idx.msk [tilespmem:v58+s22+$0x0], $0xffff  }
0xb1: {  	v60 =	vor.u32 v57, v24;
	_ =	sdelay $0x3  }
0xb2: {  	[tilespmem:v59+s23+$0x0] =	vst.idx.msk $0xffff, v31  }
0xb3: {  	v61 =	vor.u32 $0x11, v21;
	v31 =	vld.idx.msk [tilespmem:v60+s22+$0x0], $0xffff  }
0xb4: {  	v62 =	vor.u32 v57, v25;
	_ =	sdelay $0x3  }
0xb5: {  	[tilespmem:v61+s23+$0x0] =	vst.idx.msk $0xffff, v31  }
0xb6: {  	v63 =	vor.u32 $0x12, v21;
	v31 =	vld.idx.msk [tilespmem:v62+s22+$0x0], $0xffff  }
0xb7: {  	v36 =	vor.u32 v57, v26;
	_ =	sdelay $0x3  }
0xb8: {  	[tilespmem:v63+s23+$0x0] =	vst.idx.msk $0xffff, v31  }
0xb9: {  	v37 =	vor.u32 $0x13, v21;
	v31 =	vld.idx.msk [tilespmem:v36+s22+$0x0], $0xffff  }
0xba: {  	v38 =	vor.u32 v57, v27;
	_ =	sdelay $0x3  }
0xbb: {  	[tilespmem:v37+s23+$0x0] =	vst.idx.msk $0xffff, v31  }
0xbc: {  	v39 =	vor.u32 $0x14, v21;
	v31 =	vld.idx.msk [tilespmem:v38+s22+$0x0], $0xffff  }
0xbd: {  	v40 =	vor.u32 v57, v28;
	_ =	sdelay $0x3  }
0xbe: {  	[tilespmem:v39+s23+$0x0] =	vst.idx.msk $0xffff, v31  }
0xbf: {  	v41 =	vor.u32 $0x15, v21;
	v31 =	vld.idx.msk [tilespmem:v40+s22+$0x0], $0xffff  }
0xc0: {  	v42 =	vor.u32 v57, v29;
	_ =	sdelay $0x3  }
0xc1: {  	[tilespmem:v41+s23+$0x0] =	vst.idx.msk $0xffff, v31  }
0xc2: {  	v43 =	vor.u32 $0x16, v21;
	v31 =	vld.idx.msk [tilespmem:v42+s22+$0x0], $0xffff  }
0xc3: {  	v33 =	vor.u32 v57, v30;
	_ =	sdelay $0x3  }
0xc4: {  	[tilespmem:v43+s23+$0x0] =	vst.idx.msk $0xffff, v31  }
0xc5: {  	v44 =	vor.u32 $0x17, v21;
	v45 =	vor.u32 v14, v23;
	v31 =	vld.idx.msk [tilespmem:v33+s22+$0x0], $0xffff  }
0xc6: {  	v46 =	vor.u32 v45, v22;
	_ =	sdelay $0x3  }
0xc7: {  	[tilespmem:v44+s23+$0x0] =	vst.idx.msk $0xffff, v31  }
0xc8: {  	v47 =	vor.u32 $0x18, v21;
	v31 =	vld.idx.msk [tilespmem:v46+s22+$0x0], $0xffff  }
0xc9: {  	v48 =	vor.u32 v45, v24;
	_ =	sdelay $0x3  }
0xca: {  	[tilespmem:v47+s23+$0x0] =	vst.idx.msk $0xffff, v31  }
0xcb: {  	v49 =	vor.u32 $0x19, v21;
	v31 =	vld.idx.msk [tilespmem:v48+s22+$0x0], $0xffff  }
0xcc: {  	v50 =	vor.u32 v45, v25;
	_ =	sdelay $0x3  }
0xcd: {  	[tilespmem:v49+s23+$0x0] =	vst.idx.msk $0xffff, v31  }
0xce: {  	v51 =	vor.u32 $0x1A, v21;
	v31 =	vld.idx.msk [tilespmem:v50+s22+$0x0], $0xffff  }
0xcf: {  	v52 =	vor.u32 v45, v26;
	_ =	sdelay $0x3  }
0xd0: {  	[tilespmem:v51+s23+$0x0] =	vst.idx.msk $0xffff, v31  }
0xd1: {  	v53 =	vor.u32 $0x1B, v21;
	v31 =	vld.idx.msk [tilespmem:v52+s22+$0x0], $0xffff  }
0xd2: {  	v54 =	vor.u32 v45, v27;
	_ =	sdelay $0x3  }
0xd3: {  	[tilespmem:v53+s23+$0x0] =	vst.idx.msk $0xffff, v31  }
0xd4: {  	v55 =	vor.u32 $0x1C, v21;
	v31 =	vld.idx.msk [tilespmem:v54+s22+$0x0], $0xffff  }
0xd5: {  	v56 =	vor.u32 v45, v28;
	_ =	sdelay $0x3  }
0xd6: {  	[tilespmem:v55+s23+$0x0] =	vst.idx.msk $0xffff, v31  }
0xd7: {  	v57 =	vor.u32 $0x1D, v21;
	v31 =	vld.idx.msk [tilespmem:v56+s22+$0x0], $0xffff  }
0xd8: {  	v58 =	vor.u32 v45, v29;
	_ =	sdelay $0x3  }
0xd9: {  	[tilespmem:v57+s23+$0x0] =	vst.idx.msk $0xffff, v31  }
0xda: {  	v59 =	vor.u32 $0x1E, v21;
	v31 =	vld.idx.msk [tilespmem:v58+s22+$0x0], $0xffff  }
0xdb: {  	v33 =	vor.u32 v45, v30;
	_ =	sdelay $0x3  }
0xdc: {  	[tilespmem:v59+s23+$0x0] =	vst.idx.msk $0xffff, v31  }
0xdd: {  	v60 =	vor.u32 $0x1F, v21;
	v61 =	vor.u32 v15, v23;
	v31 =	vld.idx.msk [tilespmem:v33+s22+$0x0], $0xffff  }
0xde: {  	v62 =	vor.u32 v61, v22;
	_ =	sdelay $0x3  }
0xdf: {  	[tilespmem:v60+s23+$0x0] =	vst.idx.msk $0xffff, v31  }
0xe0: {  	v63 =	vor.u32 $0x20, v21;
	v31 =	vld.idx.msk [tilespmem:v62+s22+$0x0], $0xffff  }
0xe1: {  	v36 =	vor.u32 v61, v24;
	_ =	sdelay $0x3  }
0xe2: {  	[tilespmem:v63+s23+$0x0] =	vst.idx.msk $0xffff, v31  }
0xe3: {  	v37 =	vor.u32 $0x21, v21;
	v31 =	vld.idx.msk [tilespmem:v36+s22+$0x0], $0xffff  }
0xe4: {  	v38 =	vor.u32 v61, v25;
	_ =	sdelay $0x3  }
0xe5: {  	[tilespmem:v37+s23+$0x0] =	vst.idx.msk $0xffff, v31  }
0xe6: {  	v39 =	vor.u32 $0x22, v21;
	v31 =	vld.idx.msk [tilespmem:v38+s22+$0x0], $0xffff  }
0xe7: {  	v40 =	vor.u32 v61, v26;
	_ =	sdelay $0x3  }
0xe8: {  	[tilespmem:v39+s23+$0x0] =	vst.idx.msk $0xffff, v31  }
0xe9: {  	v41 =	vor.u32 $0x23, v21;
	v31 =	vld.idx.msk [tilespmem:v40+s22+$0x0], $0xffff  }
0xea: {  	v42 =	vor.u32 v61, v27;
	_ =	sdelay $0x3  }
0xeb: {  	[tilespmem:v41+s23+$0x0] =	vst.idx.msk $0xffff, v31  }
0xec: {  	v43 =	vor.u32 $0x24, v21;
	v31 =	vld.idx.msk [tilespmem:v42+s22+$0x0], $0xffff  }
0xed: {  	v44 =	vor.u32 v61, v28;
	_ =	sdelay $0x3  }
0xee: {  	[tilespmem:v43+s23+$0x0] =	vst.idx.msk $0xffff, v31  }
0xef: {  	v45 =	vor.u32 $0x25, v21;
	v31 =	vld.idx.msk [tilespmem:v44+s22+$0x0], $0xffff  }
0xf0: {  	v46 =	vor.u32 v61, v29;
	_ =	sdelay $0x3  }
0xf1: {  	[tilespmem:v45+s23+$0x0] =	vst.idx.msk $0xffff, v31  }
0xf2: {  	v47 =	vor.u32 $0x26, v21;
	v31 =	vld.idx.msk [tilespmem:v46+s22+$0x0], $0xffff  }
0xf3: {  	v33 =	vor.u32 v61, v30;
	_ =	sdelay $0x3  }
0xf4: {  	[tilespmem:v47+s23+$0x0] =	vst.idx.msk $0xffff, v31  }
0xf5: {  	v48 =	vor.u32 $0x27, v21;
	v49 =	vor.u32 v16, v23;
	v31 =	vld.idx.msk [tilespmem:v33+s22+$0x0], $0xffff  }
0xf6: {  	v50 =	vor.u32 v49, v22;
	_ =	sdelay $0x3  }
0xf7: {  	[tilespmem:v48+s23+$0x0] =	vst.idx.msk $0xffff, v31  }
0xf8: {  	v51 =	vor.u32 $0x28, v21;
	v31 =	vld.idx.msk [tilespmem:v50+s22+$0x0], $0xffff  }
0xf9: {  	v52 =	vor.u32 v49, v24;
	_ =	sdelay $0x3  }
0xfa: {  	[tilespmem:v51+s23+$0x0] =	vst.idx.msk $0xffff, v31  }
0xfb: {  	v53 =	vor.u32 $0x29, v21;
	v31 =	vld.idx.msk [tilespmem:v52+s22+$0x0], $0xffff  }
0xfc: {  	v54 =	vor.u32 v49, v25;
	_ =	sdelay $0x3  }
0xfd: {  	[tilespmem:v53+s23+$0x0] =	vst.idx.msk $0xffff, v31  }
0xfe: {  	v55 =	vor.u32 $0x2A, v21;
	v31 =	vld.idx.msk [tilespmem:v54+s22+$0x0], $0xffff  }
0xff: {  	v56 =	vor.u32 v49, v26;
	_ =	sdelay $0x3  }
0x100: {  	[tilespmem:v55+s23+$0x0] =	vst.idx.msk $0xffff, v31  }
0x101: {  	v57 =	vor.u32 $0x2B, v21;
	v31 =	vld.idx.msk [tilespmem:v56+s22+$0x0], $0xffff  }
0x102: {  	v58 =	vor.u32 v49, v27;
	_ =	sdelay $0x3  }
0x103: {  	[tilespmem:v57+s23+$0x0] =	vst.idx.msk $0xffff, v31  }
0x104: {  	v59 =	vor.u32 $0x2C, v21;
	v31 =	vld.idx.msk [tilespmem:v58+s22+$0x0], $0xffff  }
0x105: {  	v60 =	vor.u32 v49, v28;
	_ =	sdelay $0x3  }
0x106: {  	[tilespmem:v59+s23+$0x0] =	vst.idx.msk $0xffff, v31  }
0x107: {  	v61 =	vor.u32 $0x2D, v21;
	v31 =	vld.idx.msk [tilespmem:v60+s22+$0x0], $0xffff  }
0x108: {  	v62 =	vor.u32 v49, v29;
	_ =	sdelay $0x3  }
0x109: {  	[tilespmem:v61+s23+$0x0] =	vst.idx.msk $0xffff, v31  }
0x10a: {  	v63 =	vor.u32 $0x2E, v21;
	v31 =	vld.idx.msk [tilespmem:v62+s22+$0x0], $0xffff  }
0x10b: {  	v33 =	vor.u32 v49, v30;
	_ =	sdelay $0x3  }
0x10c: {  	[tilespmem:v63+s23+$0x0] =	vst.idx.msk $0xffff, v31  }
0x10d: {  	v36 =	vor.u32 $0x2F, v21;
	v37 =	vor.u32 v17, v23;
	v31 =	vld.idx.msk [tilespmem:v33+s22+$0x0], $0xffff  }
0x10e: {  	v38 =	vor.u32 v37, v22;
	_ =	sdelay $0x3  }
0x10f: {  	[tilespmem:v36+s23+$0x0] =	vst.idx.msk $0xffff, v31  }
0x110: {  	v39 =	vor.u32 $0x30, v21;
	v31 =	vld.idx.msk [tilespmem:v38+s22+$0x0], $0xffff  }
0x111: {  	v40 =	vor.u32 v37, v24;
	_ =	sdelay $0x3  }
0x112: {  	[tilespmem:v39+s23+$0x0] =	vst.idx.msk $0xffff, v31  }
0x113: {  	v41 =	vor.u32 $0x31, v21;
	v31 =	vld.idx.msk [tilespmem:v40+s22+$0x0], $0xffff  }
0x114: {  	v42 =	vor.u32 v37, v25;
	_ =	sdelay $0x3  }
0x115: {  	[tilespmem:v41+s23+$0x0] =	vst.idx.msk $0xffff, v31  }
0x116: {  	v43 =	vor.u32 $0x32, v21;
	v31 =	vld.idx.msk [tilespmem:v42+s22+$0x0], $0xffff  }
0x117: {  	v44 =	vor.u32 v37, v26;
	_ =	sdelay $0x3  }
0x118: {  	[tilespmem:v43+s23+$0x0] =	vst.idx.msk $0xffff, v31  }
0x119: {  	v45 =	vor.u32 $0x33, v21;
	v31 =	vld.idx.msk [tilespmem:v44+s22+$0x0], $0xffff  }
0x11a: {  	v46 =	vor.u32 v37, v27;
	_ =	sdelay $0x3  }
0x11b: {  	[tilespmem:v45+s23+$0x0] =	vst.idx.msk $0xffff, v31  }
0x11c: {  	v47 =	vor.u32 $0x34, v21;
	v31 =	vld.idx.msk [tilespmem:v46+s22+$0x0], $0xffff  }
0x11d: {  	v48 =	vor.u32 v37, v28;
	_ =	sdelay $0x3  }
0x11e: {  	[tilespmem:v47+s23+$0x0] =	vst.idx.msk $0xffff, v31  }
0x11f: {  	v49 =	vor.u32 $0x35, v21;
	v31 =	vld.idx.msk [tilespmem:v48+s22+$0x0], $0xffff  }
0x120: {  	v50 =	vor.u32 v37, v29;
	_ =	sdelay $0x3  }
0x121: {  	[tilespmem:v49+s23+$0x0] =	vst.idx.msk $0xffff, v31  }
0x122: {  	v51 =	vor.u32 $0x36, v21;
	v31 =	vld.idx.msk [tilespmem:v50+s22+$0x0], $0xffff  }
0x123: {  	v33 =	vor.u32 v37, v30;
	_ =	sdelay $0x3  }
0x124: {  	[tilespmem:v51+s23+$0x0] =	vst.idx.msk $0xffff, v31  }
0x125: {  	v23 =	vor.u32 v18, v23;
	v52 =	vor.u32 $0x37, v21;
	v31 =	vld.idx.msk [tilespmem:v33+s22+$0x0], $0xffff  }
0x126: {  	v22 =	vor.u32 v23, v22;
	_ =	sdelay $0x3  }
0x127: {  	[tilespmem:v52+s23+$0x0] =	vst.idx.msk $0xffff, v31  }
0x128: {  	v53 =	vor.u32 $0x38, v21;
	v22 =	vld.idx.msk [tilespmem:v22+s22+$0x0], $0xffff  }
0x129: {  	v24 =	vor.u32 v23, v24;
	_ =	sdelay $0x3  }
0x12a: {  	[tilespmem:v53+s23+$0x0] =	vst.idx.msk $0xffff, v22  }
0x12b: {  	v54 =	vor.u32 $0x39, v21;
	v22 =	vld.idx.msk [tilespmem:v24+s22+$0x0], $0xffff  }
0x12c: {  	v25 =	vor.u32 v23, v25;
	_ =	sdelay $0x3  }
0x12d: {  	[tilespmem:v54+s23+$0x0] =	vst.idx.msk $0xffff, v22  }
0x12e: {  	v55 =	vor.u32 $0x3A, v21;
	v22 =	vld.idx.msk [tilespmem:v25+s22+$0x0], $0xffff  }
0x12f: {  	v56 =	vor.u32 v23, v26;
	_ =	sdelay $0x3  }
0x130: {  	[tilespmem:v55+s23+$0x0] =	vst.idx.msk $0xffff, v22  }
0x131: {  	v57 =	vor.u32 $0x3B, v21;
	v22 =	vld.idx.msk [tilespmem:v56+s22+$0x0], $0xffff  }
0x132: {  	v58 =	vor.u32 v23, v27;
	_ =	sdelay $0x3  }
0x133: {  	[tilespmem:v57+s23+$0x0] =	vst.idx.msk $0xffff, v22  }
0x134: {  	v59 =	vor.u32 $0x3C, v21;
	v22 =	vld.idx.msk [tilespmem:v58+s22+$0x0], $0xffff  }
0x135: {  	v60 =	vor.u32 v23, v28;
	_ =	sdelay $0x3  }
0x136: {  	[tilespmem:v59+s23+$0x0] =	vst.idx.msk $0xffff, v22  }
0x137: {  	v61 =	vor.u32 $0x3D, v21;
	v22 =	vld.idx.msk [tilespmem:v60+s22+$0x0], $0xffff  }
0x138: {  	v62 =	vor.u32 v23, v29;
	_ =	sdelay $0x3  }
0x139: {  	[tilespmem:v61+s23+$0x0] =	vst.idx.msk $0xffff, v22  }
0x13a: {  	v63 =	vor.u32 $0x3E, v21;
	v22 =	vld.idx.msk [tilespmem:v62+s22+$0x0], $0xffff  }
0x13b: {  	v23 =	vor.u32 v23, v30;
	_ =	sdelay $0x3  }
0x13c: {  	[tilespmem:v63+s23+$0x0] =	vst.idx.msk $0xffff, v22  }
0x13d: {  	v21 =	vor.u32 $0x3F, v21;
	v22 =	vld.idx.msk [tilespmem:v23+s22+$0x0], $0xffff  }
0x13e: {  	p1 =	seq.s32 s31, $0x10  }
.Ltmp7:
0x13f: {  	_ = 	snop;
	(pc) =	sbr.rel @p1 .LBB2_17-.Ltmp7, $4  }
.Ltmp8:
0x140: {  	_ = 	snop;
	(pc) =	sbr.rel @!p1 .LBB2_15-.Ltmp8, $4  }
0x141: {  	_ = 	snop  }
0x142: {  	v19 =	vnsel vm0, $0x4000, v19;
	[tilespmem:v21+s23+$0x0] =	vst.idx.msk $0xffff, v22  }
0x143: {  	s28 =	sadd.s32 s28, s31;
	s29 =	sadd.s32 s31, s29;
	[tilespmem:v20+s19+$0x0] =	vst.idx.msk $0xffff, v19  }
0x144: {  	_ = 	snop  }
.LBB2_2:
0x145: {  	s0 =	rddreg [dreg:$0x2]  }
0x146: {  	[tilespmem:s28], [sflag:$0x4] =	stream.linear.gather [hbm4b:s0+s28], $0x8080, $0x38;
	[tilespmem:$0x1C180] =	vst v63  }
0x147: {  	_ =	swait.ge [sflag:s17], $0x8080  }
0x148: {  	[sflag:s17] =	ssyncset.done $0x0  }
0x149: {  	[sflag:s17] =	ssyncadd.s32 $0xFFFF7F80  }
0x14a: {  	[tilespmem:s18], [sflag:$0x4] =	stream.linear.gather [hbm4b:s6+s28], $0x8080, $0x38;
	[tilespmem:$0x1C180] =	vst v63  }
0x14b: {  	_ =	swait.ge [sflag:s17], $0x8080  }
0x14c: {  	[sflag:s17] =	ssyncset.done $0x0  }
0x14d: {  	[sflag:s17] =	ssyncadd.s32 $0xFFFF7F80  }
0x14e: {  	[tilespmem:v0+s19+$0x0] =	vst.idx.msk $0xffff, v9  }
0x14f: {  	[tilespmem:v2+s19+$0x0] =	vst.idx.msk $0xffff, v9  }
0x150: {  	[tilespmem:v3+s19+$0x0] =	vst.idx.msk $0xffff, v9  }
0x151: {  	[tilespmem:v4+s19+$0x0] =	vst.idx.msk $0xffff, v9  }
0x152: {  	[tilespmem:v5+s19+$0x0] =	vst.idx.msk $0xffff, v9  }
0x153: {  	[tilespmem:v6+s19+$0x0] =	vst.idx.msk $0xffff, v9  }
0x154: {  	[tilespmem:v7+s19+$0x0] =	vst.idx.msk $0xffff, v9  }
0x155: {  	s30 =	simm.s32 $0x8000;
	s31 =	simm.s32 $0x8000;
	s29 =	simm.s32 $0xF;
	[tilespmem:v8+s19+$0x0] =	vst.idx.msk $0xffff, v9  }
.LBB2_3:
0x156: {  	s0 =	smov.u32 s30  }
0x157: {  	p1 =	sne.s32 s29, $0x1;
	s30 =	sand.u32 $0x1, s31  }
0x158: {  	p2 =	slt.s32 s31, $0x1;
	p3 =	seq.s32 s30, $0x1  }
0x159: {  	s30 =	sshrl.u32 s31, $0x1F;
	p2 =	por !p2, !p3  }
0x15a: {  	s30 =	sadd.s32 s30, s31;
	s31 =	simm.s32 $0x1;
	p2 =	por !p2, !p2  }
0x15b: {  	s30 =	sshra.s32 s30, $0x1;
	s31 =	simm.s32 @!p2 $0x0  }
0x15c: {  	s30 =	ssub.s32 s30, s31  }
0x15d: {  	v10 =	vld [tilespmem:s30+$0x0];
	_ =	sdelay $0x4  }
0x15e: {  	(v2sf) =	vpush v10, $0x0;
	_ =	sdelay $0xd  }
.Ltmp9:
0x15f: {  	(pc) =	sbr.rel @p1 .LBB2_3-.Ltmp9, $4  }
0x160: {  	s31 =	spop (v2sf)  }
0x161: {  	p2 =	slt.s32 s31, s11;
	s31 =	sadd.s32 $0x1, s30  }
0x162: {  	s28 =	smov.u32 @p2 s31;
	s30 =	smov.u32 @p2 s0  }
0x163: {  	s29 =	sadd.s32 $0xFFFFFFFF, s29;
	s31 =	sadd.s32 s28, s30  }
0x164: {  	s0 =	sand.u32 $0x1, s31  }
0x165: {  	p1 =	slt.s32 s31, $0x1;
	p2 =	seq.s32 s0, $0x1  }
0x166: {  	s21 =	sshrl.u32 s31, $0x1F;
	p1 =	por !p1, !p2  }
0x167: {  	s29 =	simm.s32 $0x1;
	s0 =	sadd.s32 s21, s31;
	p1 =	por !p1, !p1  }
0x168: {  	s0 =	sshra.s32 s0, $0x1;
	s29 =	simm.s32 @!p1 $0x0  }
0x169: {  	s0 =	ssub.s32 s0, s29  }
0x16a: {  	v10 =	vld [tilespmem:s0+$0x0];
	_ =	sdelay $0x4  }
0x16b: {  	(v2sf) =	vpush v10, $0x0;
	_ =	sdelay $0xc  }
.Ltmp10:
0x16c: {  	s3 =	simm.s32 $0x800;
	s5 =	simm.s32 $0x7A1400;
	(pc) =	sbr.rel .LBB2_7-.Ltmp10, $4  }
0x16d: {  	[tilespmem:s22], [sflag:$0x1] =	stream.strided.gather [hbm4b:s14+s3], $0x4000, s5, s3, $0x38;
	[tilespmem:$0x1C180] =	vst v63  }
0x16e: {  	s29 =	spop (v2sf)  }
0x16f: {  	s0 =	sadd.s32 $0x1, s0;
	p1 =	slt.s32 s29, s11  }
0x170: {  	s30 =	simm.s32 $0x0;
	s29 =	simm.s32 $0x0;
	s28 =	smov.u32 @p1 s0  }
.LBB2_9:
0x171: {  	s28 =	sadd.s32 s28, s31;
	s29 =	sadd.s32 s31, s29  }
.LBB2_6:
0x172: {  	p1 =	seq.s32 s30, s13  }
.Ltmp11:
0x173: {  	_ = 	snop;
	(pc) =	sbr.rel @p1 .LBB2_10-.Ltmp11, $1  }
0x174: {  	_ =	sdelay $0x3  }
.LBB2_7:
0x175: {  	s0 =	smov.u32 s30;
	s30 =	sadd.s32 $0x1, s30  }
0x176: {  	p1 =	sge.u32 s30, s13  }
0x177: {  	s5 =	sadd.s32 @!p1 s9, s30  }
0x178: {  	s31 =	sand.u32 @!p1 $0x1, s30;
	s20 =	simm.s32 @!p1 $0x800;
	s5 =	sshll.u32 @!p1 s5, $0x8  }
0x179: {  	s21 =	simm.s32 @!p1 $0x7A1400;
	s3 =	sshll.u32 @!p1 s31, $0xE;
	s5 =	smin.u32 @!p1 s5, $0xF4180  }
0x17a: {  	s31 =	sadd.s32 @!p1 $0x1, s31;
	s3 =	sor.u32 @!p1 $0x10100, s3;
	s5 =	sadd.s32 @!p1 s1, s5  }
0x17b: {  	[tilespmem:s3], [sflag:s31] =	stream.strided.gather @!p1 [hbm4b:s5+s20], $0x4000, s21, s20, $0x38;
	[tilespmem:$0x1C180] =	vst v63  }
0x17c: {  	s21 =	sand.u32 $0x1, s0;
	s0 =	sadd.s32 s9, s0  }
0x17d: {  	s0 =	sshll.u32 s0, $0x8;
	s31 =	sshll.u32 s21, $0xE  }
0x17e: {  	s3 =	sadd.s32 $0x1, s21;
	s0 =	sadd.s32 $0x100, s0;
	v10 =	vmov s31  }
0x17f: {  	_ =	swait.ge [sflag:s3], $0x4000;
	v11 =	vmov s0;
	v12 =	vor.u32 $0x800, v10  }
0x180: {  	[sflag:s3] =	ssyncset.done $0x0;
	v13 =	vor.u32 $0x1000, v10;
	v14 =	vor.u32 $0x1800, v10;
	v15 =	vor.u32 $0x2000, v10  }
0x181: {  	v16 =	vor.u32 $0x2800, v10;
	v17 =	vor.u32 $0x3000, v10;
	v18 =	vor.u32 $0x3800, v10;
	[sflag:s3] =	ssyncadd.s32 $0xFFFFC000  }
.LBB2_8:
0x182: {  	v19 =	vadd.s32 s28, v0  }
0x183: {  	vm0 =	vlt.s32 v19, $0x807F  }
0x184: {  	v19 =	vnsel vm0, $0x807F, v19;
	_ =	sdelay $0x4  }
0x185: {  	v20 =	vld.idx.msk [tilespmem:v19+s4+$0x0], $0xffff;
	_ =	sdelay $0x4  }
0x186: {  	vm0 =	vlt.s32 v20, v11  }
0x187: {  	v21 =	vmpcnt.ones.xlane vm0;
	_ =	sdelay $0x1  }
0x188: {  	(v2sf) =	vpush v21, $0x0;
	_ =	sdelay $0xa  }
0x189: {  	s0 =	sadd.s32 $0x10, s29  }
0x18a: {  	p1 =	slt.s32 s0, $0x81  }
0x18b: {  	s0 =	simm.s32 @!p1 $0x80;
	s3 =	simm.s32 @!p1 $0x1C100;
	s5 =	simm.s32 @!p1 $0x18100  }
0x18c: {  	v19 =	vld.idx.msk [tilespmem:v19+s18+$0x0], $0xffff;
	[hbm4b:s10+s0] =	stream.indirect.scatter @!p1 [tilespmem:s5], [sflag:$0x3], $0x80, s3, s0, $0xb8;
	v21 =	vlaneseq.u32 @!p1  }
0x18d: {  	s0 =	simm.s32 @!p1 $0x3;
	v22 =	vor.u32 @!p1 $0x10, v21;
	s31 =	spop (v2sf)  }
0x18e: {  	v23 =	vor.u32 @!p1 $0x20, v21;
	_ =	swait.ge @!p1 [sflag:s0], $0x4000  }
0x18f: {  	v24 =	vor.u32 @!p1 $0x30, v21;
	[sflag:s0] =	ssyncset.done @!p1 $0x0  }
0x190: {  	v25 =	vimm.s32 @!p1 $0x8000;
	v26 =	vor.u32 @!p1 $0x40, v21;
	[sflag:s0] =	ssyncadd.s32 @!p1 $0xFFFFC000  }
0x191: {  	v27 =	vor.u32 @!p1 $0x50, v21;
	[tilespmem:v21+s3+$0x0] =	vst.idx.msk @!p1 $0xffff, v25  }
0x192: {  	[tilespmem:v22+s3+$0x0] =	vst.idx.msk @!p1 $0xffff, v25;
	v22 =	vor.u32 @!p1 $0x60, v21  }
0x193: {  	p2 =	sgt.s32 s31, $0x0;
	v21 =	vor.u32 @!p1 $0x70, v21;
	[tilespmem:v23+s3+$0x0] =	vst.idx.msk @!p1 $0xffff, v25  }
.Ltmp12:
0x194: {  	[tilespmem:v24+s3+$0x0] =	vst.idx.msk @!p1 $0xffff, v25;
	(pc) =	sbr.rel @!p2 .LBB2_9-.Ltmp12, $4  }
0x195: {  	[tilespmem:v26+s3+$0x0] =	vst.idx.msk @!p1 $0xffff, v25  }
0x196: {  	[tilespmem:v27+s3+$0x0] =	vst.idx.msk @!p1 $0xffff, v25  }
0x197: {  	[tilespmem:v22+s3+$0x0] =	vst.idx.msk @!p1 $0xffff, v25  }
0x198: {  	s29 =	simm.s32 @!p1 $0x0;
	[tilespmem:v21+s3+$0x0] =	vst.idx.msk @!p1 $0xffff, v25  }
0x199: {  	v21 =	vand.u32 $0xFFFFFF00, v20  }
0x19a: {  	vm1 =	vlt.s32 v21, $0xF4180  }
0x19b: {  	v21 =	vnsel vm1, $0xF4180, v21  }
0x19c: {  	v20 =	vsub.s32 v20, v21  }
0x19d: {  	vm15 =	vgt.s32 v20, $0x0  }
0x19e: {  	v20 =	vnsel vm15, $0x0, v20  }
0x19f: {  	v30 =	vmin.u32 v20, $0xFF  }
0x1a0: {  	v20 =	vshll.u32 v30, $0x3  }
0x1a1: {  	v23 =	vand.u32 $0x400, v20  }
0x1a2: {  	v22 =	vand.u32 $0x7F, v30;
	v31 =	vor.u32 v10, v23  }
0x1a3: {  	v34 =	vor.u32 v22, v31;
	_ =	sdelay $0x3  }
0x1a4: {  	v20 =	vadd.s32 s29, v0  }
0x1a5: {  	v24 =	vor.u32 $0x80, v30;
	v21 =	vshll.u32 v20, $0x7;
	v25 =	vld.idx.msk [tilespmem:v34+s22+$0x0], $0xffff  }
0x1a6: {  	v26 =	vor.u32 v31, v24;
	_ =	sdelay $0x3  }
0x1a7: {  	[tilespmem:v21+s23+$0x0] =	vst.idx.msk $0xffff, v25  }
0x1a8: {  	v27 =	vor.u32 $0x1, v21;
	v25 =	vor.u32 $0x100, v22;
	v26 =	vld.idx.msk [tilespmem:v26+s22+$0x0], $0xffff  }
0x1a9: {  	v28 =	vor.u32 v31, v25;
	_ =	sdelay $0x3  }
0x1aa: {  	[tilespmem:v27+s23+$0x0] =	vst.idx.msk $0xffff, v26  }
0x1ab: {  	v35 =	vor.u32 $0x2, v21;
	v26 =	vor.u32 $0x180, v30;
	v27 =	vld.idx.msk [tilespmem:v28+s22+$0x0], $0xffff  }
0x1ac: {  	v29 =	vor.u32 v31, v26;
	_ =	sdelay $0x3  }
0x1ad: {  	[tilespmem:v35+s23+$0x0] =	vst.idx.msk $0xffff, v27  }
0x1ae: {  	v36 =	vor.u32 $0x3, v21;
	v27 =	vor.u32 $0x200, v22;
	v28 =	vld.idx.msk [tilespmem:v29+s22+$0x0], $0xffff  }
0x1af: {  	v32 =	vor.u32 v31, v27;
	_ =	sdelay $0x3  }
0x1b0: {  	[tilespmem:v36+s23+$0x0] =	vst.idx.msk $0xffff, v28  }
0x1b1: {  	v37 =	vor.u32 $0x4, v21;
	v28 =	vor.u32 $0x280, v30;
	v29 =	vld.idx.msk [tilespmem:v32+s22+$0x0], $0xffff  }
0x1b2: {  	v33 =	vor.u32 v31, v28;
	_ =	sdelay $0x3  }
0x1b3: {  	[tilespmem:v37+s23+$0x0] =	vst.idx.msk $0xffff, v29  }
0x1b4: {  	v38 =	vor.u32 $0x5, v21;
	v29 =	vor.u32 $0x300, v22;
	v32 =	vld.idx.msk [tilespmem:v33+s22+$0x0], $0xffff  }
0x1b5: {  	v34 =	vor.u32 v31, v29;
	_ =	sdelay $0x3  }
0x1b6: {  	[tilespmem:v38+s23+$0x0] =	vst.idx.msk $0xffff, v32  }
0x1b7: {  	v39 =	vor.u32 $0x6, v21;
	v30 =	vor.u32 $0x380, v30;
	v32 =	vld.idx.msk [tilespmem:v34+s22+$0x0], $0xffff  }
0x1b8: {  	v31 =	vor.u32 v31, v30;
	_ =	sdelay $0x3  }
0x1b9: {  	[tilespmem:v39+s23+$0x0] =	vst.idx.msk $0xffff, v32  }
0x1ba: {  	v41 =	vor.u32 v12, v23;
	v40 =	vor.u32 $0x7, v21;
	v31 =	vld.idx.msk [tilespmem:v31+s22+$0x0], $0xffff  }
0x1bb: {  	v42 =	vor.u32 v41, v22;
	_ =	sdelay $0x3  }
0x1bc: {  	[tilespmem:v40+s23+$0x0] =	vst.idx.msk $0xffff, v31  }
0x1bd: {  	v43 =	vor.u32 $0x8, v21;
	v31 =	vld.idx.msk [tilespmem:v42+s22+$0x0], $0xffff  }
0x1be: {  	v44 =	vor.u32 v41, v24;
	_ =	sdelay $0x3  }
0x1bf: {  	[tilespmem:v43+s23+$0x0] =	vst.idx.msk $0xffff, v31  }
0x1c0: {  	v45 =	vor.u32 $0x9, v21;
	v31 =	vld.idx.msk [tilespmem:v44+s22+$0x0], $0xffff  }
0x1c1: {  	v46 =	vor.u32 v41, v25;
	_ =	sdelay $0x3  }
0x1c2: {  	[tilespmem:v45+s23+$0x0] =	vst.idx.msk $0xffff, v31  }
0x1c3: {  	v47 =	vor.u32 $0xA, v21;
	v31 =	vld.idx.msk [tilespmem:v46+s22+$0x0], $0xffff  }
0x1c4: {  	v48 =	vor.u32 v41, v26;
	_ =	sdelay $0x3  }
0x1c5: {  	[tilespmem:v47+s23+$0x0] =	vst.idx.msk $0xffff, v31  }
0x1c6: {  	v49 =	vor.u32 $0xB, v21;
	v31 =	vld.idx.msk [tilespmem:v48+s22+$0x0], $0xffff  }
0x1c7: {  	v50 =	vor.u32 v41, v27;
	_ =	sdelay $0x3  }
0x1c8: {  	[tilespmem:v49+s23+$0x0] =	vst.idx.msk $0xffff, v31  }
0x1c9: {  	v51 =	vor.u32 $0xC, v21;
	v31 =	vld.idx.msk [tilespmem:v50+s22+$0x0], $0xffff  }
0x1ca: {  	v52 =	vor.u32 v41, v28;
	_ =	sdelay $0x3  }
0x1cb: {  	[tilespmem:v51+s23+$0x0] =	vst.idx.msk $0xffff, v31  }
0x1cc: {  	v53 =	vor.u32 $0xD, v21;
	v31 =	vld.idx.msk [tilespmem:v52+s22+$0x0], $0xffff  }
0x1cd: {  	v54 =	vor.u32 v41, v29;
	_ =	sdelay $0x3  }
0x1ce: {  	[tilespmem:v53+s23+$0x0] =	vst.idx.msk $0xffff, v31  }
0x1cf: {  	v55 =	vor.u32 $0xE, v21;
	v31 =	vld.idx.msk [tilespmem:v54+s22+$0x0], $0xffff  }
0x1d0: {  	v33 =	vor.u32 v41, v30;
	_ =	sdelay $0x3  }
0x1d1: {  	[tilespmem:v55+s23+$0x0] =	vst.idx.msk $0xffff, v31  }
0x1d2: {  	v57 =	vor.u32 v13, v23;
	v56 =	vor.u32 $0xF, v21;
	v31 =	vld.idx.msk [tilespmem:v33+s22+$0x0], $0xffff  }
0x1d3: {  	v58 =	vor.u32 v57, v22;
	_ =	sdelay $0x3  }
0x1d4: {  	[tilespmem:v56+s23+$0x0] =	vst.idx.msk $0xffff, v31  }
0x1d5: {  	v59 =	vor.u32 $0x10, v21;
	v31 =	vld.idx.msk [tilespmem:v58+s22+$0x0], $0xffff  }
0x1d6: {  	v60 =	vor.u32 v57, v24;
	_ =	sdelay $0x3  }
0x1d7: {  	[tilespmem:v59+s23+$0x0] =	vst.idx.msk $0xffff, v31  }
0x1d8: {  	v61 =	vor.u32 $0x11, v21;
	v31 =	vld.idx.msk [tilespmem:v60+s22+$0x0], $0xffff  }
0x1d9: {  	v62 =	vor.u32 v57, v25;
	_ =	sdelay $0x3  }
0x1da: {  	[tilespmem:v61+s23+$0x0] =	vst.idx.msk $0xffff, v31  }
0x1db: {  	v63 =	vor.u32 $0x12, v21;
	v31 =	vld.idx.msk [tilespmem:v62+s22+$0x0], $0xffff  }
0x1dc: {  	v36 =	vor.u32 v57, v26;
	_ =	sdelay $0x3  }
0x1dd: {  	[tilespmem:v63+s23+$0x0] =	vst.idx.msk $0xffff, v31  }
0x1de: {  	v37 =	vor.u32 $0x13, v21;
	v31 =	vld.idx.msk [tilespmem:v36+s22+$0x0], $0xffff  }
0x1df: {  	v38 =	vor.u32 v57, v27;
	_ =	sdelay $0x3  }
0x1e0: {  	[tilespmem:v37+s23+$0x0] =	vst.idx.msk $0xffff, v31  }
0x1e1: {  	v39 =	vor.u32 $0x14, v21;
	v31 =	vld.idx.msk [tilespmem:v38+s22+$0x0], $0xffff  }
0x1e2: {  	v40 =	vor.u32 v57, v28;
	_ =	sdelay $0x3  }
0x1e3: {  	[tilespmem:v39+s23+$0x0] =	vst.idx.msk $0xffff, v31  }
0x1e4: {  	v41 =	vor.u32 $0x15, v21;
	v31 =	vld.idx.msk [tilespmem:v40+s22+$0x0], $0xffff  }
0x1e5: {  	v42 =	vor.u32 v57, v29;
	_ =	sdelay $0x3  }
0x1e6: {  	[tilespmem:v41+s23+$0x0] =	vst.idx.msk $0xffff, v31  }
0x1e7: {  	v43 =	vor.u32 $0x16, v21;
	v31 =	vld.idx.msk [tilespmem:v42+s22+$0x0], $0xffff  }
0x1e8: {  	v33 =	vor.u32 v57, v30;
	_ =	sdelay $0x3  }
0x1e9: {  	[tilespmem:v43+s23+$0x0] =	vst.idx.msk $0xffff, v31  }
0x1ea: {  	v44 =	vor.u32 $0x17, v21;
	v45 =	vor.u32 v14, v23;
	v31 =	vld.idx.msk [tilespmem:v33+s22+$0x0], $0xffff  }
0x1eb: {  	v46 =	vor.u32 v45, v22;
	_ =	sdelay $0x3  }
0x1ec: {  	[tilespmem:v44+s23+$0x0] =	vst.idx.msk $0xffff, v31  }
0x1ed: {  	v47 =	vor.u32 $0x18, v21;
	v31 =	vld.idx.msk [tilespmem:v46+s22+$0x0], $0xffff  }
0x1ee: {  	v48 =	vor.u32 v45, v24;
	_ =	sdelay $0x3  }
0x1ef: {  	[tilespmem:v47+s23+$0x0] =	vst.idx.msk $0xffff, v31  }
0x1f0: {  	v49 =	vor.u32 $0x19, v21;
	v31 =	vld.idx.msk [tilespmem:v48+s22+$0x0], $0xffff  }
0x1f1: {  	v50 =	vor.u32 v45, v25;
	_ =	sdelay $0x3  }
0x1f2: {  	[tilespmem:v49+s23+$0x0] =	vst.idx.msk $0xffff, v31  }
0x1f3: {  	v51 =	vor.u32 $0x1A, v21;
	v31 =	vld.idx.msk [tilespmem:v50+s22+$0x0], $0xffff  }
0x1f4: {  	v52 =	vor.u32 v45, v26;
	_ =	sdelay $0x3  }
0x1f5: {  	[tilespmem:v51+s23+$0x0] =	vst.idx.msk $0xffff, v31  }
0x1f6: {  	v53 =	vor.u32 $0x1B, v21;
	v31 =	vld.idx.msk [tilespmem:v52+s22+$0x0], $0xffff  }
0x1f7: {  	v54 =	vor.u32 v45, v27;
	_ =	sdelay $0x3  }
0x1f8: {  	[tilespmem:v53+s23+$0x0] =	vst.idx.msk $0xffff, v31  }
0x1f9: {  	v55 =	vor.u32 $0x1C, v21;
	v31 =	vld.idx.msk [tilespmem:v54+s22+$0x0], $0xffff  }
0x1fa: {  	v56 =	vor.u32 v45, v28;
	_ =	sdelay $0x3  }
0x1fb: {  	[tilespmem:v55+s23+$0x0] =	vst.idx.msk $0xffff, v31  }
0x1fc: {  	v57 =	vor.u32 $0x1D, v21;
	v31 =	vld.idx.msk [tilespmem:v56+s22+$0x0], $0xffff  }
0x1fd: {  	v58 =	vor.u32 v45, v29;
	_ =	sdelay $0x3  }
0x1fe: {  	[tilespmem:v57+s23+$0x0] =	vst.idx.msk $0xffff, v31  }
0x1ff: {  	v59 =	vor.u32 $0x1E, v21;
	v31 =	vld.idx.msk [tilespmem:v58+s22+$0x0], $0xffff  }
0x200: {  	v33 =	vor.u32 v45, v30;
	_ =	sdelay $0x3  }
0x201: {  	[tilespmem:v59+s23+$0x0] =	vst.idx.msk $0xffff, v31  }
0x202: {  	v60 =	vor.u32 $0x1F, v21;
	v61 =	vor.u32 v15, v23;
	v31 =	vld.idx.msk [tilespmem:v33+s22+$0x0], $0xffff  }
0x203: {  	v62 =	vor.u32 v61, v22;
	_ =	sdelay $0x3  }
0x204: {  	[tilespmem:v60+s23+$0x0] =	vst.idx.msk $0xffff, v31  }
0x205: {  	v63 =	vor.u32 $0x20, v21;
	v31 =	vld.idx.msk [tilespmem:v62+s22+$0x0], $0xffff  }
0x206: {  	v36 =	vor.u32 v61, v24;
	_ =	sdelay $0x3  }
0x207: {  	[tilespmem:v63+s23+$0x0] =	vst.idx.msk $0xffff, v31  }
0x208: {  	v37 =	vor.u32 $0x21, v21;
	v31 =	vld.idx.msk [tilespmem:v36+s22+$0x0], $0xffff  }
0x209: {  	v38 =	vor.u32 v61, v25;
	_ =	sdelay $0x3  }
0x20a: {  	[tilespmem:v37+s23+$0x0] =	vst.idx.msk $0xffff, v31  }
0x20b: {  	v39 =	vor.u32 $0x22, v21;
	v31 =	vld.idx.msk [tilespmem:v38+s22+$0x0], $0xffff  }
0x20c: {  	v40 =	vor.u32 v61, v26;
	_ =	sdelay $0x3  }
0x20d: {  	[tilespmem:v39+s23+$0x0] =	vst.idx.msk $0xffff, v31  }
0x20e: {  	v41 =	vor.u32 $0x23, v21;
	v31 =	vld.idx.msk [tilespmem:v40+s22+$0x0], $0xffff  }
0x20f: {  	v42 =	vor.u32 v61, v27;
	_ =	sdelay $0x3  }
0x210: {  	[tilespmem:v41+s23+$0x0] =	vst.idx.msk $0xffff, v31  }
0x211: {  	v43 =	vor.u32 $0x24, v21;
	v31 =	vld.idx.msk [tilespmem:v42+s22+$0x0], $0xffff  }
0x212: {  	v44 =	vor.u32 v61, v28;
	_ =	sdelay $0x3  }
0x213: {  	[tilespmem:v43+s23+$0x0] =	vst.idx.msk $0xffff, v31  }
0x214: {  	v45 =	vor.u32 $0x25, v21;
	v31 =	vld.idx.msk [tilespmem:v44+s22+$0x0], $0xffff  }
0x215: {  	v46 =	vor.u32 v61, v29;
	_ =	sdelay $0x3  }
0x216: {  	[tilespmem:v45+s23+$0x0] =	vst.idx.msk $0xffff, v31  }
0x217: {  	v47 =	vor.u32 $0x26, v21;
	v31 =	vld.idx.msk [tilespmem:v46+s22+$0x0], $0xffff  }
0x218: {  	v33 =	vor.u32 v61, v30;
	_ =	sdelay $0x3  }
0x219: {  	[tilespmem:v47+s23+$0x0] =	vst.idx.msk $0xffff, v31  }
0x21a: {  	v48 =	vor.u32 $0x27, v21;
	v49 =	vor.u32 v16, v23;
	v31 =	vld.idx.msk [tilespmem:v33+s22+$0x0], $0xffff  }
0x21b: {  	v50 =	vor.u32 v49, v22;
	_ =	sdelay $0x3  }
0x21c: {  	[tilespmem:v48+s23+$0x0] =	vst.idx.msk $0xffff, v31  }
0x21d: {  	v51 =	vor.u32 $0x28, v21;
	v31 =	vld.idx.msk [tilespmem:v50+s22+$0x0], $0xffff  }
0x21e: {  	v52 =	vor.u32 v49, v24;
	_ =	sdelay $0x3  }
0x21f: {  	[tilespmem:v51+s23+$0x0] =	vst.idx.msk $0xffff, v31  }
0x220: {  	v53 =	vor.u32 $0x29, v21;
	v31 =	vld.idx.msk [tilespmem:v52+s22+$0x0], $0xffff  }
0x221: {  	v54 =	vor.u32 v49, v25;
	_ =	sdelay $0x3  }
0x222: {  	[tilespmem:v53+s23+$0x0] =	vst.idx.msk $0xffff, v31  }
0x223: {  	v55 =	vor.u32 $0x2A, v21;
	v31 =	vld.idx.msk [tilespmem:v54+s22+$0x0], $0xffff  }
0x224: {  	v56 =	vor.u32 v49, v26;
	_ =	sdelay $0x3  }
0x225: {  	[tilespmem:v55+s23+$0x0] =	vst.idx.msk $0xffff, v31  }
0x226: {  	v57 =	vor.u32 $0x2B, v21;
	v31 =	vld.idx.msk [tilespmem:v56+s22+$0x0], $0xffff  }
0x227: {  	v58 =	vor.u32 v49, v27;
	_ =	sdelay $0x3  }
0x228: {  	[tilespmem:v57+s23+$0x0] =	vst.idx.msk $0xffff, v31  }
0x229: {  	v59 =	vor.u32 $0x2C, v21;
	v31 =	vld.idx.msk [tilespmem:v58+s22+$0x0], $0xffff  }
0x22a: {  	v60 =	vor.u32 v49, v28;
	_ =	sdelay $0x3  }
0x22b: {  	[tilespmem:v59+s23+$0x0] =	vst.idx.msk $0xffff, v31  }
0x22c: {  	v61 =	vor.u32 $0x2D, v21;
	v31 =	vld.idx.msk [tilespmem:v60+s22+$0x0], $0xffff  }
0x22d: {  	v62 =	vor.u32 v49, v29;
	_ =	sdelay $0x3  }
0x22e: {  	[tilespmem:v61+s23+$0x0] =	vst.idx.msk $0xffff, v31  }
0x22f: {  	v63 =	vor.u32 $0x2E, v21;
	v31 =	vld.idx.msk [tilespmem:v62+s22+$0x0], $0xffff  }
0x230: {  	v33 =	vor.u32 v49, v30;
	_ =	sdelay $0x3  }
0x231: {  	[tilespmem:v63+s23+$0x0] =	vst.idx.msk $0xffff, v31  }
0x232: {  	v36 =	vor.u32 $0x2F, v21;
	v37 =	vor.u32 v17, v23;
	v31 =	vld.idx.msk [tilespmem:v33+s22+$0x0], $0xffff  }
0x233: {  	v38 =	vor.u32 v37, v22;
	_ =	sdelay $0x3  }
0x234: {  	[tilespmem:v36+s23+$0x0] =	vst.idx.msk $0xffff, v31  }
0x235: {  	v39 =	vor.u32 $0x30, v21;
	v31 =	vld.idx.msk [tilespmem:v38+s22+$0x0], $0xffff  }
0x236: {  	v40 =	vor.u32 v37, v24;
	_ =	sdelay $0x3  }
0x237: {  	[tilespmem:v39+s23+$0x0] =	vst.idx.msk $0xffff, v31  }
0x238: {  	v41 =	vor.u32 $0x31, v21;
	v31 =	vld.idx.msk [tilespmem:v40+s22+$0x0], $0xffff  }
0x239: {  	v42 =	vor.u32 v37, v25;
	_ =	sdelay $0x3  }
0x23a: {  	[tilespmem:v41+s23+$0x0] =	vst.idx.msk $0xffff, v31  }
0x23b: {  	v43 =	vor.u32 $0x32, v21;
	v31 =	vld.idx.msk [tilespmem:v42+s22+$0x0], $0xffff  }
0x23c: {  	v44 =	vor.u32 v37, v26;
	_ =	sdelay $0x3  }
0x23d: {  	[tilespmem:v43+s23+$0x0] =	vst.idx.msk $0xffff, v31  }
0x23e: {  	v45 =	vor.u32 $0x33, v21;
	v31 =	vld.idx.msk [tilespmem:v44+s22+$0x0], $0xffff  }
0x23f: {  	v46 =	vor.u32 v37, v27;
	_ =	sdelay $0x3  }
0x240: {  	[tilespmem:v45+s23+$0x0] =	vst.idx.msk $0xffff, v31  }
0x241: {  	v47 =	vor.u32 $0x34, v21;
	v31 =	vld.idx.msk [tilespmem:v46+s22+$0x0], $0xffff  }
0x242: {  	v48 =	vor.u32 v37, v28;
	_ =	sdelay $0x3  }
0x243: {  	[tilespmem:v47+s23+$0x0] =	vst.idx.msk $0xffff, v31  }
0x244: {  	v49 =	vor.u32 $0x35, v21;
	v31 =	vld.idx.msk [tilespmem:v48+s22+$0x0], $0xffff  }
0x245: {  	v50 =	vor.u32 v37, v29;
	_ =	sdelay $0x3  }
0x246: {  	[tilespmem:v49+s23+$0x0] =	vst.idx.msk $0xffff, v31  }
0x247: {  	v51 =	vor.u32 $0x36, v21;
	v31 =	vld.idx.msk [tilespmem:v50+s22+$0x0], $0xffff  }
0x248: {  	v33 =	vor.u32 v37, v30;
	_ =	sdelay $0x3  }
0x249: {  	[tilespmem:v51+s23+$0x0] =	vst.idx.msk $0xffff, v31  }
0x24a: {  	v23 =	vor.u32 v18, v23;
	v52 =	vor.u32 $0x37, v21;
	v31 =	vld.idx.msk [tilespmem:v33+s22+$0x0], $0xffff  }
0x24b: {  	v22 =	vor.u32 v23, v22;
	_ =	sdelay $0x3  }
0x24c: {  	[tilespmem:v52+s23+$0x0] =	vst.idx.msk $0xffff, v31  }
0x24d: {  	v53 =	vor.u32 $0x38, v21;
	v22 =	vld.idx.msk [tilespmem:v22+s22+$0x0], $0xffff  }
0x24e: {  	v24 =	vor.u32 v23, v24;
	_ =	sdelay $0x3  }
0x24f: {  	[tilespmem:v53+s23+$0x0] =	vst.idx.msk $0xffff, v22  }
0x250: {  	v54 =	vor.u32 $0x39, v21;
	v22 =	vld.idx.msk [tilespmem:v24+s22+$0x0], $0xffff  }
0x251: {  	v25 =	vor.u32 v23, v25;
	_ =	sdelay $0x3  }
0x252: {  	[tilespmem:v54+s23+$0x0] =	vst.idx.msk $0xffff, v22  }
0x253: {  	v55 =	vor.u32 $0x3A, v21;
	v22 =	vld.idx.msk [tilespmem:v25+s22+$0x0], $0xffff  }
0x254: {  	v56 =	vor.u32 v23, v26;
	_ =	sdelay $0x3  }
0x255: {  	[tilespmem:v55+s23+$0x0] =	vst.idx.msk $0xffff, v22  }
0x256: {  	v57 =	vor.u32 $0x3B, v21;
	v22 =	vld.idx.msk [tilespmem:v56+s22+$0x0], $0xffff  }
0x257: {  	v58 =	vor.u32 v23, v27;
	_ =	sdelay $0x3  }
0x258: {  	[tilespmem:v57+s23+$0x0] =	vst.idx.msk $0xffff, v22  }
0x259: {  	v59 =	vor.u32 $0x3C, v21;
	v22 =	vld.idx.msk [tilespmem:v58+s22+$0x0], $0xffff  }
0x25a: {  	v60 =	vor.u32 v23, v28;
	_ =	sdelay $0x3  }
0x25b: {  	[tilespmem:v59+s23+$0x0] =	vst.idx.msk $0xffff, v22  }
0x25c: {  	v61 =	vor.u32 $0x3D, v21;
	v22 =	vld.idx.msk [tilespmem:v60+s22+$0x0], $0xffff  }
0x25d: {  	v62 =	vor.u32 v23, v29;
	_ =	sdelay $0x3  }
0x25e: {  	[tilespmem:v61+s23+$0x0] =	vst.idx.msk $0xffff, v22  }
0x25f: {  	v63 =	vor.u32 $0x3E, v21;
	v22 =	vld.idx.msk [tilespmem:v62+s22+$0x0], $0xffff  }
0x260: {  	v23 =	vor.u32 v23, v30;
	_ =	sdelay $0x3  }
0x261: {  	[tilespmem:v63+s23+$0x0] =	vst.idx.msk $0xffff, v22  }
0x262: {  	v21 =	vor.u32 $0x3F, v21;
	v22 =	vld.idx.msk [tilespmem:v23+s22+$0x0], $0xffff  }
0x263: {  	p1 =	seq.s32 s31, $0x10  }
.Ltmp13:
0x264: {  	_ = 	snop;
	(pc) =	sbr.rel @p1 .LBB2_8-.Ltmp13, $4  }
.Ltmp14:
0x265: {  	_ = 	snop;
	(pc) =	sbr.rel @!p1 .LBB2_6-.Ltmp14, $4  }
0x266: {  	_ = 	snop  }
0x267: {  	v19 =	vnsel vm0, $0x8000, v19;
	[tilespmem:v21+s23+$0x0] =	vst.idx.msk $0xffff, v22  }
0x268: {  	s28 =	sadd.s32 s28, s31;
	s29 =	sadd.s32 s31, s29;
	[tilespmem:v20+s19+$0x0] =	vst.idx.msk $0xffff, v19  }
0x269: {  	_ = 	snop  }
.LBB2_10:
0x26a: {  	[hbm4b:s10+s24] =	stream.indirect.scatter [tilespmem:s23], [sflag:$0x3], $0x80, s19, s24, $0xb8;
	[tilespmem:$0x1C180] =	vst v63  }
0x26b: {  	_ =	swait.ge [sflag:s25], $0x4000  }
0x26c: {  	[sflag:s25] =	ssyncset.done $0x0  }
0x26d: {  	[sflag:s25] =	ssyncadd.s32 $0xFFFFC000  }
0x26e: {  	[tilespmem:v0+s19+$0x0] =	vst.idx.msk $0xffff, v9  }
0x26f: {  	[tilespmem:v2+s19+$0x0] =	vst.idx.msk $0xffff, v9  }
0x270: {  	[tilespmem:v3+s19+$0x0] =	vst.idx.msk $0xffff, v9  }
.Ltmp15:
0x271: {  	[tilespmem:v4+s19+$0x0] =	vst.idx.msk $0xffff, v9;
	(pc) =	sbr.rel .LBB2_20-.Ltmp15, $4  }
0x272: {  	[tilespmem:v5+s19+$0x0] =	vst.idx.msk $0xffff, v9  }
0x273: {  	[tilespmem:v6+s19+$0x0] =	vst.idx.msk $0xffff, v9  }
0x274: {  	[tilespmem:v7+s19+$0x0] =	vst.idx.msk $0xffff, v9  }
0x275: {  	[tilespmem:v8+s19+$0x0] =	vst.idx.msk $0xffff, v9  }
.LBB2_21:
0x276: {  	_ =	sfence.sel $0x180000  }
0x277: {  	[bflag:$0x0] =	sbarrier.arrive $0xFFFF  }
0x278: {  	_ =	strace $0x9000004D  }
0x279: {  	s0 =	stileid.u32;
	[bflag:$0x2] =	sbarrier.arrive $0xFFFF  }
0x27a: {  	p0 =	sne.s32 s0, $0x0;
	s0 =	rddreg [dreg:$0x3]  }
0x27b: {  	s0 =	sadd.s32 @!p0 $0x100000, s0  }
0x27c: {  	[sflag:s0] =	ssyncadd.tile.s32 @!p0 $0x1;
	_ =	shalt  }
.Lfunc_end2:
_tile_overlayer_lowered:
.L_overlay_start_2:
0x27d: {  	(tag) =	ssettag $0x2  }
0x27e: {  	s0 =	rddreg [dreg:$0x0];
	s2 =	stileid.u32  }
0x27f: {  	s1 =	rddreg [dreg:$0x1];
	p0 =	sne.s32 s2, $0x0  }
0x280: {  	s3 =	rddreg [dreg:$0x2];
	[bflag:$0x3] =	sbarrier.arrive $0xFFFF;
	s2 =	simm.s32 @!p0 $0x1C04  }
0x281: {  	[timem:s3], [sflag:s2] =	dma.local @!p0 [hbm:s0], s1  }
0x282: {  	s0 =	simm.s32 @!p0 $0x4  }
0x283: {  	_ =	swait.ge @!p0 [sflag:s0], s1  }
0x284: {  	s1 =	ssub.s32 @!p0 $0x0, s1;
	[sflag:s0] =	ssyncset.done @!p0 $0x0  }
0x285: {  	[sflag:s0] =	ssyncadd.s32 @!p0 s1  }
0x286: {  	[bflag:$0x3] =	sbarrier.arrive $0xFFFF  }
0x287: {  	_ =	shalt  }

// kernel: kernel.7.cloned.1.call-start
scs
__scs_entry_jumppad:
0x0: {  	(pc) =	sbr.rel $0x88, $3  }
0x1: {  	(tag) =	ssettag $0x0;
	lr =	simm.s32 $0x1  }
0x2: {  	[smem:$0x3F9C] =	sst lr;
	_ =	strace $0xD0000000  }
0x3: {  	_ = 	snop  }
0x4: {  	_ = 	snop  }
0x5: {  	_ = 	snop  }
0x6: {  	_ = 	snop  }
0x7: {  	_ = 	snop  }
__scs_overlays_trampoline_lowered:
0x8: {  	[smem:$0x3FAB] =	sst s0  }
0x9: {  	[smem:$0x3FAC] =	sst s1  }
0xa: {  	[smem:$0x3FAD] =	sst s2  }
0xb: {  	[smem:$0x3FAE] =	sst s3  }
0xc: {  	[smem:$0x3FAF] =	sst s4  }
0xd: {  	[smem:$0x3FB0] =	sst s5  }
0xe: {  	[smem:$0x3FB1] =	sst s6  }
0xf: {  	[smem:$0x3FB2] =	sst s7  }
0x10: {  	[smem:$0x3FB3] =	sst s8  }
0x11: {  	[smem:$0x3FB4] =	sst s9;
	s0 =	simm.s32 @!p0 $0x0  }
0x12: {  	s1 =	sld [smem:$0x3F9A];
	s0 =	simm.s32 @p0 $0x1  }
0x13: {  	[smem:$0x3FB5] =	sst s0;
	s0 =	simm.s32 @!p1 $0x0  }
0x14: {  	s2 =	sld [smem:$0x3F99];
	s0 =	simm.s32 @p1 $0x1  }
0x15: {  	[smem:$0x3FB6] =	sst s0;
	s0 =	simm.s32 @!p2 $0x0  }
0x16: {  	s3 =	sld [smem:$0x3FDB];
	s0 =	simm.s32 @p2 $0x1  }
0x17: {  	s4 =	simm.s32 $0x1BF5;
	[smem:$0x3FB8] =	sst s0  }
0x18: {  	s0 =	sld [smem:$0x3F9B];
	_ =	swait.ge [sflag:s4], $0x0  }
0x19: {  	s7 =	sld [smem:$0x3F9C]  }
0x1a: {  	s8 =	sadd.s32 $0xFFFFE003, lr  }
0x1b: {  	s9 =	sadd.s32 $0xFFFFFEF7, lr;
	s5 =	simm.s32 $0xFFFFFFFF;
	p2 =	slt.u32 s8, $0xFFFFF086  }
0x1c: {  	p1 =	slt.u32 s9, $0xF7A;
	s5 =	simm.s32 @!p2 $0x0  }
0x1d: {  	s5 =	simm.s32 @p1 $0x1;
	p0 =	seq.s32 s7, s2  }
0x1e: {  	s7 =	smul.u32 @!p0 $0xF7A, s2;
	p2 =	seq.s32 @!p0 s5, $0x0  }
0x1f: {  	s9 =	smul.u32 $0xF7A, s1;
	s8 =	simm.s32 @!p0 $0x1BF5;
	p2 =	por !p2, p0  }
0x20: {  	[sflag:s8] =	ssyncset.s32 @!p0 $0xFFFFF086;
	s6 =	sadd.s32 @!p0 s3, s7;
	s7 =	simm.s32 @!p0 $0x108  }
0x21: {  	s3 =	sadd.s32 s3, s9;
	s6 =	sadd.s32 @!p0 $0x88, s6;
	s7 =	simm.s32 @p2 $0x1082  }
0x22: {  	[simem:s7], [sflag:s8] =	dma.local @!p0 [hbm:s6], $0xF7A  }
0x23: {  	s9 =	sor.u32 $0xD0000000, s2;
	s6 =	simm.s32 $0x108;
	_ =	swait.ge @!p0 [sflag:s8], $0x0  }
0x24: {  	s3 =	sadd.s32 $0x88, s3;
	s6 =	simm.s32 @!p1 $0x1082;
	[sflag:s4] =	ssyncset.s32 $0xFFFFF086  }
0x25: {  	[simem:s6], [sflag:s4] =	dma.local [hbm:s3], $0xF7A  }
0x26: {  	[smem:$0x3F9C] =	sst s1;
	(tag) =	ssettag s2;
	_ =	strace s9  }
0x27: {  	s1 =	sld [smem:$0x3FAC]  }
0x28: {  	s2 =	sld [smem:$0x3FAD]  }
0x29: {  	s4 =	sld [smem:$0x3FAF]  }
0x2a: {  	p0 =	seq.s32 s5, $0x0;
	s5 =	sld [smem:$0x3FB0]  }
0x2b: {  	s6 =	sld [smem:$0x3FB1]  }
0x2c: {  	s7 =	sld [smem:$0x3FB2]  }
0x2d: {  	s3 =	simm.s32 $0x108;
	s8 =	sld [smem:$0x3FB3]  }
0x2e: {  	s3 =	simm.s32 @!p0 $0x1082;
	s9 =	sld [smem:$0x3FB4]  }
0x2f: {  	lr =	sadd.s32 s0, s3;
	s0 =	sld [smem:$0x3FAB]  }
0x30: {  	s3 =	sld [smem:$0x3FAE]  }
0x31: {  	[smem:$0x3FB7] =	sst s10  }
0x32: {  	s10 =	sld [smem:$0x3FB5];
	_ =	sdelay $0x3  }
0x33: {  	p0 =	seq.s32 s10, $0x1;
	s10 =	sld [smem:$0x3FB7];
	_ =	sdelay $0x3  }
0x34: {  	[smem:$0x3FB7] =	sst s10  }
0x35: {  	s10 =	sld [smem:$0x3FB6];
	_ =	sdelay $0x3  }
0x36: {  	p1 =	seq.s32 s10, $0x1;
	s10 =	sld [smem:$0x3FB7];
	_ =	sdelay $0x3  }
0x37: {  	[smem:$0x3FB7] =	sst s10  }
0x38: {  	s10 =	sld [smem:$0x3FB8]  }
0x39: {  	_ = 	snop;
	(pc) =	sbr.ind lr, $3  }
0x3a: {  	_ = 	snop  }
0x3b: {  	_ = 	snop  }
0x3c: {  	p2 =	seq.s32 s10, $0x1;
	s10 =	sld [smem:$0x3FB7]  }
0x3d: {  	_ =	shalt  }
0x3e: {  	_ =	shalt  }
0x3f: {  	_ =	shalt  }
0x40: {  	_ =	shalt  }
0x41: {  	_ =	shalt  }
0x42: {  	_ =	shalt  }
0x43: {  	_ =	shalt  }
0x44: {  	_ =	shalt  }
0x45: {  	_ =	shalt  }
0x46: {  	_ =	shalt  }
0x47: {  	_ =	shalt  }
0x48: {  	_ =	shalt  }
0x49: {  	_ =	shalt  }
0x4a: {  	_ =	shalt  }
0x4b: {  	_ =	shalt  }
0x4c: {  	_ =	shalt  }
0x4d: {  	_ =	shalt  }
0x4e: {  	_ =	shalt  }
0x4f: {  	_ =	shalt  }
0x50: {  	_ =	shalt  }
0x51: {  	_ =	shalt  }
0x52: {  	_ =	shalt  }
0x53: {  	_ =	shalt  }
0x54: {  	_ =	shalt  }
0x55: {  	_ =	shalt  }
0x56: {  	_ =	shalt  }
0x57: {  	_ =	shalt  }
0x58: {  	_ =	shalt  }
0x59: {  	_ =	shalt  }
0x5a: {  	_ =	shalt  }
0x5b: {  	_ =	shalt  }
0x5c: {  	_ =	shalt  }
0x5d: {  	_ =	shalt  }
0x5e: {  	_ =	shalt  }
0x5f: {  	_ =	shalt  }
0x60: {  	_ =	shalt  }
0x61: {  	_ =	shalt  }
0x62: {  	_ =	shalt  }
0x63: {  	_ =	shalt  }
0x64: {  	_ =	shalt  }
0x65: {  	_ =	shalt  }
0x66: {  	_ =	shalt  }
0x67: {  	_ =	shalt  }
0x68: {  	_ =	shalt  }
0x69: {  	_ =	shalt  }
0x6a: {  	_ =	shalt  }
0x6b: {  	_ =	shalt  }
0x6c: {  	_ =	shalt  }
0x6d: {  	_ =	shalt  }
0x6e: {  	_ =	shalt  }
0x6f: {  	_ =	shalt  }
0x70: {  	_ =	shalt  }
0x71: {  	_ =	shalt  }
0x72: {  	_ =	shalt  }
0x73: {  	_ =	shalt  }
0x74: {  	_ =	shalt  }
0x75: {  	_ =	shalt  }
0x76: {  	_ =	shalt  }
0x77: {  	_ =	shalt  }
0x78: {  	_ =	shalt  }
0x79: {  	_ =	shalt  }
0x7a: {  	_ =	shalt  }
0x7b: {  	_ =	shalt  }
0x7c: {  	_ =	shalt  }
0x7d: {  	_ =	shalt  }
0x7e: {  	_ =	shalt  }
0x7f: {  	_ =	shalt  }
0x80: {  	_ =	shalt  }
0x81: {  	_ =	shalt  }
0x82: {  	_ =	shalt  }
0x83: {  	_ =	shalt  }
0x84: {  	_ =	shalt  }
0x85: {  	_ =	shalt  }
0x86: {  	_ =	shalt  }
0x87: {  	_ =	shalt  }
.Lfunc_end0:
.L_simem_size_0:
called_computation.3_lowered:
.L_overlay_start_0:
0x88: {  	s2 =	sld [smem:$0x3FD9]  }
0x89: {  	s3 =	sld [smem:$0x3FFE];
	_ =	sdelay $0x1  }
0x8a: {  	s1 =	srdreg.scid  }
0x8b: {  	s0 =	sand.u32 $0x1, s1  }
0x8c: {  	s17 =	sshll.u32 s0, $0xA;
	s2 =	sadd.s32 s3, s2  }
0x8d: {  	s2 =	sadd.s32 s2, s17  }
0x8e: {  	[smem:$0x3FC3] =	sst s2  }
0x8f: {  	_ = 	snop  }
0x90: {  	s2 =	sld [smem:$0x3FD0];
	(tm) =	ssettm $0x1  }
0x91: {  	s18 =	sld [smem:$0x3FFB];
	_ =	sdelay $0x3  }
0x92: {  	_ =	strace s18  }
0x93: {  	s3 =	sld [smem:$0x3FFC];
	_ =	sdelay $0x3  }
0x94: {  	_ =	strace s3  }
0x95: {  	s3 =	sld [smem:$0x3FFD];
	_ =	sdelay $0x3  }
0x96: {  	_ =	strace s3  }
0x97: {  	_ =	strace $0x8FFFFFFF  }
0x98: {  	s19 =	sld [smem:$0x3FDB];
	_ =	sdelay $0x1  }
0x99: {  	s4 =	simm.s32 $_scs_section_size  }
0x9a: {  	s5 =	simm.s32 $_size__tile_overlayer_lowered;
	s6 =	simm.s32 $_tile_overlayer_lowered  }
0x9b: {  	s22 =	simm.s32 $0x1BFF;
	s21 =	sshll.u32 s6, $0x1;
	s3 =	sadd.s32 s4, s19  }
0x9c: {  	s7 =	simm.s32 $0x0;
	s20 =	sshll.u32 s5, $0x1;
	s5 =	sadd.s32 s21, s3  }
0x9d: {  	[timem:s7], [sflag:s22] =	dma.local [hbm:s5], s20  }
0x9e: {  	_ =	swait.ge [sflag:s22], s20  }
0x9f: {  	s4 =	ssub.s32 $0x0, s20;
	[sflag:s22] =	ssyncset.done $0x0  }
0xa0: {  	[sflag:s22] =	ssyncadd.s32 s4;
	_ =	sdelay $0x1  }
0xa1: {  	s23 =	simm.s32 $0x1B8B  }
0xa2: {  	_ =	swait.ge [sflag:s23], $0x1  }
0xa3: {  	[sflag:s23] =	ssyncset.done $0x0  }
0xa4: {  	s25 =	simm.s32 $0x1B8E;
	s24 =	sld [smem:$0x3FFE];
	[sflag:s23] =	ssyncadd.s32 $0xFFFFFFFF  }
0xa5: {  	s26 =	simm.s32 $execute0_lowered;
	[smem:$0x3FD2] =	sst s25  }
0xa6: {  	s5 =	sshll.u32 s26, $0x1;
	_ =	strace $0x8000004F;
	[dreg:$0x1] =	wrdreg $0xFFFFFFFF  }
0xa7: {  	s28 =	simm.s32 $_size_execute0_lowered;
	s3 =	sadd.s32 s3, s5;
	[dreg:$0x0] =	wrdreg $0x0  }
0xa8: {  	s5 =	sshll.u32 s28, $0x1;
	[dreg:$0x2] =	wrdreg s3  }
0xa9: {  	[dreg:$0x3] =	wrdreg s5  }
0xaa: {  	[dreg:$0x4] =	wrdreg $0xC0  }
0xab: {  	_ =	task [dreg:s7], $0x5FFFF  }
0xac: {  	[dreg:$0x1] =	wrdreg $0xFFFFFFFF  }
0xad: {  	[dreg:$0x0] =	wrdreg $0x60  }
0xae: {  	[dreg:$0x2] =	wrdreg s24  }
0xaf: {  	[dreg:$0x3] =	wrdreg s2  }
0xb0: {  	[dreg:$0x4] =	wrdreg $0x9  }
0xb1: {  	_ =	task.clear_ibuf [dreg:s7], $0x5FFFF;
	_ =	strace $0x9000004F  }
0xb2: {  	s29 =	simm.s32 $0x9;
	_ =	strace $0x80000051  }
0xb3: {  	_ =	swait.ge [sflag:s29], $0x1  }
0xb4: {  	[sflag:s29] =	ssyncadd.s32 $0xFFFFFFFF  }
0xb5: {  	_ =	strace $0x90000051  }
0xb6: {  	_ =	sfence  }
0xb7: {  	s30 =	sld [smem:$0x0];
	_ =	sdelay $0x2  }
0xb8: {  	s31 =	sshll.u32 s1, $0xD;
	s1 =	sshrl.u32 s1, $0x2  }
0xb9: {  	s3 =	sand.u32 $0x4000, s31;
	s1 =	sadd.s32 s1, s30  }
0xba: {  	s0 =	sor.u32 s3, s0;
	s1 =	sshll.u32 s1, $0x11  }
0xbb: {  	s0 =	sor.u32 s1, s0  }
0xbc: {  	s0 =	sadd.s32 $0x8F2B, s0  }
0xbd: {  	[sflag:s0] =	ssyncadd.remote.s32 $0x1  }
0xbe: {  	_ =	sfence.sel $0xFFFF  }
0xbf: {  	[dreg:$0x0] =	wrdreg $0xFFFFFFFF;
	(pc) =	sbr.abs _section_cstart, $3  }
0xc0: {  	[dreg:$0x1] =	wrdreg $0xFFFFFFFF  }
0xc1: {  	_ =	task.clear_ibuf [dreg:s7], $0x2FFFF;
	_ =	strace $0x9FFFFFFF  }
0xc2: {  	(tm) =	ssettm $0x7FFFFFFF  }
0xc3: {  	_ =	shalt  }
tec
execute0_lowered:
.L_overlay_start_1:
0x0: {  	(tag) =	ssettag $0x1  }
0x1: {  	s8 =	rddreg [dreg:$0x0]  }
0x2: {  	s9 =	rddreg [dreg:$0x1]  }
0x3: {  	s0 =	rddreg [dreg:$0x2];
	s1 =	simm.s32 $0x0  }
0x4: {  	s4 =	srdreg.scid;
	s2 =	stileid.u32;
	s13 =	simm.s32 $0x18280  }
0x5: {  	s14 =	simm.s32 $0x8000;
	s15 =	simm.s32 $0x10000;
	s16 =	simm.s32 $0x1  }
0x6: {  	s17 =	simm.s32 $0x18000;
	s18 =	simm.s32 $0x0;
	[smem:$0x7FF] =	sst s1  }
0x7: {  	s3 =	sadd.s32 $0x5400, s8;
	s6 =	sand.u32 $0x1, s4;
	s4 =	sadd.s32 $0x85600, s8  }
0x8: {  	s7 =	sshll.u32 s2, $0xA;
	s5 =	sadd.s32 $0x4600, s8;
	s10 =	sshll.u32 s6, $0x9  }
0x9: {  	_ =	strace $0x80000050;
	s11 =	ssub.s32 $0x2, s6;
	s6 =	sor.u32 s10, s7  }
0xa: {  	s7 =	sadd.s32 $0x4800, s8;
	s31 =	sshrl.u32 s11, $0x1;
	s8 =	sadd.s32 $0x45400, s8  }
0xb: {  	v0 =	vlaneseq.u32;
	s12 =	sshrl.u32 s6, $0x3;
	s10 =	ssub.s32 s11, s31;
	s11 =	simm.s32 $0x18200  }
0xc: {  	v57 =	vmul.u32 $0x80, v0;
	s9 =	sadd.s32 s9, s12;
	s10 =	smax.u32 s10, $0x1;
	s12 =	simm.s32 $0x2  }
.LBB2_1:
0xd: {  	[tilespmem:s11], [sflag:$0x2] =	stream.linear.gather [hbm4b:s5+s1], $0x80, $0x38;
	[tilespmem:$0x18300] =	vst v63  }
0xe: {  	_ =	swait.ge [sflag:s12], $0x80  }
0xf: {  	[sflag:s12] =	ssyncset.done $0x0  }
0x10: {  	[sflag:s12] =	ssyncadd.s32 $0xFFFFFF80  }
0x11: {  	[tilespmem:s13], [sflag:$0x2] =	stream.linear.gather [hbm4b:s7+s1], $0x80, $0x38;
	[tilespmem:$0x18300] =	vst v63  }
0x12: {  	_ =	swait.ge [sflag:s12], $0x80  }
0x13: {  	[sflag:s12] =	ssyncset.done $0x0  }
0x14: {  	[sflag:s12] =	ssyncadd.s32 $0xFFFFFF80  }
0x15: {  	v38 =	vld [tilespmem:$0x18200]  }
0x16: {  	p1 =	por $0x1, $0x1;
	s20 =	simm.s32 $0x0;
	v59 =	vld [tilespmem:$0x18280]  }
.LBB2_2:
0x17: {  	s19 =	sor.u32 s6, s20  }
0x18: {  	s21 =	sshll.u32 s19, $0x4  }
0x19: {  	s19 =	simm.s32 $0x0;
	s22 =	sadd.s32 s3, s21  }
0x1a: {  	[tilespmem:s19], [sflag:$0x1] =	stream.linear.gather [hbm4b:s22+s19], $0x8000, $0x38;
	[tilespmem:$0x18300] =	vst v63  }
0x1b: {  	s31 =	sadd.s32 s21, s8  }
0x1c: {  	[tilespmem:s14], [sflag:$0x1] =	stream.linear.gather [hbm4b:s31+s19], $0x8000, $0x38;
	[tilespmem:$0x18300] =	vst v63  }
0x1d: {  	s21 =	sadd.s32 s4, s21  }
0x1e: {  	[tilespmem:s15], [sflag:$0x1] =	stream.linear.gather [hbm4b:s21+s19], $0x8000, $0x38;
	[tilespmem:$0x18300] =	vst v63  }
0x1f: {  	_ =	swait.ge [sflag:s16], $0x8000  }
0x20: {  	v0 =	vmov s19;
	[sflag:s16] =	ssyncset.done $0x0  }
0x21: {  	v0 =	vshll.u32 v0, $0x7;
	[sflag:s16] =	ssyncadd.s32 $0xFFFF8000  }
0x22: {  	v8 =	vor.u32 v57, v0;
	_ =	swait.ge [sflag:s16], $0x8000  }
0x23: {  	v0 =	vor.u32 $0x3E, v8;
	[sflag:s16] =	ssyncset.done $0x0  }
0x24: {  	v1 =	vor.u32 $0x3D, v8;
	[sflag:s16] =	ssyncadd.s32 $0xFFFF8000  }
0x25: {  	_ =	swait.ge [sflag:s16], $0x8000  }
0x26: {  	[sflag:s16] =	ssyncset.done $0x0  }
0x27: {  	[sflag:s16] =	ssyncadd.s32 $0xFFFF8000  }
0x28: {  	v42 =	vld.idx.msk [tilespmem:v0+s14+$0x0], $0xffff  }
0x29: {  	v2 =	vor.u32 $0x3C, v8;
	[tilespmem:$0x1FBB0] =	vst v0;
	v0 =	vld.idx.msk [tilespmem:v1+s14+$0x0], $0xffff;
	_ =	sdelay $0x4  }
0x2a: {  	v3 =	vor.u32 $0x3B, v8;
	[tilespmem:$0x1FBD0] =	vst v0;
	v0 =	vld.idx.msk [tilespmem:v2+s14+$0x0], $0xffff;
	_ =	sdelay $0x4  }
0x2b: {  	v4 =	vor.u32 $0x3A, v8;
	[tilespmem:$0x1FBF0] =	vst v0;
	v0 =	vld.idx.msk [tilespmem:v3+s14+$0x0], $0xffff;
	_ =	sdelay $0x4  }
0x2c: {  	v5 =	vor.u32 $0x39, v8;
	[tilespmem:$0x1FC10] =	vst v0;
	v0 =	vld.idx.msk [tilespmem:v4+s14+$0x0], $0xffff;
	_ =	sdelay $0x4  }
0x2d: {  	v6 =	vor.u32 $0x38, v8;
	[tilespmem:$0x1FC30] =	vst v0;
	v0 =	vld.idx.msk [tilespmem:v5+s14+$0x0], $0xffff;
	_ =	sdelay $0x3  }
0x2e: {  	[tilespmem:$0x1FBC0] =	vst v1  }
0x2f: {  	v1 =	vor.u32 $0x37, v8;
	[tilespmem:$0x1FC50] =	vst v0;
	v0 =	vld.idx.msk [tilespmem:v6+s14+$0x0], $0xffff;
	_ =	sdelay $0x3  }
0x30: {  	[tilespmem:$0x1FBE0] =	vst v2  }
0x31: {  	v2 =	vor.u32 $0x36, v8;
	[tilespmem:$0x1FC70] =	vst v0;
	v0 =	vld.idx.msk [tilespmem:v1+s14+$0x0], $0xffff;
	_ =	sdelay $0x3  }
0x32: {  	[tilespmem:$0x1FC00] =	vst v3  }
0x33: {  	v3 =	vor.u32 $0x35, v8;
	[tilespmem:$0x1FC90] =	vst v0;
	v0 =	vld.idx.msk [tilespmem:v2+s14+$0x0], $0xffff;
	_ =	sdelay $0x3  }
0x34: {  	[tilespmem:$0x1FC20] =	vst v4  }
0x35: {  	v4 =	vor.u32 $0x34, v8;
	[tilespmem:$0x1FCB0] =	vst v0;
	v0 =	vld.idx.msk [tilespmem:v3+s14+$0x0], $0xffff;
	_ =	sdelay $0x3  }
0x36: {  	[tilespmem:$0x1FC40] =	vst v5  }
0x37: {  	v5 =	vor.u32 $0x33, v8;
	[tilespmem:$0x1FCD0] =	vst v0;
	v0 =	vld.idx.msk [tilespmem:v4+s14+$0x0], $0xffff;
	_ =	sdelay $0x3  }
0x38: {  	[tilespmem:$0x1FC60] =	vst v6  }
0x39: {  	v6 =	vor.u32 $0x32, v8;
	[tilespmem:$0x1FCF0] =	vst v0;
	v0 =	vld.idx.msk [tilespmem:v5+s14+$0x0], $0xffff;
	_ =	sdelay $0x3  }
0x3a: {  	[tilespmem:$0x1FC80] =	vst v1  }
0x3b: {  	v1 =	vor.u32 $0x31, v8;
	[tilespmem:$0x1FD10] =	vst v0;
	v0 =	vld.idx.msk [tilespmem:v6+s14+$0x0], $0xffff;
	_ =	sdelay $0x3  }
0x3c: {  	[tilespmem:$0x1FCA0] =	vst v2  }
0x3d: {  	v2 =	vor.u32 $0x30, v8;
	[tilespmem:$0x1FD30] =	vst v0;
	v0 =	vld.idx.msk [tilespmem:v1+s14+$0x0], $0xffff;
	_ =	sdelay $0x3  }
0x3e: {  	[tilespmem:$0x1FCC0] =	vst v3  }
0x3f: {  	v3 =	vor.u32 $0x2F, v8;
	[tilespmem:$0x1FD50] =	vst v0;
	v0 =	vld.idx.msk [tilespmem:v2+s14+$0x0], $0xffff;
	_ =	sdelay $0x3  }
0x40: {  	[tilespmem:$0x1FCE0] =	vst v4  }
0x41: {  	v4 =	vor.u32 $0x2E, v8;
	[tilespmem:$0x1FD70] =	vst v0;
	v0 =	vld.idx.msk [tilespmem:v3+s14+$0x0], $0xffff;
	_ =	sdelay $0x3  }
0x42: {  	[tilespmem:$0x1FD00] =	vst v5  }
0x43: {  	v5 =	vor.u32 $0x2D, v8;
	[tilespmem:$0x1FD90] =	vst v0;
	v0 =	vld.idx.msk [tilespmem:v4+s14+$0x0], $0xffff;
	_ =	sdelay $0x3  }
0x44: {  	[tilespmem:$0x1FD20] =	vst v6  }
0x45: {  	v6 =	vor.u32 $0x2C, v8;
	[tilespmem:$0x1FDB0] =	vst v0;
	v0 =	vld.idx.msk [tilespmem:v5+s14+$0x0], $0xffff;
	_ =	sdelay $0x3  }
0x46: {  	[tilespmem:$0x1FD40] =	vst v1  }
0x47: {  	v1 =	vor.u32 $0x2B, v8;
	[tilespmem:$0x1FDD0] =	vst v0;
	v0 =	vld.idx.msk [tilespmem:v6+s14+$0x0], $0xffff;
	_ =	sdelay $0x3  }
0x48: {  	[tilespmem:$0x1FD60] =	vst v2  }
0x49: {  	v2 =	vor.u32 $0x2A, v8;
	[tilespmem:$0x1FDF0] =	vst v0;
	v0 =	vld.idx.msk [tilespmem:v1+s14+$0x0], $0xffff;
	_ =	sdelay $0x3  }
0x4a: {  	[tilespmem:$0x1FD80] =	vst v3  }
0x4b: {  	v3 =	vor.u32 $0x29, v8;
	[tilespmem:$0x1FE10] =	vst v0;
	v0 =	vld.idx.msk [tilespmem:v2+s14+$0x0], $0xffff;
	_ =	sdelay $0x3  }
0x4c: {  	[tilespmem:$0x1FDA0] =	vst v4  }
0x4d: {  	v4 =	vor.u32 $0x28, v8;
	[tilespmem:$0x1FE30] =	vst v0;
	v0 =	vld.idx.msk [tilespmem:v3+s14+$0x0], $0xffff;
	_ =	sdelay $0x3  }
0x4e: {  	[tilespmem:$0x1FDC0] =	vst v5  }
0x4f: {  	v5 =	vor.u32 $0x27, v8;
	[tilespmem:$0x1FE50] =	vst v0;
	v0 =	vld.idx.msk [tilespmem:v4+s14+$0x0], $0xffff;
	_ =	sdelay $0x3  }
0x50: {  	[tilespmem:$0x1FDE0] =	vst v6  }
0x51: {  	v6 =	vor.u32 $0x26, v8;
	[tilespmem:$0x1FE70] =	vst v0;
	v0 =	vld.idx.msk [tilespmem:v5+s14+$0x0], $0xffff;
	_ =	sdelay $0x4  }
0x52: {  	v7 =	vor.u32 $0x25, v8;
	[tilespmem:$0x1FE90] =	vst v0;
	v0 =	vld.idx.msk [tilespmem:v6+s14+$0x0], $0xffff;
	_ =	sdelay $0x3  }
0x53: {  	[tilespmem:$0x1FE20] =	vst v2  }
0x54: {  	v2 =	vor.u32 $0x24, v8;
	[tilespmem:$0x1FEB0] =	vst v0;
	v0 =	vld.idx.msk [tilespmem:v7+s14+$0x0], $0xffff;
	_ =	sdelay $0x4  }
0x55: {  	v9 =	vor.u32 $0x23, v8;
	[tilespmem:$0x1FED0] =	vst v0;
	v0 =	vld.idx.msk [tilespmem:v2+s14+$0x0], $0xffff;
	_ =	sdelay $0x4  }
0x56: {  	v61 =	vor.u32 $0x22, v8;
	[tilespmem:$0x1FEF0] =	vst v0;
	v0 =	vld.idx.msk [tilespmem:v9+s14+$0x0], $0xffff;
	_ =	sdelay $0x4  }
0x57: {  	v63 =	vor.u32 $0x21, v8;
	[tilespmem:$0x1FF10] =	vst v0;
	v0 =	vld.idx.msk [tilespmem:v61+s14+$0x0], $0xffff;
	_ =	sdelay $0x3  }
0x58: {  	[tilespmem:$0x1FE00] =	vst v1  }
0x59: {  	v1 =	vor.u32 $0x20, v8;
	[tilespmem:$0x1FF20] =	vst v0;
	v0 =	vld.idx.msk [tilespmem:v63+s14+$0x0], $0xffff;
	_ =	sdelay $0x3  }
0x5a: {  	[tilespmem:$0x1FE40] =	vst v3  }
0x5b: {  	v3 =	vor.u32 $0x1F, v8;
	[tilespmem:$0x1FF30] =	vst v0;
	v0 =	vld.idx.msk [tilespmem:v1+s14+$0x0], $0xffff;
	_ =	sdelay $0x3  }
0x5c: {  	[tilespmem:$0x1FEC0] =	vst v7  }
0x5d: {  	v7 =	vor.u32 $0x1E, v8;
	[tilespmem:$0x1FF40] =	vst v0;
	v0 =	vld.idx.msk [tilespmem:v3+s14+$0x0], $0xffff;
	_ =	sdelay $0x4  }
0x5e: {  	v11 =	vor.u32 $0x1D, v8;
	[tilespmem:$0x1FF50] =	vst v0;
	v0 =	vld.idx.msk [tilespmem:v7+s14+$0x0], $0xffff;
	_ =	sdelay $0x4  }
0x5f: {  	v16 =	vor.u32 $0x1C, v8;
	[tilespmem:$0x1FF60] =	vst v0;
	v0 =	vld.idx.msk [tilespmem:v11+s14+$0x0], $0xffff;
	_ =	sdelay $0x4  }
0x60: {  	v20 =	vor.u32 $0x1B, v8;
	[tilespmem:$0x1FF70] =	vst v0;
	v0 =	vld.idx.msk [tilespmem:v16+s14+$0x0], $0xffff;
	_ =	sdelay $0x4  }
0x61: {  	v24 =	vor.u32 $0x1A, v8;
	[tilespmem:$0x1FF80] =	vst v0;
	v0 =	vld.idx.msk [tilespmem:v20+s14+$0x0], $0xffff;
	_ =	sdelay $0x4  }
0x62: {  	v28 =	vor.u32 $0x19, v8;
	[tilespmem:$0x1FF90] =	vst v0;
	v0 =	vld.idx.msk [tilespmem:v24+s14+$0x0], $0xffff;
	_ =	sdelay $0x4  }
0x63: {  	v32 =	vor.u32 $0x18, v8;
	[tilespmem:$0x1FFA0] =	vst v0;
	v0 =	vld.idx.msk [tilespmem:v28+s14+$0x0], $0xffff;
	_ =	sdelay $0x4  }
0x64: {  	v36 =	vor.u32 $0x17, v8;
	[tilespmem:$0x1FFB0] =	vst v0;
	v0 =	vld.idx.msk [tilespmem:v32+s14+$0x0], $0xffff;
	_ =	sdelay $0x2  }
0x65: {  	v48 =	vor.u32 $0x14, v8  }
0x66: {  	v12 =	vor.u32 $0x11, v8  }
0x67: {  	v40 =	vor.u32 $0x16, v8;
	[tilespmem:$0x1FFC0] =	vst v0;
	v0 =	vld.idx.msk [tilespmem:v36+s14+$0x0], $0xffff  }
0x68: {  	v14 =	vor.u32 $0x10, v8  }
0x69: {  	v56 =	vor.u32 $0xF, v8  }
0x6a: {  	v58 =	vor.u32 $0xE, v8;
	v46 =	vld.idx.msk [tilespmem:v48+s14+$0x0], $0xffff  }
0x6b: {  	v21 =	vor.u32 $0xD, v8;
	v52 =	vld.idx.msk [tilespmem:v12+s14+$0x0], $0xffff  }
0x6c: {  	v44 =	vor.u32 $0x15, v8;
	[tilespmem:$0x1FFD0] =	vst v0;
	v0 =	vld.idx.msk [tilespmem:v40+s14+$0x0], $0xffff  }
0x6d: {  	v23 =	vor.u32 $0xC, v8;
	v54 =	vld.idx.msk [tilespmem:v14+s14+$0x0], $0xffff  }
0x6e: {  	v25 =	vor.u32 $0xB, v8;
	v15 =	vld.idx.msk [tilespmem:v56+s14+$0x0], $0xffff  }
0x6f: {  	v31 =	vor.u32 $0x9, v8;
	v17 =	vld.idx.msk [tilespmem:v58+s14+$0x0], $0xffff  }
0x70: {  	v10 =	vor.u32 $0x7, v8;
	v19 =	vld.idx.msk [tilespmem:v21+s14+$0x0], $0xffff  }
0x71: {  	v37 =	vor.u32 $0x6, v8;
	[tilespmem:$0x1FFE0] =	vst v0;
	v0 =	vld.idx.msk [tilespmem:v44+s14+$0x0], $0xffff  }
0x72: {  	v13 =	vor.u32 $0x5, v8;
	v60 =	vld.idx.msk [tilespmem:v23+s14+$0x0], $0xffff  }
0x73: {  	v62 =	vld.idx.msk [tilespmem:v25+s14+$0x0], $0xffff;
	[tilespmem:$0x1FEA0] =	vst v6;
	v6 =	vor.u32 $0x13, v8  }
0x74: {  	v29 =	vld.idx.msk [tilespmem:v31+s14+$0x0], $0xffff;
	[tilespmem:$0x1FE80] =	vst v5;
	v5 =	vor.u32 $0x8, v8  }
0x75: {  	[tilespmem:$0x1FF00] =	vst v9;
	v33 =	vld.idx.msk [tilespmem:v10+s14+$0x0], $0xffff;
	v9 =	vor.u32 $0x12, v8  }
0x76: {  	v35 =	vld.idx.msk [tilespmem:v37+s14+$0x0], $0xffff;
	[tilespmem:$0x1FFF0] =	vst v0;
	v0 =	vor.u32 $0xA, v8  }
0x77: {  	v39 =	vld.idx.msk [tilespmem:v13+s14+$0x0], $0xffff  }
0x78: {  	[tilespmem:$0x1FE60] =	vst v4;
	v4 =	vld.idx.msk [tilespmem:v6+s14+$0x0], $0xffff  }
0x79: {  	[tilespmem:$0x1FEE0] =	vst v2;
	v2 =	vld.idx.msk [tilespmem:v5+s14+$0x0], $0xffff  }
0x7a: {  	v41 =	vor.u32 $0x4, v8;
	v50 =	vld.idx.msk [tilespmem:v9+s14+$0x0], $0xffff  }
0x7b: {  	p0 =	por p1, p1;
	s20 =	sadd.s32 $0x18000, s20;
	v18 =	vor.u32 $0x3, v8;
	v43 =	vor.u32 $0x2, v8;
	v45 =	vor.u32 $0x1, v8;
	s21 =	simm.s32 $0x10;
	v27 =	vld.idx.msk [tilespmem:v0+s14+$0x0], $0xffff  }
.LBB2_3:
0x7c: {  	_ =	sdelay $0x2  }
0x7d: {  	v22 =	vld.idx.msk [tilespmem:v41+s14+$0x0], $0xffff  }
0x7e: {  	v47 =	vld.idx.msk [tilespmem:v18+s14+$0x0], $0xffff  }
0x7f: {  	v26 =	vld.idx.msk [tilespmem:v43+s14+$0x0], $0xffff  }
0x80: {  	v49 =	vld.idx.msk [tilespmem:v45+s14+$0x0], $0xffff  }
0x81: {  	v51 =	vld.idx.msk [tilespmem:v8+s14+$0x0], $0xffff  }
0x82: {  	v30 =	vld.idx.msk [tilespmem:v8+s15+$0x0], $0xffff  }
0x83: {  	v53 =	vld.idx.msk [tilespmem:v8+s1+$0x0], $0xffff  }
0x84: {  	v34 =	vld.idx.msk [tilespmem:v45+s1+$0x0], $0xffff  }
0x85: {  	v45 =	vld.idx.msk [tilespmem:v45+s15+$0x0], $0xffff  }
0x86: {  	v55 =	vld.idx.msk [tilespmem:v43+s1+$0x0], $0xffff  }
0x87: {  	v43 =	vld.idx.msk [tilespmem:v43+s15+$0x0], $0xffff  }
0x88: {  	[tilespmem:$0x1FBA0] =	vst v42;
	v42 =	vmovc v59;
	v59 =	vmov v38;
	v38 =	vmov v57;
	v57 =	vld.idx.msk [tilespmem:v18+s1+$0x0], $0xffff;
	v30 =	vmul.f32 v30, v53  }
0x89: {  	v18 =	vld.idx.msk [tilespmem:v18+s15+$0x0], $0xffff  }
0x8a: {  	v53 =	vld.idx.msk [tilespmem:v41+s1+$0x0], $0xffff;
	v34 =	vmul.f32 v45, v34;
	v30 =	vmul.f32 v51, v30  }
0x8b: {  	v41 =	vld.idx.msk [tilespmem:v41+s15+$0x0], $0xffff  }
0x8c: {  	v45 =	vld.idx.msk [tilespmem:v13+s1+$0x0], $0xffff;
	v43 =	vmul.f32 v43, v55;
	v34 =	vmul.f32 v49, v34;
	v30 =	vadd.f32 $0.0e+00, v30  }
0x8d: {  	v13 =	vld.idx.msk [tilespmem:v13+s15+$0x0], $0xffff  }
0x8e: {  	v18 =	vmul.f32 v18, v57;
	v49 =	vld.idx.msk [tilespmem:v37+s1+$0x0], $0xffff;
	v26 =	vmul.f32 v26, v43;
	v30 =	vadd.f32 v34, v30  }
0x8f: {  	v34 =	vld.idx.msk [tilespmem:v37+s15+$0x0], $0xffff  }
0x90: {  	v51 =	vld.idx.msk [tilespmem:v10+s1+$0x0], $0xffff;
	v18 =	vmul.f32 v47, v18;
	v26 =	vadd.f32 v26, v30;
	v30 =	vmul.f32 v41, v53  }
0x91: {  	v10 =	vld.idx.msk [tilespmem:v10+s15+$0x0], $0xffff  }
0x92: {  	v55 =	vld.idx.msk [tilespmem:v5+s1+$0x0], $0xffff;
	v13 =	vmul.f32 v13, v45;
	v18 =	vadd.f32 v18, v26;
	v22 =	vmul.f32 v22, v30  }
0x93: {  	v5 =	vld.idx.msk [tilespmem:v5+s15+$0x0], $0xffff  }
0x94: {  	v13 =	vmul.f32 v39, v13;
	v26 =	vld.idx.msk [tilespmem:v31+s1+$0x0], $0xffff;
	v18 =	vadd.f32 v22, v18;
	v22 =	vmul.f32 v34, v49  }
0x95: {  	v30 =	vld.idx.msk [tilespmem:v31+s15+$0x0], $0xffff  }
0x96: {  	v10 =	vmul.f32 v10, v51;
	v31 =	vld.idx.msk [tilespmem:v0+s1+$0x0], $0xffff;
	v13 =	vadd.f32 v13, v18;
	v18 =	vmul.f32 v35, v22  }
0x97: {  	v0 =	vld.idx.msk [tilespmem:v0+s15+$0x0], $0xffff  }
0x98: {  	v5 =	vmul.f32 v5, v55;
	v10 =	vmul.f32 v33, v10;
	v22 =	vld.idx.msk [tilespmem:v25+s1+$0x0], $0xffff;
	v13 =	vadd.f32 v18, v13  }
0x99: {  	v18 =	vld.idx.msk [tilespmem:v25+s15+$0x0], $0xffff  }
0x9a: {  	v2 =	vmul.f32 v2, v5;
	v5 =	vmul.f32 v30, v26;
	v25 =	vld.idx.msk [tilespmem:v23+s1+$0x0], $0xffff;
	v10 =	vadd.f32 v10, v13  }
0x9b: {  	v13 =	vld.idx.msk [tilespmem:v23+s15+$0x0], $0xffff  }
0x9c: {  	v0 =	vmul.f32 v0, v31;
	v5 =	vmul.f32 v29, v5;
	v23 =	vld.idx.msk [tilespmem:v21+s1+$0x0], $0xffff;
	v2 =	vadd.f32 v2, v10  }
0x9d: {  	v10 =	vld.idx.msk [tilespmem:v21+s15+$0x0], $0xffff  }
0x9e: {  	v0 =	vmul.f32 v27, v0;
	v21 =	vld.idx.msk [tilespmem:v58+s1+$0x0], $0xffff;
	v2 =	vadd.f32 v5, v2;
	v5 =	vmul.f32 v18, v22  }
0x9f: {  	v18 =	vld.idx.msk [tilespmem:v58+s15+$0x0], $0xffff  }
0xa0: {  	v22 =	vld.idx.msk [tilespmem:v56+s1+$0x0], $0xffff;
	v0 =	vadd.f32 v0, v2;
	v2 =	vmul.f32 v62, v5;
	v5 =	vmul.f32 v13, v25  }
0xa1: {  	v13 =	vld.idx.msk [tilespmem:v56+s15+$0x0], $0xffff  }
0xa2: {  	v25 =	vld.idx.msk [tilespmem:v14+s1+$0x0], $0xffff;
	v0 =	vadd.f32 v2, v0;
	v2 =	vmul.f32 v60, v5;
	v5 =	vmul.f32 v10, v23  }
0xa3: {  	v10 =	vld.idx.msk [tilespmem:v14+s15+$0x0], $0xffff  }
0xa4: {  	v14 =	vld.idx.msk [tilespmem:v12+s1+$0x0], $0xffff;
	v0 =	vadd.f32 v2, v0;
	v2 =	vmul.f32 v19, v5;
	v5 =	vmul.f32 v18, v21  }
0xa5: {  	v12 =	vld.idx.msk [tilespmem:v12+s15+$0x0], $0xffff  }
0xa6: {  	v18 =	vld.idx.msk [tilespmem:v9+s1+$0x0], $0xffff;
	v0 =	vadd.f32 v2, v0;
	v2 =	vmul.f32 v17, v5;
	v5 =	vmul.f32 v13, v22  }
0xa7: {  	v9 =	vld.idx.msk [tilespmem:v9+s15+$0x0], $0xffff  }
0xa8: {  	v13 =	vld.idx.msk [tilespmem:v6+s1+$0x0], $0xffff;
	v0 =	vadd.f32 v2, v0;
	v2 =	vmul.f32 v15, v5;
	v5 =	vmul.f32 v10, v25  }
0xa9: {  	v6 =	vld.idx.msk [tilespmem:v6+s15+$0x0], $0xffff  }
0xaa: {  	v10 =	vld.idx.msk [tilespmem:v48+s1+$0x0], $0xffff;
	v0 =	vadd.f32 v2, v0;
	v2 =	vmul.f32 v54, v5;
	v5 =	vmul.f32 v12, v14  }
0xab: {  	v12 =	vld.idx.msk [tilespmem:v48+s15+$0x0], $0xffff  }
0xac: {  	v0 =	vadd.f32 v2, v0;
	v2 =	vmul.f32 v52, v5;
	v5 =	vmul.f32 v9, v18;
	_ =	sdelay $0x1  }
0xad: {  	v0 =	vadd.f32 v2, v0;
	v2 =	vmul.f32 v50, v5;
	v5 =	vmul.f32 v6, v13;
	_ =	sdelay $0x1  }
0xae: {  	v0 =	vadd.f32 v2, v0;
	v2 =	vmul.f32 v4, v5;
	v4 =	vmul.f32 v12, v10  }
0xaf: {  	v14 =	vld.idx.msk [tilespmem:v44+s1+$0x0], $0xffff  }
0xb0: {  	v9 =	vld.idx.msk [tilespmem:v44+s15+$0x0], $0xffff;
	v0 =	vadd.f32 v2, v0;
	v2 =	vmul.f32 v46, v4;
	_ =	sdelay $0x1  }
0xb1: {  	v0 =	vadd.f32 v2, v0;
	v2 =	vld [tilespmem:$0x1FFF0];
	_ =	sdelay $0x2  }
0xb2: {  	v4 =	vmul.f32 v9, v14  }
0xb3: {  	v15 =	vld.idx.msk [tilespmem:v40+s1+$0x0], $0xffff  }
0xb4: {  	v6 =	vld.idx.msk [tilespmem:v40+s15+$0x0], $0xffff;
	v2 =	vmul.f32 v2, v4;
	_ =	sdelay $0x1  }
0xb5: {  	v0 =	vadd.f32 v2, v0;
	v2 =	vld [tilespmem:$0x1FFE0];
	_ =	sdelay $0x2  }
0xb6: {  	v4 =	vmul.f32 v6, v15  }
0xb7: {  	v13 =	vld.idx.msk [tilespmem:v36+s1+$0x0], $0xffff  }
0xb8: {  	v5 =	vld.idx.msk [tilespmem:v36+s15+$0x0], $0xffff;
	v2 =	vmul.f32 v2, v4;
	_ =	sdelay $0x1  }
0xb9: {  	v0 =	vadd.f32 v2, v0;
	v2 =	vld [tilespmem:$0x1FFD0];
	_ =	sdelay $0x2  }
0xba: {  	v4 =	vmul.f32 v5, v13  }
0xbb: {  	v10 =	vld.idx.msk [tilespmem:v32+s1+$0x0], $0xffff  }
0xbc: {  	v9 =	vld.idx.msk [tilespmem:v32+s15+$0x0], $0xffff;
	v2 =	vmul.f32 v2, v4;
	_ =	sdelay $0x1  }
0xbd: {  	v0 =	vadd.f32 v2, v0;
	v2 =	vld [tilespmem:$0x1FFC0];
	_ =	sdelay $0x2  }
0xbe: {  	v4 =	vmul.f32 v9, v10  }
0xbf: {  	v12 =	vld.idx.msk [tilespmem:v28+s1+$0x0], $0xffff  }
0xc0: {  	v6 =	vld.idx.msk [tilespmem:v28+s15+$0x0], $0xffff;
	v2 =	vmul.f32 v2, v4;
	_ =	sdelay $0x1  }
0xc1: {  	v0 =	vadd.f32 v2, v0;
	v2 =	vld [tilespmem:$0x1FFB0];
	_ =	sdelay $0x2  }
0xc2: {  	v4 =	vmul.f32 v6, v12  }
0xc3: {  	v14 =	vld.idx.msk [tilespmem:v24+s1+$0x0], $0xffff  }
0xc4: {  	v5 =	vld.idx.msk [tilespmem:v24+s15+$0x0], $0xffff;
	v2 =	vmul.f32 v2, v4;
	_ =	sdelay $0x1  }
0xc5: {  	v0 =	vadd.f32 v2, v0;
	v2 =	vld [tilespmem:$0x1FFA0];
	_ =	sdelay $0x2  }
0xc6: {  	v4 =	vmul.f32 v5, v14  }
0xc7: {  	v13 =	vld.idx.msk [tilespmem:v20+s1+$0x0], $0xffff  }
0xc8: {  	v9 =	vld.idx.msk [tilespmem:v20+s15+$0x0], $0xffff;
	v2 =	vmul.f32 v2, v4;
	_ =	sdelay $0x1  }
0xc9: {  	v0 =	vadd.f32 v2, v0;
	v2 =	vld [tilespmem:$0x1FF90];
	_ =	sdelay $0x2  }
0xca: {  	v4 =	vmul.f32 v9, v13  }
0xcb: {  	v10 =	vld.idx.msk [tilespmem:v16+s1+$0x0], $0xffff  }
0xcc: {  	v6 =	vld.idx.msk [tilespmem:v16+s15+$0x0], $0xffff;
	v2 =	vmul.f32 v2, v4;
	_ =	sdelay $0x1  }
0xcd: {  	v0 =	vadd.f32 v2, v0;
	v2 =	vld [tilespmem:$0x1FF80];
	_ =	sdelay $0x2  }
0xce: {  	v4 =	vmul.f32 v6, v10  }
0xcf: {  	v12 =	vld.idx.msk [tilespmem:v11+s1+$0x0], $0xffff  }
0xd0: {  	v5 =	vld.idx.msk [tilespmem:v11+s15+$0x0], $0xffff;
	v2 =	vmul.f32 v2, v4;
	_ =	sdelay $0x1  }
0xd1: {  	v0 =	vadd.f32 v2, v0;
	v2 =	vld [tilespmem:$0x1FF70];
	_ =	sdelay $0x2  }
0xd2: {  	v4 =	vmul.f32 v5, v12  }
0xd3: {  	v11 =	vld.idx.msk [tilespmem:v7+s1+$0x0], $0xffff  }
0xd4: {  	v7 =	vld.idx.msk [tilespmem:v7+s15+$0x0], $0xffff;
	v2 =	vmul.f32 v2, v4;
	_ =	sdelay $0x1  }
0xd5: {  	v0 =	vadd.f32 v2, v0;
	v2 =	vld [tilespmem:$0x1FF60];
	_ =	sdelay $0x2  }
0xd6: {  	v4 =	vmul.f32 v7, v11;
	v11 =	vld [tilespmem:$0x1FF00]  }
0xd7: {  	v9 =	vld.idx.msk [tilespmem:v3+s1+$0x0], $0xffff  }
0xd8: {  	v3 =	vld.idx.msk [tilespmem:v3+s15+$0x0], $0xffff;
	v2 =	vmul.f32 v2, v4;
	_ =	sdelay $0x1  }
0xd9: {  	v0 =	vadd.f32 v2, v0;
	v2 =	vld [tilespmem:$0x1FF50];
	_ =	sdelay $0x2  }
0xda: {  	v3 =	vmul.f32 v3, v9;
	v6 =	vld.idx.msk [tilespmem:v1+s1+$0x0], $0xffff  }
0xdb: {  	v9 =	vld.idx.msk [tilespmem:v11+s1+$0x0], $0xffff  }
0xdc: {  	v2 =	vmul.f32 v2, v3;
	v3 =	vld.idx.msk [tilespmem:v11+s15+$0x0], $0xffff  }
0xdd: {  	v11 =	vld [tilespmem:$0x1FEE0]  }
0xde: {  	v1 =	vld.idx.msk [tilespmem:v1+s15+$0x0], $0xffff  }
0xdf: {  	v5 =	vld.idx.msk [tilespmem:v63+s1+$0x0], $0xffff  }
0xe0: {  	v7 =	vld.idx.msk [tilespmem:v63+s15+$0x0], $0xffff  }
0xe1: {  	v0 =	vadd.f32 v2, v0;
	v2 =	vld [tilespmem:$0x1FF40];
	_ =	sdelay $0x2  }
0xe2: {  	v1 =	vmul.f32 v1, v6  }
0xe3: {  	v6 =	vld.idx.msk [tilespmem:v11+s1+$0x0], $0xffff  }
0xe4: {  	v1 =	vmul.f32 v2, v1;
	v2 =	vmul.f32 v7, v5;
	v5 =	vld.idx.msk [tilespmem:v11+s15+$0x0], $0xffff  }
0xe5: {  	v11 =	vld [tilespmem:$0x1FEC0];
	_ =	sdelay $0x1  }
0xe6: {  	v10 =	vld.idx.msk [tilespmem:v61+s1+$0x0], $0xffff  }
0xe7: {  	v4 =	vld.idx.msk [tilespmem:v61+s15+$0x0], $0xffff  }
0xe8: {  	v0 =	vadd.f32 v1, v0;
	v1 =	vld [tilespmem:$0x1FF30];
	_ =	sdelay $0x3  }
0xe9: {  	v7 =	vld.idx.msk [tilespmem:v11+s1+$0x0], $0xffff  }
0xea: {  	v1 =	vmul.f32 v1, v2;
	v2 =	vmul.f32 v4, v10;
	v4 =	vld.idx.msk [tilespmem:v11+s15+$0x0], $0xffff  }
0xeb: {  	v11 =	vld [tilespmem:$0x1FEA0]  }
0xec: {  	v0 =	vadd.f32 v1, v0;
	v1 =	vld [tilespmem:$0x1FF20];
	_ =	sdelay $0x4  }
0xed: {  	v1 =	vmul.f32 v1, v2;
	_ =	sdelay $0x1  }
0xee: {  	v0 =	vadd.f32 v1, v0;
	v1 =	vld [tilespmem:$0x1FF10]  }
0xef: {  	v10 =	vld.idx.msk [tilespmem:v11+s1+$0x0], $0xffff  }
0xf0: {  	v2 =	vmul.f32 v3, v9;
	v3 =	vld.idx.msk [tilespmem:v11+s15+$0x0], $0xffff  }
0xf1: {  	v11 =	vld [tilespmem:$0x1FE80];
	_ =	sdelay $0x4  }
0xf2: {  	v1 =	vmul.f32 v1, v2;
	_ =	sdelay $0x1  }
0xf3: {  	v0 =	vadd.f32 v1, v0;
	v1 =	vld [tilespmem:$0x1FEF0]  }
0xf4: {  	v9 =	vld.idx.msk [tilespmem:v11+s1+$0x0], $0xffff  }
0xf5: {  	v2 =	vmul.f32 v5, v6;
	v5 =	vld.idx.msk [tilespmem:v11+s15+$0x0], $0xffff  }
0xf6: {  	v11 =	vld [tilespmem:$0x1FE60];
	_ =	sdelay $0x4  }
0xf7: {  	v1 =	vmul.f32 v1, v2;
	_ =	sdelay $0x1  }
0xf8: {  	v0 =	vadd.f32 v1, v0;
	v1 =	vld [tilespmem:$0x1FED0]  }
0xf9: {  	v6 =	vld.idx.msk [tilespmem:v11+s1+$0x0], $0xffff  }
0xfa: {  	v2 =	vmul.f32 v4, v7;
	v4 =	vld.idx.msk [tilespmem:v11+s15+$0x0], $0xffff  }
0xfb: {  	v11 =	vld [tilespmem:$0x1FE40];
	_ =	sdelay $0x4  }
0xfc: {  	v1 =	vmul.f32 v1, v2;
	_ =	sdelay $0x1  }
0xfd: {  	v0 =	vadd.f32 v1, v0;
	v1 =	vld [tilespmem:$0x1FEB0]  }
0xfe: {  	v7 =	vld.idx.msk [tilespmem:v11+s1+$0x0], $0xffff  }
0xff: {  	v2 =	vmul.f32 v3, v10;
	v3 =	vld.idx.msk [tilespmem:v11+s15+$0x0], $0xffff  }
0x100: {  	v11 =	vld [tilespmem:$0x1FE20];
	_ =	sdelay $0x4  }
0x101: {  	v1 =	vmul.f32 v1, v2;
	_ =	sdelay $0x1  }
0x102: {  	v0 =	vadd.f32 v1, v0;
	v1 =	vld [tilespmem:$0x1FE90]  }
0x103: {  	v10 =	vld.idx.msk [tilespmem:v11+s1+$0x0], $0xffff  }
0x104: {  	v2 =	vmul.f32 v5, v9;
	v5 =	vld.idx.msk [tilespmem:v11+s15+$0x0], $0xffff  }
0x105: {  	v11 =	vld [tilespmem:$0x1FE00];
	_ =	sdelay $0x4  }
0x106: {  	v1 =	vmul.f32 v1, v2;
	_ =	sdelay $0x1  }
0x107: {  	v0 =	vadd.f32 v1, v0;
	v1 =	vld [tilespmem:$0x1FE70]  }
0x108: {  	v9 =	vld.idx.msk [tilespmem:v11+s1+$0x0], $0xffff  }
0x109: {  	v2 =	vmul.f32 v4, v6;
	v4 =	vld.idx.msk [tilespmem:v11+s15+$0x0], $0xffff  }
0x10a: {  	v11 =	vld [tilespmem:$0x1FDE0];
	_ =	sdelay $0x1  }
0x10b: {  	v1 =	vmul.f32 v1, v2;
	_ =	sdelay $0x1  }
0x10c: {  	v0 =	vadd.f32 v1, v0;
	v1 =	vld [tilespmem:$0x1FE50];
	_ =	sdelay $0x2  }
0x10d: {  	v2 =	vmul.f32 v3, v7  }
0x10e: {  	v6 =	vld.idx.msk [tilespmem:v11+s1+$0x0], $0xffff  }
0x10f: {  	v1 =	vmul.f32 v1, v2;
	v3 =	vld.idx.msk [tilespmem:v11+s15+$0x0], $0xffff  }
0x110: {  	v11 =	vld [tilespmem:$0x1FDC0]  }
0x111: {  	v0 =	vadd.f32 v1, v0;
	v1 =	vld [tilespmem:$0x1FE30];
	_ =	sdelay $0x2  }
0x112: {  	v2 =	vmul.f32 v5, v10;
	_ =	sdelay $0x1  }
0x113: {  	v1 =	vmul.f32 v1, v2;
	_ =	sdelay $0x1  }
0x114: {  	v0 =	vadd.f32 v1, v0;
	v1 =	vld [tilespmem:$0x1FE10]  }
0x115: {  	v7 =	vld.idx.msk [tilespmem:v11+s1+$0x0], $0xffff  }
0x116: {  	v5 =	vld.idx.msk [tilespmem:v11+s15+$0x0], $0xffff  }
0x117: {  	v11 =	vld [tilespmem:$0x1FDA0];
	_ =	sdelay $0x2  }
0x118: {  	v2 =	vmul.f32 v4, v9;
	_ =	sdelay $0x1  }
0x119: {  	v1 =	vmul.f32 v1, v2;
	_ =	sdelay $0x1  }
0x11a: {  	v0 =	vadd.f32 v1, v0;
	v1 =	vld [tilespmem:$0x1FDF0]  }
0x11b: {  	v10 =	vld.idx.msk [tilespmem:v11+s1+$0x0], $0xffff  }
0x11c: {  	v4 =	vld.idx.msk [tilespmem:v11+s15+$0x0], $0xffff  }
0x11d: {  	v11 =	vld [tilespmem:$0x1FD80];
	_ =	sdelay $0x2  }
0x11e: {  	v2 =	vmul.f32 v3, v6;
	_ =	sdelay $0x1  }
0x11f: {  	v1 =	vmul.f32 v1, v2;
	_ =	sdelay $0x1  }
0x120: {  	v0 =	vadd.f32 v1, v0;
	v1 =	vld [tilespmem:$0x1FDD0]  }
0x121: {  	v9 =	vld.idx.msk [tilespmem:v11+s1+$0x0], $0xffff  }
0x122: {  	v3 =	vld.idx.msk [tilespmem:v11+s15+$0x0], $0xffff  }
0x123: {  	v11 =	vld [tilespmem:$0x1FD60];
	_ =	sdelay $0x2  }
0x124: {  	v2 =	vmul.f32 v5, v7;
	_ =	sdelay $0x1  }
0x125: {  	v1 =	vmul.f32 v1, v2;
	_ =	sdelay $0x1  }
0x126: {  	v0 =	vadd.f32 v1, v0;
	v1 =	vld [tilespmem:$0x1FDB0]  }
0x127: {  	v6 =	vld.idx.msk [tilespmem:v11+s1+$0x0], $0xffff  }
0x128: {  	v5 =	vld.idx.msk [tilespmem:v11+s15+$0x0], $0xffff  }
0x129: {  	v11 =	vld [tilespmem:$0x1FD40];
	_ =	sdelay $0x2  }
0x12a: {  	v2 =	vmul.f32 v4, v10;
	_ =	sdelay $0x1  }
0x12b: {  	v1 =	vmul.f32 v1, v2;
	_ =	sdelay $0x1  }
0x12c: {  	v0 =	vadd.f32 v1, v0;
	v1 =	vld [tilespmem:$0x1FD90]  }
0x12d: {  	v7 =	vld.idx.msk [tilespmem:v11+s1+$0x0], $0xffff  }
0x12e: {  	v4 =	vld.idx.msk [tilespmem:v11+s15+$0x0], $0xffff  }
0x12f: {  	v11 =	vld [tilespmem:$0x1FD20];
	_ =	sdelay $0x2  }
0x130: {  	v2 =	vmul.f32 v3, v9;
	_ =	sdelay $0x1  }
0x131: {  	v1 =	vmul.f32 v1, v2;
	_ =	sdelay $0x1  }
0x132: {  	v0 =	vadd.f32 v1, v0;
	v1 =	vld [tilespmem:$0x1FD70]  }
0x133: {  	v10 =	vld.idx.msk [tilespmem:v11+s1+$0x0], $0xffff  }
0x134: {  	v3 =	vld.idx.msk [tilespmem:v11+s15+$0x0], $0xffff  }
0x135: {  	v2 =	vmul.f32 v5, v6;
	v11 =	vld [tilespmem:$0x1FD00];
	_ =	sdelay $0x1  }
0x136: {  	v1 =	vmul.f32 v1, v2;
	_ =	sdelay $0x1  }
0x137: {  	v0 =	vadd.f32 v1, v0;
	v1 =	vld [tilespmem:$0x1FD50];
	_ =	sdelay $0x2  }
0x138: {  	v2 =	vmul.f32 v4, v7  }
0x139: {  	v9 =	vld.idx.msk [tilespmem:v11+s1+$0x0], $0xffff  }
0x13a: {  	v1 =	vmul.f32 v1, v2;
	v5 =	vld.idx.msk [tilespmem:v11+s15+$0x0], $0xffff  }
0x13b: {  	v11 =	vld [tilespmem:$0x1FCE0]  }
0x13c: {  	v0 =	vadd.f32 v1, v0;
	v1 =	vld [tilespmem:$0x1FD30];
	_ =	sdelay $0x2  }
0x13d: {  	v2 =	vmul.f32 v3, v10;
	_ =	sdelay $0x1  }
0x13e: {  	v1 =	vmul.f32 v1, v2;
	_ =	sdelay $0x1  }
0x13f: {  	v0 =	vadd.f32 v1, v0;
	v1 =	vld [tilespmem:$0x1FD10]  }
0x140: {  	v6 =	vld.idx.msk [tilespmem:v11+s1+$0x0], $0xffff  }
0x141: {  	v4 =	vld.idx.msk [tilespmem:v11+s15+$0x0], $0xffff  }
0x142: {  	v11 =	vld [tilespmem:$0x1FCC0];
	_ =	sdelay $0x2  }
0x143: {  	v2 =	vmul.f32 v5, v9;
	_ =	sdelay $0x1  }
0x144: {  	v1 =	vmul.f32 v1, v2;
	_ =	sdelay $0x1  }
0x145: {  	v0 =	vadd.f32 v1, v0;
	v1 =	vld [tilespmem:$0x1FCF0]  }
0x146: {  	v7 =	vld.idx.msk [tilespmem:v11+s1+$0x0], $0xffff  }
0x147: {  	v3 =	vld.idx.msk [tilespmem:v11+s15+$0x0], $0xffff  }
0x148: {  	v11 =	vld [tilespmem:$0x1FCA0];
	_ =	sdelay $0x2  }
0x149: {  	v2 =	vmul.f32 v4, v6;
	_ =	sdelay $0x1  }
0x14a: {  	v1 =	vmul.f32 v1, v2;
	_ =	sdelay $0x1  }
0x14b: {  	v0 =	vadd.f32 v1, v0;
	v1 =	vld [tilespmem:$0x1FCD0]  }
0x14c: {  	v10 =	vld.idx.msk [tilespmem:v11+s1+$0x0], $0xffff  }
0x14d: {  	v5 =	vld.idx.msk [tilespmem:v11+s15+$0x0], $0xffff  }
0x14e: {  	v11 =	vld [tilespmem:$0x1FC80];
	_ =	sdelay $0x2  }
0x14f: {  	v2 =	vmul.f32 v3, v7;
	_ =	sdelay $0x1  }
0x150: {  	v1 =	vmul.f32 v1, v2;
	_ =	sdelay $0x1  }
0x151: {  	v0 =	vadd.f32 v1, v0;
	v1 =	vld [tilespmem:$0x1FCB0]  }
0x152: {  	v9 =	vld.idx.msk [tilespmem:v11+s1+$0x0], $0xffff  }
0x153: {  	v4 =	vld.idx.msk [tilespmem:v11+s15+$0x0], $0xffff  }
0x154: {  	v11 =	vld [tilespmem:$0x1FC60];
	_ =	sdelay $0x2  }
0x155: {  	v2 =	vmul.f32 v5, v10;
	_ =	sdelay $0x1  }
0x156: {  	v1 =	vmul.f32 v1, v2;
	_ =	sdelay $0x1  }
0x157: {  	v0 =	vadd.f32 v1, v0;
	v1 =	vld [tilespmem:$0x1FC90]  }
0x158: {  	v6 =	vld.idx.msk [tilespmem:v11+s1+$0x0], $0xffff  }
0x159: {  	v3 =	vld.idx.msk [tilespmem:v11+s15+$0x0], $0xffff  }
0x15a: {  	v11 =	vld [tilespmem:$0x1FC40];
	_ =	sdelay $0x2  }
0x15b: {  	v2 =	vmul.f32 v4, v9;
	_ =	sdelay $0x1  }
0x15c: {  	v1 =	vmul.f32 v1, v2;
	_ =	sdelay $0x1  }
0x15d: {  	v0 =	vadd.f32 v1, v0;
	v1 =	vld [tilespmem:$0x1FC70]  }
0x15e: {  	v7 =	vld.idx.msk [tilespmem:v11+s1+$0x0], $0xffff  }
0x15f: {  	v5 =	vld.idx.msk [tilespmem:v11+s15+$0x0], $0xffff  }
0x160: {  	v11 =	vld [tilespmem:$0x1FC20];
	_ =	sdelay $0x2  }
0x161: {  	v2 =	vmul.f32 v3, v6;
	_ =	sdelay $0x1  }
0x162: {  	v1 =	vmul.f32 v1, v2;
	_ =	sdelay $0x1  }
0x163: {  	v0 =	vadd.f32 v1, v0;
	v1 =	vld [tilespmem:$0x1FC50]  }
0x164: {  	v10 =	vld.idx.msk [tilespmem:v11+s1+$0x0], $0xffff  }
0x165: {  	v4 =	vld.idx.msk [tilespmem:v11+s15+$0x0], $0xffff  }
0x166: {  	v11 =	vld [tilespmem:$0x1FC00];
	_ =	sdelay $0x2  }
0x167: {  	v2 =	vmul.f32 v5, v7;
	_ =	sdelay $0x1  }
0x168: {  	v1 =	vmul.f32 v1, v2;
	_ =	sdelay $0x1  }
0x169: {  	v0 =	vadd.f32 v1, v0;
	v1 =	vld [tilespmem:$0x1FC30]  }
0x16a: {  	v9 =	vld.idx.msk [tilespmem:v11+s1+$0x0], $0xffff  }
0x16b: {  	v3 =	vld.idx.msk [tilespmem:v11+s15+$0x0], $0xffff  }
0x16c: {  	v11 =	vld [tilespmem:$0x1FBE0];
	_ =	sdelay $0x2  }
0x16d: {  	v2 =	vmul.f32 v4, v10;
	_ =	sdelay $0x1  }
0x16e: {  	v1 =	vmul.f32 v1, v2;
	_ =	sdelay $0x1  }
0x16f: {  	v0 =	vadd.f32 v1, v0;
	v1 =	vld [tilespmem:$0x1FC10]  }
0x170: {  	v6 =	vld.idx.msk [tilespmem:v11+s1+$0x0], $0xffff  }
0x171: {  	v5 =	vld.idx.msk [tilespmem:v11+s15+$0x0], $0xffff  }
0x172: {  	v11 =	vld [tilespmem:$0x1FBC0];
	_ =	sdelay $0x2  }
0x173: {  	v2 =	vmul.f32 v3, v9;
	_ =	sdelay $0x1  }
0x174: {  	v1 =	vmul.f32 v1, v2;
	_ =	sdelay $0x1  }
0x175: {  	v0 =	vadd.f32 v1, v0;
	v1 =	vld [tilespmem:$0x1FBF0]  }
0x176: {  	v7 =	vld.idx.msk [tilespmem:v11+s1+$0x0], $0xffff  }
0x177: {  	v4 =	vld.idx.msk [tilespmem:v11+s15+$0x0], $0xffff  }
0x178: {  	v2 =	vmul.f32 v5, v6;
	v11 =	vld [tilespmem:$0x1FBB0];
	_ =	sdelay $0x1  }
0x179: {  	v8 =	vor.u32 $0x3F, v8;
	v1 =	vmul.f32 v1, v2;
	_ =	sdelay $0x1  }
0x17a: {  	v0 =	vadd.f32 v1, v0;
	v1 =	vld [tilespmem:$0x1FBD0];
	_ =	sdelay $0x2  }
0x17b: {  	v9 =	vld.idx.msk [tilespmem:v8+s1+$0x0], $0xffff;
	v2 =	vmul.f32 v4, v7  }
0x17c: {  	v10 =	vld.idx.msk [tilespmem:v11+s1+$0x0], $0xffff  }
0x17d: {  	v1 =	vmul.f32 v1, v2;
	v3 =	vld.idx.msk [tilespmem:v11+s15+$0x0], $0xffff  }
0x17e: {  	v5 =	vld.idx.msk [tilespmem:v8+s15+$0x0], $0xffff  }
0x17f: {  	v0 =	vadd.f32 v1, v0;
	v1 =	vld [tilespmem:$0x1FBA0];
	_ =	sdelay $0x1  }
0x180: {  	v4 =	vld.idx.msk [tilespmem:v8+s14+$0x0], $0xffff  }
0x181: {  	v2 =	vmul.f32 v3, v10;
	_ =	sdelay $0x1  }
0x182: {  	v1 =	vmul.f32 v1, v2;
	v2 =	vmul.f32 v5, v9;
	_ =	sdelay $0x1  }
0x183: {  	v0 =	vadd.f32 v1, v0;
	v1 =	vmul.f32 v4, v2;
	_ =	sdelay $0x1  }
0x184: {  	v0 =	vadd.f32 v1, v0  }
0x185: {  	v57 =	vmov v38;
	v38 =	vmov v59  }
0x186: {  	v0 =	vmul.f32 v0, v38;
	_ =	sdelay $0x1  }
0x187: {  	v0 =	vadd.f32 v0, v42;
	_ =	sdelay $0x1  }
0x188: {  	v0 =	vsub.f32 $0.0e+00, v0;
	_ =	sdelay $0x1  }
0x189: {  	v0 =	vmul.f32 $1.442695020e+00, v0;
	_ =	sdelay $0x1  }
0x18a: {  	(erf) = vpow2.f32 v0;
	_ =	sdelay $0x8  }
0x18b: {  	v0 =	vpop (erf)  }
0x18c: {  	v0 =	vadd.f32 $1.000000000e+00, v0;
	_ =	sdelay $0x1  }
0x18d: {  	(erf) = vrcp.f32 v0;
	_ =	sdelay $0x2  }
0x18e: {  	v0 =	vmov s21  }
0x18f: {  	v0 =	vshll.u32 v0, $0x7  }
0x190: {  	v8 =	vor.u32 v57, v0  }
0x191: {  	v2 =	vor.u32 $0x3D, v8  }
0x192: {  	s22 =	sand.u32 $0x80, s19  }
0x193: {  	s23 =	sand.u32 $0x70, s19;
	s22 =	sadd.s32 s22, s20  }
0x194: {  	s22 =	sadd.s32 s23, s22;
	v0 =	vpop (erf)  }
0x195: {  	[tilespmem:s22+$0x0] =	vst v0  }
0x196: {  	v3 =	vor.u32 $0x3C, v8;
	v0 =	vld.idx.msk [tilespmem:v2+s14+$0x0], $0xffff;
	_ =	sdelay $0x4  }
0x197: {  	v4 =	vor.u32 $0x3B, v8;
	[tilespmem:$0x1FBD0] =	vst v0;
	v0 =	vld.idx.msk [tilespmem:v3+s14+$0x0], $0xffff;
	_ =	sdelay $0x4  }
0x198: {  	v5 =	vor.u32 $0x3A, v8;
	[tilespmem:$0x1FBF0] =	vst v0;
	v0 =	vld.idx.msk [tilespmem:v4+s14+$0x0], $0xffff;
	_ =	sdelay $0x3  }
0x199: {  	v1 =	vor.u32 $0x3E, v8  }
0x19a: {  	v6 =	vor.u32 $0x39, v8;
	[tilespmem:$0x1FC10] =	vst v0;
	v0 =	vld.idx.msk [tilespmem:v5+s14+$0x0], $0xffff;
	_ =	sdelay $0x3  }
0x19b: {  	v59 =	vmov v42;
	[tilespmem:$0x1FBB0] =	vst v1;
	v42 =	vld.idx.msk [tilespmem:v1+s14+$0x0], $0xffff  }
0x19c: {  	v1 =	vor.u32 $0x38, v8;
	[tilespmem:$0x1FC30] =	vst v0;
	v0 =	vld.idx.msk [tilespmem:v6+s14+$0x0], $0xffff;
	_ =	sdelay $0x3  }
0x19d: {  	[tilespmem:$0x1FBC0] =	vst v2  }
0x19e: {  	v2 =	vor.u32 $0x37, v8;
	[tilespmem:$0x1FC50] =	vst v0;
	v0 =	vld.idx.msk [tilespmem:v1+s14+$0x0], $0xffff;
	_ =	sdelay $0x3  }
0x19f: {  	[tilespmem:$0x1FBE0] =	vst v3  }
0x1a0: {  	v3 =	vor.u32 $0x36, v8;
	[tilespmem:$0x1FC70] =	vst v0;
	v0 =	vld.idx.msk [tilespmem:v2+s14+$0x0], $0xffff;
	_ =	sdelay $0x3  }
0x1a1: {  	[tilespmem:$0x1FC00] =	vst v4  }
0x1a2: {  	v4 =	vor.u32 $0x35, v8;
	[tilespmem:$0x1FC90] =	vst v0;
	v0 =	vld.idx.msk [tilespmem:v3+s14+$0x0], $0xffff;
	_ =	sdelay $0x3  }
0x1a3: {  	[tilespmem:$0x1FC20] =	vst v5  }
0x1a4: {  	v5 =	vor.u32 $0x34, v8;
	[tilespmem:$0x1FCB0] =	vst v0;
	v0 =	vld.idx.msk [tilespmem:v4+s14+$0x0], $0xffff;
	_ =	sdelay $0x3  }
0x1a5: {  	[tilespmem:$0x1FC40] =	vst v6  }
0x1a6: {  	v6 =	vor.u32 $0x33, v8;
	[tilespmem:$0x1FCD0] =	vst v0;
	v0 =	vld.idx.msk [tilespmem:v5+s14+$0x0], $0xffff;
	_ =	sdelay $0x3  }
0x1a7: {  	[tilespmem:$0x1FC60] =	vst v1  }
0x1a8: {  	v1 =	vor.u32 $0x32, v8;
	[tilespmem:$0x1FCF0] =	vst v0;
	v0 =	vld.idx.msk [tilespmem:v6+s14+$0x0], $0xffff;
	_ =	sdelay $0x3  }
0x1a9: {  	[tilespmem:$0x1FC80] =	vst v2  }
0x1aa: {  	v2 =	vor.u32 $0x31, v8;
	[tilespmem:$0x1FD10] =	vst v0;
	v0 =	vld.idx.msk [tilespmem:v1+s14+$0x0], $0xffff;
	_ =	sdelay $0x3  }
0x1ab: {  	[tilespmem:$0x1FCA0] =	vst v3  }
0x1ac: {  	v3 =	vor.u32 $0x30, v8;
	[tilespmem:$0x1FD30] =	vst v0;
	v0 =	vld.idx.msk [tilespmem:v2+s14+$0x0], $0xffff;
	_ =	sdelay $0x3  }
0x1ad: {  	[tilespmem:$0x1FCC0] =	vst v4  }
0x1ae: {  	v4 =	vor.u32 $0x2F, v8;
	[tilespmem:$0x1FD50] =	vst v0;
	v0 =	vld.idx.msk [tilespmem:v3+s14+$0x0], $0xffff;
	_ =	sdelay $0x3  }
0x1af: {  	[tilespmem:$0x1FCE0] =	vst v5  }
0x1b0: {  	v5 =	vor.u32 $0x2E, v8;
	[tilespmem:$0x1FD70] =	vst v0;
	v0 =	vld.idx.msk [tilespmem:v4+s14+$0x0], $0xffff;
	_ =	sdelay $0x3  }
0x1b1: {  	[tilespmem:$0x1FD00] =	vst v6  }
0x1b2: {  	v6 =	vor.u32 $0x2D, v8;
	[tilespmem:$0x1FD90] =	vst v0;
	v0 =	vld.idx.msk [tilespmem:v5+s14+$0x0], $0xffff;
	_ =	sdelay $0x3  }
0x1b3: {  	[tilespmem:$0x1FD20] =	vst v1  }
0x1b4: {  	v1 =	vor.u32 $0x2C, v8;
	[tilespmem:$0x1FDB0] =	vst v0;
	v0 =	vld.idx.msk [tilespmem:v6+s14+$0x0], $0xffff;
	_ =	sdelay $0x3  }
0x1b5: {  	[tilespmem:$0x1FD40] =	vst v2  }
0x1b6: {  	v2 =	vor.u32 $0x2B, v8;
	[tilespmem:$0x1FDD0] =	vst v0;
	v0 =	vld.idx.msk [tilespmem:v1+s14+$0x0], $0xffff;
	_ =	sdelay $0x3  }
0x1b7: {  	[tilespmem:$0x1FD60] =	vst v3  }
0x1b8: {  	v3 =	vor.u32 $0x2A, v8;
	[tilespmem:$0x1FDF0] =	vst v0;
	v0 =	vld.idx.msk [tilespmem:v2+s14+$0x0], $0xffff;
	_ =	sdelay $0x3  }
0x1b9: {  	[tilespmem:$0x1FD80] =	vst v4  }
0x1ba: {  	v4 =	vor.u32 $0x29, v8;
	[tilespmem:$0x1FE10] =	vst v0;
	v0 =	vld.idx.msk [tilespmem:v3+s14+$0x0], $0xffff;
	_ =	sdelay $0x3  }
0x1bb: {  	[tilespmem:$0x1FDA0] =	vst v5  }
0x1bc: {  	v5 =	vor.u32 $0x28, v8;
	[tilespmem:$0x1FE30] =	vst v0;
	v0 =	vld.idx.msk [tilespmem:v4+s14+$0x0], $0xffff;
	_ =	sdelay $0x3  }
0x1bd: {  	[tilespmem:$0x1FDC0] =	vst v6  }
0x1be: {  	v6 =	vor.u32 $0x27, v8;
	[tilespmem:$0x1FE50] =	vst v0;
	v0 =	vld.idx.msk [tilespmem:v5+s14+$0x0], $0xffff;
	_ =	sdelay $0x3  }
0x1bf: {  	[tilespmem:$0x1FDE0] =	vst v1  }
0x1c0: {  	v1 =	vor.u32 $0x26, v8;
	[tilespmem:$0x1FE70] =	vst v0;
	v0 =	vld.idx.msk [tilespmem:v6+s14+$0x0], $0xffff;
	_ =	sdelay $0x3  }
0x1c1: {  	[tilespmem:$0x1FE00] =	vst v2  }
0x1c2: {  	v2 =	vor.u32 $0x25, v8;
	[tilespmem:$0x1FE90] =	vst v0;
	v0 =	vld.idx.msk [tilespmem:v1+s14+$0x0], $0xffff;
	_ =	sdelay $0x4  }
0x1c3: {  	v7 =	vor.u32 $0x24, v8;
	[tilespmem:$0x1FEB0] =	vst v0;
	v0 =	vld.idx.msk [tilespmem:v2+s14+$0x0], $0xffff;
	_ =	sdelay $0x3  }
0x1c4: {  	[tilespmem:$0x1FE40] =	vst v4  }
0x1c5: {  	v4 =	vor.u32 $0x23, v8;
	[tilespmem:$0x1FED0] =	vst v0;
	v0 =	vld.idx.msk [tilespmem:v7+s14+$0x0], $0xffff;
	_ =	sdelay $0x4  }
0x1c6: {  	v61 =	vor.u32 $0x22, v8;
	[tilespmem:$0x1FEF0] =	vst v0;
	v0 =	vld.idx.msk [tilespmem:v4+s14+$0x0], $0xffff;
	_ =	sdelay $0x4  }
0x1c7: {  	v63 =	vor.u32 $0x21, v8;
	[tilespmem:$0x1FF10] =	vst v0;
	v0 =	vld.idx.msk [tilespmem:v61+s14+$0x0], $0xffff;
	_ =	sdelay $0x3  }
0x1c8: {  	[tilespmem:$0x1FEA0] =	vst v1  }
0x1c9: {  	v1 =	vor.u32 $0x20, v8;
	[tilespmem:$0x1FF20] =	vst v0;
	v0 =	vld.idx.msk [tilespmem:v63+s14+$0x0], $0xffff;
	_ =	sdelay $0x3  }
0x1ca: {  	[tilespmem:$0x1FE20] =	vst v3  }
0x1cb: {  	v3 =	vor.u32 $0x1F, v8;
	[tilespmem:$0x1FF30] =	vst v0;
	v0 =	vld.idx.msk [tilespmem:v1+s14+$0x0], $0xffff;
	_ =	sdelay $0x3  }
0x1cc: {  	[tilespmem:$0x1FEE0] =	vst v7  }
0x1cd: {  	v7 =	vor.u32 $0x1E, v8;
	[tilespmem:$0x1FF40] =	vst v0;
	v0 =	vld.idx.msk [tilespmem:v3+s14+$0x0], $0xffff;
	_ =	sdelay $0x4  }
0x1ce: {  	v11 =	vor.u32 $0x1D, v8;
	[tilespmem:$0x1FF50] =	vst v0;
	v0 =	vld.idx.msk [tilespmem:v7+s14+$0x0], $0xffff;
	_ =	sdelay $0x4  }
0x1cf: {  	v16 =	vor.u32 $0x1C, v8;
	[tilespmem:$0x1FF60] =	vst v0;
	v0 =	vld.idx.msk [tilespmem:v11+s14+$0x0], $0xffff;
	_ =	sdelay $0x4  }
0x1d0: {  	v20 =	vor.u32 $0x1B, v8;
	[tilespmem:$0x1FF70] =	vst v0;
	v0 =	vld.idx.msk [tilespmem:v16+s14+$0x0], $0xffff;
	_ =	sdelay $0x4  }
0x1d1: {  	v24 =	vor.u32 $0x1A, v8;
	[tilespmem:$0x1FF80] =	vst v0;
	v0 =	vld.idx.msk [tilespmem:v20+s14+$0x0], $0xffff;
	_ =	sdelay $0x4  }
0x1d2: {  	v28 =	vor.u32 $0x19, v8;
	[tilespmem:$0x1FF90] =	vst v0;
	v0 =	vld.idx.msk [tilespmem:v24+s14+$0x0], $0xffff;
	_ =	sdelay $0x4  }
0x1d3: {  	v32 =	vor.u32 $0x18, v8;
	[tilespmem:$0x1FFA0] =	vst v0;
	v0 =	vld.idx.msk [tilespmem:v28+s14+$0x0], $0xffff;
	_ =	sdelay $0x4  }
0x1d4: {  	v36 =	vor.u32 $0x17, v8;
	[tilespmem:$0x1FFB0] =	vst v0;
	v0 =	vld.idx.msk [tilespmem:v32+s14+$0x0], $0xffff;
	_ =	sdelay $0x2  }
0x1d5: {  	v48 =	vor.u32 $0x14, v8  }
0x1d6: {  	v9 =	vor.u32 $0x12, v8  }
0x1d7: {  	v40 =	vor.u32 $0x16, v8;
	[tilespmem:$0x1FFC0] =	vst v0;
	v0 =	vld.idx.msk [tilespmem:v36+s14+$0x0], $0xffff  }
0x1d8: {  	v12 =	vor.u32 $0x11, v8  }
0x1d9: {  	v14 =	vor.u32 $0x10, v8  }
0x1da: {  	v56 =	vor.u32 $0xF, v8;
	v46 =	vld.idx.msk [tilespmem:v48+s14+$0x0], $0xffff  }
0x1db: {  	v58 =	vor.u32 $0xE, v8;
	v50 =	vld.idx.msk [tilespmem:v9+s14+$0x0], $0xffff  }
0x1dc: {  	v44 =	vor.u32 $0x15, v8;
	[tilespmem:$0x1FFD0] =	vst v0;
	v0 =	vld.idx.msk [tilespmem:v40+s14+$0x0], $0xffff  }
0x1dd: {  	v21 =	vor.u32 $0xD, v8;
	v52 =	vld.idx.msk [tilespmem:v12+s14+$0x0], $0xffff  }
0x1de: {  	v23 =	vor.u32 $0xC, v8;
	v54 =	vld.idx.msk [tilespmem:v14+s14+$0x0], $0xffff  }
0x1df: {  	v25 =	vor.u32 $0xB, v8;
	v15 =	vld.idx.msk [tilespmem:v56+s14+$0x0], $0xffff  }
0x1e0: {  	v31 =	vor.u32 $0x9, v8;
	v17 =	vld.idx.msk [tilespmem:v58+s14+$0x0], $0xffff  }
0x1e1: {  	v10 =	vor.u32 $0x7, v8;
	[tilespmem:$0x1FFE0] =	vst v0;
	v0 =	vld.idx.msk [tilespmem:v44+s14+$0x0], $0xffff  }
0x1e2: {  	v37 =	vor.u32 $0x6, v8;
	v19 =	vld.idx.msk [tilespmem:v21+s14+$0x0], $0xffff  }
0x1e3: {  	v13 =	vor.u32 $0x5, v8;
	v60 =	vld.idx.msk [tilespmem:v23+s14+$0x0], $0xffff  }
0x1e4: {  	v62 =	vld.idx.msk [tilespmem:v25+s14+$0x0], $0xffff;
	[tilespmem:$0x1FE60] =	vst v5;
	v5 =	vor.u32 $0x8, v8  }
0x1e5: {  	v29 =	vld.idx.msk [tilespmem:v31+s14+$0x0], $0xffff;
	[tilespmem:$0x1FE80] =	vst v6;
	v6 =	vor.u32 $0x13, v8  }
0x1e6: {  	p1 =	sne.s32 s21, $0xF0;
	v33 =	vld.idx.msk [tilespmem:v10+s14+$0x0], $0xffff;
	[tilespmem:$0x1FFF0] =	vst v0;
	v0 =	vor.u32 $0xA, v8  }
.Ltmp0:
0x1e7: {  	v35 =	vld.idx.msk [tilespmem:v37+s14+$0x0], $0xffff;
	(pc) =	sbr.rel @p1 .LBB2_3-.Ltmp0, $4  }
0x1e8: {  	v39 =	vld.idx.msk [tilespmem:v13+s14+$0x0], $0xffff  }
0x1e9: {  	[tilespmem:$0x1FEC0] =	vst v2;
	v2 =	vld.idx.msk [tilespmem:v5+s14+$0x0], $0xffff  }
0x1ea: {  	v41 =	vor.u32 $0x4, v8;
	[tilespmem:$0x1FF00] =	vst v4;
	v4 =	vld.idx.msk [tilespmem:v6+s14+$0x0], $0xffff  }
0x1eb: {  	s19 =	smov.u32 s21;
	s21 =	sadd.s32 $0x10, s21;
	v18 =	vor.u32 $0x3, v8;
	v43 =	vor.u32 $0x2, v8;
	v45 =	vor.u32 $0x1, v8;
	v27 =	vld.idx.msk [tilespmem:v0+s14+$0x0], $0xffff  }
0x1ec: {  	_ =	sdelay $0x3  }
0x1ed: {  	v22 =	vld.idx.msk [tilespmem:v45+s14+$0x0], $0xffff  }
0x1ee: {  	v26 =	vld.idx.msk [tilespmem:v45+s1+$0x0], $0xffff  }
0x1ef: {  	v30 =	vld.idx.msk [tilespmem:v45+s15+$0x0], $0xffff  }
0x1f0: {  	v34 =	vld.idx.msk [tilespmem:v43+s14+$0x0], $0xffff  }
0x1f1: {  	v45 =	vld.idx.msk [tilespmem:v8+s15+$0x0], $0xffff  }
0x1f2: {  	v47 =	vld.idx.msk [tilespmem:v8+s1+$0x0], $0xffff  }
0x1f3: {  	v49 =	vld.idx.msk [tilespmem:v43+s1+$0x0], $0xffff  }
0x1f4: {  	v51 =	vld.idx.msk [tilespmem:v8+s14+$0x0], $0xffff  }
0x1f5: {  	v53 =	vld.idx.msk [tilespmem:v18+s14+$0x0], $0xffff  }
0x1f6: {  	v55 =	vld.idx.msk [tilespmem:v18+s1+$0x0], $0xffff  }
0x1f7: {  	v18 =	vld.idx.msk [tilespmem:v18+s15+$0x0], $0xffff  }
0x1f8: {  	v43 =	vld.idx.msk [tilespmem:v43+s15+$0x0], $0xffff;
	_ =	sdelay $0x1  }
0x1f9: {  	v45 =	vmul.f32 v45, v47;
	v47 =	vld.idx.msk [tilespmem:v41+s14+$0x0], $0xffff  }
0x1fa: {  	v26 =	vmul.f32 v30, v26;
	v30 =	vld.idx.msk [tilespmem:v41+s1+$0x0], $0xffff  }
0x1fb: {  	v41 =	vld.idx.msk [tilespmem:v41+s15+$0x0], $0xffff;
	v18 =	vmul.f32 v18, v55;
	v45 =	vmul.f32 v51, v45  }
0x1fc: {  	v22 =	vmul.f32 v22, v26;
	v26 =	vmul.f32 v43, v49;
	v49 =	vld.idx.msk [tilespmem:v13+s15+$0x0], $0xffff  }
0x1fd: {  	v18 =	vmul.f32 v53, v18;
	v53 =	vld.idx.msk [tilespmem:v31+s1+$0x0], $0xffff  }
0x1fe: {  	v51 =	vadd.f32 $0.0e+00, v45;
	v45 =	vld.idx.msk [tilespmem:v13+s1+$0x0], $0xffff  }
0x1ff: {  	v26 =	vmul.f32 v34, v26;
	v34 =	vld.idx.msk [tilespmem:v37+s1+$0x0], $0xffff  }
0x200: {  	v55 =	vmul.f32 v41, v30;
	v30 =	vld.idx.msk [tilespmem:v10+s1+$0x0], $0xffff  }
0x201: {  	v41 =	vld.idx.msk [tilespmem:v10+s15+$0x0], $0xffff  }
0x202: {  	v22 =	vadd.f32 v22, v51;
	v51 =	vld.idx.msk [tilespmem:v37+s15+$0x0], $0xffff  }
0x203: {  	v43 =	vmul.f32 v47, v55;
	v47 =	vld.idx.msk [tilespmem:v5+s1+$0x0], $0xffff  }
0x204: {  	v55 =	vld.idx.msk [tilespmem:v31+s15+$0x0], $0xffff  }
0x205: {  	v31 =	vld.idx.msk [tilespmem:v56+s1+$0x0], $0xffff  }
0x206: {  	v22 =	vadd.f32 v26, v22;
	v26 =	vld.idx.msk [tilespmem:v58+s1+$0x0], $0xffff  }
0x207: {  	v13 =	vmul.f32 v49, v45;
	v49 =	vld.idx.msk [tilespmem:v5+s15+$0x0], $0xffff  }
0x208: {  	v45 =	vld.idx.msk [tilespmem:v25+s15+$0x0], $0xffff  }
0x209: {  	v18 =	vadd.f32 v18, v22;
	v10 =	vmul.f32 v41, v30;
	v41 =	vld.idx.msk [tilespmem:v0+s15+$0x0], $0xffff  }
0x20a: {  	v13 =	vmul.f32 v39, v13;
	v39 =	vld.idx.msk [tilespmem:v0+s1+$0x0], $0xffff  }
0x20b: {  	v51 =	vmul.f32 v51, v34;
	v18 =	vadd.f32 v43, v18;
	v43 =	vld.idx.msk [tilespmem:v25+s1+$0x0], $0xffff  }
0x20c: {  	v10 =	vmul.f32 v33, v10;
	v33 =	vld.idx.msk [tilespmem:v56+s15+$0x0], $0xffff  }
0x20d: {  	v37 =	vmul.f32 v35, v51;
	v51 =	vld.idx.msk [tilespmem:v23+s15+$0x0], $0xffff  }
0x20e: {  	v5 =	vmul.f32 v49, v47;
	v49 =	vld.idx.msk [tilespmem:v23+s1+$0x0], $0xffff  }
0x20f: {  	v47 =	vmul.f32 v55, v53;
	v53 =	vld.idx.msk [tilespmem:v21+s1+$0x0], $0xffff  }
0x210: {  	v13 =	vadd.f32 v13, v18;
	v55 =	vld.idx.msk [tilespmem:v21+s15+$0x0], $0xffff  }
0x211: {  	v21 =	vld.idx.msk [tilespmem:v48+s15+$0x0], $0xffff  }
0x212: {  	v13 =	vadd.f32 v37, v13;
	v37 =	vld.idx.msk [tilespmem:v14+s1+$0x0], $0xffff  }
0x213: {  	v0 =	vmul.f32 v41, v39;
	v39 =	vld.idx.msk [tilespmem:v14+s15+$0x0], $0xffff  }
0x214: {  	v2 =	vmul.f32 v2, v5;
	v5 =	vmul.f32 v29, v47;
	v47 =	vld.idx.msk [tilespmem:v12+s15+$0x0], $0xffff  }
0x215: {  	v14 =	vld [tilespmem:$0x1FFB0]  }
0x216: {  	v25 =	vmul.f32 v45, v43;
	v45 =	vld.idx.msk [tilespmem:v12+s1+$0x0], $0xffff  }
0x217: {  	v12 =	vld [tilespmem:$0x1FED0]  }
0x218: {  	v0 =	vmul.f32 v27, v0;
	v27 =	vld.idx.msk [tilespmem:v58+s15+$0x0], $0xffff  }
0x219: {  	v35 =	vmul.f32 v55, v53;
	v53 =	vld.idx.msk [tilespmem:v9+s1+$0x0], $0xffff  }
0x21a: {  	v55 =	vld.idx.msk [tilespmem:v9+s15+$0x0], $0xffff  }
0x21b: {  	v29 =	vmul.f32 v62, v25;
	v62 =	vld.idx.msk [tilespmem:v6+s15+$0x0], $0xffff  }
0x21c: {  	v30 =	vmul.f32 v51, v49;
	v25 =	vld.idx.msk [tilespmem:v44+s1+$0x0], $0xffff  }
0x21d: {  	v51 =	vmul.f32 v33, v31;
	v31 =	vld.idx.msk [tilespmem:v40+s15+$0x0], $0xffff  }
0x21e: {  	v34 =	vmul.f32 v60, v30;
	v60 =	vld.idx.msk [tilespmem:v6+s1+$0x0], $0xffff  }
0x21f: {  	v41 =	vmul.f32 v19, v35;
	v19 =	vld.idx.msk [tilespmem:v48+s1+$0x0], $0xffff  }
0x220: {  	v30 =	vld.idx.msk [tilespmem:v40+s1+$0x0], $0xffff  }
0x221: {  	v35 =	vld.idx.msk [tilespmem:v36+s1+$0x0], $0xffff  }
0x222: {  	v58 =	vmul.f32 v39, v37;
	v37 =	vld.idx.msk [tilespmem:v36+s15+$0x0], $0xffff  }
0x223: {  	v48 =	vld [tilespmem:$0x1FFE0]  }
0x224: {  	v56 =	vmul.f32 v15, v51;
	v51 =	vld.idx.msk [tilespmem:v24+s15+$0x0], $0xffff  }
0x225: {  	v36 =	vld.idx.msk [tilespmem:v61+s15+$0x0], $0xffff  }
0x226: {  	v18 =	vmul.f32 v47, v45;
	v47 =	vld.idx.msk [tilespmem:v28+s15+$0x0], $0xffff  }
0x227: {  	v43 =	vmul.f32 v27, v26;
	v26 =	vld.idx.msk [tilespmem:v44+s15+$0x0], $0xffff  }
0x228: {  	v10 =	vadd.f32 v10, v13;
	v44 =	vld [tilespmem:$0x1FFF0]  }
0x229: {  	v22 =	vmul.f32 v52, v18;
	v52 =	vld [tilespmem:$0x1FFD0]  }
0x22a: {  	v2 =	vadd.f32 v2, v10;
	v23 =	vmul.f32 v55, v53;
	v55 =	vld.idx.msk [tilespmem:v20+s15+$0x0], $0xffff  }
0x22b: {  	v18 =	vld [tilespmem:$0x1FFA0]  }
0x22c: {  	v2 =	vadd.f32 v5, v2;
	v49 =	vmul.f32 v17, v43;
	v43 =	vld.idx.msk [tilespmem:v32+s15+$0x0], $0xffff  }
0x22d: {  	v17 =	vmul.f32 v54, v58;
	v54 =	vld.idx.msk [tilespmem:v20+s1+$0x0], $0xffff  }
0x22e: {  	v0 =	vadd.f32 v0, v2;
	v20 =	vld.idx.msk [tilespmem:v7+s1+$0x0], $0xffff  }
0x22f: {  	v27 =	vmul.f32 v50, v23;
	v50 =	vld.idx.msk [tilespmem:v24+s1+$0x0], $0xffff  }
0x230: {  	v0 =	vadd.f32 v29, v0;
	v29 =	vmul.f32 v62, v60;
	v60 =	vld.idx.msk [tilespmem:v16+s1+$0x0], $0xffff  }
0x231: {  	v62 =	vld.idx.msk [tilespmem:v16+s15+$0x0], $0xffff  }
0x232: {  	v16 =	vld.idx.msk [tilespmem:v11+s1+$0x0], $0xffff  }
0x233: {  	v24 =	vld.idx.msk [tilespmem:v3+s1+$0x0], $0xffff  }
0x234: {  	v45 =	vmul.f32 v31, v30;
	v30 =	vld [tilespmem:$0x1FF70]  }
0x235: {  	v0 =	vadd.f32 v34, v0;
	v34 =	vmul.f32 v21, v19;
	v21 =	vld.idx.msk [tilespmem:v7+s15+$0x0], $0xffff  }
0x236: {  	v40 =	vmul.f32 v26, v25;
	v25 =	vld.idx.msk [tilespmem:v3+s15+$0x0], $0xffff  }
0x237: {  	v26 =	vld [tilespmem:$0x1FF80]  }
0x238: {  	v33 =	vmul.f32 v4, v29;
	v29 =	vld.idx.msk [tilespmem:v1+s15+$0x0], $0xffff  }
0x239: {  	v0 =	vadd.f32 v41, v0;
	v41 =	vld.idx.msk [tilespmem:v32+s1+$0x0], $0xffff  }
0x23a: {  	v39 =	vmul.f32 v46, v34;
	v46 =	vld.idx.msk [tilespmem:v28+s1+$0x0], $0xffff  }
0x23b: {  	v28 =	vld.idx.msk [tilespmem:v1+s1+$0x0], $0xffff  }
0x23c: {  	v32 =	vld.idx.msk [tilespmem:v63+s1+$0x0], $0xffff  }
0x23d: {  	v34 =	vld [tilespmem:$0x1FF60]  }
0x23e: {  	v2 =	vmul.f32 v44, v40;
	v44 =	vld [tilespmem:$0x1FEE0]  }
0x23f: {  	v19 =	vmul.f32 v55, v54;
	v54 =	vld [tilespmem:$0x1FF10]  }
0x240: {  	v15 =	vmul.f32 v51, v50;
	v50 =	vld [tilespmem:$0x1FF20]  }
0x241: {  	v23 =	vmul.f32 v62, v60;
	v60 =	vld [tilespmem:$0x1FEF0]  }
0x242: {  	v62 =	vld [tilespmem:$0x1FE60]  }
0x243: {  	v0 =	vadd.f32 v49, v0;
	v49 =	vmul.f32 v37, v35;
	v35 =	vld.idx.msk [tilespmem:v61+s1+$0x0], $0xffff  }
0x244: {  	v37 =	vld [tilespmem:$0x1FF50]  }
0x245: {  	v31 =	vmul.f32 v21, v20;
	v20 =	vld [tilespmem:$0x1FE90]  }
0x246: {  	v3 =	vmul.f32 v25, v24;
	v24 =	vld [tilespmem:$0x1FE70]  }
0x247: {  	v0 =	vadd.f32 v56, v0;
	v56 =	vld [tilespmem:$0x1FFC0]  }
0x248: {  	v53 =	vmul.f32 v43, v41;
	v41 =	vld [tilespmem:$0x1FF40]  }
0x249: {  	v58 =	vmul.f32 v47, v46;
	v46 =	vld [tilespmem:$0x1FF30]  }
0x24a: {  	v1 =	vmul.f32 v29, v28;
	v28 =	vld [tilespmem:$0x1FE50]  }
0x24b: {  	v0 =	vadd.f32 v17, v0;
	v17 =	vld.idx.msk [tilespmem:v11+s15+$0x0], $0xffff  }
0x24c: {  	v11 =	vld [tilespmem:$0x1FD50]  }
0x24d: {  	v47 =	vmul.f32 v36, v35;
	v36 =	vld [tilespmem:$0x1FE10];
	v0 =	vadd.f32 v22, v0  }
0x24e: {  	v22 =	vld [tilespmem:$0x1FF90]  }
0x24f: {  	v9 =	vld.idx.msk [tilespmem:v44+s15+$0x0], $0xffff;
	v0 =	vadd.f32 v27, v0  }
0x250: {  	v1 =	vmul.f32 v41, v1;
	v41 =	vld [tilespmem:$0x1FDF0]  }
0x251: {  	v27 =	vmul.f32 v17, v16;
	v16 =	vld [tilespmem:$0x1FEB0];
	v0 =	vadd.f32 v33, v0  }
0x252: {  	v33 =	vld.idx.msk [tilespmem:v63+s15+$0x0], $0xffff  }
0x253: {  	v0 =	vadd.f32 v39, v0;
	v39 =	vld [tilespmem:$0x1FF00]  }
0x254: {  	v63 =	vld.idx.msk [tilespmem:v62+s1+$0x0], $0xffff  }
0x255: {  	v0 =	vadd.f32 v2, v0;
	v2 =	vmul.f32 v48, v45;
	v45 =	vld.idx.msk [tilespmem:v44+s1+$0x0], $0xffff  }
0x256: {  	v48 =	vld [tilespmem:$0x1FEC0]  }
0x257: {  	v44 =	vld [tilespmem:$0x1FD60]  }
0x258: {  	v43 =	vmul.f32 v33, v32;
	v32 =	vld [tilespmem:$0x1FE30];
	v0 =	vadd.f32 v2, v0;
	v2 =	vmul.f32 v52, v49  }
0x259: {  	v52 =	vld [tilespmem:$0x1FEA0]  }
0x25a: {  	v0 =	vadd.f32 v2, v0;
	v2 =	vmul.f32 v56, v53;
	v56 =	vld [tilespmem:$0x1FE80]  }
0x25b: {  	v40 =	vld.idx.msk [tilespmem:v39+s1+$0x0], $0xffff  }
0x25c: {  	v5 =	vld.idx.msk [tilespmem:v39+s15+$0x0], $0xffff  }
0x25d: {  	v0 =	vadd.f32 v2, v0;
	v2 =	vmul.f32 v14, v58;
	v14 =	vld [tilespmem:$0x1FE40]  }
0x25e: {  	v39 =	vld [tilespmem:$0x1FD80]  }
0x25f: {  	v49 =	vld.idx.msk [tilespmem:v48+s1+$0x0], $0xffff  }
0x260: {  	v6 =	vld.idx.msk [tilespmem:v48+s15+$0x0], $0xffff  }
0x261: {  	v0 =	vadd.f32 v2, v0;
	v2 =	vmul.f32 v18, v15;
	v18 =	vld [tilespmem:$0x1FE20]  }
0x262: {  	v55 =	vmul.f32 v9, v45;
	v45 =	vld.idx.msk [tilespmem:v44+s1+$0x0], $0xffff  }
0x263: {  	v48 =	vld [tilespmem:$0x1FD40]  }
0x264: {  	v53 =	vld.idx.msk [tilespmem:v52+s1+$0x0], $0xffff  }
0x265: {  	v0 =	vadd.f32 v2, v0;
	v2 =	vmul.f32 v22, v19;
	v22 =	vld [tilespmem:$0x1FE00]  }
0x266: {  	v51 =	vmul.f32 v5, v40;
	v5 =	vld.idx.msk [tilespmem:v52+s15+$0x0], $0xffff  }
0x267: {  	v52 =	vld [tilespmem:$0x1FD20]  }
0x268: {  	v58 =	vld.idx.msk [tilespmem:v56+s1+$0x0], $0xffff  }
0x269: {  	v9 =	vld.idx.msk [tilespmem:v56+s15+$0x0], $0xffff  }
0x26a: {  	v0 =	vadd.f32 v2, v0;
	v2 =	vmul.f32 v26, v23;
	v26 =	vld [tilespmem:$0x1FDE0]  }
0x26b: {  	v56 =	vld [tilespmem:$0x1FD00]  }
0x26c: {  	v61 =	vmul.f32 v6, v49;
	v6 =	vld.idx.msk [tilespmem:v62+s15+$0x0], $0xffff  }
0x26d: {  	v62 =	vld [tilespmem:$0x1FCE0]  }
0x26e: {  	v15 =	vld.idx.msk [tilespmem:v14+s1+$0x0], $0xffff  }
0x26f: {  	v0 =	vadd.f32 v2, v0;
	v2 =	vmul.f32 v30, v27;
	v30 =	vld [tilespmem:$0x1FDC0]  }
0x270: {  	v40 =	vld.idx.msk [tilespmem:v39+s1+$0x0], $0xffff  }
0x271: {  	v13 =	vmul.f32 v5, v53;
	v5 =	vld.idx.msk [tilespmem:v14+s15+$0x0], $0xffff  }
0x272: {  	v19 =	vld.idx.msk [tilespmem:v18+s1+$0x0], $0xffff  }
0x273: {  	v0 =	vadd.f32 v2, v0;
	v2 =	vmul.f32 v34, v31;
	v34 =	vld [tilespmem:$0x1FDA0]  }
0x274: {  	v49 =	vld.idx.msk [tilespmem:v48+s1+$0x0], $0xffff  }
0x275: {  	v17 =	vmul.f32 v9, v58;
	v9 =	vld.idx.msk [tilespmem:v18+s15+$0x0], $0xffff  }
0x276: {  	v23 =	vld.idx.msk [tilespmem:v22+s1+$0x0], $0xffff  }
0x277: {  	v21 =	vmul.f32 v6, v63;
	v6 =	vld.idx.msk [tilespmem:v22+s15+$0x0], $0xffff  }
0x278: {  	v53 =	vld.idx.msk [tilespmem:v52+s1+$0x0], $0xffff  }
0x279: {  	v27 =	vld.idx.msk [tilespmem:v26+s1+$0x0], $0xffff  }
0x27a: {  	v58 =	vld.idx.msk [tilespmem:v56+s1+$0x0], $0xffff  }
0x27b: {  	v25 =	vmul.f32 v5, v15;
	v5 =	vld.idx.msk [tilespmem:v26+s15+$0x0], $0xffff  }
0x27c: {  	v0 =	vadd.f32 v2, v0;
	v2 =	vmul.f32 v37, v3;
	v63 =	vld.idx.msk [tilespmem:v62+s1+$0x0], $0xffff  }
0x27d: {  	v15 =	vld [tilespmem:$0x1FD30]  }
0x27e: {  	v0 =	vadd.f32 v2, v0;
	v31 =	vld.idx.msk [tilespmem:v30+s1+$0x0], $0xffff  }
0x27f: {  	v29 =	vmul.f32 v9, v19;
	v9 =	vld.idx.msk [tilespmem:v30+s15+$0x0], $0xffff  }
0x280: {  	v0 =	vadd.f32 v1, v0;
	v1 =	vmul.f32 v46, v43;
	v46 =	vld [tilespmem:$0x1FDD0]  }
0x281: {  	v19 =	vld [tilespmem:$0x1FD10]  }
0x282: {  	v33 =	vmul.f32 v6, v23;
	v23 =	vld [tilespmem:$0x1FCF0]  }
0x283: {  	v0 =	vadd.f32 v1, v0;
	v1 =	vmul.f32 v50, v47;
	v35 =	vld.idx.msk [tilespmem:v34+s1+$0x0], $0xffff  }
0x284: {  	v6 =	vld.idx.msk [tilespmem:v34+s15+$0x0], $0xffff  }
0x285: {  	v50 =	vld [tilespmem:$0x1FDB0];
	v0 =	vadd.f32 v1, v0;
	v1 =	vmul.f32 v54, v51  }
0x286: {  	v37 =	vmul.f32 v5, v27;
	v5 =	vld.idx.msk [tilespmem:v39+s15+$0x0], $0xffff  }
0x287: {  	v54 =	vld [tilespmem:$0x1FD90];
	v0 =	vadd.f32 v1, v0;
	v1 =	vmul.f32 v60, v55  }
0x288: {  	v27 =	vld [tilespmem:$0x1FCD0]  }
0x289: {  	v43 =	vmul.f32 v9, v31;
	v9 =	vld.idx.msk [tilespmem:v44+s15+$0x0], $0xffff;
	v0 =	vadd.f32 v1, v0;
	v1 =	vmul.f32 v12, v61  }
0x28a: {  	v31 =	vld [tilespmem:$0x1FCB0]  }
0x28b: {  	v60 =	vld [tilespmem:$0x1FD70];
	v0 =	vadd.f32 v1, v0;
	v1 =	vmul.f32 v16, v13  }
0x28c: {  	v47 =	vmul.f32 v6, v35;
	v6 =	vld.idx.msk [tilespmem:v48+s15+$0x0], $0xffff  }
0x28d: {  	v35 =	vld [tilespmem:$0x1FC90];
	v0 =	vadd.f32 v1, v0;
	v1 =	vmul.f32 v20, v17  }
0x28e: {  	v48 =	vld [tilespmem:$0x1FBC0]  }
0x28f: {  	v51 =	vmul.f32 v5, v40;
	v5 =	vld.idx.msk [tilespmem:v52+s15+$0x0], $0xffff;
	v0 =	vadd.f32 v1, v0;
	v1 =	vmul.f32 v24, v21  }
0x290: {  	v40 =	vld [tilespmem:$0x1FC70]  }
0x291: {  	v52 =	vld [tilespmem:$0x1FBB0];
	v0 =	vadd.f32 v1, v0;
	v1 =	vmul.f32 v28, v25  }
0x292: {  	v13 =	vld [tilespmem:$0x1FCC0]  }
0x293: {  	v55 =	vmul.f32 v9, v45;
	v9 =	vld.idx.msk [tilespmem:v56+s15+$0x0], $0xffff;
	v0 =	vadd.f32 v1, v0;
	v1 =	vmul.f32 v32, v29  }
0x294: {  	v61 =	vmul.f32 v6, v49;
	v6 =	vld.idx.msk [tilespmem:v62+s15+$0x0], $0xffff  }
0x295: {  	v17 =	vld [tilespmem:$0x1FCA0];
	v0 =	vadd.f32 v1, v0;
	v1 =	vmul.f32 v36, v33  }
0x296: {  	v21 =	vld [tilespmem:$0x1FC80]  }
0x297: {  	v49 =	vld.idx.msk [tilespmem:v48+s1+$0x0], $0xffff;
	v0 =	vadd.f32 v1, v0;
	v1 =	vmul.f32 v41, v37  }
0x298: {  	v16 =	vmul.f32 v9, v58;
	v58 =	vld [tilespmem:$0x1FBF0]  }
0x299: {  	v25 =	vld [tilespmem:$0x1FC60];
	v0 =	vadd.f32 v1, v0;
	v1 =	vmul.f32 v46, v43  }
0x29a: {  	v14 =	vld.idx.msk [tilespmem:v13+s1+$0x0], $0xffff  }
0x29b: {  	v12 =	vmul.f32 v5, v53;
	v5 =	vld.idx.msk [tilespmem:v13+s15+$0x0], $0xffff;
	v0 =	vadd.f32 v1, v0;
	v1 =	vmul.f32 v50, v47  }
0x29c: {  	v29 =	vld [tilespmem:$0x1FC40]  }
0x29d: {  	v18 =	vld.idx.msk [tilespmem:v17+s1+$0x0], $0xffff;
	v0 =	vadd.f32 v1, v0;
	v1 =	vmul.f32 v54, v51  }
0x29e: {  	v9 =	vld.idx.msk [tilespmem:v17+s15+$0x0], $0xffff  }
0x29f: {  	v33 =	vld [tilespmem:$0x1FC20];
	v0 =	vadd.f32 v1, v0;
	v1 =	vmul.f32 v60, v55  }
0x2a0: {  	v22 =	vld.idx.msk [tilespmem:v21+s1+$0x0], $0xffff  }
0x2a1: {  	v20 =	vmul.f32 v6, v63;
	v6 =	vld.idx.msk [tilespmem:v21+s15+$0x0], $0xffff;
	v0 =	vadd.f32 v1, v0;
	v1 =	vmul.f32 v11, v61  }
0x2a2: {  	v37 =	vld [tilespmem:$0x1FC00]  }
0x2a3: {  	v26 =	vld.idx.msk [tilespmem:v25+s1+$0x0], $0xffff;
	v0 =	vadd.f32 v1, v0;
	v1 =	vmul.f32 v15, v12  }
0x2a4: {  	v24 =	vmul.f32 v5, v14;
	v5 =	vld.idx.msk [tilespmem:v25+s15+$0x0], $0xffff  }
0x2a5: {  	v43 =	vld [tilespmem:$0x1FBE0];
	v0 =	vadd.f32 v1, v0;
	v1 =	vmul.f32 v19, v16  }
0x2a6: {  	v46 =	vld [tilespmem:$0x1FC50]  }
0x2a7: {  	v30 =	vld.idx.msk [tilespmem:v29+s1+$0x0], $0xffff;
	v0 =	vadd.f32 v1, v0;
	v1 =	vmul.f32 v23, v20  }
0x2a8: {  	v28 =	vmul.f32 v9, v18;
	v9 =	vld.idx.msk [tilespmem:v29+s15+$0x0], $0xffff  }
0x2a9: {  	v50 =	vld [tilespmem:$0x1FC30];
	v0 =	vadd.f32 v1, v0;
	v1 =	vmul.f32 v27, v24  }
0x2aa: {  	v34 =	vld.idx.msk [tilespmem:v33+s1+$0x0], $0xffff  }
0x2ab: {  	v32 =	vmul.f32 v6, v22;
	v6 =	vld.idx.msk [tilespmem:v33+s15+$0x0], $0xffff;
	v0 =	vadd.f32 v1, v0;
	v1 =	vmul.f32 v31, v28  }
0x2ac: {  	v54 =	vld [tilespmem:$0x1FC10]  }
0x2ad: {  	v36 =	vmul.f32 v5, v26;
	v39 =	vld.idx.msk [tilespmem:v37+s1+$0x0], $0xffff;
	v0 =	vadd.f32 v1, v0;
	v1 =	vmul.f32 v35, v32  }
0x2ae: {  	v5 =	vld.idx.msk [tilespmem:v37+s15+$0x0], $0xffff  }
0x2af: {  	v41 =	vmul.f32 v9, v30;
	v44 =	vld.idx.msk [tilespmem:v43+s1+$0x0], $0xffff;
	v0 =	vadd.f32 v1, v0;
	v1 =	vmul.f32 v40, v36  }
0x2b0: {  	v45 =	vor.u32 $0x3F, v8;
	v9 =	vld.idx.msk [tilespmem:v43+s15+$0x0], $0xffff  }
0x2b1: {  	v53 =	vld.idx.msk [tilespmem:v52+s1+$0x0], $0xffff;
	v47 =	vmul.f32 v6, v34;
	v0 =	vadd.f32 v1, v0;
	v1 =	vmul.f32 v46, v41  }
0x2b2: {  	v6 =	vld.idx.msk [tilespmem:v48+s15+$0x0], $0xffff  }
0x2b3: {  	v61 =	vld [tilespmem:$0x1FBD0];
	v51 =	vmul.f32 v5, v39;
	v0 =	vadd.f32 v1, v0;
	v1 =	vmul.f32 v50, v47  }
0x2b4: {  	v5 =	vld.idx.msk [tilespmem:v52+s15+$0x0], $0xffff  }
0x2b5: {  	v56 =	vld.idx.msk [tilespmem:v45+s15+$0x0], $0xffff;
	v7 =	vmul.f32 v9, v44;
	v0 =	vadd.f32 v1, v0;
	v1 =	vmul.f32 v54, v51  }
0x2b6: {  	v55 =	vld.idx.msk [tilespmem:v45+s1+$0x0], $0xffff  }
0x2b7: {  	v4 =	vmul.f32 v6, v49;
	v0 =	vadd.f32 v1, v0;
	v1 =	vmul.f32 v58, v7  }
0x2b8: {  	v60 =	vld.idx.msk [tilespmem:v45+s14+$0x0], $0xffff  }
0x2b9: {  	v3 =	vmul.f32 v5, v53;
	v0 =	vadd.f32 v1, v0;
	v1 =	vmul.f32 v61, v4;
	_ =	sdelay $0x1  }
0x2ba: {  	v2 =	vmul.f32 v56, v55;
	v62 =	vmul.f32 v42, v3;
	v0 =	vadd.f32 v1, v0;
	_ =	sdelay $0x1  }
0x2bb: {  	v63 =	vmul.f32 v60, v2;
	v0 =	vadd.f32 v62, v0;
	_ =	sdelay $0x1  }
0x2bc: {  	v0 =	vadd.f32 v63, v0;
	_ =	sdelay $0x1  }
0x2bd: {  	v0 =	vmul.f32 v0, v38;
	_ =	sdelay $0x1  }
0x2be: {  	v0 =	vadd.f32 v0, v59;
	_ =	sdelay $0x1  }
0x2bf: {  	v0 =	vsub.f32 $0.0e+00, v0;
	_ =	sdelay $0x1  }
0x2c0: {  	v0 =	vmul.f32 $1.442695020e+00, v0;
	_ =	sdelay $0x1  }
0x2c1: {  	(erf) = vpow2.f32 v0;
	_ =	sdelay $0x8  }
0x2c2: {  	v0 =	vpop (erf)  }
0x2c3: {  	v0 =	vadd.f32 $1.000000000e+00, v0;
	_ =	sdelay $0x1  }
0x2c4: {  	(erf) = vrcp.f32 v0;
	_ =	sdelay $0x5  }
.Ltmp1:
0x2c5: {  	_ = 	snop;
	(pc) =	sbr.rel @p0 .LBB2_2-.Ltmp1, $4  }
0x2c6: {  	s21 =	sand.u32 $0x80, s19  }
0x2c7: {  	s31 =	sand.u32 $0x70, s19;
	s20 =	sadd.s32 s21, s20  }
0x2c8: {  	s19 =	sadd.s32 s31, s20;
	v0 =	vpop (erf)  }
0x2c9: {  	p1 =	por $0x0, $0x0;
	s20 =	simm.s32 $0x100;
	[tilespmem:s19+$0x0] =	vst v0  }
0x2ca: {  	s18 =	sadd.s32 $0x1, s18  }
0x2cb: {  	p0 =	sne.s32 s18, s10  }
.Ltmp2:
0x2cc: {  	_ = 	snop;
	(pc) =	sbr.rel @p0 .LBB2_1-.Ltmp2, $4  }
0x2cd: {  	[hbm4b:s9+s1] =	stream.linear.scatter [tilespmem:s17], [sflag:$0x2], $0x200, $0x38;
	[tilespmem:$0x18300] =	vst v63  }
0x2ce: {  	_ =	swait.ge [sflag:s12], $0x200  }
0x2cf: {  	[sflag:s12] =	ssyncset.done $0x0  }
0x2d0: {  	[sflag:s12] =	ssyncadd.s32 $0xFFFFFE00  }
0x2d1: {  	_ =	sfence.sel $0x180000  }
0x2d2: {  	[bflag:$0x0] =	sbarrier.arrive $0xFFFF  }
0x2d3: {  	p0 =	sne.s32 s2, $0x0;
	_ =	strace $0x90000050  }
0x2d4: {  	s0 =	sadd.s32 @!p0 $0x100000, s0;
	[bflag:$0x2] =	sbarrier.arrive $0xFFFF  }
0x2d5: {  	[sflag:s0] =	ssyncadd.tile.s32 @!p0 $0x1;
	_ =	shalt  }
.Lfunc_end2:
_tile_overlayer_lowered:
.L_overlay_start_2:
0x2d6: {  	(tag) =	ssettag $0x2  }
0x2d7: {  	s0 =	rddreg [dreg:$0x0];
	s2 =	stileid.u32  }
0x2d8: {  	s1 =	rddreg [dreg:$0x1];
	p0 =	sne.s32 s2, $0x0  }
0x2d9: {  	s3 =	rddreg [dreg:$0x2];
	[bflag:$0x3] =	sbarrier.arrive $0xFFFF;
	s2 =	simm.s32 @!p0 $0x1C02  }
0x2da: {  	[timem:s3], [sflag:s2] =	dma.local @!p0 [hbm:s0], s1  }
0x2db: {  	s0 =	simm.s32 @!p0 $0x2  }
0x2dc: {  	_ =	swait.ge @!p0 [sflag:s0], s1  }
0x2dd: {  	s1 =	ssub.s32 @!p0 $0x0, s1;
	[sflag:s0] =	ssyncset.done @!p0 $0x0  }
0x2de: {  	[sflag:s0] =	ssyncadd.s32 @!p0 s1  }
0x2df: {  	[bflag:$0x3] =	sbarrier.arrive $0xFFFF  }
0x2e0: {  	_ =	shalt  }

</sc_bundles>
